<compile_context>
chip_gen: v7x
topology: tpu7x:2x2x1
jax: 0.10.2.dev20260603
libtpu: 0.0.44.dev20260713+nightly
codegen_flags: <defaults>
</compile_context>

<pallas_src>
import jax
import jax.numpy as jnp
from jax import lax
from jax.experimental import pallas as pl
from jax.experimental.pallas import tpu as pltpu
from jax.experimental.pallas import tpu_sc as plsc

BATCH = 4096
SEQLEN = 200
EMBED = 64

L0 = 160
BL = 8

NC = 2
NS = 16
NW = NC * NS
DT = EMBED // 8
UNIT = 8 * BATCH
SC_UNITS = (SEQLEN - L0) * DT
UNITS_PER_W = SC_UNITS // NW
U_BASE = L0 * DT
XROWS = 8


def _sc_body(xt_hbm, pos_hbm, out_hbm, xt_v, pos_v, buf0, buf1, sem0, sem1):
    wid = lax.axis_index("s") * NC + lax.axis_index("c")
    u_base = U_BASE + wid * UNITS_PER_W
    l_base = lax.min(u_base // DT, SEQLEN - XROWS)

    pltpu.sync_copy(xt_hbm.at[pl.ds(l_base, XROWS)], xt_v)
    pltpu.sync_copy(pos_hbm.at[pl.ds(l_base, XROWS)], pos_v)

    def compute_unit(buf, u):
        l_loc = u // DT - l_base
        dt = u % DT
        g = pl.multiple_of((dt // 2) * 16, 16)
        pv = pos_v[l_loc, pl.ds(g, 16)]
        lo = (dt % 2) == 0
        splats = [jnp.where(lo, pv[dd], pv[8 + dd]) for dd in range(8)]

        def bt_body(bth, carry):
            for h in range(2):
                bt = bth * 2 + h
                boff = pl.multiple_of(bt * 128, 128)
                for c in range(8):
                    xv = xt_v[l_loc, pl.ds(boff + c * 16, 16)]
                    for dd in range(8):
                        buf[pl.ds(boff * 8 + dd * 128 + c * 16, 16)] = (
                            xv + splats[dd]
                        )
            return carry

        lax.fori_loop(0, 16, bt_body, 0)

    def body(i, carry):
        u0 = u_base + 2 * i

        @pl.when(i > 0)
        def _():
            pltpu.make_async_copy(buf0, out_hbm.at[pl.ds(0, UNIT)], sem0).wait()

        compute_unit(buf0, u0)
        pltpu.make_async_copy(buf0, out_hbm.at[pl.ds(u0 * UNIT, UNIT)], sem0).start()

        @pl.when(i > 0)
        def _():
            pltpu.make_async_copy(buf1, out_hbm.at[pl.ds(0, UNIT)], sem1).wait()

        compute_unit(buf1, u0 + 1)
        pltpu.make_async_copy(
            buf1, out_hbm.at[pl.ds((u0 + 1) * UNIT, UNIT)], sem1
        ).start()
        return carry

    lax.fori_loop(0, UNITS_PER_W // 2, body, 0)
    pltpu.make_async_copy(buf0, out_hbm.at[pl.ds(0, UNIT)], sem0).wait()
    pltpu.make_async_copy(buf1, out_hbm.at[pl.ds(0, UNIT)], sem1).wait()


def _tc_body(sc_ref, x_ref, pos_ref, out_ref):
    for i in range(BL):
        x2 = x_ref[i]
        p = pos_ref[pl.program_id(0) * BL + i]
        pt = jnp.broadcast_to(p[None, :], (128, 64)).T
        xe = x2[None, :, None, :]
        pe = pt.reshape(8, 8, 128)[:, None, :, :]
        out_ref[i] = xe + pe


def kernel(x, pos_table):
    xt = x.T
    mesh = plsc.VectorSubcoreMesh(core_axis_name="c", subcore_axis_name="s")
    sc_k = pl.kernel(
        _sc_body,
        mesh=mesh,
        compiler_params=pltpu.CompilerParams(use_tc_tiling_on_sc=False),
        out_type=jax.ShapeDtypeStruct((SEQLEN * DT * UNIT,), jnp.float32),
        scratch_types=[
            pltpu.VMEM((XROWS, BATCH), jnp.float32),
            pltpu.VMEM((XROWS, EMBED), jnp.float32),
            pltpu.VMEM((UNIT,), jnp.float32),
            pltpu.VMEM((UNIT,), jnp.float32),
            pltpu.SemaphoreType.DMA,
            pltpu.SemaphoreType.DMA,
        ],
    )
    sc_flat = sc_k(xt, pos_table)
    sc5 = sc_flat.reshape(SEQLEN, DT, BATCH // 128, 8, 128)

    xr = xt.reshape(SEQLEN, 32, 128)
    out5 = pl.pallas_call(
        _tc_body,
        grid=(L0 // BL,),
        in_specs=[
            pl.BlockSpec(memory_space=pl.ANY),
            pl.BlockSpec((BL, 32, 128), lambda l: (l, 0, 0)),
            pl.BlockSpec((SEQLEN, EMBED), lambda l: (0, 0)),
        ],
        out_specs=pl.BlockSpec((BL, 8, 32, 8, 128), lambda l: (l, 0, 0, 0, 0)),
        out_shape=jax.ShapeDtypeStruct((SEQLEN, DT, BATCH // 128, 8, 128), jnp.float32),
        input_output_aliases={0: 0},
    )(sc5, xr, pos_table)
    return out5.transpose(2, 4, 0, 1, 3).reshape(BATCH, SEQLEN, EMBED)

# --- scband reference (transcript-rebuilt; emitter-appended) ---
"""Pipeline reference for scband-token-and-position-embedding-19851338842531 (READ-ONLY COPY).

The authoritative reference and input builder live on the scoring server;
editing this copy changes nothing except your own understanding.
"""

import jax, jax.numpy as jnp
import numpy as np

MAXLEN = 200
EMBED_DIM = 64
BATCH = 4096
SEQLEN = 200

def setup_inputs(seed: int = 0) -> dict:
    key = jax.random.key(seed)
    k_x, k_tab = jax.random.split(key)
    x = jax.random.normal(k_x, (BATCH, SEQLEN), dtype=jnp.float32)
    # learned positional embedding table sized per init_kwargs (maxlen, embed_dim)
    pos_table = jax.random.normal(k_tab, (MAXLEN, EMBED_DIM), dtype=jnp.float32) * 0.05
    return {"x": x, "pos_table": pos_table}

def reference(x, pos_table):
    # Faithful translation of TokenAndPositionEmbedding.call:
    #   maxlen = tf.shape(x)[-1]; positions = tf.range(maxlen)
    #   positions = pos_emb(positions)           -> gather from table
    #   x = tf.expand_dims(x, axis=2)
    #   out = x + positions                      -> broadcast add
    L = x.shape[-1]
    positions = jnp.arange(0, L, 1)
    pos = jnp.take(pos_table, positions, axis=0)  # [L, embed_dim]
    x_e = jnp.expand_dims(x, axis=2)              # [B, L, 1]
    out = x_e + pos                               # [B, L, embed_dim]
    return out

if __name__ == "__main__":
    import jax
    _d = setup_inputs()
    print(jax.jit(kernel)(*tuple(_d.values())))

</pallas_src>

<mosaic_0001>
#map = affine_map<(d0, d1) -> (0, 0)>
#map1 = affine_map<(d0, d1) -> (0)>
module attributes {stable_mosaic.version = 14 : i64} {
  func.func @_sc_body(%arg0: i32, %arg1: i32, %arg2: memref<200x4096xf32, #tpu.memory_space<hbm>>, %arg3: memref<200x64xf32, #tpu.memory_space<hbm>>, %arg4: memref<52428800xf32, #tpu.memory_space<hbm>>, %arg5: memref<8x4096xf32, #tpu.memory_space<vmem>>, %arg6: memref<8x64xf32, #tpu.memory_space<vmem>>, %arg7: memref<32768xf32, #tpu.memory_space<vmem>>, %arg8: memref<32768xf32, #tpu.memory_space<vmem>>, %arg9: memref<!tpu.dma_semaphore, #tpu.memory_space<semaphore_mem>>, %arg10: memref<!tpu.dma_semaphore, #tpu.memory_space<semaphore_mem>>) attributes {dimension_semantics = [#tpu.dimension_semantics<core_parallel>, #tpu.dimension_semantics<subcore_parallel>], iteration_bounds = array<i64: 2, 16>, scalar_prefetch = 0 : i64, scratch_operands = 6 : i64, tpu.core_type = #tpu.core_type<sc_vector_subcore>, window_params = [{transform_indices = #map}, {transform_indices = #map}, {transform_indices = #map1}]} {
    %mul3A = arith.constant 2 : i32
    %mul3A_0 = arith.muli %arg1, %mul3A : i32
    %add3A = arith.addi %mul3A_0, %arg0 : i32
    %mul3A_1 = arith.constant 10 : i32
    %mul3A_2 = arith.muli %add3A, %mul3A_1 : i32
    %add3A_3 = arith.constant 1280 : i32
    %add3A_4 = arith.addi %add3A_3, %mul3A_2 : i32
    %jit3A = arith.constant 8 : i32
    %div3A = arith.divsi %add3A_4, %jit3A : i32
    %sign3A = arith.constant 0 : i32
    %sign3A_5 = arith.cmpi sgt, %add3A_4, %sign3A : i32
    %sign3A_6 = arith.extui %sign3A_5 : i1 to i32
    %sign3A_7 = arith.constant 0 : i32
    %sign3A_8 = arith.cmpi slt, %add3A_4, %sign3A_7 : i32
    %sign3A_9 = arith.extui %sign3A_8 : i1 to i32
    %sign3A_10 = arith.subi %sign3A_6, %sign3A_9 : i32
    %sign3A_11 = arith.constant 0 : i32
    %sign3A_12 = arith.cmpi sgt, %jit3A, %sign3A_11 : i32
    %sign3A_13 = arith.extui %sign3A_12 : i1 to i32
    %sign3A_14 = arith.constant 0 : i32
    %sign3A_15 = arith.cmpi slt, %jit3A, %sign3A_14 : i32
    %sign3A_16 = arith.extui %sign3A_15 : i1 to i32
    %sign3A_17 = arith.subi %sign3A_13, %sign3A_16 : i32
    %ne3A = arith.cmpi ne, %sign3A_10, %sign3A_17 : i32
    %rem3A = arith.remsi %add3A_4, %jit3A : i32
    %ne3A_18 = arith.constant 0 : i32
    %ne3A_19 = arith.cmpi ne, %rem3A, %ne3A_18 : i32
    %and3A = arith.andi %ne3A, %ne3A_19 : i1
    %sub3A = arith.constant 1 : i32
    %sub3A_20 = arith.subi %div3A, %sub3A : i32
    %select_n3A = arith.select %and3A, %sub3A_20, %div3A : i32
    %min3A = arith.constant 192 : i32
    %min3A_21 = arith.minsi %select_n3A, %min3A : i32
    "tpu.region"() ({
      %run_scoped3A = tpu.sem_alloc : memref<!tpu.dma_semaphore, #tpu.memory_space<semaphore_mem>>
      %dma_start3A = arith.constant 0 : i32
      %dma_start3A_34 = tpu.memref_slice %arg2[%min3A_21, %dma_start3A] : memref<200x4096xf32, #tpu.memory_space<hbm>> -> memref<8x4096xf32, #tpu.memory_space<hbm>>
      %dma_start3A_35 = arith.constant 0 : i32
      %dma_start3A_36 = tpu.memref_slice %arg2[%min3A_21, %dma_start3A_35] : memref<200x4096xf32, #tpu.memory_space<hbm>> -> memref<8x4096xf32, #tpu.memory_space<hbm>>
      tpu.enqueue_dma source(%dma_start3A_36 : memref<8x4096xf32, #tpu.memory_space<hbm>>) target(%arg5 : memref<8x4096xf32, #tpu.memory_space<vmem>>) target_semaphore(%run_scoped3A : memref<!tpu.dma_semaphore, #tpu.memory_space<semaphore_mem>>)
      %dma_wait3A_37 = arith.constant 0 : i32
      %dma_wait3A_38 = tpu.memref_slice %arg2[%min3A_21, %dma_wait3A_37] : memref<200x4096xf32, #tpu.memory_space<hbm>> -> memref<8x4096xf32, #tpu.memory_space<hbm>>
      %dma_wait3A_39 = arith.constant 0 : i32
      %dma_wait3A_40 = tpu.memref_slice %arg2[%min3A_21, %dma_wait3A_39] : memref<200x4096xf32, #tpu.memory_space<hbm>> -> memref<8x4096xf32, #tpu.memory_space<hbm>>
      tpu.wait_dma2 semaphore(%run_scoped3A : memref<!tpu.dma_semaphore, #tpu.memory_space<semaphore_mem>>) src(%dma_wait3A_40 : memref<8x4096xf32, #tpu.memory_space<hbm>>) dst(%arg5 : memref<8x4096xf32, #tpu.memory_space<vmem>>)
      tpu.yield
    }) : () -> ()
    "tpu.region"() ({
      %run_scoped3A = tpu.sem_alloc : memref<!tpu.dma_semaphore, #tpu.memory_space<semaphore_mem>>
      %dma_start3A = arith.constant 0 : i32
      %dma_start3A_34 = tpu.memref_slice %arg3[%min3A_21, %dma_start3A] : memref<200x64xf32, #tpu.memory_space<hbm>> -> memref<8x64xf32, #tpu.memory_space<hbm>>
      %dma_start3A_35 = arith.constant 0 : i32
      %dma_start3A_36 = tpu.memref_slice %arg3[%min3A_21, %dma_start3A_35] : memref<200x64xf32, #tpu.memory_space<hbm>> -> memref<8x64xf32, #tpu.memory_space<hbm>>
      tpu.enqueue_dma source(%dma_start3A_36 : memref<8x64xf32, #tpu.memory_space<hbm>>) target(%arg6 : memref<8x64xf32, #tpu.memory_space<vmem>>) target_semaphore(%run_scoped3A : memref<!tpu.dma_semaphore, #tpu.memory_space<semaphore_mem>>)
      %dma_wait3A_37 = arith.constant 0 : i32
      %dma_wait3A_38 = tpu.memref_slice %arg3[%min3A_21, %dma_wait3A_37] : memref<200x64xf32, #tpu.memory_space<hbm>> -> memref<8x64xf32, #tpu.memory_space<hbm>>
      %dma_wait3A_39 = arith.constant 0 : i32
      %dma_wait3A_40 = tpu.memref_slice %arg3[%min3A_21, %dma_wait3A_39] : memref<200x64xf32, #tpu.memory_space<hbm>> -> memref<8x64xf32, #tpu.memory_space<hbm>>
      tpu.wait_dma2 semaphore(%run_scoped3A : memref<!tpu.dma_semaphore, #tpu.memory_space<semaphore_mem>>) src(%dma_wait3A_40 : memref<8x64xf32, #tpu.memory_space<hbm>>) dst(%arg6 : memref<8x64xf32, #tpu.memory_space<vmem>>)
      tpu.yield
    }) : () -> ()
    %scan3A = arith.constant 0 : i32
    %scan3A_22 = arith.constant 0 : i32
    %scan3A_23 = arith.constant 5 : i32
    %scan3A_24 = arith.addi %scan3A_22, %scan3A_23 : i32
    %scan3A_25 = arith.constant 1 : i32
    scf.for %scan3A_34 = %scan3A_22 to %scan3A_24 step %scan3A_25  : i32 {
      %mul3A_35 = arith.constant 2 : i32
      %mul3A_36 = arith.muli %mul3A_35, %scan3A_34 : i32
      %add3A_37 = arith.addi %add3A_4, %mul3A_36 : i32
      %gt3A = arith.constant 0 : i32
      %gt3A_38 = arith.cmpi sgt, %scan3A_34, %gt3A : i32
      %convert_element_type3A = arith.extui %gt3A_38 : i1 to i32
      %cond3A = arith.constant 0 : i32
      %cond3A_39 = arith.cmpi ne, %convert_element_type3A, %cond3A : i32
      scf.if %cond3A_39 {
        %dma_wait3A_322 = arith.constant 0 : i32
        %dma_wait3A_323 = tpu.memref_slice %arg4[%dma_wait3A_322] : memref<52428800xf32, #tpu.memory_space<hbm>> -> memref<32768xf32, #tpu.memory_space<hbm>>
        %dma_wait3A_324 = arith.constant 0 : i32
        %dma_wait3A_325 = tpu.memref_slice %arg4[%dma_wait3A_324] : memref<52428800xf32, #tpu.memory_space<hbm>> -> memref<32768xf32, #tpu.memory_space<hbm>>
        tpu.wait_dma2 semaphore(%arg9 : memref<!tpu.dma_semaphore, #tpu.memory_space<semaphore_mem>>) src(%arg7 : memref<32768xf32, #tpu.memory_space<vmem>>) dst(%dma_wait3A_325 : memref<32768xf32, #tpu.memory_space<hbm>>)
      } else {
      }
      %jit3A_40 = arith.constant 8 : i32
      %div3A_41 = arith.divsi %add3A_37, %jit3A_40 : i32
      %sign3A_42 = arith.constant 0 : i32
      %sign3A_43 = arith.cmpi sgt, %add3A_37, %sign3A_42 : i32
      %sign3A_44 = arith.extui %sign3A_43 : i1 to i32
      %sign3A_45 = arith.constant 0 : i32
      %sign3A_46 = arith.cmpi slt, %add3A_37, %sign3A_45 : i32
      %sign3A_47 = arith.extui %sign3A_46 : i1 to i32
      %sign3A_48 = arith.subi %sign3A_44, %sign3A_47 : i32
      %sign3A_49 = arith.constant 0 : i32
      %sign3A_50 = arith.cmpi sgt, %jit3A_40, %sign3A_49 : i32
      %sign3A_51 = arith.extui %sign3A_50 : i1 to i32
      %sign3A_52 = arith.constant 0 : i32
      %sign3A_53 = arith.cmpi slt, %jit3A_40, %sign3A_52 : i32
      %sign3A_54 = arith.extui %sign3A_53 : i1 to i32
      %sign3A_55 = arith.subi %sign3A_51, %sign3A_54 : i32
      %ne3A_56 = arith.cmpi ne, %sign3A_48, %sign3A_55 : i32
      %rem3A_57 = arith.remsi %add3A_37, %jit3A_40 : i32
      %ne3A_58 = arith.constant 0 : i32
      %ne3A_59 = arith.cmpi ne, %rem3A_57, %ne3A_58 : i32
      %and3A_60 = arith.andi %ne3A_56, %ne3A_59 : i1
      %sub3A_61 = arith.constant 1 : i32
      %sub3A_62 = arith.subi %div3A_41, %sub3A_61 : i32
      %select_n3A_63 = arith.select %and3A_60, %sub3A_62, %div3A_41 : i32
      %sub3A_64 = arith.subi %select_n3A_63, %min3A_21 : i32
      %jit3A_65 = arith.constant 8 : i32
      %eq3A = arith.constant 0 : i32
      %eq3A_66 = arith.cmpi eq, %jit3A_65, %eq3A : i32
      %jit3A_67 = arith.constant 1 : i32
      %select_n3A_68 = arith.select %eq3A_66, %jit3A_67, %jit3A_65 : i32
      %rem3A_69 = arith.remsi %add3A_37, %select_n3A_68 : i32
      %ne3A_70 = arith.constant 0 : i32
      %ne3A_71 = arith.cmpi ne, %rem3A_69, %ne3A_70 : i32
      %lt3A = arith.constant 0 : i32
      %lt3A_72 = arith.cmpi slt, %rem3A_69, %lt3A : i32
      %lt3A_73 = arith.constant 0 : i32
      %lt3A_74 = arith.cmpi slt, %select_n3A_68, %lt3A_73 : i32
      %ne3A_75 = arith.xori %lt3A_72, %lt3A_74 : i1
      %and3A_76 = arith.andi %ne3A_75, %ne3A_71 : i1
      %add3A_77 = arith.addi %rem3A_69, %select_n3A_68 : i32
      %select_n3A_78 = arith.select %and3A_76, %add3A_77, %rem3A_69 : i32
      %jit3A_79 = arith.constant 2 : i32
      %div3A_80 = arith.divsi %select_n3A_78, %jit3A_79 : i32
      %sign3A_81 = arith.constant 0 : i32
      %sign3A_82 = arith.cmpi sgt, %select_n3A_78, %sign3A_81 : i32
      %sign3A_83 = arith.extui %sign3A_82 : i1 to i32
      %sign3A_84 = arith.constant 0 : i32
      %sign3A_85 = arith.cmpi slt, %select_n3A_78, %sign3A_84 : i32
      %sign3A_86 = arith.extui %sign3A_85 : i1 to i32
      %sign3A_87 = arith.subi %sign3A_83, %sign3A_86 : i32
      %sign3A_88 = arith.constant 0 : i32
      %sign3A_89 = arith.cmpi sgt, %jit3A_79, %sign3A_88 : i32
      %sign3A_90 = arith.extui %sign3A_89 : i1 to i32
      %sign3A_91 = arith.constant 0 : i32
      %sign3A_92 = arith.cmpi slt, %jit3A_79, %sign3A_91 : i32
      %sign3A_93 = arith.extui %sign3A_92 : i1 to i32
      %sign3A_94 = arith.subi %sign3A_90, %sign3A_93 : i32
      %ne3A_95 = arith.cmpi ne, %sign3A_87, %sign3A_94 : i32
      %rem3A_96 = arith.remsi %select_n3A_78, %jit3A_79 : i32
      %ne3A_97 = arith.constant 0 : i32
      %ne3A_98 = arith.cmpi ne, %rem3A_96, %ne3A_97 : i32
      %and3A_99 = arith.andi %ne3A_95, %ne3A_98 : i1
      %sub3A_100 = arith.constant 1 : i32
      %sub3A_101 = arith.subi %div3A_80, %sub3A_100 : i32
      %select_n3A_102 = arith.select %and3A_99, %sub3A_101, %div3A_80 : i32
      %mul3A_103 = arith.constant 16 : i32
      %mul3A_104 = arith.muli %select_n3A_102, %mul3A_103 : i32
      %multiple_of3A = tpu.assume_multiple %mul3A_104, 16 : i32
      %get3A = arith.index_cast %sub3A_64 : i32 to index
      %get3A_105 = arith.index_cast %multiple_of3A : i32 to index
      %get3A_106 = tpu.vector_load %arg6[%get3A, %get3A_105] {strides = array<i32>} : memref<8x64xf32, #tpu.memory_space<vmem>>, vector<1x16xf32>,
      %get3A_107 = vector.shape_cast %get3A_106 : vector<1x16xf32> to vector<16xf32>
      %jit3A_108 = arith.constant 2 : i32
      %eq3A_109 = arith.constant 0 : i32
      %eq3A_110 = arith.cmpi eq, %jit3A_108, %eq3A_109 : i32
      %jit3A_111 = arith.constant 1 : i32
      %select_n3A_112 = arith.select %eq3A_110, %jit3A_111, %jit3A_108 : i32
      %rem3A_113 = arith.remsi %select_n3A_78, %select_n3A_112 : i32
      %ne3A_114 = arith.constant 0 : i32
      %ne3A_115 = arith.cmpi ne, %rem3A_113, %ne3A_114 : i32
      %lt3A_116 = arith.constant 0 : i32
      %lt3A_117 = arith.cmpi slt, %rem3A_113, %lt3A_116 : i32
      %lt3A_118 = arith.constant 0 : i32
      %lt3A_119 = arith.cmpi slt, %select_n3A_112, %lt3A_118 : i32
      %ne3A_120 = arith.xori %lt3A_117, %lt3A_119 : i1
      %and3A_121 = arith.andi %ne3A_120, %ne3A_115 : i1
      %add3A_122 = arith.addi %rem3A_113, %select_n3A_112 : i32
      %select_n3A_123 = arith.select %and3A_121, %add3A_122, %rem3A_113 : i32
      %eq3A_124 = arith.constant 0 : i32
      %eq3A_125 = arith.cmpi eq, %select_n3A_123, %eq3A_124 : i32
      %slice3A = vector.extract_strided_slice %get3A_107 {offsets = [0], sizes = [1], strides = [1]} : vector<16xf32> to vector<1xf32>
      %squeeze3A = vector.extract %slice3A[0] : f32 from vector<1xf32>
      %slice3A_126 = vector.extract_strided_slice %get3A_107 {offsets = [8], sizes = [1], strides = [1]} : vector<16xf32> to vector<1xf32>
      %squeeze3A_127 = vector.extract %slice3A_126[0] : f32 from vector<1xf32>
      %select_n3A_128 = arith.select %eq3A_125, %squeeze3A, %squeeze3A_127 : f32
      %slice3A_129 = vector.extract_strided_slice %get3A_107 {offsets = [1], sizes = [1], strides = [1]} : vector<16xf32> to vector<1xf32>
      %squeeze3A_130 = vector.extract %slice3A_129[0] : f32 from vector<1xf32>
      %slice3A_131 = vector.extract_strided_slice %get3A_107 {offsets = [9], sizes = [1], strides = [1]} : vector<16xf32> to vector<1xf32>
      %squeeze3A_132 = vector.extract %slice3A_131[0] : f32 from vector<1xf32>
      %select_n3A_133 = arith.select %eq3A_125, %squeeze3A_130, %squeeze3A_132 : f32
      %slice3A_134 = vector.extract_strided_slice %get3A_107 {offsets = [2], sizes = [1], strides = [1]} : vector<16xf32> to vector<1xf32>
      %squeeze3A_135 = vector.extract %slice3A_134[0] : f32 from vector<1xf32>
      %slice3A_136 = vector.extract_strided_slice %get3A_107 {offsets = [10], sizes = [1], strides = [1]} : vector<16xf32> to vector<1xf32>
      %squeeze3A_137 = vector.extract %slice3A_136[0] : f32 from vector<1xf32>
      %select_n3A_138 = arith.select %eq3A_125, %squeeze3A_135, %squeeze3A_137 : f32
      %slice3A_139 = vector.extract_strided_slice %get3A_107 {offsets = [3], sizes = [1], strides = [1]} : vector<16xf32> to vector<1xf32>
      %squeeze3A_140 = vector.extract %slice3A_139[0] : f32 from vector<1xf32>
      %slice3A_141 = vector.extract_strided_slice %get3A_107 {offsets = [11], sizes = [1], strides = [1]} : vector<16xf32> to vector<1xf32>
      %squeeze3A_142 = vector.extract %slice3A_141[0] : f32 from vector<1xf32>
      %select_n3A_143 = arith.select %eq3A_125, %squeeze3A_140, %squeeze3A_142 : f32
      %slice3A_144 = vector.extract_strided_slice %get3A_107 {offsets = [4], sizes = [1], strides = [1]} : vector<16xf32> to vector<1xf32>
      %squeeze3A_145 = vector.extract %slice3A_144[0] : f32 from vector<1xf32>
      %slice3A_146 = vector.extract_strided_slice %get3A_107 {offsets = [12], sizes = [1], strides = [1]} : vector<16xf32> to vector<1xf32>
      %squeeze3A_147 = vector.extract %slice3A_146[0] : f32 from vector<1xf32>
      %select_n3A_148 = arith.select %eq3A_125, %squeeze3A_145, %squeeze3A_147 : f32
      %slice3A_149 = vector.extract_strided_slice %get3A_107 {offsets = [5], sizes = [1], strides = [1]} : vector<16xf32> to vector<1xf32>
      %squeeze3A_150 = vector.extract %slice3A_149[0] : f32 from vector<1xf32>
      %slice3A_151 = vector.extract_strided_slice %get3A_107 {offsets = [13], sizes = [1], strides = [1]} : vector<16xf32> to vector<1xf32>
      %squeeze3A_152 = vector.extract %slice3A_151[0] : f32 from vector<1xf32>
      %select_n3A_153 = arith.select %eq3A_125, %squeeze3A_150, %squeeze3A_152 : f32
      %slice3A_154 = vector.extract_strided_slice %get3A_107 {offsets = [6], sizes = [1], strides = [1]} : vector<16xf32> to vector<1xf32>
      %squeeze3A_155 = vector.extract %slice3A_154[0] : f32 from vector<1xf32>
      %slice3A_156 = vector.extract_strided_slice %get3A_107 {offsets = [14], sizes = [1], strides = [1]} : vector<16xf32> to vector<1xf32>
      %squeeze3A_157 = vector.extract %slice3A_156[0] : f32 from vector<1xf32>
      %select_n3A_158 = arith.select %eq3A_125, %squeeze3A_155, %squeeze3A_157 : f32
      %slice3A_159 = vector.extract_strided_slice %get3A_107 {offsets = [7], sizes = [1], strides = [1]} : vector<16xf32> to vector<1xf32>
      %squeeze3A_160 = vector.extract %slice3A_159[0] : f32 from vector<1xf32>
      %slice3A_161 = vector.extract_strided_slice %get3A_107 {offsets = [15], sizes = [1], strides = [1]} : vector<16xf32> to vector<1xf32>
      %squeeze3A_162 = vector.extract %slice3A_161[0] : f32 from vector<1xf32>
      %select_n3A_163 = arith.select %eq3A_125, %squeeze3A_160, %squeeze3A_162 : f32
      %scan3A_164 = arith.constant 0 : i32
      %scan3A_165 = arith.constant 0 : i32
      %scan3A_166 = arith.constant 16 : i32
      %scan3A_167 = arith.addi %scan3A_165, %scan3A_166 : i32
      %scan3A_168 = arith.constant 1 : i32
      scf.for %scan3A_322 = %scan3A_165 to %scan3A_167 step %scan3A_168  : i32 {
        %mul3A_323 = arith.constant 2 : i32
        %mul3A_324 = arith.muli %scan3A_322, %mul3A_323 : i32
        %add3A_325 = arith.constant 0 : i32
        %add3A_326 = arith.addi %mul3A_324, %add3A_325 : i32
        %mul3A_327 = arith.constant 128 : i32
        %mul3A_328 = arith.muli %add3A_326, %mul3A_327 : i32
        %multiple_of3A_329 = tpu.assume_multiple %mul3A_328, 128 : i32
        %add3A_330 = arith.constant 0 : i32
        %add3A_331 = arith.addi %multiple_of3A_329, %add3A_330 : i32
        %get3A_332 = arith.index_cast %sub3A_64 : i32 to index
        %get3A_333 = arith.index_cast %add3A_331 : i32 to index
        %get3A_334 = tpu.vector_load %arg5[%get3A_332, %get3A_333] {strides = array<i32>} : memref<8x4096xf32, #tpu.memory_space<vmem>>, vector<1x16xf32>,
        %get3A_335 = vector.shape_cast %get3A_334 : vector<1x16xf32> to vector<16xf32>
        %add3A_336 = vector.broadcast %select_n3A_128 : f32 to vector<16xf32>
        %add3A_337 = arith.addf %get3A_335, %add3A_336 : vector<16xf32>
        %mul3A_338 = arith.constant 8 : i32
        %mul3A_339 = arith.muli %multiple_of3A_329, %mul3A_338 : i32
        %add3A_340 = arith.constant 0 : i32
        %add3A_341 = arith.addi %mul3A_339, %add3A_340 : i32
        %add3A_342 = arith.constant 0 : i32
        %add3A_343 = arith.addi %add3A_341, %add3A_342 : i32
        %swap3A = arith.index_cast %add3A_343 : i32 to index
        %swap3A_344 = tpu.vector_load %arg7[%swap3A] {strides = array<i32>} : memref<32768xf32, #tpu.memory_space<vmem>>, vector<16xf32>,
        %swap3A_345 = vector.shape_cast %swap3A_344 : vector<16xf32> to vector<16xf32>
        %swap3A_346 = vector.shape_cast %add3A_337 : vector<16xf32> to vector<16xf32>
        tpu.vector_store %arg7[%swap3A], %swap3A_346 {strides = array<i32>} : memref<32768xf32, #tpu.memory_space<vmem>>, vector<16xf32>,
        %add3A_347 = vector.broadcast %select_n3A_133 : f32 to vector<16xf32>
        %add3A_348 = arith.addf %get3A_335, %add3A_347 : vector<16xf32>
        %mul3A_349 = arith.constant 8 : i32
        %mul3A_350 = arith.muli %multiple_of3A_329, %mul3A_349 : i32
        %add3A_351 = arith.constant 128 : i32
        %add3A_352 = arith.addi %mul3A_350, %add3A_351 : i32
        %add3A_353 = arith.constant 0 : i32
        %add3A_354 = arith.addi %add3A_352, %add3A_353 : i32
        %swap3A_355 = arith.index_cast %add3A_354 : i32 to index
        %swap3A_356 = tpu.vector_load %arg7[%swap3A_355] {strides = array<i32>} : memref<32768xf32, #tpu.memory_space<vmem>>, vector<16xf32>,
        %swap3A_357 = vector.shape_cast %swap3A_356 : vector<16xf32> to vector<16xf32>
        %swap3A_358 = vector.shape_cast %add3A_348 : vector<16xf32> to vector<16xf32>
        tpu.vector_store %arg7[%swap3A_355], %swap3A_358 {strides = array<i32>} : memref<32768xf32, #tpu.memory_space<vmem>>, vector<16xf32>,
        %add3A_359 = vector.broadcast %select_n3A_138 : f32 to vector<16xf32>
        %add3A_360 = arith.addf %get3A_335, %add3A_359 : vector<16xf32>
        %mul3A_361 = arith.constant 8 : i32
        %mul3A_362 = arith.muli %multiple_of3A_329, %mul3A_361 : i32
        %add3A_363 = arith.constant 256 : i32
        %add3A_364 = arith.addi %mul3A_362, %add3A_363 : i32
        %add3A_365 = arith.constant 0 : i32
        %add3A_366 = arith.addi %add3A_364, %add3A_365 : i32
        %swap3A_367 = arith.index_cast %add3A_366 : i32 to index
        %swap3A_368 = tpu.vector_load %arg7[%swap3A_367] {strides = array<i32>} : memref<32768xf32, #tpu.memory_space<vmem>>, vector<16xf32>,
        %swap3A_369 = vector.shape_cast %swap3A_368 : vector<16xf32> to vector<16xf32>
        %swap3A_370 = vector.shape_cast %add3A_360 : vector<16xf32> to vector<16xf32>
        tpu.vector_store %arg7[%swap3A_367], %swap3A_370 {strides = array<i32>} : memref<32768xf32, #tpu.memory_space<vmem>>, vector<16xf32>,
        %add3A_371 = vector.broadcast %select_n3A_143 : f32 to vector<16xf32>
        %add3A_372 = arith.addf %get3A_335, %add3A_371 : vector<16xf32>
        %mul3A_373 = arith.constant 8 : i32
        %mul3A_374 = arith.muli %multiple_of3A_329, %mul3A_373 : i32
        %add3A_375 = arith.constant 384 : i32
        %add3A_376 = arith.addi %mul3A_374, %add3A_375 : i32
        %add3A_377 = arith.constant 0 : i32
        %add3A_378 = arith.addi %add3A_376, %add3A_377 : i32
        %swap3A_379 = arith.index_cast %add3A_378 : i32 to index
        %swap3A_380 = tpu.vector_load %arg7[%swap3A_379] {strides = array<i32>} : memref<32768xf32, #tpu.memory_space<vmem>>, vector<16xf32>,
        %swap3A_381 = vector.shape_cast %swap3A_380 : vector<16xf32> to vector<16xf32>
        %swap3A_382 = vector.shape_cast %add3A_372 : vector<16xf32> to vector<16xf32>
        tpu.vector_store %arg7[%swap3A_379], %swap3A_382 {strides = array<i32>} : memref<32768xf32, #tpu.memory_space<vmem>>, vector<16xf32>,
        %add3A_383 = vector.broadcast %select_n3A_148 : f32 to vector<16xf32>
        %add3A_384 = arith.addf %get3A_335, %add3A_383 : vector<16xf32>
        %mul3A_385 = arith.constant 8 : i32
        %mul3A_386 = arith.muli %multiple_of3A_329, %mul3A_385 : i32
        %add3A_387 = arith.constant 512 : i32
        %add3A_388 = arith.addi %mul3A_386, %add3A_387 : i32
        %add3A_389 = arith.constant 0 : i32
        %add3A_390 = arith.addi %add3A_388, %add3A_389 : i32
        %swap3A_391 = arith.index_cast %add3A_390 : i32 to index
        %swap3A_392 = tpu.vector_load %arg7[%swap3A_391] {strides = array<i32>} : memref<32768xf32, #tpu.memory_space<vmem>>, vector<16xf32>,
        %swap3A_393 = vector.shape_cast %swap3A_392 : vector<16xf32> to vector<16xf32>
        %swap3A_394 = vector.shape_cast %add3A_384 : vector<16xf32> to vector<16xf32>
        tpu.vector_store %arg7[%swap3A_391], %swap3A_394 {strides = array<i32>} : memref<32768xf32, #tpu.memory_space<vmem>>, vector<16xf32>,
        %add3A_395 = vector.broadcast %select_n3A_153 : f32 to vector<16xf32>
        %add3A_396 = arith.addf %get3A_335, %add3A_395 : vector<16xf32>
        %mul3A_397 = arith.constant 8 : i32
        %mul3A_398 = arith.muli %multiple_of3A_329, %mul3A_397 : i32
        %add3A_399 = arith.constant 640 : i32
        %add3A_400 = arith.addi %mul3A_398, %add3A_399 : i32
        %add3A_401 = arith.constant 0 : i32
        %add3A_402 = arith.addi %add3A_400, %add3A_401 : i32
        %swap3A_403 = arith.index_cast %add3A_402 : i32 to index
        %swap3A_404 = tpu.vector_load %arg7[%swap3A_403] {strides = array<i32>} : memref<32768xf32, #tpu.memory_space<vmem>>, vector<16xf32>,
        %swap3A_405 = vector.shape_cast %swap3A_404 : vector<16xf32> to vector<16xf32>
        %swap3A_406 = vector.shape_cast %add3A_396 : vector<16xf32> to vector<16xf32>
        tpu.vector_store %arg7[%swap3A_403], %swap3A_406 {strides = array<i32>} : memref<32768xf32, #tpu.memory_space<vmem>>, vector<16xf32>,
        %add3A_407 = vector.broadcast %select_n3A_158 : f32 to vector<16xf32>
        %add3A_408 = arith.addf %get3A_335, %add3A_407 : vector<16xf32>
        %mul3A_409 = arith.constant 8 : i32
        %mul3A_410 = arith.muli %multiple_of3A_329, %mul3A_409 : i32
        %add3A_411 = arith.constant 768 : i32
        %add3A_412 = arith.addi %mul3A_410, %add3A_411 : i32
        %add3A_413 = arith.constant 0 : i32
        %add3A_414 = arith.addi %add3A_412, %add3A_413 : i32
        %swap3A_415 = arith.index_cast %add3A_414 : i32 to index
        %swap3A_416 = tpu.vector_load %arg7[%swap3A_415] {strides = array<i32>} : memref<32768xf32, #tpu.memory_space<vmem>>, vector<16xf32>,
        %swap3A_417 = vector.shape_cast %swap3A_416 : vector<16xf32> to vector<16xf32>
        %swap3A_418 = vector.shape_cast %add3A_408 : vector<16xf32> to vector<16xf32>
        tpu.vector_store %arg7[%swap3A_415], %swap3A_418 {strides = array<i32>} : memref<32768xf32, #tpu.memory_space<vmem>>, vector<16xf32>,
        %add3A_419 = vector.broadcast %select_n3A_163 : f32 to vector<16xf32>
        %add3A_420 = arith.addf %get3A_335, %add3A_419 : vector<16xf32>
        %mul3A_421 = arith.constant 8 : i32
        %mul3A_422 = arith.muli %multiple_of3A_329, %mul3A_421 : i32
        %add3A_423 = arith.constant 896 : i32
        %add3A_424 = arith.addi %mul3A_422, %add3A_423 : i32
        %add3A_425 = arith.constant 0 : i32
        %add3A_426 = arith.addi %add3A_424, %add3A_425 : i32
        %swap3A_427 = arith.index_cast %add3A_426 : i32 to index
        %swap3A_428 = tpu.vector_load %arg7[%swap3A_427] {strides = array<i32>} : memref<32768xf32, #tpu.memory_space<vmem>>, vector<16xf32>,
        %swap3A_429 = vector.shape_cast %swap3A_428 : vector<16xf32> to vector<16xf32>
        %swap3A_430 = vector.shape_cast %add3A_420 : vector<16xf32> to vector<16xf32>
        tpu.vector_store %arg7[%swap3A_427], %swap3A_430 {strides = array<i32>} : memref<32768xf32, #tpu.memory_space<vmem>>, vector<16xf32>,
        %add3A_431 = arith.constant 16 : i32
        %add3A_432 = arith.addi %multiple_of3A_329, %add3A_431 : i32
        %get3A_433 = arith.index_cast %sub3A_64 : i32 to index
        %get3A_434 = arith.index_cast %add3A_432 : i32 to index
        %get3A_435 = tpu.vector_load %arg5[%get3A_433, %get3A_434] {strides = array<i32>} : memref<8x4096xf32, #tpu.memory_space<vmem>>, vector<1x16xf32>,
        %get3A_436 = vector.shape_cast %get3A_435 : vector<1x16xf32> to vector<16xf32>
        %add3A_437 = vector.broadcast %select_n3A_128 : f32 to vector<16xf32>
        %add3A_438 = arith.addf %get3A_436, %add3A_437 : vector<16xf32>
        %mul3A_439 = arith.constant 8 : i32
        %mul3A_440 = arith.muli %multiple_of3A_329, %mul3A_439 : i32
        %add3A_441 = arith.constant 0 : i32
        %add3A_442 = arith.addi %mul3A_440, %add3A_441 : i32
        %add3A_443 = arith.constant 16 : i32
        %add3A_444 = arith.addi %add3A_442, %add3A_443 : i32
        %swap3A_445 = arith.index_cast %add3A_444 : i32 to index
        %swap3A_446 = tpu.vector_load %arg7[%swap3A_445] {strides = array<i32>} : memref<32768xf32, #tpu.memory_space<vmem>>, vector<16xf32>,
        %swap3A_447 = vector.shape_cast %swap3A_446 : vector<16xf32> to vector<16xf32>
        %swap3A_448 = vector.shape_cast %add3A_438 : vector<16xf32> to vector<16xf32>
        tpu.vector_store %arg7[%swap3A_445], %swap3A_448 {strides = array<i32>} : memref<32768xf32, #tpu.memory_space<vmem>>, vector<16xf32>,
        %add3A_449 = vector.broadcast %select_n3A_133 : f32 to vector<16xf32>
        %add3A_450 = arith.addf %get3A_436, %add3A_449 : vector<16xf32>
        %mul3A_451 = arith.constant 8 : i32
        %mul3A_452 = arith.muli %multiple_of3A_329, %mul3A_451 : i32
        %add3A_453 = arith.constant 128 : i32
        %add3A_454 = arith.addi %mul3A_452, %add3A_453 : i32
        %add3A_455 = arith.constant 16 : i32
        %add3A_456 = arith.addi %add3A_454, %add3A_455 : i32
        %swap3A_457 = arith.index_cast %add3A_456 : i32 to index
        %swap3A_458 = tpu.vector_load %arg7[%swap3A_457] {strides = array<i32>} : memref<32768xf32, #tpu.memory_space<vmem>>, vector<16xf32>,
        %swap3A_459 = vector.shape_cast %swap3A_458 : vector<16xf32> to vector<16xf32>
        %swap3A_460 = vector.shape_cast %add3A_450 : vector<16xf32> to vector<16xf32>
        tpu.vector_store %arg7[%swap3A_457], %swap3A_460 {strides = array<i32>} : memref<32768xf32, #tpu.memory_space<vmem>>, vector<16xf32>,
        %add3A_461 = vector.broadcast %select_n3A_138 : f32 to vector<16xf32>
        %add3A_462 = arith.addf %get3A_436, %add3A_461 : vector<16xf32>
        %mul3A_463 = arith.constant 8 : i32
        %mul3A_464 = arith.muli %multiple_of3A_329, %mul3A_463 : i32
        %add3A_465 = arith.constant 256 : i32
        %add3A_466 = arith.addi %mul3A_464, %add3A_465 : i32
        %add3A_467 = arith.constant 16 : i32
        %add3A_468 = arith.addi %add3A_466, %add3A_467 : i32
        %swap3A_469 = arith.index_cast %add3A_468 : i32 to index
        %swap3A_470 = tpu.vector_load %arg7[%swap3A_469] {strides = array<i32>} : memref<32768xf32, #tpu.memory_space<vmem>>, vector<16xf32>,
        %swap3A_471 = vector.shape_cast %swap3A_470 : vector<16xf32> to vector<16xf32>
        %swap3A_472 = vector.shape_cast %add3A_462 : vector<16xf32> to vector<16xf32>
        tpu.vector_store %arg7[%swap3A_469], %swap3A_472 {strides = array<i32>} : memref<32768xf32, #tpu.memory_space<vmem>>, vector<16xf32>,
        %add3A_473 = vector.broadcast %select_n3A_143 : f32 to vector<16xf32>
        %add3A_474 = arith.addf %get3A_436, %add3A_473 : vector<16xf32>
        %mul3A_475 = arith.constant 8 : i32
        %mul3A_476 = arith.muli %multiple_of3A_329, %mul3A_475 : i32
        %add3A_477 = arith.constant 384 : i32
        %add3A_478 = arith.addi %mul3A_476, %add3A_477 : i32
        %add3A_479 = arith.constant 16 : i32
        %add3A_480 = arith.addi %add3A_478, %add3A_479 : i32
        %swap3A_481 = arith.index_cast %add3A_480 : i32 to index
        %swap3A_482 = tpu.vector_load %arg7[%swap3A_481] {strides = array<i32>} : memref<32768xf32, #tpu.memory_space<vmem>>, vector<16xf32>,
        %swap3A_483 = vector.shape_cast %swap3A_482 : vector<16xf32> to vector<16xf32>
        %swap3A_484 = vector.shape_cast %add3A_474 : vector<16xf32> to vector<16xf32>
        tpu.vector_store %arg7[%swap3A_481], %swap3A_484 {strides = array<i32>} : memref<32768xf32, #tpu.memory_space<vmem>>, vector<16xf32>,
        %add3A_485 = vector.broadcast %select_n3A_148 : f32 to vector<16xf32>
        %add3A_486 = arith.addf %get3A_436, %add3A_485 : vector<16xf32>
        %mul3A_487 = arith.constant 8 : i32
        %mul3A_488 = arith.muli %multiple_of3A_329, %mul3A_487 : i32
        %add3A_489 = arith.constant 512 : i32
        %add3A_490 = arith.addi %mul3A_488, %add3A_489 : i32
        %add3A_491 = arith.constant 16 : i32
        %add3A_492 = arith.addi %add3A_490, %add3A_491 : i32
        %swap3A_493 = arith.index_cast %add3A_492 : i32 to index
        %swap3A_494 = tpu.vector_load %arg7[%swap3A_493] {strides = array<i32>} : memref<32768xf32, #tpu.memory_space<vmem>>, vector<16xf32>,
        %swap3A_495 = vector.shape_cast %swap3A_494 : vector<16xf32> to vector<16xf32>
        %swap3A_496 = vector.shape_cast %add3A_486 : vector<16xf32> to vector<16xf32>
        tpu.vector_store %arg7[%swap3A_493], %swap3A_496 {strides = array<i32>} : memref<32768xf32, #tpu.memory_space<vmem>>, vector<16xf32>,
        %add3A_497 = vector.broadcast %select_n3A_153 : f32 to vector<16xf32>
        %add3A_498 = arith.addf %get3A_436, %add3A_497 : vector<16xf32>
        %mul3A_499 = arith.constant 8 : i32
        %mul3A_500 = arith.muli %multiple_of3A_329, %mul3A_499 : i32
        %add3A_501 = arith.constant 640 : i32
        %add3A_502 = arith.addi %mul3A_500, %add3A_501 : i32
        %add3A_503 = arith.constant 16 : i32
        %add3A_504 = arith.addi %add3A_502, %add3A_503 : i32
        %swap3A_505 = arith.index_cast %add3A_504 : i32 to index
        %swap3A_506 = tpu.vector_load %arg7[%swap3A_505] {strides = array<i32>} : memref<32768xf32, #tpu.memory_space<vmem>>, vector<16xf32>,
        %swap3A_507 = vector.shape_cast %swap3A_506 : vector<16xf32> to vector<16xf32>
        %swap3A_508 = vector.shape_cast %add3A_498 : vector<16xf32> to vector<16xf32>
        tpu.vector_store %arg7[%swap3A_505], %swap3A_508 {strides = array<i32>} : memref<32768xf32, #tpu.memory_space<vmem>>, vector<16xf32>,
        %add3A_509 = vector.broadcast %select_n3A_158 : f32 to vector<16xf32>
        %add3A_510 = arith.addf %get3A_436, %add3A_509 : vector<16xf32>
        %mul3A_511 = arith.constant 8 : i32
        %mul3A_512 = arith.muli %multiple_of3A_329, %mul3A_511 : i32
        %add3A_513 = arith.constant 768 : i32
        %add3A_514 = arith.addi %mul3A_512, %add3A_513 : i32
        %add3A_515 = arith.constant 16 : i32
        %add3A_516 = arith.addi %add3A_514, %add3A_515 : i32
        %swap3A_517 = arith.index_cast %add3A_516 : i32 to index
        %swap3A_518 = tpu.vector_load %arg7[%swap3A_517] {strides = array<i32>} : memref<32768xf32, #tpu.memory_space<vmem>>, vector<16xf32>,
        %swap3A_519 = vector.shape_cast %swap3A_518 : vector<16xf32> to vector<16xf32>
        %swap3A_520 = vector.shape_cast %add3A_510 : vector<16xf32> to vector<16xf32>
        tpu.vector_store %arg7[%swap3A_517], %swap3A_520 {strides = array<i32>} : memref<32768xf32, #tpu.memory_space<vmem>>, vector<16xf32>,
        %add3A_521 = vector.broadcast %select_n3A_163 : f32 to vector<16xf32>
        %add3A_522 = arith.addf %get3A_436, %add3A_521 : vector<16xf32>
        %mul3A_523 = arith.constant 8 : i32
        %mul3A_524 = arith.muli %multiple_of3A_329, %mul3A_523 : i32
        %add3A_525 = arith.constant 896 : i32
        %add3A_526 = arith.addi %mul3A_524, %add3A_525 : i32
        %add3A_527 = arith.constant 16 : i32
        %add3A_528 = arith.addi %add3A_526, %add3A_527 : i32
        %swap3A_529 = arith.index_cast %add3A_528 : i32 to index
        %swap3A_530 = tpu.vector_load %arg7[%swap3A_529] {strides = array<i32>} : memref<32768xf32, #tpu.memory_space<vmem>>, vector<16xf32>,
        %swap3A_531 = vector.shape_cast %swap3A_530 : vector<16xf32> to vector<16xf32>
        %swap3A_532 = vector.shape_cast %add3A_522 : vector<16xf32> to vector<16xf32>
        tpu.vector_store %arg7[%swap3A_529], %swap3A_532 {strides = array<i32>} : memref<32768xf32, #tpu.memory_space<vmem>>, vector<16xf32>,
        %add3A_533 = arith.constant 32 : i32
        %add3A_534 = arith.addi %multiple_of3A_329, %add3A_533 : i32
        %get3A_535 = arith.index_cast %sub3A_64 : i32 to index
        %get3A_536 = arith.index_cast %add3A_534 : i32 to index
        %get3A_537 = tpu.vector_load %arg5[%get3A_535, %get3A_536] {strides = array<i32>} : memref<8x4096xf32, #tpu.memory_space<vmem>>, vector<1x16xf32>,
        %get3A_538 = vector.shape_cast %get3A_537 : vector<1x16xf32> to vector<16xf32>
        %add3A_539 = vector.broadcast %select_n3A_128 : f32 to vector<16xf32>
        %add3A_540 = arith.addf %get3A_538, %add3A_539 : vector<16xf32>
        %mul3A_541 = arith.constant 8 : i32
        %mul3A_542 = arith.muli %multiple_of3A_329, %mul3A_541 : i32
        %add3A_543 = arith.constant 0 : i32
        %add3A_544 = arith.addi %mul3A_542, %add3A_543 : i32
        %add3A_545 = arith.constant 32 : i32
        %add3A_546 = arith.addi %add3A_544, %add3A_545 : i32
        %swap3A_547 = arith.index_cast %add3A_546 : i32 to index
        %swap3A_548 = tpu.vector_load %arg7[%swap3A_547] {strides = array<i32>} : memref<32768xf32, #tpu.memory_space<vmem>>, vector<16xf32>,
        %swap3A_549 = vector.shape_cast %swap3A_548 : vector<16xf32> to vector<16xf32>
        %swap3A_550 = vector.shape_cast %add3A_540 : vector<16xf32> to vector<16xf32>
        tpu.vector_store %arg7[%swap3A_547], %swap3A_550 {strides = array<i32>} : memref<32768xf32, #tpu.memory_space<vmem>>, vector<16xf32>,
        %add3A_551 = vector.broadcast %select_n3A_133 : f32 to vector<16xf32>
        %add3A_552 = arith.addf %get3A_538, %add3A_551 : vector<16xf32>
        %mul3A_553 = arith.constant 8 : i32
        %mul3A_554 = arith.muli %multiple_of3A_329, %mul3A_553 : i32
        %add3A_555 = arith.constant 128 : i32
        %add3A_556 = arith.addi %mul3A_554, %add3A_555 : i32
        %add3A_557 = arith.constant 32 : i32
        %add3A_558 = arith.addi %add3A_556, %add3A_557 : i32
        %swap3A_559 = arith.index_cast %add3A_558 : i32 to index
        %swap3A_560 = tpu.vector_load %arg7[%swap3A_559] {strides = array<i32>} : memref<32768xf32, #tpu.memory_space<vmem>>, vector<16xf32>,
        %swap3A_561 = vector.shape_cast %swap3A_560 : vector<16xf32> to vector<16xf32>
        %swap3A_562 = vector.shape_cast %add3A_552 : vector<16xf32> to vector<16xf32>
        tpu.vector_store %arg7[%swap3A_559], %swap3A_562 {strides = array<i32>} : memref<32768xf32, #tpu.memory_space<vmem>>, vector<16xf32>,
        %add3A_563 = vector.broadcast %select_n3A_138 : f32 to vector<16xf32>
        %add3A_564 = arith.addf %get3A_538, %add3A_563 : vector<16xf32>
        %mul3A_565 = arith.constant 8 : i32
        %mul3A_566 = arith.muli %multiple_of3A_329, %mul3A_565 : i32
        %add3A_567 = arith.constant 256 : i32
        %add3A_568 = arith.addi %mul3A_566, %add3A_567 : i32
        %add3A_569 = arith.constant 32 : i32
        %add3A_570 = arith.addi %add3A_568, %add3A_569 : i32
        %swap3A_571 = arith.index_cast %add3A_570 : i32 to index
        %swap3A_572 = tpu.vector_load %arg7[%swap3A_571] {strides = array<i32>} : memref<32768xf32, #tpu.memory_space<vmem>>, vector<16xf32>,
        %swap3A_573 = vector.shape_cast %swap3A_572 : vector<16xf32> to vector<16xf32>
        %swap3A_574 = vector.shape_cast %add3A_564 : vector<16xf32> to vector<16xf32>
        tpu.vector_store %arg7[%swap3A_571], %swap3A_574 {strides = array<i32>} : memref<32768xf32, #tpu.memory_space<vmem>>, vector<16xf32>,
        %add3A_575 = vector.broadcast %select_n3A_143 : f32 to vector<16xf32>
        %add3A_576 = arith.addf %get3A_538, %add3A_575 : vector<16xf32>
        %mul3A_577 = arith.constant 8 : i32
        %mul3A_578 = arith.muli %multiple_of3A_329, %mul3A_577 : i32
        %add3A_579 = arith.constant 384 : i32
        %add3A_580 = arith.addi %mul3A_578, %add3A_579 : i32
        %add3A_581 = arith.constant 32 : i32
        %add3A_582 = arith.addi %add3A_580, %add3A_581 : i32
        %swap3A_583 = arith.index_cast %add3A_582 : i32 to index
        %swap3A_584 = tpu.vector_load %arg7[%swap3A_583] {strides = array<i32>} : memref<32768xf32, #tpu.memory_space<vmem>>, vector<16xf32>,
        %swap3A_585 = vector.shape_cast %swap3A_584 : vector<16xf32> to vector<16xf32>
        %swap3A_586 = vector.shape_cast %add3A_576 : vector<16xf32> to vector<16xf32>
        tpu.vector_store %arg7[%swap3A_583], %swap3A_586 {strides = array<i32>} : memref<32768xf32, #tpu.memory_space<vmem>>, vector<16xf32>,
        %add3A_587 = vector.broadcast %select_n3A_148 : f32 to vector<16xf32>
        %add3A_588 = arith.addf %get3A_538, %add3A_587 : vector<16xf32>
        %mul3A_589 = arith.constant 8 : i32
        %mul3A_590 = arith.muli %multiple_of3A_329, %mul3A_589 : i32
        %add3A_591 = arith.constant 512 : i32
        %add3A_592 = arith.addi %mul3A_590, %add3A_591 : i32
        %add3A_593 = arith.constant 32 : i32
        %add3A_594 = arith.addi %add3A_592, %add3A_593 : i32
        %swap3A_595 = arith.index_cast %add3A_594 : i32 to index
        %swap3A_596 = tpu.vector_load %arg7[%swap3A_595] {strides = array<i32>} : memref<32768xf32, #tpu.memory_space<vmem>>, vector<16xf32>,
        %swap3A_597 = vector.shape_cast %swap3A_596 : vector<16xf32> to vector<16xf32>
        %swap3A_598 = vector.shape_cast %add3A_588 : vector<16xf32> to vector<16xf32>
        tpu.vector_store %arg7[%swap3A_595], %swap3A_598 {strides = array<i32>} : memref<32768xf32, #tpu.memory_space<vmem>>, vector<16xf32>,
        %add3A_599 = vector.broadcast %select_n3A_153 : f32 to vector<16xf32>
        %add3A_600 = arith.addf %get3A_538, %add3A_599 : vector<16xf32>
        %mul3A_601 = arith.constant 8 : i32
        %mul3A_602 = arith.muli %multiple_of3A_329, %mul3A_601 : i32
        %add3A_603 = arith.constant 640 : i32
        %add3A_604 = arith.addi %mul3A_602, %add3A_603 : i32
        %add3A_605 = arith.constant 32 : i32
        %add3A_606 = arith.addi %add3A_604, %add3A_605 : i32
        %swap3A_607 = arith.index_cast %add3A_606 : i32 to index
        %swap3A_608 = tpu.vector_load %arg7[%swap3A_607] {strides = array<i32>} : memref<32768xf32, #tpu.memory_space<vmem>>, vector<16xf32>,
        %swap3A_609 = vector.shape_cast %swap3A_608 : vector<16xf32> to vector<16xf32>
        %swap3A_610 = vector.shape_cast %add3A_600 : vector<16xf32> to vector<16xf32>
        tpu.vector_store %arg7[%swap3A_607], %swap3A_610 {strides = array<i32>} : memref<32768xf32, #tpu.memory_space<vmem>>, vector<16xf32>,
        %add3A_611 = vector.broadcast %select_n3A_158 : f32 to vector<16xf32>
        %add3A_612 = arith.addf %get3A_538, %add3A_611 : vector<16xf32>
        %mul3A_613 = arith.constant 8 : i32
        %mul3A_614 = arith.muli %multiple_of3A_329, %mul3A_613 : i32
        %add3A_615 = arith.constant 768 : i32
        %add3A_616 = arith.addi %mul3A_614, %add3A_615 : i32
        %add3A_617 = arith.constant 32 : i32
        %add3A_618 = arith.addi %add3A_616, %add3A_617 : i32
        %swap3A_619 = arith.index_cast %add3A_618 : i32 to index
        %swap3A_620 = tpu.vector_load %arg7[%swap3A_619] {strides = array<i32>} : memref<32768xf32, #tpu.memory_space<vmem>>, vector<16xf32>,
        %swap3A_621 = vector.shape_cast %swap3A_620 : vector<16xf32> to vector<16xf32>
        %swap3A_622 = vector.shape_cast %add3A_612 : vector<16xf32> to vector<16xf32>
        tpu.vector_store %arg7[%swap3A_619], %swap3A_622 {strides = array<i32>} : memref<32768xf32, #tpu.memory_space<vmem>>, vector<16xf32>,
        %add3A_623 = vector.broadcast %select_n3A_163 : f32 to vector<16xf32>
        %add3A_624 = arith.addf %get3A_538, %add3A_623 : vector<16xf32>
        %mul3A_625 = arith.constant 8 : i32
        %mul3A_626 = arith.muli %multiple_of3A_329, %mul3A_625 : i32
        %add3A_627 = arith.constant 896 : i32
        %add3A_628 = arith.addi %mul3A_626, %add3A_627 : i32
        %add3A_629 = arith.constant 32 : i32
        %add3A_630 = arith.addi %add3A_628, %add3A_629 : i32
        %swap3A_631 = arith.index_cast %add3A_630 : i32 to index
        %swap3A_632 = tpu.vector_load %arg7[%swap3A_631] {strides = array<i32>} : memref<32768xf32, #tpu.memory_space<vmem>>, vector<16xf32>,
        %swap3A_633 = vector.shape_cast %swap3A_632 : vector<16xf32> to vector<16xf32>
        %swap3A_634 = vector.shape_cast %add3A_624 : vector<16xf32> to vector<16xf32>
        tpu.vector_store %arg7[%swap3A_631], %swap3A_634 {strides = array<i32>} : memref<32768xf32, #tpu.memory_space<vmem>>, vector<16xf32>,
        %add3A_635 = arith.constant 48 : i32
        %add3A_636 = arith.addi %multiple_of3A_329, %add3A_635 : i32
        %get3A_637 = arith.index_cast %sub3A_64 : i32 to index
        %get3A_638 = arith.index_cast %add3A_636 : i32 to index
        %get3A_639 = tpu.vector_load %arg5[%get3A_637, %get3A_638] {strides = array<i32>} : memref<8x4096xf32, #tpu.memory_space<vmem>>, vector<1x16xf32>,
        %get3A_640 = vector.shape_cast %get3A_639 : vector<1x16xf32> to vector<16xf32>
        %add3A_641 = vector.broadcast %select_n3A_128 : f32 to vector<16xf32>
        %add3A_642 = arith.addf %get3A_640, %add3A_641 : vector<16xf32>
        %mul3A_643 = arith.constant 8 : i32
        %mul3A_644 = arith.muli %multiple_of3A_329, %mul3A_643 : i32
        %add3A_645 = arith.constant 0 : i32
        %add3A_646 = arith.addi %mul3A_644, %add3A_645 : i32
        %add3A_647 = arith.constant 48 : i32
        %add3A_648 = arith.addi %add3A_646, %add3A_647 : i32
        %swap3A_649 = arith.index_cast %add3A_648 : i32 to index
        %swap3A_650 = tpu.vector_load %arg7[%swap3A_649] {strides = array<i32>} : memref<32768xf32, #tpu.memory_space<vmem>>, vector<16xf32>,
        %swap3A_651 = vector.shape_cast %swap3A_650 : vector<16xf32> to vector<16xf32>
        %swap3A_652 = vector.shape_cast %add3A_642 : vector<16xf32> to vector<16xf32>
        tpu.vector_store %arg7[%swap3A_649], %swap3A_652 {strides = array<i32>} : memref<32768xf32, #tpu.memory_space<vmem>>, vector<16xf32>,
        %add3A_653 = vector.broadcast %select_n3A_133 : f32 to vector<16xf32>
        %add3A_654 = arith.addf %get3A_640, %add3A_653 : vector<16xf32>
        %mul3A_655 = arith.constant 8 : i32
        %mul3A_656 = arith.muli %multiple_of3A_329, %mul3A_655 : i32
        %add3A_657 = arith.constant 128 : i32
        %add3A_658 = arith.addi %mul3A_656, %add3A_657 : i32
        %add3A_659 = arith.constant 48 : i32
        %add3A_660 = arith.addi %add3A_658, %add3A_659 : i32
        %swap3A_661 = arith.index_cast %add3A_660 : i32 to index
        %swap3A_662 = tpu.vector_load %arg7[%swap3A_661] {strides = array<i32>} : memref<32768xf32, #tpu.memory_space<vmem>>, vector<16xf32>,
        %swap3A_663 = vector.shape_cast %swap3A_662 : vector<16xf32> to vector<16xf32>
        %swap3A_664 = vector.shape_cast %add3A_654 : vector<16xf32> to vector<16xf32>
        tpu.vector_store %arg7[%swap3A_661], %swap3A_664 {strides = array<i32>} : memref<32768xf32, #tpu.memory_space<vmem>>, vector<16xf32>,
        %add3A_665 = vector.broadcast %select_n3A_138 : f32 to vector<16xf32>
        %add3A_666 = arith.addf %get3A_640, %add3A_665 : vector<16xf32>
        %mul3A_667 = arith.constant 8 : i32
        %mul3A_668 = arith.muli %multiple_of3A_329, %mul3A_667 : i32
        %add3A_669 = arith.constant 256 : i32
        %add3A_670 = arith.addi %mul3A_668, %add3A_669 : i32
        %add3A_671 = arith.constant 48 : i32
        %add3A_672 = arith.addi %add3A_670, %add3A_671 : i32
        %swap3A_673 = arith.index_cast %add3A_672 : i32 to index
        %swap3A_674 = tpu.vector_load %arg7[%swap3A_673] {strides = array<i32>} : memref<32768xf32, #tpu.memory_space<vmem>>, vector<16xf32>,
        %swap3A_675 = vector.shape_cast %swap3A_674 : vector<16xf32> to vector<16xf32>
        %swap3A_676 = vector.shape_cast %add3A_666 : vector<16xf32> to vector<16xf32>
        tpu.vector_store %arg7[%swap3A_673], %swap3A_676 {strides = array<i32>} : memref<32768xf32, #tpu.memory_space<vmem>>, vector<16xf32>,
        %add3A_677 = vector.broadcast %select_n3A_143 : f32 to vector<16xf32>
        %add3A_678 = arith.addf %get3A_640, %add3A_677 : vector<16xf32>
        %mul3A_679 = arith.constant 8 : i32
        %mul3A_680 = arith.muli %multiple_of3A_329, %mul3A_679 : i32
        %add3A_681 = arith.constant 384 : i32
        %add3A_682 = arith.addi %mul3A_680, %add3A_681 : i32
        %add3A_683 = arith.constant 48 : i32
        %add3A_684 = arith.addi %add3A_682, %add3A_683 : i32
        %swap3A_685 = arith.index_cast %add3A_684 : i32 to index
        %swap3A_686 = tpu.vector_load %arg7[%swap3A_685] {strides = array<i32>} : memref<32768xf32, #tpu.memory_space<vmem>>, vector<16xf32>,
        %swap3A_687 = vector.shape_cast %swap3A_686 : vector<16xf32> to vector<16xf32>
        %swap3A_688 = vector.shape_cast %add3A_678 : vector<16xf32> to vector<16xf32>
        tpu.vector_store %arg7[%swap3A_685], %swap3A_688 {strides = array<i32>} : memref<32768xf32, #tpu.memory_space<vmem>>, vector<16xf32>,
        %add3A_689 = vector.broadcast %select_n3A_148 : f32 to vector<16xf32>
        %add3A_690 = arith.addf %get3A_640, %add3A_689 : vector<16xf32>
        %mul3A_691 = arith.constant 8 : i32
        %mul3A_692 = arith.muli %multiple_of3A_329, %mul3A_691 : i32
        %add3A_693 = arith.constant 512 : i32
        %add3A_694 = arith.addi %mul3A_692, %add3A_693 : i32
        %add3A_695 = arith.constant 48 : i32
        %add3A_696 = arith.addi %add3A_694, %add3A_695 : i32
        %swap3A_697 = arith.index_cast %add3A_696 : i32 to index
        %swap3A_698 = tpu.vector_load %arg7[%swap3A_697] {strides = array<i32>} : memref<32768xf32, #tpu.memory_space<vmem>>, vector<16xf32>,
        %swap3A_699 = vector.shape_cast %swap3A_698 : vector<16xf32> to vector<16xf32>
        %swap3A_700 = vector.shape_cast %add3A_690 : vector<16xf32> to vector<16xf32>
        tpu.vector_store %arg7[%swap3A_697], %swap3A_700 {strides = array<i32>} : memref<32768xf32, #tpu.memory_space<vmem>>, vector<16xf32>,
        %add3A_701 = vector.broadcast %select_n3A_153 : f32 to vector<16xf32>
        %add3A_702 = arith.addf %get3A_640, %add3A_701 : vector<16xf32>
        %mul3A_703 = arith.constant 8 : i32
        %mul3A_704 = arith.muli %multiple_of3A_329, %mul3A_703 : i32
        %add3A_705 = arith.constant 640 : i32
        %add3A_706 = arith.addi %mul3A_704, %add3A_705 : i32
        %add3A_707 = arith.constant 48 : i32
        %add3A_708 = arith.addi %add3A_706, %add3A_707 : i32
        %swap3A_709 = arith.index_cast %add3A_708 : i32 to index
        %swap3A_710 = tpu.vector_load %arg7[%swap3A_709] {strides = array<i32>} : memref<32768xf32, #tpu.memory_space<vmem>>, vector<16xf32>,
        %swap3A_711 = vector.shape_cast %swap3A_710 : vector<16xf32> to vector<16xf32>
        %swap3A_712 = vector.shape_cast %add3A_702 : vector<16xf32> to vector<16xf32>
        tpu.vector_store %arg7[%swap3A_709], %swap3A_712 {strides = array<i32>} : memref<32768xf32, #tpu.memory_space<vmem>>, vector<16xf32>,
        %add3A_713 = vector.broadcast %select_n3A_158 : f32 to vector<16xf32>
        %add3A_714 = arith.addf %get3A_640, %add3A_713 : vector<16xf32>
        %mul3A_715 = arith.constant 8 : i32
        %mul3A_716 = arith.muli %multiple_of3A_329, %mul3A_715 : i32
        %add3A_717 = arith.constant 768 : i32
        %add3A_718 = arith.addi %mul3A_716, %add3A_717 : i32
        %add3A_719 = arith.constant 48 : i32
        %add3A_720 = arith.addi %add3A_718, %add3A_719 : i32
        %swap3A_721 = arith.index_cast %add3A_720 : i32 to index
        %swap3A_722 = tpu.vector_load %arg7[%swap3A_721] {strides = array<i32>} : memref<32768xf32, #tpu.memory_space<vmem>>, vector<16xf32>,
        %swap3A_723 = vector.shape_cast %swap3A_722 : vector<16xf32> to vector<16xf32>
        %swap3A_724 = vector.shape_cast %add3A_714 : vector<16xf32> to vector<16xf32>
        tpu.vector_store %arg7[%swap3A_721], %swap3A_724 {strides = array<i32>} : memref<32768xf32, #tpu.memory_space<vmem>>, vector<16xf32>,
        %add3A_725 = vector.broadcast %select_n3A_163 : f32 to vector<16xf32>
        %add3A_726 = arith.addf %get3A_640, %add3A_725 : vector<16xf32>
        %mul3A_727 = arith.constant 8 : i32
        %mul3A_728 = arith.muli %multiple_of3A_329, %mul3A_727 : i32
        %add3A_729 = arith.constant 896 : i32
        %add3A_730 = arith.addi %mul3A_728, %add3A_729 : i32
        %add3A_731 = arith.constant 48 : i32
        %add3A_732 = arith.addi %add3A_730, %add3A_731 : i32
        %swap3A_733 = arith.index_cast %add3A_732 : i32 to index
        %swap3A_734 = tpu.vector_load %arg7[%swap3A_733] {strides = array<i32>} : memref<32768xf32, #tpu.memory_space<vmem>>, vector<16xf32>,
        %swap3A_735 = vector.shape_cast %swap3A_734 : vector<16xf32> to vector<16xf32>
        %swap3A_736 = vector.shape_cast %add3A_726 : vector<16xf32> to vector<16xf32>
        tpu.vector_store %arg7[%swap3A_733], %swap3A_736 {strides = array<i32>} : memref<32768xf32, #tpu.memory_space<vmem>>, vector<16xf32>,
        %add3A_737 = arith.constant 64 : i32
        %add3A_738 = arith.addi %multiple_of3A_329, %add3A_737 : i32
        %get3A_739 = arith.index_cast %sub3A_64 : i32 to index
        %get3A_740 = arith.index_cast %add3A_738 : i32 to index
        %get3A_741 = tpu.vector_load %arg5[%get3A_739, %get3A_740] {strides = array<i32>} : memref<8x4096xf32, #tpu.memory_space<vmem>>, vector<1x16xf32>,
        %get3A_742 = vector.shape_cast %get3A_741 : vector<1x16xf32> to vector<16xf32>
        %add3A_743 = vector.broadcast %select_n3A_128 : f32 to vector<16xf32>
        %add3A_744 = arith.addf %get3A_742, %add3A_743 : vector<16xf32>
        %mul3A_745 = arith.constant 8 : i32
        %mul3A_746 = arith.muli %multiple_of3A_329, %mul3A_745 : i32
        %add3A_747 = arith.constant 0 : i32
        %add3A_748 = arith.addi %mul3A_746, %add3A_747 : i32
        %add3A_749 = arith.constant 64 : i32
        %add3A_750 = arith.addi %add3A_748, %add3A_749 : i32
        %swap3A_751 = arith.index_cast %add3A_750 : i32 to index
        %swap3A_752 = tpu.vector_load %arg7[%swap3A_751] {strides = array<i32>} : memref<32768xf32, #tpu.memory_space<vmem>>, vector<16xf32>,
        %swap3A_753 = vector.shape_cast %swap3A_752 : vector<16xf32> to vector<16xf32>
        %swap3A_754 = vector.shape_cast %add3A_744 : vector<16xf32> to vector<16xf32>
        tpu.vector_store %arg7[%swap3A_751], %swap3A_754 {strides = array<i32>} : memref<32768xf32, #tpu.memory_space<vmem>>, vector<16xf32>,
        %add3A_755 = vector.broadcast %select_n3A_133 : f32 to vector<16xf32>
        %add3A_756 = arith.addf %get3A_742, %add3A_755 : vector<16xf32>
        %mul3A_757 = arith.constant 8 : i32
        %mul3A_758 = arith.muli %multiple_of3A_329, %mul3A_757 : i32
        %add3A_759 = arith.constant 128 : i32
        %add3A_760 = arith.addi %mul3A_758, %add3A_759 : i32
        %add3A_761 = arith.constant 64 : i32
        %add3A_762 = arith.addi %add3A_760, %add3A_761 : i32
        %swap3A_763 = arith.index_cast %add3A_762 : i32 to index
        %swap3A_764 = tpu.vector_load %arg7[%swap3A_763] {strides = array<i32>} : memref<32768xf32, #tpu.memory_space<vmem>>, vector<16xf32>,
        %swap3A_765 = vector.shape_cast %swap3A_764 : vector<16xf32> to vector<16xf32>
        %swap3A_766 = vector.shape_cast %add3A_756 : vector<16xf32> to vector<16xf32>
        tpu.vector_store %arg7[%swap3A_763], %swap3A_766 {strides = array<i32>} : memref<32768xf32, #tpu.memory_space<vmem>>, vector<16xf32>,
        %add3A_767 = vector.broadcast %select_n3A_138 : f32 to vector<16xf32>
        %add3A_768 = arith.addf %get3A_742, %add3A_767 : vector<16xf32>
        %mul3A_769 = arith.constant 8 : i32
        %mul3A_770 = arith.muli %multiple_of3A_329, %mul3A_769 : i32
        %add3A_771 = arith.constant 256 : i32
        %add3A_772 = arith.addi %mul3A_770, %add3A_771 : i32
        %add3A_773 = arith.constant 64 : i32
        %add3A_774 = arith.addi %add3A_772, %add3A_773 : i32
        %swap3A_775 = arith.index_cast %add3A_774 : i32 to index
        %swap3A_776 = tpu.vector_load %arg7[%swap3A_775] {strides = array<i32>} : memref<32768xf32, #tpu.memory_space<vmem>>, vector<16xf32>,
        %swap3A_777 = vector.shape_cast %swap3A_776 : vector<16xf32> to vector<16xf32>
        %swap3A_778 = vector.shape_cast %add3A_768 : vector<16xf32> to vector<16xf32>
        tpu.vector_store %arg7[%swap3A_775], %swap3A_778 {strides = array<i32>} : memref<32768xf32, #tpu.memory_space<vmem>>, vector<16xf32>,
        %add3A_779 = vector.broadcast %select_n3A_143 : f32 to vector<16xf32>
        %add3A_780 = arith.addf %get3A_742, %add3A_779 : vector<16xf32>
        %mul3A_781 = arith.constant 8 : i32
        %mul3A_782 = arith.muli %multiple_of3A_329, %mul3A_781 : i32
        %add3A_783 = arith.constant 384 : i32
        %add3A_784 = arith.addi %mul3A_782, %add3A_783 : i32
        %add3A_785 = arith.constant 64 : i32
        %add3A_786 = arith.addi %add3A_784, %add3A_785 : i32
        %swap3A_787 = arith.index_cast %add3A_786 : i32 to index
        %swap3A_788 = tpu.vector_load %arg7[%swap3A_787] {strides = array<i32>} : memref<32768xf32, #tpu.memory_space<vmem>>, vector<16xf32>,
        %swap3A_789 = vector.shape_cast %swap3A_788 : vector<16xf32> to vector<16xf32>
        %swap3A_790 = vector.shape_cast %add3A_780 : vector<16xf32> to vector<16xf32>
        tpu.vector_store %arg7[%swap3A_787], %swap3A_790 {strides = array<i32>} : memref<32768xf32, #tpu.memory_space<vmem>>, vector<16xf32>,
        %add3A_791 = vector.broadcast %select_n3A_148 : f32 to vector<16xf32>
        %add3A_792 = arith.addf %get3A_742, %add3A_791 : vector<16xf32>
        %mul3A_793 = arith.constant 8 : i32
        %mul3A_794 = arith.muli %multiple_of3A_329, %mul3A_793 : i32
        %add3A_795 = arith.constant 512 : i32
        %add3A_796 = arith.addi %mul3A_794, %add3A_795 : i32
        %add3A_797 = arith.constant 64 : i32
        %add3A_798 = arith.addi %add3A_796, %add3A_797 : i32
        %swap3A_799 = arith.index_cast %add3A_798 : i32 to index
        %swap3A_800 = tpu.vector_load %arg7[%swap3A_799] {strides = array<i32>} : memref<32768xf32, #tpu.memory_space<vmem>>, vector<16xf32>,
        %swap3A_801 = vector.shape_cast %swap3A_800 : vector<16xf32> to vector<16xf32>
        %swap3A_802 = vector.shape_cast %add3A_792 : vector<16xf32> to vector<16xf32>
        tpu.vector_store %arg7[%swap3A_799], %swap3A_802 {strides = array<i32>} : memref<32768xf32, #tpu.memory_space<vmem>>, vector<16xf32>,
        %add3A_803 = vector.broadcast %select_n3A_153 : f32 to vector<16xf32>
        %add3A_804 = arith.addf %get3A_742, %add3A_803 : vector<16xf32>
        %mul3A_805 = arith.constant 8 : i32
        %mul3A_806 = arith.muli %multiple_of3A_329, %mul3A_805 : i32
        %add3A_807 = arith.constant 640 : i32
        %add3A_808 = arith.addi %mul3A_806, %add3A_807 : i32
        %add3A_809 = arith.constant 64 : i32
        %add3A_810 = arith.addi %add3A_808, %add3A_809 : i32
        %swap3A_811 = arith.index_cast %add3A_810 : i32 to index
        %swap3A_812 = tpu.vector_load %arg7[%swap3A_811] {strides = array<i32>} : memref<32768xf32, #tpu.memory_space<vmem>>, vector<16xf32>,
        %swap3A_813 = vector.shape_cast %swap3A_812 : vector<16xf32> to vector<16xf32>
        %swap3A_814 = vector.shape_cast %add3A_804 : vector<16xf32> to vector<16xf32>
        tpu.vector_store %arg7[%swap3A_811], %swap3A_814 {strides = array<i32>} : memref<32768xf32, #tpu.memory_space<vmem>>, vector<16xf32>,
        %add3A_815 = vector.broadcast %select_n3A_158 : f32 to vector<16xf32>
        %add3A_816 = arith.addf %get3A_742, %add3A_815 : vector<16xf32>
        %mul3A_817 = arith.constant 8 : i32
        %mul3A_818 = arith.muli %multiple_of3A_329, %mul3A_817 : i32
        %add3A_819 = arith.constant 768 : i32
        %add3A_820 = arith.addi %mul3A_818, %add3A_819 : i32
        %add3A_821 = arith.constant 64 : i32
        %add3A_822 = arith.addi %add3A_820, %add3A_821 : i32
        %swap3A_823 = arith.index_cast %add3A_822 : i32 to index
        %swap3A_824 = tpu.vector_load %arg7[%swap3A_823] {strides = array<i32>} : memref<32768xf32, #tpu.memory_space<vmem>>, vector<16xf32>,
        %swap3A_825 = vector.shape_cast %swap3A_824 : vector<16xf32> to vector<16xf32>
        %swap3A_826 = vector.shape_cast %add3A_816 : vector<16xf32> to vector<16xf32>
        tpu.vector_store %arg7[%swap3A_823], %swap3A_826 {strides = array<i32>} : memref<32768xf32, #tpu.memory_space<vmem>>, vector<16xf32>,
        %add3A_827 = vector.broadcast %select_n3A_163 : f32 to vector<16xf32>
        %add3A_828 = arith.addf %get3A_742, %add3A_827 : vector<16xf32>
        %mul3A_829 = arith.constant 8 : i32
        %mul3A_830 = arith.muli %multiple_of3A_329, %mul3A_829 : i32
        %add3A_831 = arith.constant 896 : i32
        %add3A_832 = arith.addi %mul3A_830, %add3A_831 : i32
        %add3A_833 = arith.constant 64 : i32
        %add3A_834 = arith.addi %add3A_832, %add3A_833 : i32
        %swap3A_835 = arith.index_cast %add3A_834 : i32 to index
        %swap3A_836 = tpu.vector_load %arg7[%swap3A_835] {strides = array<i32>} : memref<32768xf32, #tpu.memory_space<vmem>>, vector<16xf32>,
        %swap3A_837 = vector.shape_cast %swap3A_836 : vector<16xf32> to vector<16xf32>
        %swap3A_838 = vector.shape_cast %add3A_828 : vector<16xf32> to vector<16xf32>
        tpu.vector_store %arg7[%swap3A_835], %swap3A_838 {strides = array<i32>} : memref<32768xf32, #tpu.memory_space<vmem>>, vector<16xf32>,
        %add3A_839 = arith.constant 80 : i32
        %add3A_840 = arith.addi %multiple_of3A_329, %add3A_839 : i32
        %get3A_841 = arith.index_cast %sub3A_64 : i32 to index
        %get3A_842 = arith.index_cast %add3A_840 : i32 to index
        %get3A_843 = tpu.vector_load %arg5[%get3A_841, %get3A_842] {strides = array<i32>} : memref<8x4096xf32, #tpu.memory_space<vmem>>, vector<1x16xf32>,
        %get3A_844 = vector.shape_cast %get3A_843 : vector<1x16xf32> to vector<16xf32>
        %add3A_845 = vector.broadcast %select_n3A_128 : f32 to vector<16xf32>
        %add3A_846 = arith.addf %get3A_844, %add3A_845 : vector<16xf32>
        %mul3A_847 = arith.constant 8 : i32
        %mul3A_848 = arith.muli %multiple_of3A_329, %mul3A_847 : i32
        %add3A_849 = arith.constant 0 : i32
        %add3A_850 = arith.addi %mul3A_848, %add3A_849 : i32
        %add3A_851 = arith.constant 80 : i32
        %add3A_852 = arith.addi %add3A_850, %add3A_851 : i32
        %swap3A_853 = arith.index_cast %add3A_852 : i32 to index
        %swap3A_854 = tpu.vector_load %arg7[%swap3A_853] {strides = array<i32>} : memref<32768xf32, #tpu.memory_space<vmem>>, vector<16xf32>,
        %swap3A_855 = vector.shape_cast %swap3A_854 : vector<16xf32> to vector<16xf32>
        %swap3A_856 = vector.shape_cast %add3A_846 : vector<16xf32> to vector<16xf32>
        tpu.vector_store %arg7[%swap3A_853], %swap3A_856 {strides = array<i32>} : memref<32768xf32, #tpu.memory_space<vmem>>, vector<16xf32>,
        %add3A_857 = vector.broadcast %select_n3A_133 : f32 to vector<16xf32>
        %add3A_858 = arith.addf %get3A_844, %add3A_857 : vector<16xf32>
        %mul3A_859 = arith.constant 8 : i32
        %mul3A_860 = arith.muli %multiple_of3A_329, %mul3A_859 : i32
        %add3A_861 = arith.constant 128 : i32
        %add3A_862 = arith.addi %mul3A_860, %add3A_861 : i32
        %add3A_863 = arith.constant 80 : i32
        %add3A_864 = arith.addi %add3A_862, %add3A_863 : i32
        %swap3A_865 = arith.index_cast %add3A_864 : i32 to index
        %swap3A_866 = tpu.vector_load %arg7[%swap3A_865] {strides = array<i32>} : memref<32768xf32, #tpu.memory_space<vmem>>, vector<16xf32>,
        %swap3A_867 = vector.shape_cast %swap3A_866 : vector<16xf32> to vector<16xf32>
        %swap3A_868 = vector.shape_cast %add3A_858 : vector<16xf32> to vector<16xf32>
        tpu.vector_store %arg7[%swap3A_865], %swap3A_868 {strides = array<i32>} : memref<32768xf32, #tpu.memory_space<vmem>>, vector<16xf32>,
        %add3A_869 = vector.broadcast %select_n3A_138 : f32 to vector<16xf32>
        %add3A_870 = arith.addf %get3A_844, %add3A_869 : vector<16xf32>
        %mul3A_871 = arith.constant 8 : i32
        %mul3A_872 = arith.muli %multiple_of3A_329, %mul3A_871 : i32
        %add3A_873 = arith.constant 256 : i32
        %add3A_874 = arith.addi %mul3A_872, %add3A_873 : i32
        %add3A_875 = arith.constant 80 : i32
        %add3A_876 = arith.addi %add3A_874, %add3A_875 : i32
        %swap3A_877 = arith.index_cast %add3A_876 : i32 to index
        %swap3A_878 = tpu.vector_load %arg7[%swap3A_877] {strides = array<i32>} : memref<32768xf32, #tpu.memory_space<vmem>>, vector<16xf32>,
        %swap3A_879 = vector.shape_cast %swap3A_878 : vector<16xf32> to vector<16xf32>
        %swap3A_880 = vector.shape_cast %add3A_870 : vector<16xf32> to vector<16xf32>
        tpu.vector_store %arg7[%swap3A_877], %swap3A_880 {strides = array<i32>} : memref<32768xf32, #tpu.memory_space<vmem>>, vector<16xf32>,
        %add3A_881 = vector.broadcast %select_n3A_143 : f32 to vector<16xf32>
        %add3A_882 = arith.addf %get3A_844, %add3A_881 : vector<16xf32>
        %mul3A_883 = arith.constant 8 : i32
        %mul3A_884 = arith.muli %multiple_of3A_329, %mul3A_883 : i32
        %add3A_885 = arith.constant 384 : i32
        %add3A_886 = arith.addi %mul3A_884, %add3A_885 : i32
        %add3A_887 = arith.constant 80 : i32
        %add3A_888 = arith.addi %add3A_886, %add3A_887 : i32
        %swap3A_889 = arith.index_cast %add3A_888 : i32 to index
        %swap3A_890 = tpu.vector_load %arg7[%swap3A_889] {strides = array<i32>} : memref<32768xf32, #tpu.memory_space<vmem>>, vector<16xf32>,
        %swap3A_891 = vector.shape_cast %swap3A_890 : vector<16xf32> to vector<16xf32>
        %swap3A_892 = vector.shape_cast %add3A_882 : vector<16xf32> to vector<16xf32>
        tpu.vector_store %arg7[%swap3A_889], %swap3A_892 {strides = array<i32>} : memref<32768xf32, #tpu.memory_space<vmem>>, vector<16xf32>,
        %add3A_893 = vector.broadcast %select_n3A_148 : f32 to vector<16xf32>
        %add3A_894 = arith.addf %get3A_844, %add3A_893 : vector<16xf32>
        %mul3A_895 = arith.constant 8 : i32
        %mul3A_896 = arith.muli %multiple_of3A_329, %mul3A_895 : i32
        %add3A_897 = arith.constant 512 : i32
        %add3A_898 = arith.addi %mul3A_896, %add3A_897 : i32
        %add3A_899 = arith.constant 80 : i32
        %add3A_900 = arith.addi %add3A_898, %add3A_899 : i32
        %swap3A_901 = arith.index_cast %add3A_900 : i32 to index
        %swap3A_902 = tpu.vector_load %arg7[%swap3A_901] {strides = array<i32>} : memref<32768xf32, #tpu.memory_space<vmem>>, vector<16xf32>,
        %swap3A_903 = vector.shape_cast %swap3A_902 : vector<16xf32> to vector<16xf32>
        %swap3A_904 = vector.shape_cast %add3A_894 : vector<16xf32> to vector<16xf32>
        tpu.vector_store %arg7[%swap3A_901], %swap3A_904 {strides = array<i32>} : memref<32768xf32, #tpu.memory_space<vmem>>, vector<16xf32>,
        %add3A_905 = vector.broadcast %select_n3A_153 : f32 to vector<16xf32>
        %add3A_906 = arith.addf %get3A_844, %add3A_905 : vector<16xf32>
        %mul3A_907 = arith.constant 8 : i32
        %mul3A_908 = arith.muli %multiple_of3A_329, %mul3A_907 : i32
        %add3A_909 = arith.constant 640 : i32
        %add3A_910 = arith.addi %mul3A_908, %add3A_909 : i32
        %add3A_911 = arith.constant 80 : i32
        %add3A_912 = arith.addi %add3A_910, %add3A_911 : i32
        %swap3A_913 = arith.index_cast %add3A_912 : i32 to index
        %swap3A_914 = tpu.vector_load %arg7[%swap3A_913] {strides = array<i32>} : memref<32768xf32, #tpu.memory_space<vmem>>, vector<16xf32>,
        %swap3A_915 = vector.shape_cast %swap3A_914 : vector<16xf32> to vector<16xf32>
        %swap3A_916 = vector.shape_cast %add3A_906 : vector<16xf32> to vector<16xf32>
        tpu.vector_store %arg7[%swap3A_913], %swap3A_916 {strides = array<i32>} : memref<32768xf32, #tpu.memory_space<vmem>>, vector<16xf32>,
        %add3A_917 = vector.broadcast %select_n3A_158 : f32 to vector<16xf32>
        %add3A_918 = arith.addf %get3A_844, %add3A_917 : vector<16xf32>
        %mul3A_919 = arith.constant 8 : i32
        %mul3A_920 = arith.muli %multiple_of3A_329, %mul3A_919 : i32
        %add3A_921 = arith.constant 768 : i32
        %add3A_922 = arith.addi %mul3A_920, %add3A_921 : i32
        %add3A_923 = arith.constant 80 : i32
        %add3A_924 = arith.addi %add3A_922, %add3A_923 : i32
        %swap3A_925 = arith.index_cast %add3A_924 : i32 to index
        %swap3A_926 = tpu.vector_load %arg7[%swap3A_925] {strides = array<i32>} : memref<32768xf32, #tpu.memory_space<vmem>>, vector<16xf32>,
        %swap3A_927 = vector.shape_cast %swap3A_926 : vector<16xf32> to vector<16xf32>
        %swap3A_928 = vector.shape_cast %add3A_918 : vector<16xf32> to vector<16xf32>
        tpu.vector_store %arg7[%swap3A_925], %swap3A_928 {strides = array<i32>} : memref<32768xf32, #tpu.memory_space<vmem>>, vector<16xf32>,
        %add3A_929 = vector.broadcast %select_n3A_163 : f32 to vector<16xf32>
        %add3A_930 = arith.addf %get3A_844, %add3A_929 : vector<16xf32>
        %mul3A_931 = arith.constant 8 : i32
        %mul3A_932 = arith.muli %multiple_of3A_329, %mul3A_931 : i32
        %add3A_933 = arith.constant 896 : i32
        %add3A_934 = arith.addi %mul3A_932, %add3A_933 : i32
        %add3A_935 = arith.constant 80 : i32
        %add3A_936 = arith.addi %add3A_934, %add3A_935 : i32
        %swap3A_937 = arith.index_cast %add3A_936 : i32 to index
        %swap3A_938 = tpu.vector_load %arg7[%swap3A_937] {strides = array<i32>} : memref<32768xf32, #tpu.memory_space<vmem>>, vector<16xf32>,
        %swap3A_939 = vector.shape_cast %swap3A_938 : vector<16xf32> to vector<16xf32>
        %swap3A_940 = vector.shape_cast %add3A_930 : vector<16xf32> to vector<16xf32>
        tpu.vector_store %arg7[%swap3A_937], %swap3A_940 {strides = array<i32>} : memref<32768xf32, #tpu.memory_space<vmem>>, vector<16xf32>,
        %add3A_941 = arith.constant 96 : i32
        %add3A_942 = arith.addi %multiple_of3A_329, %add3A_941 : i32
        %get3A_943 = arith.index_cast %sub3A_64 : i32 to index
        %get3A_944 = arith.index_cast %add3A_942 : i32 to index
        %get3A_945 = tpu.vector_load %arg5[%get3A_943, %get3A_944] {strides = array<i32>} : memref<8x4096xf32, #tpu.memory_space<vmem>>, vector<1x16xf32>,
        %get3A_946 = vector.shape_cast %get3A_945 : vector<1x16xf32> to vector<16xf32>
        %add3A_947 = vector.broadcast %select_n3A_128 : f32 to vector<16xf32>
        %add3A_948 = arith.addf %get3A_946, %add3A_947 : vector<16xf32>
        %mul3A_949 = arith.constant 8 : i32
        %mul3A_950 = arith.muli %multiple_of3A_329, %mul3A_949 : i32
        %add3A_951 = arith.constant 0 : i32
        %add3A_952 = arith.addi %mul3A_950, %add3A_951 : i32
        %add3A_953 = arith.constant 96 : i32
        %add3A_954 = arith.addi %add3A_952, %add3A_953 : i32
        %swap3A_955 = arith.index_cast %add3A_954 : i32 to index
        %swap3A_956 = tpu.vector_load %arg7[%swap3A_955] {strides = array<i32>} : memref<32768xf32, #tpu.memory_space<vmem>>, vector<16xf32>,
        %swap3A_957 = vector.shape_cast %swap3A_956 : vector<16xf32> to vector<16xf32>
        %swap3A_958 = vector.shape_cast %add3A_948 : vector<16xf32> to vector<16xf32>
        tpu.vector_store %arg7[%swap3A_955], %swap3A_958 {strides = array<i32>} : memref<32768xf32, #tpu.memory_space<vmem>>, vector<16xf32>,
        %add3A_959 = vector.broadcast %select_n3A_133 : f32 to vector<16xf32>
        %add3A_960 = arith.addf %get3A_946, %add3A_959 : vector<16xf32>
        %mul3A_961 = arith.constant 8 : i32
        %mul3A_962 = arith.muli %multiple_of3A_329, %mul3A_961 : i32
        %add3A_963 = arith.constant 128 : i32
        %add3A_964 = arith.addi %mul3A_962, %add3A_963 : i32
        %add3A_965 = arith.constant 96 : i32
        %add3A_966 = arith.addi %add3A_964, %add3A_965 : i32
        %swap3A_967 = arith.index_cast %add3A_966 : i32 to index
        %swap3A_968 = tpu.vector_load %arg7[%swap3A_967] {strides = array<i32>} : memref<32768xf32, #tpu.memory_space<vmem>>, vector<16xf32>,
        %swap3A_969 = vector.shape_cast %swap3A_968 : vector<16xf32> to vector<16xf32>
        %swap3A_970 = vector.shape_cast %add3A_960 : vector<16xf32> to vector<16xf32>
        tpu.vector_store %arg7[%swap3A_967], %swap3A_970 {strides = array<i32>} : memref<32768xf32, #tpu.memory_space<vmem>>, vector<16xf32>,
        %add3A_971 = vector.broadcast %select_n3A_138 : f32 to vector<16xf32>
        %add3A_972 = arith.addf %get3A_946, %add3A_971 : vector<16xf32>
        %mul3A_973 = arith.constant 8 : i32
        %mul3A_974 = arith.muli %multiple_of3A_329, %mul3A_973 : i32
        %add3A_975 = arith.constant 256 : i32
        %add3A_976 = arith.addi %mul3A_974, %add3A_975 : i32
        %add3A_977 = arith.constant 96 : i32
        %add3A_978 = arith.addi %add3A_976, %add3A_977 : i32
        %swap3A_979 = arith.index_cast %add3A_978 : i32 to index
        %swap3A_980 = tpu.vector_load %arg7[%swap3A_979] {strides = array<i32>} : memref<32768xf32, #tpu.memory_space<vmem>>, vector<16xf32>,
        %swap3A_981 = vector.shape_cast %swap3A_980 : vector<16xf32> to vector<16xf32>
        %swap3A_982 = vector.shape_cast %add3A_972 : vector<16xf32> to vector<16xf32>
        tpu.vector_store %arg7[%swap3A_979], %swap3A_982 {strides = array<i32>} : memref<32768xf32, #tpu.memory_space<vmem>>, vector<16xf32>,
        %add3A_983 = vector.broadcast %select_n3A_143 : f32 to vector<16xf32>
        %add3A_984 = arith.addf %get3A_946, %add3A_983 : vector<16xf32>
        %mul3A_985 = arith.constant 8 : i32
        %mul3A_986 = arith.muli %multiple_of3A_329, %mul3A_985 : i32
        %add3A_987 = arith.constant 384 : i32
        %add3A_988 = arith.addi %mul3A_986, %add3A_987 : i32
        %add3A_989 = arith.constant 96 : i32
        %add3A_990 = arith.addi %add3A_988, %add3A_989 : i32
        %swap3A_991 = arith.index_cast %add3A_990 : i32 to index
        %swap3A_992 = tpu.vector_load %arg7[%swap3A_991] {strides = array<i32>} : memref<32768xf32, #tpu.memory_space<vmem>>, vector<16xf32>,
        %swap3A_993 = vector.shape_cast %swap3A_992 : vector<16xf32> to vector<16xf32>
        %swap3A_994 = vector.shape_cast %add3A_984 : vector<16xf32> to vector<16xf32>
        tpu.vector_store %arg7[%swap3A_991], %swap3A_994 {strides = array<i32>} : memref<32768xf32, #tpu.memory_space<vmem>>, vector<16xf32>,
        %add3A_995 = vector.broadcast %select_n3A_148 : f32 to vector<16xf32>
        %add3A_996 = arith.addf %get3A_946, %add3A_995 : vector<16xf32>
        %mul3A_997 = arith.constant 8 : i32
        %mul3A_998 = arith.muli %multiple_of3A_329, %mul3A_997 : i32
        %add3A_999 = arith.constant 512 : i32
        %add3A_1000 = arith.addi %mul3A_998, %add3A_999 : i32
        %add3A_1001 = arith.constant 96 : i32
        %add3A_1002 = arith.addi %add3A_1000, %add3A_1001 : i32
        %swap3A_1003 = arith.index_cast %add3A_1002 : i32 to index
        %swap3A_1004 = tpu.vector_load %arg7[%swap3A_1003] {strides = array<i32>} : memref<32768xf32, #tpu.memory_space<vmem>>, vector<16xf32>,
        %swap3A_1005 = vector.shape_cast %swap3A_1004 : vector<16xf32> to vector<16xf32>
        %swap3A_1006 = vector.shape_cast %add3A_996 : vector<16xf32> to vector<16xf32>
        tpu.vector_store %arg7[%swap3A_1003], %swap3A_1006 {strides = array<i32>} : memref<32768xf32, #tpu.memory_space<vmem>>, vector<16xf32>,
        %add3A_1007 = vector.broadcast %select_n3A_153 : f32 to vector<16xf32>
        %add3A_1008 = arith.addf %get3A_946, %add3A_1007 : vector<16xf32>
        %mul3A_1009 = arith.constant 8 : i32
        %mul3A_1010 = arith.muli %multiple_of3A_329, %mul3A_1009 : i32
        %add3A_1011 = arith.constant 640 : i32
        %add3A_1012 = arith.addi %mul3A_1010, %add3A_1011 : i32
        %add3A_1013 = arith.constant 96 : i32
        %add3A_1014 = arith.addi %add3A_1012, %add3A_1013 : i32
        %swap3A_1015 = arith.index_cast %add3A_1014 : i32 to index
        %swap3A_1016 = tpu.vector_load %arg7[%swap3A_1015] {strides = array<i32>} : memref<32768xf32, #tpu.memory_space<vmem>>, vector<16xf32>,
        %swap3A_1017 = vector.shape_cast %swap3A_1016 : vector<16xf32> to vector<16xf32>
        %swap3A_1018 = vector.shape_cast %add3A_1008 : vector<16xf32> to vector<16xf32>
        tpu.vector_store %arg7[%swap3A_1015], %swap3A_1018 {strides = array<i32>} : memref<32768xf32, #tpu.memory_space<vmem>>, vector<16xf32>,
        %add3A_1019 = vector.broadcast %select_n3A_158 : f32 to vector<16xf32>
        %add3A_1020 = arith.addf %get3A_946, %add3A_1019 : vector<16xf32>
        %mul3A_1021 = arith.constant 8 : i32
        %mul3A_1022 = arith.muli %multiple_of3A_329, %mul3A_1021 : i32
        %add3A_1023 = arith.constant 768 : i32
        %add3A_1024 = arith.addi %mul3A_1022, %add3A_1023 : i32
        %add3A_1025 = arith.constant 96 : i32
        %add3A_1026 = arith.addi %add3A_1024, %add3A_1025 : i32
        %swap3A_1027 = arith.index_cast %add3A_1026 : i32 to index
        %swap3A_1028 = tpu.vector_load %arg7[%swap3A_1027] {strides = array<i32>} : memref<32768xf32, #tpu.memory_space<vmem>>, vector<16xf32>,
        %swap3A_1029 = vector.shape_cast %swap3A_1028 : vector<16xf32> to vector<16xf32>
        %swap3A_1030 = vector.shape_cast %add3A_1020 : vector<16xf32> to vector<16xf32>
        tpu.vector_store %arg7[%swap3A_1027], %swap3A_1030 {strides = array<i32>} : memref<32768xf32, #tpu.memory_space<vmem>>, vector<16xf32>,
        %add3A_1031 = vector.broadcast %select_n3A_163 : f32 to vector<16xf32>
        %add3A_1032 = arith.addf %get3A_946, %add3A_1031 : vector<16xf32>
        %mul3A_1033 = arith.constant 8 : i32
        %mul3A_1034 = arith.muli %multiple_of3A_329, %mul3A_1033 : i32
        %add3A_1035 = arith.constant 896 : i32
        %add3A_1036 = arith.addi %mul3A_1034, %add3A_1035 : i32
        %add3A_1037 = arith.constant 96 : i32
        %add3A_1038 = arith.addi %add3A_1036, %add3A_1037 : i32
        %swap3A_1039 = arith.index_cast %add3A_1038 : i32 to index
        %swap3A_1040 = tpu.vector_load %arg7[%swap3A_1039] {strides = array<i32>} : memref<32768xf32, #tpu.memory_space<vmem>>, vector<16xf32>,
        %swap3A_1041 = vector.shape_cast %swap3A_1040 : vector<16xf32> to vector<16xf32>
        %swap3A_1042 = vector.shape_cast %add3A_1032 : vector<16xf32> to vector<16xf32>
        tpu.vector_store %arg7[%swap3A_1039], %swap3A_1042 {strides = array<i32>} : memref<32768xf32, #tpu.memory_space<vmem>>, vector<16xf32>,
        %add3A_1043 = arith.constant 112 : i32
        %add3A_1044 = arith.addi %multiple_of3A_329, %add3A_1043 : i32
        %get3A_1045 = arith.index_cast %sub3A_64 : i32 to index
        %get3A_1046 = arith.index_cast %add3A_1044 : i32 to index
        %get3A_1047 = tpu.vector_load %arg5[%get3A_1045, %get3A_1046] {strides = array<i32>} : memref<8x4096xf32, #tpu.memory_space<vmem>>, vector<1x16xf32>,
        %get3A_1048 = vector.shape_cast %get3A_1047 : vector<1x16xf32> to vector<16xf32>
        %add3A_1049 = vector.broadcast %select_n3A_128 : f32 to vector<16xf32>
        %add3A_1050 = arith.addf %get3A_1048, %add3A_1049 : vector<16xf32>
        %mul3A_1051 = arith.constant 8 : i32
        %mul3A_1052 = arith.muli %multiple_of3A_329, %mul3A_1051 : i32
        %add3A_1053 = arith.constant 0 : i32
        %add3A_1054 = arith.addi %mul3A_1052, %add3A_1053 : i32
        %add3A_1055 = arith.constant 112 : i32
        %add3A_1056 = arith.addi %add3A_1054, %add3A_1055 : i32
        %swap3A_1057 = arith.index_cast %add3A_1056 : i32 to index
        %swap3A_1058 = tpu.vector_load %arg7[%swap3A_1057] {strides = array<i32>} : memref<32768xf32, #tpu.memory_space<vmem>>, vector<16xf32>,
        %swap3A_1059 = vector.shape_cast %swap3A_1058 : vector<16xf32> to vector<16xf32>
        %swap3A_1060 = vector.shape_cast %add3A_1050 : vector<16xf32> to vector<16xf32>
        tpu.vector_store %arg7[%swap3A_1057], %swap3A_1060 {strides = array<i32>} : memref<32768xf32, #tpu.memory_space<vmem>>, vector<16xf32>,
        %add3A_1061 = vector.broadcast %select_n3A_133 : f32 to vector<16xf32>
        %add3A_1062 = arith.addf %get3A_1048, %add3A_1061 : vector<16xf32>
        %mul3A_1063 = arith.constant 8 : i32
        %mul3A_1064 = arith.muli %multiple_of3A_329, %mul3A_1063 : i32
        %add3A_1065 = arith.constant 128 : i32
        %add3A_1066 = arith.addi %mul3A_1064, %add3A_1065 : i32
        %add3A_1067 = arith.constant 112 : i32
        %add3A_1068 = arith.addi %add3A_1066, %add3A_1067 : i32
        %swap3A_1069 = arith.index_cast %add3A_1068 : i32 to index
        %swap3A_1070 = tpu.vector_load %arg7[%swap3A_1069] {strides = array<i32>} : memref<32768xf32, #tpu.memory_space<vmem>>, vector<16xf32>,
        %swap3A_1071 = vector.shape_cast %swap3A_1070 : vector<16xf32> to vector<16xf32>
        %swap3A_1072 = vector.shape_cast %add3A_1062 : vector<16xf32> to vector<16xf32>
        tpu.vector_store %arg7[%swap3A_1069], %swap3A_1072 {strides = array<i32>} : memref<32768xf32, #tpu.memory_space<vmem>>, vector<16xf32>,
        %add3A_1073 = vector.broadcast %select_n3A_138 : f32 to vector<16xf32>
        %add3A_1074 = arith.addf %get3A_1048, %add3A_1073 : vector<16xf32>
        %mul3A_1075 = arith.constant 8 : i32
        %mul3A_1076 = arith.muli %multiple_of3A_329, %mul3A_1075 : i32
        %add3A_1077 = arith.constant 256 : i32
        %add3A_1078 = arith.addi %mul3A_1076, %add3A_1077 : i32
        %add3A_1079 = arith.constant 112 : i32
        %add3A_1080 = arith.addi %add3A_1078, %add3A_1079 : i32
        %swap3A_1081 = arith.index_cast %add3A_1080 : i32 to index
        %swap3A_1082 = tpu.vector_load %arg7[%swap3A_1081] {strides = array<i32>} : memref<32768xf32, #tpu.memory_space<vmem>>, vector<16xf32>,
        %swap3A_1083 = vector.shape_cast %swap3A_1082 : vector<16xf32> to vector<16xf32>
        %swap3A_1084 = vector.shape_cast %add3A_1074 : vector<16xf32> to vector<16xf32>
        tpu.vector_store %arg7[%swap3A_1081], %swap3A_1084 {strides = array<i32>} : memref<32768xf32, #tpu.memory_space<vmem>>, vector<16xf32>,
        %add3A_1085 = vector.broadcast %select_n3A_143 : f32 to vector<16xf32>
        %add3A_1086 = arith.addf %get3A_1048, %add3A_1085 : vector<16xf32>
        %mul3A_1087 = arith.constant 8 : i32
        %mul3A_1088 = arith.muli %multiple_of3A_329, %mul3A_1087 : i32
        %add3A_1089 = arith.constant 384 : i32
        %add3A_1090 = arith.addi %mul3A_1088, %add3A_1089 : i32
        %add3A_1091 = arith.constant 112 : i32
        %add3A_1092 = arith.addi %add3A_1090, %add3A_1091 : i32
        %swap3A_1093 = arith.index_cast %add3A_1092 : i32 to index
        %swap3A_1094 = tpu.vector_load %arg7[%swap3A_1093] {strides = array<i32>} : memref<32768xf32, #tpu.memory_space<vmem>>, vector<16xf32>,
        %swap3A_1095 = vector.shape_cast %swap3A_1094 : vector<16xf32> to vector<16xf32>
        %swap3A_1096 = vector.shape_cast %add3A_1086 : vector<16xf32> to vector<16xf32>
        tpu.vector_store %arg7[%swap3A_1093], %swap3A_1096 {strides = array<i32>} : memref<32768xf32, #tpu.memory_space<vmem>>, vector<16xf32>,
        %add3A_1097 = vector.broadcast %select_n3A_148 : f32 to vector<16xf32>
        %add3A_1098 = arith.addf %get3A_1048, %add3A_1097 : vector<16xf32>
        %mul3A_1099 = arith.constant 8 : i32
        %mul3A_1100 = arith.muli %multiple_of3A_329, %mul3A_1099 : i32
        %add3A_1101 = arith.constant 512 : i32
        %add3A_1102 = arith.addi %mul3A_1100, %add3A_1101 : i32
        %add3A_1103 = arith.constant 112 : i32
        %add3A_1104 = arith.addi %add3A_1102, %add3A_1103 : i32
        %swap3A_1105 = arith.index_cast %add3A_1104 : i32 to index
        %swap3A_1106 = tpu.vector_load %arg7[%swap3A_1105] {strides = array<i32>} : memref<32768xf32, #tpu.memory_space<vmem>>, vector<16xf32>,
        %swap3A_1107 = vector.shape_cast %swap3A_1106 : vector<16xf32> to vector<16xf32>
        %swap3A_1108 = vector.shape_cast %add3A_1098 : vector<16xf32> to vector<16xf32>
        tpu.vector_store %arg7[%swap3A_1105], %swap3A_1108 {strides = array<i32>} : memref<32768xf32, #tpu.memory_space<vmem>>, vector<16xf32>,
        %add3A_1109 = vector.broadcast %select_n3A_153 : f32 to vector<16xf32>
        %add3A_1110 = arith.addf %get3A_1048, %add3A_1109 : vector<16xf32>
        %mul3A_1111 = arith.constant 8 : i32
        %mul3A_1112 = arith.muli %multiple_of3A_329, %mul3A_1111 : i32
        %add3A_1113 = arith.constant 640 : i32
        %add3A_1114 = arith.addi %mul3A_1112, %add3A_1113 : i32
        %add3A_1115 = arith.constant 112 : i32
        %add3A_1116 = arith.addi %add3A_1114, %add3A_1115 : i32
        %swap3A_1117 = arith.index_cast %add3A_1116 : i32 to index
        %swap3A_1118 = tpu.vector_load %arg7[%swap3A_1117] {strides = array<i32>} : memref<32768xf32, #tpu.memory_space<vmem>>, vector<16xf32>,
        %swap3A_1119 = vector.shape_cast %swap3A_1118 : vector<16xf32> to vector<16xf32>
        %swap3A_1120 = vector.shape_cast %add3A_1110 : vector<16xf32> to vector<16xf32>
        tpu.vector_store %arg7[%swap3A_1117], %swap3A_1120 {strides = array<i32>} : memref<32768xf32, #tpu.memory_space<vmem>>, vector<16xf32>,
        %add3A_1121 = vector.broadcast %select_n3A_158 : f32 to vector<16xf32>
        %add3A_1122 = arith.addf %get3A_1048, %add3A_1121 : vector<16xf32>
        %mul3A_1123 = arith.constant 8 : i32
        %mul3A_1124 = arith.muli %multiple_of3A_329, %mul3A_1123 : i32
        %add3A_1125 = arith.constant 768 : i32
        %add3A_1126 = arith.addi %mul3A_1124, %add3A_1125 : i32
        %add3A_1127 = arith.constant 112 : i32
        %add3A_1128 = arith.addi %add3A_1126, %add3A_1127 : i32
        %swap3A_1129 = arith.index_cast %add3A_1128 : i32 to index
        %swap3A_1130 = tpu.vector_load %arg7[%swap3A_1129] {strides = array<i32>} : memref<32768xf32, #tpu.memory_space<vmem>>, vector<16xf32>,
        %swap3A_1131 = vector.shape_cast %swap3A_1130 : vector<16xf32> to vector<16xf32>
        %swap3A_1132 = vector.shape_cast %add3A_1122 : vector<16xf32> to vector<16xf32>
        tpu.vector_store %arg7[%swap3A_1129], %swap3A_1132 {strides = array<i32>} : memref<32768xf32, #tpu.memory_space<vmem>>, vector<16xf32>,
        %add3A_1133 = vector.broadcast %select_n3A_163 : f32 to vector<16xf32>
        %add3A_1134 = arith.addf %get3A_1048, %add3A_1133 : vector<16xf32>
        %mul3A_1135 = arith.constant 8 : i32
        %mul3A_1136 = arith.muli %multiple_of3A_329, %mul3A_1135 : i32
        %add3A_1137 = arith.constant 896 : i32
        %add3A_1138 = arith.addi %mul3A_1136, %add3A_1137 : i32
        %add3A_1139 = arith.constant 112 : i32
        %add3A_1140 = arith.addi %add3A_1138, %add3A_1139 : i32
        %swap3A_1141 = arith.index_cast %add3A_1140 : i32 to index
        %swap3A_1142 = tpu.vector_load %arg7[%swap3A_1141] {strides = array<i32>} : memref<32768xf32, #tpu.memory_space<vmem>>, vector<16xf32>,
        %swap3A_1143 = vector.shape_cast %swap3A_1142 : vector<16xf32> to vector<16xf32>
        %swap3A_1144 = vector.shape_cast %add3A_1134 : vector<16xf32> to vector<16xf32>
        tpu.vector_store %arg7[%swap3A_1141], %swap3A_1144 {strides = array<i32>} : memref<32768xf32, #tpu.memory_space<vmem>>, vector<16xf32>,
        %mul3A_1145 = arith.constant 2 : i32
        %mul3A_1146 = arith.muli %scan3A_322, %mul3A_1145 : i32
        %add3A_1147 = arith.constant 1 : i32
        %add3A_1148 = arith.addi %mul3A_1146, %add3A_1147 : i32
        %mul3A_1149 = arith.constant 128 : i32
        %mul3A_1150 = arith.muli %add3A_1148, %mul3A_1149 : i32
        %multiple_of3A_1151 = tpu.assume_multiple %mul3A_1150, 128 : i32
        %add3A_1152 = arith.constant 0 : i32
        %add3A_1153 = arith.addi %multiple_of3A_1151, %add3A_1152 : i32
        %get3A_1154 = arith.index_cast %sub3A_64 : i32 to index
        %get3A_1155 = arith.index_cast %add3A_1153 : i32 to index
        %get3A_1156 = tpu.vector_load %arg5[%get3A_1154, %get3A_1155] {strides = array<i32>} : memref<8x4096xf32, #tpu.memory_space<vmem>>, vector<1x16xf32>,
        %get3A_1157 = vector.shape_cast %get3A_1156 : vector<1x16xf32> to vector<16xf32>
        %add3A_1158 = vector.broadcast %select_n3A_128 : f32 to vector<16xf32>
        %add3A_1159 = arith.addf %get3A_1157, %add3A_1158 : vector<16xf32>
        %mul3A_1160 = arith.constant 8 : i32
        %mul3A_1161 = arith.muli %multiple_of3A_1151, %mul3A_1160 : i32
        %add3A_1162 = arith.constant 0 : i32
        %add3A_1163 = arith.addi %mul3A_1161, %add3A_1162 : i32
        %add3A_1164 = arith.constant 0 : i32
        %add3A_1165 = arith.addi %add3A_1163, %add3A_1164 : i32
        %swap3A_1166 = arith.index_cast %add3A_1165 : i32 to index
        %swap3A_1167 = tpu.vector_load %arg7[%swap3A_1166] {strides = array<i32>} : memref<32768xf32, #tpu.memory_space<vmem>>, vector<16xf32>,
        %swap3A_1168 = vector.shape_cast %swap3A_1167 : vector<16xf32> to vector<16xf32>
        %swap3A_1169 = vector.shape_cast %add3A_1159 : vector<16xf32> to vector<16xf32>
        tpu.vector_store %arg7[%swap3A_1166], %swap3A_1169 {strides = array<i32>} : memref<32768xf32, #tpu.memory_space<vmem>>, vector<16xf32>,
        %add3A_1170 = vector.broadcast %select_n3A_133 : f32 to vector<16xf32>
        %add3A_1171 = arith.addf %get3A_1157, %add3A_1170 : vector<16xf32>
        %mul3A_1172 = arith.constant 8 : i32
        %mul3A_1173 = arith.muli %multiple_of3A_1151, %mul3A_1172 : i32
        %add3A_1174 = arith.constant 128 : i32
        %add3A_1175 = arith.addi %mul3A_1173, %add3A_1174 : i32
        %add3A_1176 = arith.constant 0 : i32
        %add3A_1177 = arith.addi %add3A_1175, %add3A_1176 : i32
        %swap3A_1178 = arith.index_cast %add3A_1177 : i32 to index
        %swap3A_1179 = tpu.vector_load %arg7[%swap3A_1178] {strides = array<i32>} : memref<32768xf32, #tpu.memory_space<vmem>>, vector<16xf32>,
        %swap3A_1180 = vector.shape_cast %swap3A_1179 : vector<16xf32> to vector<16xf32>
        %swap3A_1181 = vector.shape_cast %add3A_1171 : vector<16xf32> to vector<16xf32>
        tpu.vector_store %arg7[%swap3A_1178], %swap3A_1181 {strides = array<i32>} : memref<32768xf32, #tpu.memory_space<vmem>>, vector<16xf32>,
        %add3A_1182 = vector.broadcast %select_n3A_138 : f32 to vector<16xf32>
        %add3A_1183 = arith.addf %get3A_1157, %add3A_1182 : vector<16xf32>
        %mul3A_1184 = arith.constant 8 : i32
        %mul3A_1185 = arith.muli %multiple_of3A_1151, %mul3A_1184 : i32
        %add3A_1186 = arith.constant 256 : i32
        %add3A_1187 = arith.addi %mul3A_1185, %add3A_1186 : i32
        %add3A_1188 = arith.constant 0 : i32
        %add3A_1189 = arith.addi %add3A_1187, %add3A_1188 : i32
        %swap3A_1190 = arith.index_cast %add3A_1189 : i32 to index
        %swap3A_1191 = tpu.vector_load %arg7[%swap3A_1190] {strides = array<i32>} : memref<32768xf32, #tpu.memory_space<vmem>>, vector<16xf32>,
        %swap3A_1192 = vector.shape_cast %swap3A_1191 : vector<16xf32> to vector<16xf32>
        %swap3A_1193 = vector.shape_cast %add3A_1183 : vector<16xf32> to vector<16xf32>
        tpu.vector_store %arg7[%swap3A_1190], %swap3A_1193 {strides = array<i32>} : memref<32768xf32, #tpu.memory_space<vmem>>, vector<16xf32>,
        %add3A_1194 = vector.broadcast %select_n3A_143 : f32 to vector<16xf32>
        %add3A_1195 = arith.addf %get3A_1157, %add3A_1194 : vector<16xf32>
        %mul3A_1196 = arith.constant 8 : i32
        %mul3A_1197 = arith.muli %multiple_of3A_1151, %mul3A_1196 : i32
        %add3A_1198 = arith.constant 384 : i32
        %add3A_1199 = arith.addi %mul3A_1197, %add3A_1198 : i32
        %add3A_1200 = arith.constant 0 : i32
        %add3A_1201 = arith.addi %add3A_1199, %add3A_1200 : i32
        %swap3A_1202 = arith.index_cast %add3A_1201 : i32 to index
        %swap3A_1203 = tpu.vector_load %arg7[%swap3A_1202] {strides = array<i32>} : memref<32768xf32, #tpu.memory_space<vmem>>, vector<16xf32>,
        %swap3A_1204 = vector.shape_cast %swap3A_1203 : vector<16xf32> to vector<16xf32>
        %swap3A_1205 = vector.shape_cast %add3A_1195 : vector<16xf32> to vector<16xf32>
        tpu.vector_store %arg7[%swap3A_1202], %swap3A_1205 {strides = array<i32>} : memref<32768xf32, #tpu.memory_space<vmem>>, vector<16xf32>,
        %add3A_1206 = vector.broadcast %select_n3A_148 : f32 to vector<16xf32>
        %add3A_1207 = arith.addf %get3A_1157, %add3A_1206 : vector<16xf32>
        %mul3A_1208 = arith.constant 8 : i32
        %mul3A_1209 = arith.muli %multiple_of3A_1151, %mul3A_1208 : i32
        %add3A_1210 = arith.constant 512 : i32
        %add3A_1211 = arith.addi %mul3A_1209, %add3A_1210 : i32
        %add3A_1212 = arith.constant 0 : i32
        %add3A_1213 = arith.addi %add3A_1211, %add3A_1212 : i32
        %swap3A_1214 = arith.index_cast %add3A_1213 : i32 to index
        %swap3A_1215 = tpu.vector_load %arg7[%swap3A_1214] {strides = array<i32>} : memref<32768xf32, #tpu.memory_space<vmem>>, vector<16xf32>,
        %swap3A_1216 = vector.shape_cast %swap3A_1215 : vector<16xf32> to vector<16xf32>
        %swap3A_1217 = vector.shape_cast %add3A_1207 : vector<16xf32> to vector<16xf32>
        tpu.vector_store %arg7[%swap3A_1214], %swap3A_1217 {strides = array<i32>} : memref<32768xf32, #tpu.memory_space<vmem>>, vector<16xf32>,
        %add3A_1218 = vector.broadcast %select_n3A_153 : f32 to vector<16xf32>
        %add3A_1219 = arith.addf %get3A_1157, %add3A_1218 : vector<16xf32>
        %mul3A_1220 = arith.constant 8 : i32
        %mul3A_1221 = arith.muli %multiple_of3A_1151, %mul3A_1220 : i32
        %add3A_1222 = arith.constant 640 : i32
        %add3A_1223 = arith.addi %mul3A_1221, %add3A_1222 : i32
        %add3A_1224 = arith.constant 0 : i32
        %add3A_1225 = arith.addi %add3A_1223, %add3A_1224 : i32
        %swap3A_1226 = arith.index_cast %add3A_1225 : i32 to index
        %swap3A_1227 = tpu.vector_load %arg7[%swap3A_1226] {strides = array<i32>} : memref<32768xf32, #tpu.memory_space<vmem>>, vector<16xf32>,
        %swap3A_1228 = vector.shape_cast %swap3A_1227 : vector<16xf32> to vector<16xf32>
        %swap3A_1229 = vector.shape_cast %add3A_1219 : vector<16xf32> to vector<16xf32>
        tpu.vector_store %arg7[%swap3A_1226], %swap3A_1229 {strides = array<i32>} : memref<32768xf32, #tpu.memory_space<vmem>>, vector<16xf32>,
        %add3A_1230 = vector.broadcast %select_n3A_158 : f32 to vector<16xf32>
        %add3A_1231 = arith.addf %get3A_1157, %add3A_1230 : vector<16xf32>
        %mul3A_1232 = arith.constant 8 : i32
        %mul3A_1233 = arith.muli %multiple_of3A_1151, %mul3A_1232 : i32
        %add3A_1234 = arith.constant 768 : i32
        %add3A_1235 = arith.addi %mul3A_1233, %add3A_1234 : i32
        %add3A_1236 = arith.constant 0 : i32
        %add3A_1237 = arith.addi %add3A_1235, %add3A_1236 : i32
        %swap3A_1238 = arith.index_cast %add3A_1237 : i32 to index
        %swap3A_1239 = tpu.vector_load %arg7[%swap3A_1238] {strides = array<i32>} : memref<32768xf32, #tpu.memory_space<vmem>>, vector<16xf32>,
        %swap3A_1240 = vector.shape_cast %swap3A_1239 : vector<16xf32> to vector<16xf32>
        %swap3A_1241 = vector.shape_cast %add3A_1231 : vector<16xf32> to vector<16xf32>
        tpu.vector_store %arg7[%swap3A_1238], %swap3A_1241 {strides = array<i32>} : memref<32768xf32, #tpu.memory_space<vmem>>, vector<16xf32>,
        %add3A_1242 = vector.broadcast %select_n3A_163 : f32 to vector<16xf32>
        %add3A_1243 = arith.addf %get3A_1157, %add3A_1242 : vector<16xf32>
        %mul3A_1244 = arith.constant 8 : i32
        %mul3A_1245 = arith.muli %multiple_of3A_1151, %mul3A_1244 : i32
        %add3A_1246 = arith.constant 896 : i32
        %add3A_1247 = arith.addi %mul3A_1245, %add3A_1246 : i32
        %add3A_1248 = arith.constant 0 : i32
        %add3A_1249 = arith.addi %add3A_1247, %add3A_1248 : i32
        %swap3A_1250 = arith.index_cast %add3A_1249 : i32 to index
        %swap3A_1251 = tpu.vector_load %arg7[%swap3A_1250] {strides = array<i32>} : memref<32768xf32, #tpu.memory_space<vmem>>, vector<16xf32>,
        %swap3A_1252 = vector.shape_cast %swap3A_1251 : vector<16xf32> to vector<16xf32>
        %swap3A_1253 = vector.shape_cast %add3A_1243 : vector<16xf32> to vector<16xf32>
        tpu.vector_store %arg7[%swap3A_1250], %swap3A_1253 {strides = array<i32>} : memref<32768xf32, #tpu.memory_space<vmem>>, vector<16xf32>,
        %add3A_1254 = arith.constant 16 : i32
        %add3A_1255 = arith.addi %multiple_of3A_1151, %add3A_1254 : i32
        %get3A_1256 = arith.index_cast %sub3A_64 : i32 to index
        %get3A_1257 = arith.index_cast %add3A_1255 : i32 to index
        %get3A_1258 = tpu.vector_load %arg5[%get3A_1256, %get3A_1257] {strides = array<i32>} : memref<8x4096xf32, #tpu.memory_space<vmem>>, vector<1x16xf32>,
        %get3A_1259 = vector.shape_cast %get3A_1258 : vector<1x16xf32> to vector<16xf32>
        %add3A_1260 = vector.broadcast %select_n3A_128 : f32 to vector<16xf32>
        %add3A_1261 = arith.addf %get3A_1259, %add3A_1260 : vector<16xf32>
        %mul3A_1262 = arith.constant 8 : i32
        %mul3A_1263 = arith.muli %multiple_of3A_1151, %mul3A_1262 : i32
        %add3A_1264 = arith.constant 0 : i32
        %add3A_1265 = arith.addi %mul3A_1263, %add3A_1264 : i32
        %add3A_1266 = arith.constant 16 : i32
        %add3A_1267 = arith.addi %add3A_1265, %add3A_1266 : i32
        %swap3A_1268 = arith.index_cast %add3A_1267 : i32 to index
        %swap3A_1269 = tpu.vector_load %arg7[%swap3A_1268] {strides = array<i32>} : memref<32768xf32, #tpu.memory_space<vmem>>, vector<16xf32>,
        %swap3A_1270 = vector.shape_cast %swap3A_1269 : vector<16xf32> to vector<16xf32>
        %swap3A_1271 = vector.shape_cast %add3A_1261 : vector<16xf32> to vector<16xf32>
        tpu.vector_store %arg7[%swap3A_1268], %swap3A_1271 {strides = array<i32>} : memref<32768xf32, #tpu.memory_space<vmem>>, vector<16xf32>,
        %add3A_1272 = vector.broadcast %select_n3A_133 : f32 to vector<16xf32>
        %add3A_1273 = arith.addf %get3A_1259, %add3A_1272 : vector<16xf32>
        %mul3A_1274 = arith.constant 8 : i32
        %mul3A_1275 = arith.muli %multiple_of3A_1151, %mul3A_1274 : i32
        %add3A_1276 = arith.constant 128 : i32
        %add3A_1277 = arith.addi %mul3A_1275, %add3A_1276 : i32
        %add3A_1278 = arith.constant 16 : i32
        %add3A_1279 = arith.addi %add3A_1277, %add3A_1278 : i32
        %swap3A_1280 = arith.index_cast %add3A_1279 : i32 to index
        %swap3A_1281 = tpu.vector_load %arg7[%swap3A_1280] {strides = array<i32>} : memref<32768xf32, #tpu.memory_space<vmem>>, vector<16xf32>,
        %swap3A_1282 = vector.shape_cast %swap3A_1281 : vector<16xf32> to vector<16xf32>
        %swap3A_1283 = vector.shape_cast %add3A_1273 : vector<16xf32> to vector<16xf32>
        tpu.vector_store %arg7[%swap3A_1280], %swap3A_1283 {strides = array<i32>} : memref<32768xf32, #tpu.memory_space<vmem>>, vector<16xf32>,
        %add3A_1284 = vector.broadcast %select_n3A_138 : f32 to vector<16xf32>
        %add3A_1285 = arith.addf %get3A_1259, %add3A_1284 : vector<16xf32>
        %mul3A_1286 = arith.constant 8 : i32
        %mul3A_1287 = arith.muli %multiple_of3A_1151, %mul3A_1286 : i32
        %add3A_1288 = arith.constant 256 : i32
        %add3A_1289 = arith.addi %mul3A_1287, %add3A_1288 : i32
        %add3A_1290 = arith.constant 16 : i32
        %add3A_1291 = arith.addi %add3A_1289, %add3A_1290 : i32
        %swap3A_1292 = arith.index_cast %add3A_1291 : i32 to index
        %swap3A_1293 = tpu.vector_load %arg7[%swap3A_1292] {strides = array<i32>} : memref<32768xf32, #tpu.memory_space<vmem>>, vector<16xf32>,
        %swap3A_1294 = vector.shape_cast %swap3A_1293 : vector<16xf32> to vector<16xf32>
        %swap3A_1295 = vector.shape_cast %add3A_1285 : vector<16xf32> to vector<16xf32>
        tpu.vector_store %arg7[%swap3A_1292], %swap3A_1295 {strides = array<i32>} : memref<32768xf32, #tpu.memory_space<vmem>>, vector<16xf32>,
        %add3A_1296 = vector.broadcast %select_n3A_143 : f32 to vector<16xf32>
        %add3A_1297 = arith.addf %get3A_1259, %add3A_1296 : vector<16xf32>
        %mul3A_1298 = arith.constant 8 : i32
        %mul3A_1299 = arith.muli %multiple_of3A_1151, %mul3A_1298 : i32
        %add3A_1300 = arith.constant 384 : i32
        %add3A_1301 = arith.addi %mul3A_1299, %add3A_1300 : i32
        %add3A_1302 = arith.constant 16 : i32
        %add3A_1303 = arith.addi %add3A_1301, %add3A_1302 : i32
        %swap3A_1304 = arith.index_cast %add3A_1303 : i32 to index
        %swap3A_1305 = tpu.vector_load %arg7[%swap3A_1304] {strides = array<i32>} : memref<32768xf32, #tpu.memory_space<vmem>>, vector<16xf32>,
        %swap3A_1306 = vector.shape_cast %swap3A_1305 : vector<16xf32> to vector<16xf32>
        %swap3A_1307 = vector.shape_cast %add3A_1297 : vector<16xf32> to vector<16xf32>
        tpu.vector_store %arg7[%swap3A_1304], %swap3A_1307 {strides = array<i32>} : memref<32768xf32, #tpu.memory_space<vmem>>, vector<16xf32>,
        %add3A_1308 = vector.broadcast %select_n3A_148 : f32 to vector<16xf32>
        %add3A_1309 = arith.addf %get3A_1259, %add3A_1308 : vector<16xf32>
        %mul3A_1310 = arith.constant 8 : i32
        %mul3A_1311 = arith.muli %multiple_of3A_1151, %mul3A_1310 : i32
        %add3A_1312 = arith.constant 512 : i32
        %add3A_1313 = arith.addi %mul3A_1311, %add3A_1312 : i32
        %add3A_1314 = arith.constant 16 : i32
        %add3A_1315 = arith.addi %add3A_1313, %add3A_1314 : i32
        %swap3A_1316 = arith.index_cast %add3A_1315 : i32 to index
        %swap3A_1317 = tpu.vector_load %arg7[%swap3A_1316] {strides = array<i32>} : memref<32768xf32, #tpu.memory_space<vmem>>, vector<16xf32>,
        %swap3A_1318 = vector.shape_cast %swap3A_1317 : vector<16xf32> to vector<16xf32>
        %swap3A_1319 = vector.shape_cast %add3A_1309 : vector<16xf32> to vector<16xf32>
        tpu.vector_store %arg7[%swap3A_1316], %swap3A_1319 {strides = array<i32>} : memref<32768xf32, #tpu.memory_space<vmem>>, vector<16xf32>,
        %add3A_1320 = vector.broadcast %select_n3A_153 : f32 to vector<16xf32>
        %add3A_1321 = arith.addf %get3A_1259, %add3A_1320 : vector<16xf32>
        %mul3A_1322 = arith.constant 8 : i32
        %mul3A_1323 = arith.muli %multiple_of3A_1151, %mul3A_1322 : i32
        %add3A_1324 = arith.constant 640 : i32
        %add3A_1325 = arith.addi %mul3A_1323, %add3A_1324 : i32
        %add3A_1326 = arith.constant 16 : i32
        %add3A_1327 = arith.addi %add3A_1325, %add3A_1326 : i32
        %swap3A_1328 = arith.index_cast %add3A_1327 : i32 to index
        %swap3A_1329 = tpu.vector_load %arg7[%swap3A_1328] {strides = array<i32>} : memref<32768xf32, #tpu.memory_space<vmem>>, vector<16xf32>,
        %swap3A_1330 = vector.shape_cast %swap3A_1329 : vector<16xf32> to vector<16xf32>
        %swap3A_1331 = vector.shape_cast %add3A_1321 : vector<16xf32> to vector<16xf32>
        tpu.vector_store %arg7[%swap3A_1328], %swap3A_1331 {strides = array<i32>} : memref<32768xf32, #tpu.memory_space<vmem>>, vector<16xf32>,
        %add3A_1332 = vector.broadcast %select_n3A_158 : f32 to vector<16xf32>
        %add3A_1333 = arith.addf %get3A_1259, %add3A_1332 : vector<16xf32>
        %mul3A_1334 = arith.constant 8 : i32
        %mul3A_1335 = arith.muli %multiple_of3A_1151, %mul3A_1334 : i32
        %add3A_1336 = arith.constant 768 : i32
        %add3A_1337 = arith.addi %mul3A_1335, %add3A_1336 : i32
        %add3A_1338 = arith.constant 16 : i32
        %add3A_1339 = arith.addi %add3A_1337, %add3A_1338 : i32
        %swap3A_1340 = arith.index_cast %add3A_1339 : i32 to index
        %swap3A_1341 = tpu.vector_load %arg7[%swap3A_1340] {strides = array<i32>} : memref<32768xf32, #tpu.memory_space<vmem>>, vector<16xf32>,
        %swap3A_1342 = vector.shape_cast %swap3A_1341 : vector<16xf32> to vector<16xf32>
        %swap3A_1343 = vector.shape_cast %add3A_1333 : vector<16xf32> to vector<16xf32>
        tpu.vector_store %arg7[%swap3A_1340], %swap3A_1343 {strides = array<i32>} : memref<32768xf32, #tpu.memory_space<vmem>>, vector<16xf32>,
        %add3A_1344 = vector.broadcast %select_n3A_163 : f32 to vector<16xf32>
        %add3A_1345 = arith.addf %get3A_1259, %add3A_1344 : vector<16xf32>
        %mul3A_1346 = arith.constant 8 : i32
        %mul3A_1347 = arith.muli %multiple_of3A_1151, %mul3A_1346 : i32
        %add3A_1348 = arith.constant 896 : i32
        %add3A_1349 = arith.addi %mul3A_1347, %add3A_1348 : i32
        %add3A_1350 = arith.constant 16 : i32
        %add3A_1351 = arith.addi %add3A_1349, %add3A_1350 : i32
        %swap3A_1352 = arith.index_cast %add3A_1351 : i32 to index
        %swap3A_1353 = tpu.vector_load %arg7[%swap3A_1352] {strides = array<i32>} : memref<32768xf32, #tpu.memory_space<vmem>>, vector<16xf32>,
        %swap3A_1354 = vector.shape_cast %swap3A_1353 : vector<16xf32> to vector<16xf32>
        %swap3A_1355 = vector.shape_cast %add3A_1345 : vector<16xf32> to vector<16xf32>
        tpu.vector_store %arg7[%swap3A_1352], %swap3A_1355 {strides = array<i32>} : memref<32768xf32, #tpu.memory_space<vmem>>, vector<16xf32>,
        %add3A_1356 = arith.constant 32 : i32
        %add3A_1357 = arith.addi %multiple_of3A_1151, %add3A_1356 : i32
        %get3A_1358 = arith.index_cast %sub3A_64 : i32 to index
        %get3A_1359 = arith.index_cast %add3A_1357 : i32 to index
        %get3A_1360 = tpu.vector_load %arg5[%get3A_1358, %get3A_1359] {strides = array<i32>} : memref<8x4096xf32, #tpu.memory_space<vmem>>, vector<1x16xf32>,
        %get3A_1361 = vector.shape_cast %get3A_1360 : vector<1x16xf32> to vector<16xf32>
        %add3A_1362 = vector.broadcast %select_n3A_128 : f32 to vector<16xf32>
        %add3A_1363 = arith.addf %get3A_1361, %add3A_1362 : vector<16xf32>
        %mul3A_1364 = arith.constant 8 : i32
        %mul3A_1365 = arith.muli %multiple_of3A_1151, %mul3A_1364 : i32
        %add3A_1366 = arith.constant 0 : i32
        %add3A_1367 = arith.addi %mul3A_1365, %add3A_1366 : i32
        %add3A_1368 = arith.constant 32 : i32
        %add3A_1369 = arith.addi %add3A_1367, %add3A_1368 : i32
        %swap3A_1370 = arith.index_cast %add3A_1369 : i32 to index
        %swap3A_1371 = tpu.vector_load %arg7[%swap3A_1370] {strides = array<i32>} : memref<32768xf32, #tpu.memory_space<vmem>>, vector<16xf32>,
        %swap3A_1372 = vector.shape_cast %swap3A_1371 : vector<16xf32> to vector<16xf32>
        %swap3A_1373 = vector.shape_cast %add3A_1363 : vector<16xf32> to vector<16xf32>
        tpu.vector_store %arg7[%swap3A_1370], %swap3A_1373 {strides = array<i32>} : memref<32768xf32, #tpu.memory_space<vmem>>, vector<16xf32>,
        %add3A_1374 = vector.broadcast %select_n3A_133 : f32 to vector<16xf32>
        %add3A_1375 = arith.addf %get3A_1361, %add3A_1374 : vector<16xf32>
        %mul3A_1376 = arith.constant 8 : i32
        %mul3A_1377 = arith.muli %multiple_of3A_1151, %mul3A_1376 : i32
        %add3A_1378 = arith.constant 128 : i32
        %add3A_1379 = arith.addi %mul3A_1377, %add3A_1378 : i32
        %add3A_1380 = arith.constant 32 : i32
        %add3A_1381 = arith.addi %add3A_1379, %add3A_1380 : i32
        %swap3A_1382 = arith.index_cast %add3A_1381 : i32 to index
        %swap3A_1383 = tpu.vector_load %arg7[%swap3A_1382] {strides = array<i32>} : memref<32768xf32, #tpu.memory_space<vmem>>, vector<16xf32>,
        %swap3A_1384 = vector.shape_cast %swap3A_1383 : vector<16xf32> to vector<16xf32>
        %swap3A_1385 = vector.shape_cast %add3A_1375 : vector<16xf32> to vector<16xf32>
        tpu.vector_store %arg7[%swap3A_1382], %swap3A_1385 {strides = array<i32>} : memref<32768xf32, #tpu.memory_space<vmem>>, vector<16xf32>,
        %add3A_1386 = vector.broadcast %select_n3A_138 : f32 to vector<16xf32>
        %add3A_1387 = arith.addf %get3A_1361, %add3A_1386 : vector<16xf32>
        %mul3A_1388 = arith.constant 8 : i32
        %mul3A_1389 = arith.muli %multiple_of3A_1151, %mul3A_1388 : i32
        %add3A_1390 = arith.constant 256 : i32
        %add3A_1391 = arith.addi %mul3A_1389, %add3A_1390 : i32
        %add3A_1392 = arith.constant 32 : i32
        %add3A_1393 = arith.addi %add3A_1391, %add3A_1392 : i32
        %swap3A_1394 = arith.index_cast %add3A_1393 : i32 to index
        %swap3A_1395 = tpu.vector_load %arg7[%swap3A_1394] {strides = array<i32>} : memref<32768xf32, #tpu.memory_space<vmem>>, vector<16xf32>,
        %swap3A_1396 = vector.shape_cast %swap3A_1395 : vector<16xf32> to vector<16xf32>
        %swap3A_1397 = vector.shape_cast %add3A_1387 : vector<16xf32> to vector<16xf32>
        tpu.vector_store %arg7[%swap3A_1394], %swap3A_1397 {strides = array<i32>} : memref<32768xf32, #tpu.memory_space<vmem>>, vector<16xf32>,
        %add3A_1398 = vector.broadcast %select_n3A_143 : f32 to vector<16xf32>
        %add3A_1399 = arith.addf %get3A_1361, %add3A_1398 : vector<16xf32>
        %mul3A_1400 = arith.constant 8 : i32
        %mul3A_1401 = arith.muli %multiple_of3A_1151, %mul3A_1400 : i32
        %add3A_1402 = arith.constant 384 : i32
        %add3A_1403 = arith.addi %mul3A_1401, %add3A_1402 : i32
        %add3A_1404 = arith.constant 32 : i32
        %add3A_1405 = arith.addi %add3A_1403, %add3A_1404 : i32
        %swap3A_1406 = arith.index_cast %add3A_1405 : i32 to index
        %swap3A_1407 = tpu.vector_load %arg7[%swap3A_1406] {strides = array<i32>} : memref<32768xf32, #tpu.memory_space<vmem>>, vector<16xf32>,
        %swap3A_1408 = vector.shape_cast %swap3A_1407 : vector<16xf32> to vector<16xf32>
        %swap3A_1409 = vector.shape_cast %add3A_1399 : vector<16xf32> to vector<16xf32>
        tpu.vector_store %arg7[%swap3A_1406], %swap3A_1409 {strides = array<i32>} : memref<32768xf32, #tpu.memory_space<vmem>>, vector<16xf32>,
        %add3A_1410 = vector.broadcast %select_n3A_148 : f32 to vector<16xf32>
        %add3A_1411 = arith.addf %get3A_1361, %add3A_1410 : vector<16xf32>
        %mul3A_1412 = arith.constant 8 : i32
        %mul3A_1413 = arith.muli %multiple_of3A_1151, %mul3A_1412 : i32
        %add3A_1414 = arith.constant 512 : i32
        %add3A_1415 = arith.addi %mul3A_1413, %add3A_1414 : i32
        %add3A_1416 = arith.constant 32 : i32
        %add3A_1417 = arith.addi %add3A_1415, %add3A_1416 : i32
        %swap3A_1418 = arith.index_cast %add3A_1417 : i32 to index
        %swap3A_1419 = tpu.vector_load %arg7[%swap3A_1418] {strides = array<i32>} : memref<32768xf32, #tpu.memory_space<vmem>>, vector<16xf32>,
        %swap3A_1420 = vector.shape_cast %swap3A_1419 : vector<16xf32> to vector<16xf32>
        %swap3A_1421 = vector.shape_cast %add3A_1411 : vector<16xf32> to vector<16xf32>
        tpu.vector_store %arg7[%swap3A_1418], %swap3A_1421 {strides = array<i32>} : memref<32768xf32, #tpu.memory_space<vmem>>, vector<16xf32>,
        %add3A_1422 = vector.broadcast %select_n3A_153 : f32 to vector<16xf32>
        %add3A_1423 = arith.addf %get3A_1361, %add3A_1422 : vector<16xf32>
        %mul3A_1424 = arith.constant 8 : i32
        %mul3A_1425 = arith.muli %multiple_of3A_1151, %mul3A_1424 : i32
        %add3A_1426 = arith.constant 640 : i32
        %add3A_1427 = arith.addi %mul3A_1425, %add3A_1426 : i32
        %add3A_1428 = arith.constant 32 : i32
        %add3A_1429 = arith.addi %add3A_1427, %add3A_1428 : i32
        %swap3A_1430 = arith.index_cast %add3A_1429 : i32 to index
        %swap3A_1431 = tpu.vector_load %arg7[%swap3A_1430] {strides = array<i32>} : memref<32768xf32, #tpu.memory_space<vmem>>, vector<16xf32>,
        %swap3A_1432 = vector.shape_cast %swap3A_1431 : vector<16xf32> to vector<16xf32>
        %swap3A_1433 = vector.shape_cast %add3A_1423 : vector<16xf32> to vector<16xf32>
        tpu.vector_store %arg7[%swap3A_1430], %swap3A_1433 {strides = array<i32>} : memref<32768xf32, #tpu.memory_space<vmem>>, vector<16xf32>,
        %add3A_1434 = vector.broadcast %select_n3A_158 : f32 to vector<16xf32>
        %add3A_1435 = arith.addf %get3A_1361, %add3A_1434 : vector<16xf32>
        %mul3A_1436 = arith.constant 8 : i32
        %mul3A_1437 = arith.muli %multiple_of3A_1151, %mul3A_1436 : i32
        %add3A_1438 = arith.constant 768 : i32
        %add3A_1439 = arith.addi %mul3A_1437, %add3A_1438 : i32
        %add3A_1440 = arith.constant 32 : i32
        %add3A_1441 = arith.addi %add3A_1439, %add3A_1440 : i32
        %swap3A_1442 = arith.index_cast %add3A_1441 : i32 to index
        %swap3A_1443 = tpu.vector_load %arg7[%swap3A_1442] {strides = array<i32>} : memref<32768xf32, #tpu.memory_space<vmem>>, vector<16xf32>,
        %swap3A_1444 = vector.shape_cast %swap3A_1443 : vector<16xf32> to vector<16xf32>
        %swap3A_1445 = vector.shape_cast %add3A_1435 : vector<16xf32> to vector<16xf32>
        tpu.vector_store %arg7[%swap3A_1442], %swap3A_1445 {strides = array<i32>} : memref<32768xf32, #tpu.memory_space<vmem>>, vector<16xf32>,
        %add3A_1446 = vector.broadcast %select_n3A_163 : f32 to vector<16xf32>
        %add3A_1447 = arith.addf %get3A_1361, %add3A_1446 : vector<16xf32>
        %mul3A_1448 = arith.constant 8 : i32
        %mul3A_1449 = arith.muli %multiple_of3A_1151, %mul3A_1448 : i32
        %add3A_1450 = arith.constant 896 : i32
        %add3A_1451 = arith.addi %mul3A_1449, %add3A_1450 : i32
        %add3A_1452 = arith.constant 32 : i32
        %add3A_1453 = arith.addi %add3A_1451, %add3A_1452 : i32
        %swap3A_1454 = arith.index_cast %add3A_1453 : i32 to index
        %swap3A_1455 = tpu.vector_load %arg7[%swap3A_1454] {strides = array<i32>} : memref<32768xf32, #tpu.memory_space<vmem>>, vector<16xf32>,
        %swap3A_1456 = vector.shape_cast %swap3A_1455 : vector<16xf32> to vector<16xf32>
        %swap3A_1457 = vector.shape_cast %add3A_1447 : vector<16xf32> to vector<16xf32>
        tpu.vector_store %arg7[%swap3A_1454], %swap3A_1457 {strides = array<i32>} : memref<32768xf32, #tpu.memory_space<vmem>>, vector<16xf32>,
        %add3A_1458 = arith.constant 48 : i32
        %add3A_1459 = arith.addi %multiple_of3A_1151, %add3A_1458 : i32
        %get3A_1460 = arith.index_cast %sub3A_64 : i32 to index
        %get3A_1461 = arith.index_cast %add3A_1459 : i32 to index
        %get3A_1462 = tpu.vector_load %arg5[%get3A_1460, %get3A_1461] {strides = array<i32>} : memref<8x4096xf32, #tpu.memory_space<vmem>>, vector<1x16xf32>,
        %get3A_1463 = vector.shape_cast %get3A_1462 : vector<1x16xf32> to vector<16xf32>
        %add3A_1464 = vector.broadcast %select_n3A_128 : f32 to vector<16xf32>
        %add3A_1465 = arith.addf %get3A_1463, %add3A_1464 : vector<16xf32>
        %mul3A_1466 = arith.constant 8 : i32
        %mul3A_1467 = arith.muli %multiple_of3A_1151, %mul3A_1466 : i32
        %add3A_1468 = arith.constant 0 : i32
        %add3A_1469 = arith.addi %mul3A_1467, %add3A_1468 : i32
        %add3A_1470 = arith.constant 48 : i32
        %add3A_1471 = arith.addi %add3A_1469, %add3A_1470 : i32
        %swap3A_1472 = arith.index_cast %add3A_1471 : i32 to index
        %swap3A_1473 = tpu.vector_load %arg7[%swap3A_1472] {strides = array<i32>} : memref<32768xf32, #tpu.memory_space<vmem>>, vector<16xf32>,
        %swap3A_1474 = vector.shape_cast %swap3A_1473 : vector<16xf32> to vector<16xf32>
        %swap3A_1475 = vector.shape_cast %add3A_1465 : vector<16xf32> to vector<16xf32>
        tpu.vector_store %arg7[%swap3A_1472], %swap3A_1475 {strides = array<i32>} : memref<32768xf32, #tpu.memory_space<vmem>>, vector<16xf32>,
        %add3A_1476 = vector.broadcast %select_n3A_133 : f32 to vector<16xf32>
        %add3A_1477 = arith.addf %get3A_1463, %add3A_1476 : vector<16xf32>
        %mul3A_1478 = arith.constant 8 : i32
        %mul3A_1479 = arith.muli %multiple_of3A_1151, %mul3A_1478 : i32
        %add3A_1480 = arith.constant 128 : i32
        %add3A_1481 = arith.addi %mul3A_1479, %add3A_1480 : i32
        %add3A_1482 = arith.constant 48 : i32
        %add3A_1483 = arith.addi %add3A_1481, %add3A_1482 : i32
        %swap3A_1484 = arith.index_cast %add3A_1483 : i32 to index
        %swap3A_1485 = tpu.vector_load %arg7[%swap3A_1484] {strides = array<i32>} : memref<32768xf32, #tpu.memory_space<vmem>>, vector<16xf32>,
        %swap3A_1486 = vector.shape_cast %swap3A_1485 : vector<16xf32> to vector<16xf32>
        %swap3A_1487 = vector.shape_cast %add3A_1477 : vector<16xf32> to vector<16xf32>
        tpu.vector_store %arg7[%swap3A_1484], %swap3A_1487 {strides = array<i32>} : memref<32768xf32, #tpu.memory_space<vmem>>, vector<16xf32>,
        %add3A_1488 = vector.broadcast %select_n3A_138 : f32 to vector<16xf32>
        %add3A_1489 = arith.addf %get3A_1463, %add3A_1488 : vector<16xf32>
        %mul3A_1490 = arith.constant 8 : i32
        %mul3A_1491 = arith.muli %multiple_of3A_1151, %mul3A_1490 : i32
        %add3A_1492 = arith.constant 256 : i32
        %add3A_1493 = arith.addi %mul3A_1491, %add3A_1492 : i32
        %add3A_1494 = arith.constant 48 : i32
        %add3A_1495 = arith.addi %add3A_1493, %add3A_1494 : i32
        %swap3A_1496 = arith.index_cast %add3A_1495 : i32 to index
        %swap3A_1497 = tpu.vector_load %arg7[%swap3A_1496] {strides = array<i32>} : memref<32768xf32, #tpu.memory_space<vmem>>, vector<16xf32>,
        %swap3A_1498 = vector.shape_cast %swap3A_1497 : vector<16xf32> to vector<16xf32>
        %swap3A_1499 = vector.shape_cast %add3A_1489 : vector<16xf32> to vector<16xf32>
        tpu.vector_store %arg7[%swap3A_1496], %swap3A_1499 {strides = array<i32>} : memref<32768xf32, #tpu.memory_space<vmem>>, vector<16xf32>,
        %add3A_1500 = vector.broadcast %select_n3A_143 : f32 to vector<16xf32>
        %add3A_1501 = arith.addf %get3A_1463, %add3A_1500 : vector<16xf32>
        %mul3A_1502 = arith.constant 8 : i32
        %mul3A_1503 = arith.muli %multiple_of3A_1151, %mul3A_1502 : i32
        %add3A_1504 = arith.constant 384 : i32
        %add3A_1505 = arith.addi %mul3A_1503, %add3A_1504 : i32
        %add3A_1506 = arith.constant 48 : i32
        %add3A_1507 = arith.addi %add3A_1505, %add3A_1506 : i32
        %swap3A_1508 = arith.index_cast %add3A_1507 : i32 to index
        %swap3A_1509 = tpu.vector_load %arg7[%swap3A_1508] {strides = array<i32>} : memref<32768xf32, #tpu.memory_space<vmem>>, vector<16xf32>,
        %swap3A_1510 = vector.shape_cast %swap3A_1509 : vector<16xf32> to vector<16xf32>
        %swap3A_1511 = vector.shape_cast %add3A_1501 : vector<16xf32> to vector<16xf32>
        tpu.vector_store %arg7[%swap3A_1508], %swap3A_1511 {strides = array<i32>} : memref<32768xf32, #tpu.memory_space<vmem>>, vector<16xf32>,
        %add3A_1512 = vector.broadcast %select_n3A_148 : f32 to vector<16xf32>
        %add3A_1513 = arith.addf %get3A_1463, %add3A_1512 : vector<16xf32>
        %mul3A_1514 = arith.constant 8 : i32
        %mul3A_1515 = arith.muli %multiple_of3A_1151, %mul3A_1514 : i32
        %add3A_1516 = arith.constant 512 : i32
        %add3A_1517 = arith.addi %mul3A_1515, %add3A_1516 : i32
        %add3A_1518 = arith.constant 48 : i32
        %add3A_1519 = arith.addi %add3A_1517, %add3A_1518 : i32
        %swap3A_1520 = arith.index_cast %add3A_1519 : i32 to index
        %swap3A_1521 = tpu.vector_load %arg7[%swap3A_1520] {strides = array<i32>} : memref<32768xf32, #tpu.memory_space<vmem>>, vector<16xf32>,
        %swap3A_1522 = vector.shape_cast %swap3A_1521 : vector<16xf32> to vector<16xf32>
        %swap3A_1523 = vector.shape_cast %add3A_1513 : vector<16xf32> to vector<16xf32>
        tpu.vector_store %arg7[%swap3A_1520], %swap3A_1523 {strides = array<i32>} : memref<32768xf32, #tpu.memory_space<vmem>>, vector<16xf32>,
        %add3A_1524 = vector.broadcast %select_n3A_153 : f32 to vector<16xf32>
        %add3A_1525 = arith.addf %get3A_1463, %add3A_1524 : vector<16xf32>
        %mul3A_1526 = arith.constant 8 : i32
        %mul3A_1527 = arith.muli %multiple_of3A_1151, %mul3A_1526 : i32
        %add3A_1528 = arith.constant 640 : i32
        %add3A_1529 = arith.addi %mul3A_1527, %add3A_1528 : i32
        %add3A_1530 = arith.constant 48 : i32
        %add3A_1531 = arith.addi %add3A_1529, %add3A_1530 : i32
        %swap3A_1532 = arith.index_cast %add3A_1531 : i32 to index
        %swap3A_1533 = tpu.vector_load %arg7[%swap3A_1532] {strides = array<i32>} : memref<32768xf32, #tpu.memory_space<vmem>>, vector<16xf32>,
        %swap3A_1534 = vector.shape_cast %swap3A_1533 : vector<16xf32> to vector<16xf32>
        %swap3A_1535 = vector.shape_cast %add3A_1525 : vector<16xf32> to vector<16xf32>
        tpu.vector_store %arg7[%swap3A_1532], %swap3A_1535 {strides = array<i32>} : memref<32768xf32, #tpu.memory_space<vmem>>, vector<16xf32>,
        %add3A_1536 = vector.broadcast %select_n3A_158 : f32 to vector<16xf32>
        %add3A_1537 = arith.addf %get3A_1463, %add3A_1536 : vector<16xf32>
        %mul3A_1538 = arith.constant 8 : i32
        %mul3A_1539 = arith.muli %multiple_of3A_1151, %mul3A_1538 : i32
        %add3A_1540 = arith.constant 768 : i32
        %add3A_1541 = arith.addi %mul3A_1539, %add3A_1540 : i32
        %add3A_1542 = arith.constant 48 : i32
        %add3A_1543 = arith.addi %add3A_1541, %add3A_1542 : i32
        %swap3A_1544 = arith.index_cast %add3A_1543 : i32 to index
        %swap3A_1545 = tpu.vector_load %arg7[%swap3A_1544] {strides = array<i32>} : memref<32768xf32, #tpu.memory_space<vmem>>, vector<16xf32>,
        %swap3A_1546 = vector.shape_cast %swap3A_1545 : vector<16xf32> to vector<16xf32>
        %swap3A_1547 = vector.shape_cast %add3A_1537 : vector<16xf32> to vector<16xf32>
        tpu.vector_store %arg7[%swap3A_1544], %swap3A_1547 {strides = array<i32>} : memref<32768xf32, #tpu.memory_space<vmem>>, vector<16xf32>,
        %add3A_1548 = vector.broadcast %select_n3A_163 : f32 to vector<16xf32>
        %add3A_1549 = arith.addf %get3A_1463, %add3A_1548 : vector<16xf32>
        %mul3A_1550 = arith.constant 8 : i32
        %mul3A_1551 = arith.muli %multiple_of3A_1151, %mul3A_1550 : i32
        %add3A_1552 = arith.constant 896 : i32
        %add3A_1553 = arith.addi %mul3A_1551, %add3A_1552 : i32
        %add3A_1554 = arith.constant 48 : i32
        %add3A_1555 = arith.addi %add3A_1553, %add3A_1554 : i32
        %swap3A_1556 = arith.index_cast %add3A_1555 : i32 to index
        %swap3A_1557 = tpu.vector_load %arg7[%swap3A_1556] {strides = array<i32>} : memref<32768xf32, #tpu.memory_space<vmem>>, vector<16xf32>,
        %swap3A_1558 = vector.shape_cast %swap3A_1557 : vector<16xf32> to vector<16xf32>
        %swap3A_1559 = vector.shape_cast %add3A_1549 : vector<16xf32> to vector<16xf32>
        tpu.vector_store %arg7[%swap3A_1556], %swap3A_1559 {strides = array<i32>} : memref<32768xf32, #tpu.memory_space<vmem>>, vector<16xf32>,
        %add3A_1560 = arith.constant 64 : i32
        %add3A_1561 = arith.addi %multiple_of3A_1151, %add3A_1560 : i32
        %get3A_1562 = arith.index_cast %sub3A_64 : i32 to index
        %get3A_1563 = arith.index_cast %add3A_1561 : i32 to index
        %get3A_1564 = tpu.vector_load %arg5[%get3A_1562, %get3A_1563] {strides = array<i32>} : memref<8x4096xf32, #tpu.memory_space<vmem>>, vector<1x16xf32>,
        %get3A_1565 = vector.shape_cast %get3A_1564 : vector<1x16xf32> to vector<16xf32>
        %add3A_1566 = vector.broadcast %select_n3A_128 : f32 to vector<16xf32>
        %add3A_1567 = arith.addf %get3A_1565, %add3A_1566 : vector<16xf32>
        %mul3A_1568 = arith.constant 8 : i32
        %mul3A_1569 = arith.muli %multiple_of3A_1151, %mul3A_1568 : i32
        %add3A_1570 = arith.constant 0 : i32
        %add3A_1571 = arith.addi %mul3A_1569, %add3A_1570 : i32
        %add3A_1572 = arith.constant 64 : i32
        %add3A_1573 = arith.addi %add3A_1571, %add3A_1572 : i32
        %swap3A_1574 = arith.index_cast %add3A_1573 : i32 to index
        %swap3A_1575 = tpu.vector_load %arg7[%swap3A_1574] {strides = array<i32>} : memref<32768xf32, #tpu.memory_space<vmem>>, vector<16xf32>,
        %swap3A_1576 = vector.shape_cast %swap3A_1575 : vector<16xf32> to vector<16xf32>
        %swap3A_1577 = vector.shape_cast %add3A_1567 : vector<16xf32> to vector<16xf32>
        tpu.vector_store %arg7[%swap3A_1574], %swap3A_1577 {strides = array<i32>} : memref<32768xf32, #tpu.memory_space<vmem>>, vector<16xf32>,
        %add3A_1578 = vector.broadcast %select_n3A_133 : f32 to vector<16xf32>
        %add3A_1579 = arith.addf %get3A_1565, %add3A_1578 : vector<16xf32>
        %mul3A_1580 = arith.constant 8 : i32
        %mul3A_1581 = arith.muli %multiple_of3A_1151, %mul3A_1580 : i32
        %add3A_1582 = arith.constant 128 : i32
        %add3A_1583 = arith.addi %mul3A_1581, %add3A_1582 : i32
        %add3A_1584 = arith.constant 64 : i32
        %add3A_1585 = arith.addi %add3A_1583, %add3A_1584 : i32
        %swap3A_1586 = arith.index_cast %add3A_1585 : i32 to index
        %swap3A_1587 = tpu.vector_load %arg7[%swap3A_1586] {strides = array<i32>} : memref<32768xf32, #tpu.memory_space<vmem>>, vector<16xf32>,
        %swap3A_1588 = vector.shape_cast %swap3A_1587 : vector<16xf32> to vector<16xf32>
        %swap3A_1589 = vector.shape_cast %add3A_1579 : vector<16xf32> to vector<16xf32>
        tpu.vector_store %arg7[%swap3A_1586], %swap3A_1589 {strides = array<i32>} : memref<32768xf32, #tpu.memory_space<vmem>>, vector<16xf32>,
        %add3A_1590 = vector.broadcast %select_n3A_138 : f32 to vector<16xf32>
        %add3A_1591 = arith.addf %get3A_1565, %add3A_1590 : vector<16xf32>
        %mul3A_1592 = arith.constant 8 : i32
        %mul3A_1593 = arith.muli %multiple_of3A_1151, %mul3A_1592 : i32
        %add3A_1594 = arith.constant 256 : i32
        %add3A_1595 = arith.addi %mul3A_1593, %add3A_1594 : i32
        %add3A_1596 = arith.constant 64 : i32
        %add3A_1597 = arith.addi %add3A_1595, %add3A_1596 : i32
        %swap3A_1598 = arith.index_cast %add3A_1597 : i32 to index
        %swap3A_1599 = tpu.vector_load %arg7[%swap3A_1598] {strides = array<i32>} : memref<32768xf32, #tpu.memory_space<vmem>>, vector<16xf32>,
        %swap3A_1600 = vector.shape_cast %swap3A_1599 : vector<16xf32> to vector<16xf32>
        %swap3A_1601 = vector.shape_cast %add3A_1591 : vector<16xf32> to vector<16xf32>
        tpu.vector_store %arg7[%swap3A_1598], %swap3A_1601 {strides = array<i32>} : memref<32768xf32, #tpu.memory_space<vmem>>, vector<16xf32>,
        %add3A_1602 = vector.broadcast %select_n3A_143 : f32 to vector<16xf32>
        %add3A_1603 = arith.addf %get3A_1565, %add3A_1602 : vector<16xf32>
        %mul3A_1604 = arith.constant 8 : i32
        %mul3A_1605 = arith.muli %multiple_of3A_1151, %mul3A_1604 : i32
        %add3A_1606 = arith.constant 384 : i32
        %add3A_1607 = arith.addi %mul3A_1605, %add3A_1606 : i32
        %add3A_1608 = arith.constant 64 : i32
        %add3A_1609 = arith.addi %add3A_1607, %add3A_1608 : i32
        %swap3A_1610 = arith.index_cast %add3A_1609 : i32 to index
        %swap3A_1611 = tpu.vector_load %arg7[%swap3A_1610] {strides = array<i32>} : memref<32768xf32, #tpu.memory_space<vmem>>, vector<16xf32>,
        %swap3A_1612 = vector.shape_cast %swap3A_1611 : vector<16xf32> to vector<16xf32>
        %swap3A_1613 = vector.shape_cast %add3A_1603 : vector<16xf32> to vector<16xf32>
        tpu.vector_store %arg7[%swap3A_1610], %swap3A_1613 {strides = array<i32>} : memref<32768xf32, #tpu.memory_space<vmem>>, vector<16xf32>,
        %add3A_1614 = vector.broadcast %select_n3A_148 : f32 to vector<16xf32>
        %add3A_1615 = arith.addf %get3A_1565, %add3A_1614 : vector<16xf32>
        %mul3A_1616 = arith.constant 8 : i32
        %mul3A_1617 = arith.muli %multiple_of3A_1151, %mul3A_1616 : i32
        %add3A_1618 = arith.constant 512 : i32
        %add3A_1619 = arith.addi %mul3A_1617, %add3A_1618 : i32
        %add3A_1620 = arith.constant 64 : i32
        %add3A_1621 = arith.addi %add3A_1619, %add3A_1620 : i32
        %swap3A_1622 = arith.index_cast %add3A_1621 : i32 to index
        %swap3A_1623 = tpu.vector_load %arg7[%swap3A_1622] {strides = array<i32>} : memref<32768xf32, #tpu.memory_space<vmem>>, vector<16xf32>,
        %swap3A_1624 = vector.shape_cast %swap3A_1623 : vector<16xf32> to vector<16xf32>
        %swap3A_1625 = vector.shape_cast %add3A_1615 : vector<16xf32> to vector<16xf32>
        tpu.vector_store %arg7[%swap3A_1622], %swap3A_1625 {strides = array<i32>} : memref<32768xf32, #tpu.memory_space<vmem>>, vector<16xf32>,
        %add3A_1626 = vector.broadcast %select_n3A_153 : f32 to vector<16xf32>
        %add3A_1627 = arith.addf %get3A_1565, %add3A_1626 : vector<16xf32>
        %mul3A_1628 = arith.constant 8 : i32
        %mul3A_1629 = arith.muli %multiple_of3A_1151, %mul3A_1628 : i32
        %add3A_1630 = arith.constant 640 : i32
        %add3A_1631 = arith.addi %mul3A_1629, %add3A_1630 : i32
        %add3A_1632 = arith.constant 64 : i32
        %add3A_1633 = arith.addi %add3A_1631, %add3A_1632 : i32
        %swap3A_1634 = arith.index_cast %add3A_1633 : i32 to index
        %swap3A_1635 = tpu.vector_load %arg7[%swap3A_1634] {strides = array<i32>} : memref<32768xf32, #tpu.memory_space<vmem>>, vector<16xf32>,
        %swap3A_1636 = vector.shape_cast %swap3A_1635 : vector<16xf32> to vector<16xf32>
        %swap3A_1637 = vector.shape_cast %add3A_1627 : vector<16xf32> to vector<16xf32>
        tpu.vector_store %arg7[%swap3A_1634], %swap3A_1637 {strides = array<i32>} : memref<32768xf32, #tpu.memory_space<vmem>>, vector<16xf32>,
        %add3A_1638 = vector.broadcast %select_n3A_158 : f32 to vector<16xf32>
        %add3A_1639 = arith.addf %get3A_1565, %add3A_1638 : vector<16xf32>
        %mul3A_1640 = arith.constant 8 : i32
        %mul3A_1641 = arith.muli %multiple_of3A_1151, %mul3A_1640 : i32
        %add3A_1642 = arith.constant 768 : i32
        %add3A_1643 = arith.addi %mul3A_1641, %add3A_1642 : i32
        %add3A_1644 = arith.constant 64 : i32
        %add3A_1645 = arith.addi %add3A_1643, %add3A_1644 : i32
        %swap3A_1646 = arith.index_cast %add3A_1645 : i32 to index
        %swap3A_1647 = tpu.vector_load %arg7[%swap3A_1646] {strides = array<i32>} : memref<32768xf32, #tpu.memory_space<vmem>>, vector<16xf32>,
        %swap3A_1648 = vector.shape_cast %swap3A_1647 : vector<16xf32> to vector<16xf32>
        %swap3A_1649 = vector.shape_cast %add3A_1639 : vector<16xf32> to vector<16xf32>
        tpu.vector_store %arg7[%swap3A_1646], %swap3A_1649 {strides = array<i32>} : memref<32768xf32, #tpu.memory_space<vmem>>, vector<16xf32>,
        %add3A_1650 = vector.broadcast %select_n3A_163 : f32 to vector<16xf32>
        %add3A_1651 = arith.addf %get3A_1565, %add3A_1650 : vector<16xf32>
        %mul3A_1652 = arith.constant 8 : i32
        %mul3A_1653 = arith.muli %multiple_of3A_1151, %mul3A_1652 : i32
        %add3A_1654 = arith.constant 896 : i32
        %add3A_1655 = arith.addi %mul3A_1653, %add3A_1654 : i32
        %add3A_1656 = arith.constant 64 : i32
        %add3A_1657 = arith.addi %add3A_1655, %add3A_1656 : i32
        %swap3A_1658 = arith.index_cast %add3A_1657 : i32 to index
        %swap3A_1659 = tpu.vector_load %arg7[%swap3A_1658] {strides = array<i32>} : memref<32768xf32, #tpu.memory_space<vmem>>, vector<16xf32>,
        %swap3A_1660 = vector.shape_cast %swap3A_1659 : vector<16xf32> to vector<16xf32>
        %swap3A_1661 = vector.shape_cast %add3A_1651 : vector<16xf32> to vector<16xf32>
        tpu.vector_store %arg7[%swap3A_1658], %swap3A_1661 {strides = array<i32>} : memref<32768xf32, #tpu.memory_space<vmem>>, vector<16xf32>,
        %add3A_1662 = arith.constant 80 : i32
        %add3A_1663 = arith.addi %multiple_of3A_1151, %add3A_1662 : i32
        %get3A_1664 = arith.index_cast %sub3A_64 : i32 to index
        %get3A_1665 = arith.index_cast %add3A_1663 : i32 to index
        %get3A_1666 = tpu.vector_load %arg5[%get3A_1664, %get3A_1665] {strides = array<i32>} : memref<8x4096xf32, #tpu.memory_space<vmem>>, vector<1x16xf32>,
        %get3A_1667 = vector.shape_cast %get3A_1666 : vector<1x16xf32> to vector<16xf32>
        %add3A_1668 = vector.broadcast %select_n3A_128 : f32 to vector<16xf32>
        %add3A_1669 = arith.addf %get3A_1667, %add3A_1668 : vector<16xf32>
        %mul3A_1670 = arith.constant 8 : i32
        %mul3A_1671 = arith.muli %multiple_of3A_1151, %mul3A_1670 : i32
        %add3A_1672 = arith.constant 0 : i32
        %add3A_1673 = arith.addi %mul3A_1671, %add3A_1672 : i32
        %add3A_1674 = arith.constant 80 : i32
        %add3A_1675 = arith.addi %add3A_1673, %add3A_1674 : i32
        %swap3A_1676 = arith.index_cast %add3A_1675 : i32 to index
        %swap3A_1677 = tpu.vector_load %arg7[%swap3A_1676] {strides = array<i32>} : memref<32768xf32, #tpu.memory_space<vmem>>, vector<16xf32>,
        %swap3A_1678 = vector.shape_cast %swap3A_1677 : vector<16xf32> to vector<16xf32>
        %swap3A_1679 = vector.shape_cast %add3A_1669 : vector<16xf32> to vector<16xf32>
        tpu.vector_store %arg7[%swap3A_1676], %swap3A_1679 {strides = array<i32>} : memref<32768xf32, #tpu.memory_space<vmem>>, vector<16xf32>,
        %add3A_1680 = vector.broadcast %select_n3A_133 : f32 to vector<16xf32>
        %add3A_1681 = arith.addf %get3A_1667, %add3A_1680 : vector<16xf32>
        %mul3A_1682 = arith.constant 8 : i32
        %mul3A_1683 = arith.muli %multiple_of3A_1151, %mul3A_1682 : i32
        %add3A_1684 = arith.constant 128 : i32
        %add3A_1685 = arith.addi %mul3A_1683, %add3A_1684 : i32
        %add3A_1686 = arith.constant 80 : i32
        %add3A_1687 = arith.addi %add3A_1685, %add3A_1686 : i32
        %swap3A_1688 = arith.index_cast %add3A_1687 : i32 to index
        %swap3A_1689 = tpu.vector_load %arg7[%swap3A_1688] {strides = array<i32>} : memref<32768xf32, #tpu.memory_space<vmem>>, vector<16xf32>,
        %swap3A_1690 = vector.shape_cast %swap3A_1689 : vector<16xf32> to vector<16xf32>
        %swap3A_1691 = vector.shape_cast %add3A_1681 : vector<16xf32> to vector<16xf32>
        tpu.vector_store %arg7[%swap3A_1688], %swap3A_1691 {strides = array<i32>} : memref<32768xf32, #tpu.memory_space<vmem>>, vector<16xf32>,
        %add3A_1692 = vector.broadcast %select_n3A_138 : f32 to vector<16xf32>
        %add3A_1693 = arith.addf %get3A_1667, %add3A_1692 : vector<16xf32>
        %mul3A_1694 = arith.constant 8 : i32
        %mul3A_1695 = arith.muli %multiple_of3A_1151, %mul3A_1694 : i32
        %add3A_1696 = arith.constant 256 : i32
        %add3A_1697 = arith.addi %mul3A_1695, %add3A_1696 : i32
        %add3A_1698 = arith.constant 80 : i32
        %add3A_1699 = arith.addi %add3A_1697, %add3A_1698 : i32
        %swap3A_1700 = arith.index_cast %add3A_1699 : i32 to index
        %swap3A_1701 = tpu.vector_load %arg7[%swap3A_1700] {strides = array<i32>} : memref<32768xf32, #tpu.memory_space<vmem>>, vector<16xf32>,
        %swap3A_1702 = vector.shape_cast %swap3A_1701 : vector<16xf32> to vector<16xf32>
        %swap3A_1703 = vector.shape_cast %add3A_1693 : vector<16xf32> to vector<16xf32>
        tpu.vector_store %arg7[%swap3A_1700], %swap3A_1703 {strides = array<i32>} : memref<32768xf32, #tpu.memory_space<vmem>>, vector<16xf32>,
        %add3A_1704 = vector.broadcast %select_n3A_143 : f32 to vector<16xf32>
        %add3A_1705 = arith.addf %get3A_1667, %add3A_1704 : vector<16xf32>
        %mul3A_1706 = arith.constant 8 : i32
        %mul3A_1707 = arith.muli %multiple_of3A_1151, %mul3A_1706 : i32
        %add3A_1708 = arith.constant 384 : i32
        %add3A_1709 = arith.addi %mul3A_1707, %add3A_1708 : i32
        %add3A_1710 = arith.constant 80 : i32
        %add3A_1711 = arith.addi %add3A_1709, %add3A_1710 : i32
        %swap3A_1712 = arith.index_cast %add3A_1711 : i32 to index
        %swap3A_1713 = tpu.vector_load %arg7[%swap3A_1712] {strides = array<i32>} : memref<32768xf32, #tpu.memory_space<vmem>>, vector<16xf32>,
        %swap3A_1714 = vector.shape_cast %swap3A_1713 : vector<16xf32> to vector<16xf32>
        %swap3A_1715 = vector.shape_cast %add3A_1705 : vector<16xf32> to vector<16xf32>
        tpu.vector_store %arg7[%swap3A_1712], %swap3A_1715 {strides = array<i32>} : memref<32768xf32, #tpu.memory_space<vmem>>, vector<16xf32>,
        %add3A_1716 = vector.broadcast %select_n3A_148 : f32 to vector<16xf32>
        %add3A_1717 = arith.addf %get3A_1667, %add3A_1716 : vector<16xf32>
        %mul3A_1718 = arith.constant 8 : i32
        %mul3A_1719 = arith.muli %multiple_of3A_1151, %mul3A_1718 : i32
        %add3A_1720 = arith.constant 512 : i32
        %add3A_1721 = arith.addi %mul3A_1719, %add3A_1720 : i32
        %add3A_1722 = arith.constant 80 : i32
        %add3A_1723 = arith.addi %add3A_1721, %add3A_1722 : i32
        %swap3A_1724 = arith.index_cast %add3A_1723 : i32 to index
        %swap3A_1725 = tpu.vector_load %arg7[%swap3A_1724] {strides = array<i32>} : memref<32768xf32, #tpu.memory_space<vmem>>, vector<16xf32>,
        %swap3A_1726 = vector.shape_cast %swap3A_1725 : vector<16xf32> to vector<16xf32>
        %swap3A_1727 = vector.shape_cast %add3A_1717 : vector<16xf32> to vector<16xf32>
        tpu.vector_store %arg7[%swap3A_1724], %swap3A_1727 {strides = array<i32>} : memref<32768xf32, #tpu.memory_space<vmem>>, vector<16xf32>,
        %add3A_1728 = vector.broadcast %select_n3A_153 : f32 to vector<16xf32>
        %add3A_1729 = arith.addf %get3A_1667, %add3A_1728 : vector<16xf32>
        %mul3A_1730 = arith.constant 8 : i32
        %mul3A_1731 = arith.muli %multiple_of3A_1151, %mul3A_1730 : i32
        %add3A_1732 = arith.constant 640 : i32
        %add3A_1733 = arith.addi %mul3A_1731, %add3A_1732 : i32
        %add3A_1734 = arith.constant 80 : i32
        %add3A_1735 = arith.addi %add3A_1733, %add3A_1734 : i32
        %swap3A_1736 = arith.index_cast %add3A_1735 : i32 to index
        %swap3A_1737 = tpu.vector_load %arg7[%swap3A_1736] {strides = array<i32>} : memref<32768xf32, #tpu.memory_space<vmem>>, vector<16xf32>,
        %swap3A_1738 = vector.shape_cast %swap3A_1737 : vector<16xf32> to vector<16xf32>
        %swap3A_1739 = vector.shape_cast %add3A_1729 : vector<16xf32> to vector<16xf32>
        tpu.vector_store %arg7[%swap3A_1736], %swap3A_1739 {strides = array<i32>} : memref<32768xf32, #tpu.memory_space<vmem>>, vector<16xf32>,
        %add3A_1740 = vector.broadcast %select_n3A_158 : f32 to vector<16xf32>
        %add3A_1741 = arith.addf %get3A_1667, %add3A_1740 : vector<16xf32>
        %mul3A_1742 = arith.constant 8 : i32
        %mul3A_1743 = arith.muli %multiple_of3A_1151, %mul3A_1742 : i32
        %add3A_1744 = arith.constant 768 : i32
        %add3A_1745 = arith.addi %mul3A_1743, %add3A_1744 : i32
        %add3A_1746 = arith.constant 80 : i32
        %add3A_1747 = arith.addi %add3A_1745, %add3A_1746 : i32
        %swap3A_1748 = arith.index_cast %add3A_1747 : i32 to index
        %swap3A_1749 = tpu.vector_load %arg7[%swap3A_1748] {strides = array<i32>} : memref<32768xf32, #tpu.memory_space<vmem>>, vector<16xf32>,
        %swap3A_1750 = vector.shape_cast %swap3A_1749 : vector<16xf32> to vector<16xf32>
        %swap3A_1751 = vector.shape_cast %add3A_1741 : vector<16xf32> to vector<16xf32>
        tpu.vector_store %arg7[%swap3A_1748], %swap3A_1751 {strides = array<i32>} : memref<32768xf32, #tpu.memory_space<vmem>>, vector<16xf32>,
        %add3A_1752 = vector.broadcast %select_n3A_163 : f32 to vector<16xf32>
        %add3A_1753 = arith.addf %get3A_1667, %add3A_1752 : vector<16xf32>
        %mul3A_1754 = arith.constant 8 : i32
        %mul3A_1755 = arith.muli %multiple_of3A_1151, %mul3A_1754 : i32
        %add3A_1756 = arith.constant 896 : i32
        %add3A_1757 = arith.addi %mul3A_1755, %add3A_1756 : i32
        %add3A_1758 = arith.constant 80 : i32
        %add3A_1759 = arith.addi %add3A_1757, %add3A_1758 : i32
        %swap3A_1760 = arith.index_cast %add3A_1759 : i32 to index
        %swap3A_1761 = tpu.vector_load %arg7[%swap3A_1760] {strides = array<i32>} : memref<32768xf32, #tpu.memory_space<vmem>>, vector<16xf32>,
        %swap3A_1762 = vector.shape_cast %swap3A_1761 : vector<16xf32> to vector<16xf32>
        %swap3A_1763 = vector.shape_cast %add3A_1753 : vector<16xf32> to vector<16xf32>
        tpu.vector_store %arg7[%swap3A_1760], %swap3A_1763 {strides = array<i32>} : memref<32768xf32, #tpu.memory_space<vmem>>, vector<16xf32>,
        %add3A_1764 = arith.constant 96 : i32
        %add3A_1765 = arith.addi %multiple_of3A_1151, %add3A_1764 : i32
        %get3A_1766 = arith.index_cast %sub3A_64 : i32 to index
        %get3A_1767 = arith.index_cast %add3A_1765 : i32 to index
        %get3A_1768 = tpu.vector_load %arg5[%get3A_1766, %get3A_1767] {strides = array<i32>} : memref<8x4096xf32, #tpu.memory_space<vmem>>, vector<1x16xf32>,
        %get3A_1769 = vector.shape_cast %get3A_1768 : vector<1x16xf32> to vector<16xf32>
        %add3A_1770 = vector.broadcast %select_n3A_128 : f32 to vector<16xf32>
        %add3A_1771 = arith.addf %get3A_1769, %add3A_1770 : vector<16xf32>
        %mul3A_1772 = arith.constant 8 : i32
        %mul3A_1773 = arith.muli %multiple_of3A_1151, %mul3A_1772 : i32
        %add3A_1774 = arith.constant 0 : i32
        %add3A_1775 = arith.addi %mul3A_1773, %add3A_1774 : i32
        %add3A_1776 = arith.constant 96 : i32
        %add3A_1777 = arith.addi %add3A_1775, %add3A_1776 : i32
        %swap3A_1778 = arith.index_cast %add3A_1777 : i32 to index
        %swap3A_1779 = tpu.vector_load %arg7[%swap3A_1778] {strides = array<i32>} : memref<32768xf32, #tpu.memory_space<vmem>>, vector<16xf32>,
        %swap3A_1780 = vector.shape_cast %swap3A_1779 : vector<16xf32> to vector<16xf32>
        %swap3A_1781 = vector.shape_cast %add3A_1771 : vector<16xf32> to vector<16xf32>
        tpu.vector_store %arg7[%swap3A_1778], %swap3A_1781 {strides = array<i32>} : memref<32768xf32, #tpu.memory_space<vmem>>, vector<16xf32>,
        %add3A_1782 = vector.broadcast %select_n3A_133 : f32 to vector<16xf32>
        %add3A_1783 = arith.addf %get3A_1769, %add3A_1782 : vector<16xf32>
        %mul3A_1784 = arith.constant 8 : i32
        %mul3A_1785 = arith.muli %multiple_of3A_1151, %mul3A_1784 : i32
        %add3A_1786 = arith.constant 128 : i32
        %add3A_1787 = arith.addi %mul3A_1785, %add3A_1786 : i32
        %add3A_1788 = arith.constant 96 : i32
        %add3A_1789 = arith.addi %add3A_1787, %add3A_1788 : i32
        %swap3A_1790 = arith.index_cast %add3A_1789 : i32 to index
        %swap3A_1791 = tpu.vector_load %arg7[%swap3A_1790] {strides = array<i32>} : memref<32768xf32, #tpu.memory_space<vmem>>, vector<16xf32>,
        %swap3A_1792 = vector.shape_cast %swap3A_1791 : vector<16xf32> to vector<16xf32>
        %swap3A_1793 = vector.shape_cast %add3A_1783 : vector<16xf32> to vector<16xf32>
        tpu.vector_store %arg7[%swap3A_1790], %swap3A_1793 {strides = array<i32>} : memref<32768xf32, #tpu.memory_space<vmem>>, vector<16xf32>,
        %add3A_1794 = vector.broadcast %select_n3A_138 : f32 to vector<16xf32>
        %add3A_1795 = arith.addf %get3A_1769, %add3A_1794 : vector<16xf32>
        %mul3A_1796 = arith.constant 8 : i32
        %mul3A_1797 = arith.muli %multiple_of3A_1151, %mul3A_1796 : i32
        %add3A_1798 = arith.constant 256 : i32
        %add3A_1799 = arith.addi %mul3A_1797, %add3A_1798 : i32
        %add3A_1800 = arith.constant 96 : i32
        %add3A_1801 = arith.addi %add3A_1799, %add3A_1800 : i32
        %swap3A_1802 = arith.index_cast %add3A_1801 : i32 to index
        %swap3A_1803 = tpu.vector_load %arg7[%swap3A_1802] {strides = array<i32>} : memref<32768xf32, #tpu.memory_space<vmem>>, vector<16xf32>,
        %swap3A_1804 = vector.shape_cast %swap3A_1803 : vector<16xf32> to vector<16xf32>
        %swap3A_1805 = vector.shape_cast %add3A_1795 : vector<16xf32> to vector<16xf32>
        tpu.vector_store %arg7[%swap3A_1802], %swap3A_1805 {strides = array<i32>} : memref<32768xf32, #tpu.memory_space<vmem>>, vector<16xf32>,
        %add3A_1806 = vector.broadcast %select_n3A_143 : f32 to vector<16xf32>
        %add3A_1807 = arith.addf %get3A_1769, %add3A_1806 : vector<16xf32>
        %mul3A_1808 = arith.constant 8 : i32
        %mul3A_1809 = arith.muli %multiple_of3A_1151, %mul3A_1808 : i32
        %add3A_1810 = arith.constant 384 : i32
        %add3A_1811 = arith.addi %mul3A_1809, %add3A_1810 : i32
        %add3A_1812 = arith.constant 96 : i32
        %add3A_1813 = arith.addi %add3A_1811, %add3A_1812 : i32
        %swap3A_1814 = arith.index_cast %add3A_1813 : i32 to index
        %swap3A_1815 = tpu.vector_load %arg7[%swap3A_1814] {strides = array<i32>} : memref<32768xf32, #tpu.memory_space<vmem>>, vector<16xf32>,
        %swap3A_1816 = vector.shape_cast %swap3A_1815 : vector<16xf32> to vector<16xf32>
        %swap3A_1817 = vector.shape_cast %add3A_1807 : vector<16xf32> to vector<16xf32>
        tpu.vector_store %arg7[%swap3A_1814], %swap3A_1817 {strides = array<i32>} : memref<32768xf32, #tpu.memory_space<vmem>>, vector<16xf32>,
        %add3A_1818 = vector.broadcast %select_n3A_148 : f32 to vector<16xf32>
        %add3A_1819 = arith.addf %get3A_1769, %add3A_1818 : vector<16xf32>
        %mul3A_1820 = arith.constant 8 : i32
        %mul3A_1821 = arith.muli %multiple_of3A_1151, %mul3A_1820 : i32
        %add3A_1822 = arith.constant 512 : i32
        %add3A_1823 = arith.addi %mul3A_1821, %add3A_1822 : i32
        %add3A_1824 = arith.constant 96 : i32
        %add3A_1825 = arith.addi %add3A_1823, %add3A_1824 : i32
        %swap3A_1826 = arith.index_cast %add3A_1825 : i32 to index
        %swap3A_1827 = tpu.vector_load %arg7[%swap3A_1826] {strides = array<i32>} : memref<32768xf32, #tpu.memory_space<vmem>>, vector<16xf32>,
        %swap3A_1828 = vector.shape_cast %swap3A_1827 : vector<16xf32> to vector<16xf32>
        %swap3A_1829 = vector.shape_cast %add3A_1819 : vector<16xf32> to vector<16xf32>
        tpu.vector_store %arg7[%swap3A_1826], %swap3A_1829 {strides = array<i32>} : memref<32768xf32, #tpu.memory_space<vmem>>, vector<16xf32>,
        %add3A_1830 = vector.broadcast %select_n3A_153 : f32 to vector<16xf32>
        %add3A_1831 = arith.addf %get3A_1769, %add3A_1830 : vector<16xf32>
        %mul3A_1832 = arith.constant 8 : i32
        %mul3A_1833 = arith.muli %multiple_of3A_1151, %mul3A_1832 : i32
        %add3A_1834 = arith.constant 640 : i32
        %add3A_1835 = arith.addi %mul3A_1833, %add3A_1834 : i32
        %add3A_1836 = arith.constant 96 : i32
        %add3A_1837 = arith.addi %add3A_1835, %add3A_1836 : i32
        %swap3A_1838 = arith.index_cast %add3A_1837 : i32 to index
        %swap3A_1839 = tpu.vector_load %arg7[%swap3A_1838] {strides = array<i32>} : memref<32768xf32, #tpu.memory_space<vmem>>, vector<16xf32>,
        %swap3A_1840 = vector.shape_cast %swap3A_1839 : vector<16xf32> to vector<16xf32>
        %swap3A_1841 = vector.shape_cast %add3A_1831 : vector<16xf32> to vector<16xf32>
        tpu.vector_store %arg7[%swap3A_1838], %swap3A_1841 {strides = array<i32>} : memref<32768xf32, #tpu.memory_space<vmem>>, vector<16xf32>,
        %add3A_1842 = vector.broadcast %select_n3A_158 : f32 to vector<16xf32>
        %add3A_1843 = arith.addf %get3A_1769, %add3A_1842 : vector<16xf32>
        %mul3A_1844 = arith.constant 8 : i32
        %mul3A_1845 = arith.muli %multiple_of3A_1151, %mul3A_1844 : i32
        %add3A_1846 = arith.constant 768 : i32
        %add3A_1847 = arith.addi %mul3A_1845, %add3A_1846 : i32
        %add3A_1848 = arith.constant 96 : i32
        %add3A_1849 = arith.addi %add3A_1847, %add3A_1848 : i32
        %swap3A_1850 = arith.index_cast %add3A_1849 : i32 to index
        %swap3A_1851 = tpu.vector_load %arg7[%swap3A_1850] {strides = array<i32>} : memref<32768xf32, #tpu.memory_space<vmem>>, vector<16xf32>,
        %swap3A_1852 = vector.shape_cast %swap3A_1851 : vector<16xf32> to vector<16xf32>
        %swap3A_1853 = vector.shape_cast %add3A_1843 : vector<16xf32> to vector<16xf32>
        tpu.vector_store %arg7[%swap3A_1850], %swap3A_1853 {strides = array<i32>} : memref<32768xf32, #tpu.memory_space<vmem>>, vector<16xf32>,
        %add3A_1854 = vector.broadcast %select_n3A_163 : f32 to vector<16xf32>
        %add3A_1855 = arith.addf %get3A_1769, %add3A_1854 : vector<16xf32>
        %mul3A_1856 = arith.constant 8 : i32
        %mul3A_1857 = arith.muli %multiple_of3A_1151, %mul3A_1856 : i32
        %add3A_1858 = arith.constant 896 : i32
        %add3A_1859 = arith.addi %mul3A_1857, %add3A_1858 : i32
        %add3A_1860 = arith.constant 96 : i32
        %add3A_1861 = arith.addi %add3A_1859, %add3A_1860 : i32
        %swap3A_1862 = arith.index_cast %add3A_1861 : i32 to index
        %swap3A_1863 = tpu.vector_load %arg7[%swap3A_1862] {strides = array<i32>} : memref<32768xf32, #tpu.memory_space<vmem>>, vector<16xf32>,
        %swap3A_1864 = vector.shape_cast %swap3A_1863 : vector<16xf32> to vector<16xf32>
        %swap3A_1865 = vector.shape_cast %add3A_1855 : vector<16xf32> to vector<16xf32>
        tpu.vector_store %arg7[%swap3A_1862], %swap3A_1865 {strides = array<i32>} : memref<32768xf32, #tpu.memory_space<vmem>>, vector<16xf32>,
        %add3A_1866 = arith.constant 112 : i32
        %add3A_1867 = arith.addi %multiple_of3A_1151, %add3A_1866 : i32
        %get3A_1868 = arith.index_cast %sub3A_64 : i32 to index
        %get3A_1869 = arith.index_cast %add3A_1867 : i32 to index
        %get3A_1870 = tpu.vector_load %arg5[%get3A_1868, %get3A_1869] {strides = array<i32>} : memref<8x4096xf32, #tpu.memory_space<vmem>>, vector<1x16xf32>,
        %get3A_1871 = vector.shape_cast %get3A_1870 : vector<1x16xf32> to vector<16xf32>
        %add3A_1872 = vector.broadcast %select_n3A_128 : f32 to vector<16xf32>
        %add3A_1873 = arith.addf %get3A_1871, %add3A_1872 : vector<16xf32>
        %mul3A_1874 = arith.constant 8 : i32
        %mul3A_1875 = arith.muli %multiple_of3A_1151, %mul3A_1874 : i32
        %add3A_1876 = arith.constant 0 : i32
        %add3A_1877 = arith.addi %mul3A_1875, %add3A_1876 : i32
        %add3A_1878 = arith.constant 112 : i32
        %add3A_1879 = arith.addi %add3A_1877, %add3A_1878 : i32
        %swap3A_1880 = arith.index_cast %add3A_1879 : i32 to index
        %swap3A_1881 = tpu.vector_load %arg7[%swap3A_1880] {strides = array<i32>} : memref<32768xf32, #tpu.memory_space<vmem>>, vector<16xf32>,
        %swap3A_1882 = vector.shape_cast %swap3A_1881 : vector<16xf32> to vector<16xf32>
        %swap3A_1883 = vector.shape_cast %add3A_1873 : vector<16xf32> to vector<16xf32>
        tpu.vector_store %arg7[%swap3A_1880], %swap3A_1883 {strides = array<i32>} : memref<32768xf32, #tpu.memory_space<vmem>>, vector<16xf32>,
        %add3A_1884 = vector.broadcast %select_n3A_133 : f32 to vector<16xf32>
        %add3A_1885 = arith.addf %get3A_1871, %add3A_1884 : vector<16xf32>
        %mul3A_1886 = arith.constant 8 : i32
        %mul3A_1887 = arith.muli %multiple_of3A_1151, %mul3A_1886 : i32
        %add3A_1888 = arith.constant 128 : i32
        %add3A_1889 = arith.addi %mul3A_1887, %add3A_1888 : i32
        %add3A_1890 = arith.constant 112 : i32
        %add3A_1891 = arith.addi %add3A_1889, %add3A_1890 : i32
        %swap3A_1892 = arith.index_cast %add3A_1891 : i32 to index
        %swap3A_1893 = tpu.vector_load %arg7[%swap3A_1892] {strides = array<i32>} : memref<32768xf32, #tpu.memory_space<vmem>>, vector<16xf32>,
        %swap3A_1894 = vector.shape_cast %swap3A_1893 : vector<16xf32> to vector<16xf32>
        %swap3A_1895 = vector.shape_cast %add3A_1885 : vector<16xf32> to vector<16xf32>
        tpu.vector_store %arg7[%swap3A_1892], %swap3A_1895 {strides = array<i32>} : memref<32768xf32, #tpu.memory_space<vmem>>, vector<16xf32>,
        %add3A_1896 = vector.broadcast %select_n3A_138 : f32 to vector<16xf32>
        %add3A_1897 = arith.addf %get3A_1871, %add3A_1896 : vector<16xf32>
        %mul3A_1898 = arith.constant 8 : i32
        %mul3A_1899 = arith.muli %multiple_of3A_1151, %mul3A_1898 : i32
        %add3A_1900 = arith.constant 256 : i32
        %add3A_1901 = arith.addi %mul3A_1899, %add3A_1900 : i32
        %add3A_1902 = arith.constant 112 : i32
        %add3A_1903 = arith.addi %add3A_1901, %add3A_1902 : i32
        %swap3A_1904 = arith.index_cast %add3A_1903 : i32 to index
        %swap3A_1905 = tpu.vector_load %arg7[%swap3A_1904] {strides = array<i32>} : memref<32768xf32, #tpu.memory_space<vmem>>, vector<16xf32>,
        %swap3A_1906 = vector.shape_cast %swap3A_1905 : vector<16xf32> to vector<16xf32>
        %swap3A_1907 = vector.shape_cast %add3A_1897 : vector<16xf32> to vector<16xf32>
        tpu.vector_store %arg7[%swap3A_1904], %swap3A_1907 {strides = array<i32>} : memref<32768xf32, #tpu.memory_space<vmem>>, vector<16xf32>,
        %add3A_1908 = vector.broadcast %select_n3A_143 : f32 to vector<16xf32>
        %add3A_1909 = arith.addf %get3A_1871, %add3A_1908 : vector<16xf32>
        %mul3A_1910 = arith.constant 8 : i32
        %mul3A_1911 = arith.muli %multiple_of3A_1151, %mul3A_1910 : i32
        %add3A_1912 = arith.constant 384 : i32
        %add3A_1913 = arith.addi %mul3A_1911, %add3A_1912 : i32
        %add3A_1914 = arith.constant 112 : i32
        %add3A_1915 = arith.addi %add3A_1913, %add3A_1914 : i32
        %swap3A_1916 = arith.index_cast %add3A_1915 : i32 to index
        %swap3A_1917 = tpu.vector_load %arg7[%swap3A_1916] {strides = array<i32>} : memref<32768xf32, #tpu.memory_space<vmem>>, vector<16xf32>,
        %swap3A_1918 = vector.shape_cast %swap3A_1917 : vector<16xf32> to vector<16xf32>
        %swap3A_1919 = vector.shape_cast %add3A_1909 : vector<16xf32> to vector<16xf32>
        tpu.vector_store %arg7[%swap3A_1916], %swap3A_1919 {strides = array<i32>} : memref<32768xf32, #tpu.memory_space<vmem>>, vector<16xf32>,
        %add3A_1920 = vector.broadcast %select_n3A_148 : f32 to vector<16xf32>
        %add3A_1921 = arith.addf %get3A_1871, %add3A_1920 : vector<16xf32>
        %mul3A_1922 = arith.constant 8 : i32
        %mul3A_1923 = arith.muli %multiple_of3A_1151, %mul3A_1922 : i32
        %add3A_1924 = arith.constant 512 : i32
        %add3A_1925 = arith.addi %mul3A_1923, %add3A_1924 : i32
        %add3A_1926 = arith.constant 112 : i32
        %add3A_1927 = arith.addi %add3A_1925, %add3A_1926 : i32
        %swap3A_1928 = arith.index_cast %add3A_1927 : i32 to index
        %swap3A_1929 = tpu.vector_load %arg7[%swap3A_1928] {strides = array<i32>} : memref<32768xf32, #tpu.memory_space<vmem>>, vector<16xf32>,
        %swap3A_1930 = vector.shape_cast %swap3A_1929 : vector<16xf32> to vector<16xf32>
        %swap3A_1931 = vector.shape_cast %add3A_1921 : vector<16xf32> to vector<16xf32>
        tpu.vector_store %arg7[%swap3A_1928], %swap3A_1931 {strides = array<i32>} : memref<32768xf32, #tpu.memory_space<vmem>>, vector<16xf32>,
        %add3A_1932 = vector.broadcast %select_n3A_153 : f32 to vector<16xf32>
        %add3A_1933 = arith.addf %get3A_1871, %add3A_1932 : vector<16xf32>
        %mul3A_1934 = arith.constant 8 : i32
        %mul3A_1935 = arith.muli %multiple_of3A_1151, %mul3A_1934 : i32
        %add3A_1936 = arith.constant 640 : i32
        %add3A_1937 = arith.addi %mul3A_1935, %add3A_1936 : i32
        %add3A_1938 = arith.constant 112 : i32
        %add3A_1939 = arith.addi %add3A_1937, %add3A_1938 : i32
        %swap3A_1940 = arith.index_cast %add3A_1939 : i32 to index
        %swap3A_1941 = tpu.vector_load %arg7[%swap3A_1940] {strides = array<i32>} : memref<32768xf32, #tpu.memory_space<vmem>>, vector<16xf32>,
        %swap3A_1942 = vector.shape_cast %swap3A_1941 : vector<16xf32> to vector<16xf32>
        %swap3A_1943 = vector.shape_cast %add3A_1933 : vector<16xf32> to vector<16xf32>
        tpu.vector_store %arg7[%swap3A_1940], %swap3A_1943 {strides = array<i32>} : memref<32768xf32, #tpu.memory_space<vmem>>, vector<16xf32>,
        %add3A_1944 = vector.broadcast %select_n3A_158 : f32 to vector<16xf32>
        %add3A_1945 = arith.addf %get3A_1871, %add3A_1944 : vector<16xf32>
        %mul3A_1946 = arith.constant 8 : i32
        %mul3A_1947 = arith.muli %multiple_of3A_1151, %mul3A_1946 : i32
        %add3A_1948 = arith.constant 768 : i32
        %add3A_1949 = arith.addi %mul3A_1947, %add3A_1948 : i32
        %add3A_1950 = arith.constant 112 : i32
        %add3A_1951 = arith.addi %add3A_1949, %add3A_1950 : i32
        %swap3A_1952 = arith.index_cast %add3A_1951 : i32 to index
        %swap3A_1953 = tpu.vector_load %arg7[%swap3A_1952] {strides = array<i32>} : memref<32768xf32, #tpu.memory_space<vmem>>, vector<16xf32>,
        %swap3A_1954 = vector.shape_cast %swap3A_1953 : vector<16xf32> to vector<16xf32>
        %swap3A_1955 = vector.shape_cast %add3A_1945 : vector<16xf32> to vector<16xf32>
        tpu.vector_store %arg7[%swap3A_1952], %swap3A_1955 {strides = array<i32>} : memref<32768xf32, #tpu.memory_space<vmem>>, vector<16xf32>,
        %add3A_1956 = vector.broadcast %select_n3A_163 : f32 to vector<16xf32>
        %add3A_1957 = arith.addf %get3A_1871, %add3A_1956 : vector<16xf32>
        %mul3A_1958 = arith.constant 8 : i32
        %mul3A_1959 = arith.muli %multiple_of3A_1151, %mul3A_1958 : i32
        %add3A_1960 = arith.constant 896 : i32
        %add3A_1961 = arith.addi %mul3A_1959, %add3A_1960 : i32
        %add3A_1962 = arith.constant 112 : i32
        %add3A_1963 = arith.addi %add3A_1961, %add3A_1962 : i32
        %swap3A_1964 = arith.index_cast %add3A_1963 : i32 to index
        %swap3A_1965 = tpu.vector_load %arg7[%swap3A_1964] {strides = array<i32>} : memref<32768xf32, #tpu.memory_space<vmem>>, vector<16xf32>,
        %swap3A_1966 = vector.shape_cast %swap3A_1965 : vector<16xf32> to vector<16xf32>
        %swap3A_1967 = vector.shape_cast %add3A_1957 : vector<16xf32> to vector<16xf32>
        tpu.vector_store %arg7[%swap3A_1964], %swap3A_1967 {strides = array<i32>} : memref<32768xf32, #tpu.memory_space<vmem>>, vector<16xf32>,
      }
      %scan3A_169 = arith.constant 16 : i32
      %mul3A_170 = arith.constant 32768 : i32
      %mul3A_171 = arith.muli %add3A_37, %mul3A_170 : i32
      %dma_start3A = tpu.memref_slice %arg4[%mul3A_171] : memref<52428800xf32, #tpu.memory_space<hbm>> -> memref<32768xf32, #tpu.memory_space<hbm>>
      %dma_start3A_172 = tpu.memref_slice %arg4[%mul3A_171] : memref<52428800xf32, #tpu.memory_space<hbm>> -> memref<32768xf32, #tpu.memory_space<hbm>>
      tpu.enqueue_dma source(%arg7 : memref<32768xf32, #tpu.memory_space<vmem>>) target(%dma_start3A_172 : memref<32768xf32, #tpu.memory_space<hbm>>) target_semaphore(%arg9 : memref<!tpu.dma_semaphore, #tpu.memory_space<semaphore_mem>>)
      %gt3A_173 = arith.constant 0 : i32
      %gt3A_174 = arith.cmpi sgt, %scan3A_34, %gt3A_173 : i32
      %convert_element_type3A_175 = arith.extui %gt3A_174 : i1 to i32
      %cond3A_176 = arith.constant 0 : i32
      %cond3A_177 = arith.cmpi ne, %convert_element_type3A_175, %cond3A_176 : i32
      scf.if %cond3A_177 {
        %dma_wait3A_322 = arith.constant 0 : i32
        %dma_wait3A_323 = tpu.memref_slice %arg4[%dma_wait3A_322] : memref<52428800xf32, #tpu.memory_space<hbm>> -> memref<32768xf32, #tpu.memory_space<hbm>>
        %dma_wait3A_324 = arith.constant 0 : i32
        %dma_wait3A_325 = tpu.memref_slice %arg4[%dma_wait3A_324] : memref<52428800xf32, #tpu.memory_space<hbm>> -> memref<32768xf32, #tpu.memory_space<hbm>>
        tpu.wait_dma2 semaphore(%arg10 : memref<!tpu.dma_semaphore, #tpu.memory_space<semaphore_mem>>) src(%arg8 : memref<32768xf32, #tpu.memory_space<vmem>>) dst(%dma_wait3A_325 : memref<32768xf32, #tpu.memory_space<hbm>>)
      } else {
      }
      %add3A_178 = arith.constant 1 : i32
      %add3A_179 = arith.addi %add3A_37, %add3A_178 : i32
      %jit3A_180 = arith.constant 8 : i32
      %div3A_181 = arith.divsi %add3A_179, %jit3A_180 : i32
      %sign3A_182 = arith.constant 0 : i32
      %sign3A_183 = arith.cmpi sgt, %add3A_179, %sign3A_182 : i32
      %sign3A_184 = arith.extui %sign3A_183 : i1 to i32
      %sign3A_185 = arith.constant 0 : i32
      %sign3A_186 = arith.cmpi slt, %add3A_179, %sign3A_185 : i32
      %sign3A_187 = arith.extui %sign3A_186 : i1 to i32
      %sign3A_188 = arith.subi %sign3A_184, %sign3A_187 : i32
      %sign3A_189 = arith.constant 0 : i32
      %sign3A_190 = arith.cmpi sgt, %jit3A_180, %sign3A_189 : i32
      %sign3A_191 = arith.extui %sign3A_190 : i1 to i32
      %sign3A_192 = arith.constant 0 : i32
      %sign3A_193 = arith.cmpi slt, %jit3A_180, %sign3A_192 : i32
      %sign3A_194 = arith.extui %sign3A_193 : i1 to i32
      %sign3A_195 = arith.subi %sign3A_191, %sign3A_194 : i32
      %ne3A_196 = arith.cmpi ne, %sign3A_188, %sign3A_195 : i32
      %rem3A_197 = arith.remsi %add3A_179, %jit3A_180 : i32
      %ne3A_198 = arith.constant 0 : i32
      %ne3A_199 = arith.cmpi ne, %rem3A_197, %ne3A_198 : i32
      %and3A_200 = arith.andi %ne3A_196, %ne3A_199 : i1
      %sub3A_201 = arith.constant 1 : i32
      %sub3A_202 = arith.subi %div3A_181, %sub3A_201 : i32
      %select_n3A_203 = arith.select %and3A_200, %sub3A_202, %div3A_181 : i32
      %sub3A_204 = arith.subi %select_n3A_203, %min3A_21 : i32
      %jit3A_205 = arith.constant 8 : i32
      %eq3A_206 = arith.constant 0 : i32
      %eq3A_207 = arith.cmpi eq, %jit3A_205, %eq3A_206 : i32
      %jit3A_208 = arith.constant 1 : i32
      %select_n3A_209 = arith.select %eq3A_207, %jit3A_208, %jit3A_205 : i32
      %rem3A_210 = arith.remsi %add3A_179, %select_n3A_209 : i32
      %ne3A_211 = arith.constant 0 : i32
      %ne3A_212 = arith.cmpi ne, %rem3A_210, %ne3A_211 : i32
      %lt3A_213 = arith.constant 0 : i32
      %lt3A_214 = arith.cmpi slt, %rem3A_210, %lt3A_213 : i32
      %lt3A_215 = arith.constant 0 : i32
      %lt3A_216 = arith.cmpi slt, %select_n3A_209, %lt3A_215 : i32
      %ne3A_217 = arith.xori %lt3A_214, %lt3A_216 : i1
      %and3A_218 = arith.andi %ne3A_217, %ne3A_212 : i1
      %add3A_219 = arith.addi %rem3A_210, %select_n3A_209 : i32
      %select_n3A_220 = arith.select %and3A_218, %add3A_219, %rem3A_210 : i32
      %jit3A_221 = arith.constant 2 : i32
      %div3A_222 = arith.divsi %select_n3A_220, %jit3A_221 : i32
      %sign3A_223 = arith.constant 0 : i32
      %sign3A_224 = arith.cmpi sgt, %select_n3A_220, %sign3A_223 : i32
      %sign3A_225 = arith.extui %sign3A_224 : i1 to i32
      %sign3A_226 = arith.constant 0 : i32
      %sign3A_227 = arith.cmpi slt, %select_n3A_220, %sign3A_226 : i32
      %sign3A_228 = arith.extui %sign3A_227 : i1 to i32
      %sign3A_229 = arith.subi %sign3A_225, %sign3A_228 : i32
      %sign3A_230 = arith.constant 0 : i32
      %sign3A_231 = arith.cmpi sgt, %jit3A_221, %sign3A_230 : i32
      %sign3A_232 = arith.extui %sign3A_231 : i1 to i32
      %sign3A_233 = arith.constant 0 : i32
      %sign3A_234 = arith.cmpi slt, %jit3A_221, %sign3A_233 : i32
      %sign3A_235 = arith.extui %sign3A_234 : i1 to i32
      %sign3A_236 = arith.subi %sign3A_232, %sign3A_235 : i32
      %ne3A_237 = arith.cmpi ne, %sign3A_229, %sign3A_236 : i32
      %rem3A_238 = arith.remsi %select_n3A_220, %jit3A_221 : i32
      %ne3A_239 = arith.constant 0 : i32
      %ne3A_240 = arith.cmpi ne, %rem3A_238, %ne3A_239 : i32
      %and3A_241 = arith.andi %ne3A_237, %ne3A_240 : i1
      %sub3A_242 = arith.constant 1 : i32
      %sub3A_243 = arith.subi %div3A_222, %sub3A_242 : i32
      %select_n3A_244 = arith.select %and3A_241, %sub3A_243, %div3A_222 : i32
      %mul3A_245 = arith.constant 16 : i32
      %mul3A_246 = arith.muli %select_n3A_244, %mul3A_245 : i32
      %multiple_of3A_247 = tpu.assume_multiple %mul3A_246, 16 : i32
      %get3A_248 = arith.index_cast %sub3A_204 : i32 to index
      %get3A_249 = arith.index_cast %multiple_of3A_247 : i32 to index
      %get3A_250 = tpu.vector_load %arg6[%get3A_248, %get3A_249] {strides = array<i32>} : memref<8x64xf32, #tpu.memory_space<vmem>>, vector<1x16xf32>,
      %get3A_251 = vector.shape_cast %get3A_250 : vector<1x16xf32> to vector<16xf32>
      %jit3A_252 = arith.constant 2 : i32
      %eq3A_253 = arith.constant 0 : i32
      %eq3A_254 = arith.cmpi eq, %jit3A_252, %eq3A_253 : i32
      %jit3A_255 = arith.constant 1 : i32
      %select_n3A_256 = arith.select %eq3A_254, %jit3A_255, %jit3A_252 : i32
      %rem3A_257 = arith.remsi %select_n3A_220, %select_n3A_256 : i32
      %ne3A_258 = arith.constant 0 : i32
      %ne3A_259 = arith.cmpi ne, %rem3A_257, %ne3A_258 : i32
      %lt3A_260 = arith.constant 0 : i32
      %lt3A_261 = arith.cmpi slt, %rem3A_257, %lt3A_260 : i32
      %lt3A_262 = arith.constant 0 : i32
      %lt3A_263 = arith.cmpi slt, %select_n3A_256, %lt3A_262 : i32
      %ne3A_264 = arith.xori %lt3A_261, %lt3A_263 : i1
      %and3A_265 = arith.andi %ne3A_264, %ne3A_259 : i1
      %add3A_266 = arith.addi %rem3A_257, %select_n3A_256 : i32
      %select_n3A_267 = arith.select %and3A_265, %add3A_266, %rem3A_257 : i32
      %eq3A_268 = arith.constant 0 : i32
      %eq3A_269 = arith.cmpi eq, %select_n3A_267, %eq3A_268 : i32
      %slice3A_270 = vector.extract_strided_slice %get3A_251 {offsets = [0], sizes = [1], strides = [1]} : vector<16xf32> to vector<1xf32>
      %squeeze3A_271 = vector.extract %slice3A_270[0] : f32 from vector<1xf32>
      %slice3A_272 = vector.extract_strided_slice %get3A_251 {offsets = [8], sizes = [1], strides = [1]} : vector<16xf32> to vector<1xf32>
      %squeeze3A_273 = vector.extract %slice3A_272[0] : f32 from vector<1xf32>
      %select_n3A_274 = arith.select %eq3A_269, %squeeze3A_271, %squeeze3A_273 : f32
      %slice3A_275 = vector.extract_strided_slice %get3A_251 {offsets = [1], sizes = [1], strides = [1]} : vector<16xf32> to vector<1xf32>
      %squeeze3A_276 = vector.extract %slice3A_275[0] : f32 from vector<1xf32>
      %slice3A_277 = vector.extract_strided_slice %get3A_251 {offsets = [9], sizes = [1], strides = [1]} : vector<16xf32> to vector<1xf32>
      %squeeze3A_278 = vector.extract %slice3A_277[0] : f32 from vector<1xf32>
      %select_n3A_279 = arith.select %eq3A_269, %squeeze3A_276, %squeeze3A_278 : f32
      %slice3A_280 = vector.extract_strided_slice %get3A_251 {offsets = [2], sizes = [1], strides = [1]} : vector<16xf32> to vector<1xf32>
      %squeeze3A_281 = vector.extract %slice3A_280[0] : f32 from vector<1xf32>
      %slice3A_282 = vector.extract_strided_slice %get3A_251 {offsets = [10], sizes = [1], strides = [1]} : vector<16xf32> to vector<1xf32>
      %squeeze3A_283 = vector.extract %slice3A_282[0] : f32 from vector<1xf32>
      %select_n3A_284 = arith.select %eq3A_269, %squeeze3A_281, %squeeze3A_283 : f32
      %slice3A_285 = vector.extract_strided_slice %get3A_251 {offsets = [3], sizes = [1], strides = [1]} : vector<16xf32> to vector<1xf32>
      %squeeze3A_286 = vector.extract %slice3A_285[0] : f32 from vector<1xf32>
      %slice3A_287 = vector.extract_strided_slice %get3A_251 {offsets = [11], sizes = [1], strides = [1]} : vector<16xf32> to vector<1xf32>
      %squeeze3A_288 = vector.extract %slice3A_287[0] : f32 from vector<1xf32>
      %select_n3A_289 = arith.select %eq3A_269, %squeeze3A_286, %squeeze3A_288 : f32
      %slice3A_290 = vector.extract_strided_slice %get3A_251 {offsets = [4], sizes = [1], strides = [1]} : vector<16xf32> to vector<1xf32>
      %squeeze3A_291 = vector.extract %slice3A_290[0] : f32 from vector<1xf32>
      %slice3A_292 = vector.extract_strided_slice %get3A_251 {offsets = [12], sizes = [1], strides = [1]} : vector<16xf32> to vector<1xf32>
      %squeeze3A_293 = vector.extract %slice3A_292[0] : f32 from vector<1xf32>
      %select_n3A_294 = arith.select %eq3A_269, %squeeze3A_291, %squeeze3A_293 : f32
      %slice3A_295 = vector.extract_strided_slice %get3A_251 {offsets = [5], sizes = [1], strides = [1]} : vector<16xf32> to vector<1xf32>
      %squeeze3A_296 = vector.extract %slice3A_295[0] : f32 from vector<1xf32>
      %slice3A_297 = vector.extract_strided_slice %get3A_251 {offsets = [13], sizes = [1], strides = [1]} : vector<16xf32> to vector<1xf32>
      %squeeze3A_298 = vector.extract %slice3A_297[0] : f32 from vector<1xf32>
      %select_n3A_299 = arith.select %eq3A_269, %squeeze3A_296, %squeeze3A_298 : f32
      %slice3A_300 = vector.extract_strided_slice %get3A_251 {offsets = [6], sizes = [1], strides = [1]} : vector<16xf32> to vector<1xf32>
      %squeeze3A_301 = vector.extract %slice3A_300[0] : f32 from vector<1xf32>
      %slice3A_302 = vector.extract_strided_slice %get3A_251 {offsets = [14], sizes = [1], strides = [1]} : vector<16xf32> to vector<1xf32>
      %squeeze3A_303 = vector.extract %slice3A_302[0] : f32 from vector<1xf32>
      %select_n3A_304 = arith.select %eq3A_269, %squeeze3A_301, %squeeze3A_303 : f32
      %slice3A_305 = vector.extract_strided_slice %get3A_251 {offsets = [7], sizes = [1], strides = [1]} : vector<16xf32> to vector<1xf32>
      %squeeze3A_306 = vector.extract %slice3A_305[0] : f32 from vector<1xf32>
      %slice3A_307 = vector.extract_strided_slice %get3A_251 {offsets = [15], sizes = [1], strides = [1]} : vector<16xf32> to vector<1xf32>
      %squeeze3A_308 = vector.extract %slice3A_307[0] : f32 from vector<1xf32>
      %select_n3A_309 = arith.select %eq3A_269, %squeeze3A_306, %squeeze3A_308 : f32
      %scan3A_310 = arith.constant 0 : i32
      %scan3A_311 = arith.constant 0 : i32
      %scan3A_312 = arith.constant 16 : i32
      %scan3A_313 = arith.addi %scan3A_311, %scan3A_312 : i32
      %scan3A_314 = arith.constant 1 : i32
      scf.for %scan3A_322 = %scan3A_311 to %scan3A_313 step %scan3A_314  : i32 {
        %mul3A_323 = arith.constant 2 : i32
        %mul3A_324 = arith.muli %scan3A_322, %mul3A_323 : i32
        %add3A_325 = arith.constant 0 : i32
        %add3A_326 = arith.addi %mul3A_324, %add3A_325 : i32
        %mul3A_327 = arith.constant 128 : i32
        %mul3A_328 = arith.muli %add3A_326, %mul3A_327 : i32
        %multiple_of3A_329 = tpu.assume_multiple %mul3A_328, 128 : i32
        %add3A_330 = arith.constant 0 : i32
        %add3A_331 = arith.addi %multiple_of3A_329, %add3A_330 : i32
        %get3A_332 = arith.index_cast %sub3A_204 : i32 to index
        %get3A_333 = arith.index_cast %add3A_331 : i32 to index
        %get3A_334 = tpu.vector_load %arg5[%get3A_332, %get3A_333] {strides = array<i32>} : memref<8x4096xf32, #tpu.memory_space<vmem>>, vector<1x16xf32>,
        %get3A_335 = vector.shape_cast %get3A_334 : vector<1x16xf32> to vector<16xf32>
        %add3A_336 = vector.broadcast %select_n3A_274 : f32 to vector<16xf32>
        %add3A_337 = arith.addf %get3A_335, %add3A_336 : vector<16xf32>
        %mul3A_338 = arith.constant 8 : i32
        %mul3A_339 = arith.muli %multiple_of3A_329, %mul3A_338 : i32
        %add3A_340 = arith.constant 0 : i32
        %add3A_341 = arith.addi %mul3A_339, %add3A_340 : i32
        %add3A_342 = arith.constant 0 : i32
        %add3A_343 = arith.addi %add3A_341, %add3A_342 : i32
        %swap3A = arith.index_cast %add3A_343 : i32 to index
        %swap3A_344 = tpu.vector_load %arg8[%swap3A] {strides = array<i32>} : memref<32768xf32, #tpu.memory_space<vmem>>, vector<16xf32>,
        %swap3A_345 = vector.shape_cast %swap3A_344 : vector<16xf32> to vector<16xf32>
        %swap3A_346 = vector.shape_cast %add3A_337 : vector<16xf32> to vector<16xf32>
        tpu.vector_store %arg8[%swap3A], %swap3A_346 {strides = array<i32>} : memref<32768xf32, #tpu.memory_space<vmem>>, vector<16xf32>,
        %add3A_347 = vector.broadcast %select_n3A_279 : f32 to vector<16xf32>
        %add3A_348 = arith.addf %get3A_335, %add3A_347 : vector<16xf32>
        %mul3A_349 = arith.constant 8 : i32
        %mul3A_350 = arith.muli %multiple_of3A_329, %mul3A_349 : i32
        %add3A_351 = arith.constant 128 : i32
        %add3A_352 = arith.addi %mul3A_350, %add3A_351 : i32
        %add3A_353 = arith.constant 0 : i32
        %add3A_354 = arith.addi %add3A_352, %add3A_353 : i32
        %swap3A_355 = arith.index_cast %add3A_354 : i32 to index
        %swap3A_356 = tpu.vector_load %arg8[%swap3A_355] {strides = array<i32>} : memref<32768xf32, #tpu.memory_space<vmem>>, vector<16xf32>,
        %swap3A_357 = vector.shape_cast %swap3A_356 : vector<16xf32> to vector<16xf32>
        %swap3A_358 = vector.shape_cast %add3A_348 : vector<16xf32> to vector<16xf32>
        tpu.vector_store %arg8[%swap3A_355], %swap3A_358 {strides = array<i32>} : memref<32768xf32, #tpu.memory_space<vmem>>, vector<16xf32>,
        %add3A_359 = vector.broadcast %select_n3A_284 : f32 to vector<16xf32>
        %add3A_360 = arith.addf %get3A_335, %add3A_359 : vector<16xf32>
        %mul3A_361 = arith.constant 8 : i32
        %mul3A_362 = arith.muli %multiple_of3A_329, %mul3A_361 : i32
        %add3A_363 = arith.constant 256 : i32
        %add3A_364 = arith.addi %mul3A_362, %add3A_363 : i32
        %add3A_365 = arith.constant 0 : i32
        %add3A_366 = arith.addi %add3A_364, %add3A_365 : i32
        %swap3A_367 = arith.index_cast %add3A_366 : i32 to index
        %swap3A_368 = tpu.vector_load %arg8[%swap3A_367] {strides = array<i32>} : memref<32768xf32, #tpu.memory_space<vmem>>, vector<16xf32>,
        %swap3A_369 = vector.shape_cast %swap3A_368 : vector<16xf32> to vector<16xf32>
        %swap3A_370 = vector.shape_cast %add3A_360 : vector<16xf32> to vector<16xf32>
        tpu.vector_store %arg8[%swap3A_367], %swap3A_370 {strides = array<i32>} : memref<32768xf32, #tpu.memory_space<vmem>>, vector<16xf32>,
        %add3A_371 = vector.broadcast %select_n3A_289 : f32 to vector<16xf32>
        %add3A_372 = arith.addf %get3A_335, %add3A_371 : vector<16xf32>
        %mul3A_373 = arith.constant 8 : i32
        %mul3A_374 = arith.muli %multiple_of3A_329, %mul3A_373 : i32
        %add3A_375 = arith.constant 384 : i32
        %add3A_376 = arith.addi %mul3A_374, %add3A_375 : i32
        %add3A_377 = arith.constant 0 : i32
        %add3A_378 = arith.addi %add3A_376, %add3A_377 : i32
        %swap3A_379 = arith.index_cast %add3A_378 : i32 to index
        %swap3A_380 = tpu.vector_load %arg8[%swap3A_379] {strides = array<i32>} : memref<32768xf32, #tpu.memory_space<vmem>>, vector<16xf32>,
        %swap3A_381 = vector.shape_cast %swap3A_380 : vector<16xf32> to vector<16xf32>
        %swap3A_382 = vector.shape_cast %add3A_372 : vector<16xf32> to vector<16xf32>
        tpu.vector_store %arg8[%swap3A_379], %swap3A_382 {strides = array<i32>} : memref<32768xf32, #tpu.memory_space<vmem>>, vector<16xf32>,
        %add3A_383 = vector.broadcast %select_n3A_294 : f32 to vector<16xf32>
        %add3A_384 = arith.addf %get3A_335, %add3A_383 : vector<16xf32>
        %mul3A_385 = arith.constant 8 : i32
        %mul3A_386 = arith.muli %multiple_of3A_329, %mul3A_385 : i32
        %add3A_387 = arith.constant 512 : i32
        %add3A_388 = arith.addi %mul3A_386, %add3A_387 : i32
        %add3A_389 = arith.constant 0 : i32
        %add3A_390 = arith.addi %add3A_388, %add3A_389 : i32
        %swap3A_391 = arith.index_cast %add3A_390 : i32 to index
        %swap3A_392 = tpu.vector_load %arg8[%swap3A_391] {strides = array<i32>} : memref<32768xf32, #tpu.memory_space<vmem>>, vector<16xf32>,
        %swap3A_393 = vector.shape_cast %swap3A_392 : vector<16xf32> to vector<16xf32>
        %swap3A_394 = vector.shape_cast %add3A_384 : vector<16xf32> to vector<16xf32>
        tpu.vector_store %arg8[%swap3A_391], %swap3A_394 {strides = array<i32>} : memref<32768xf32, #tpu.memory_space<vmem>>, vector<16xf32>,
        %add3A_395 = vector.broadcast %select_n3A_299 : f32 to vector<16xf32>
        %add3A_396 = arith.addf %get3A_335, %add3A_395 : vector<16xf32>
        %mul3A_397 = arith.constant 8 : i32
        %mul3A_398 = arith.muli %multiple_of3A_329, %mul3A_397 : i32
        %add3A_399 = arith.constant 640 : i32
        %add3A_400 = arith.addi %mul3A_398, %add3A_399 : i32
        %add3A_401 = arith.constant 0 : i32
        %add3A_402 = arith.addi %add3A_400, %add3A_401 : i32
        %swap3A_403 = arith.index_cast %add3A_402 : i32 to index
        %swap3A_404 = tpu.vector_load %arg8[%swap3A_403] {strides = array<i32>} : memref<32768xf32, #tpu.memory_space<vmem>>, vector<16xf32>,
        %swap3A_405 = vector.shape_cast %swap3A_404 : vector<16xf32> to vector<16xf32>
        %swap3A_406 = vector.shape_cast %add3A_396 : vector<16xf32> to vector<16xf32>
        tpu.vector_store %arg8[%swap3A_403], %swap3A_406 {strides = array<i32>} : memref<32768xf32, #tpu.memory_space<vmem>>, vector<16xf32>,
        %add3A_407 = vector.broadcast %select_n3A_304 : f32 to vector<16xf32>
        %add3A_408 = arith.addf %get3A_335, %add3A_407 : vector<16xf32>
        %mul3A_409 = arith.constant 8 : i32
        %mul3A_410 = arith.muli %multiple_of3A_329, %mul3A_409 : i32
        %add3A_411 = arith.constant 768 : i32
        %add3A_412 = arith.addi %mul3A_410, %add3A_411 : i32
        %add3A_413 = arith.constant 0 : i32
        %add3A_414 = arith.addi %add3A_412, %add3A_413 : i32
        %swap3A_415 = arith.index_cast %add3A_414 : i32 to index
        %swap3A_416 = tpu.vector_load %arg8[%swap3A_415] {strides = array<i32>} : memref<32768xf32, #tpu.memory_space<vmem>>, vector<16xf32>,
        %swap3A_417 = vector.shape_cast %swap3A_416 : vector<16xf32> to vector<16xf32>
        %swap3A_418 = vector.shape_cast %add3A_408 : vector<16xf32> to vector<16xf32>
        tpu.vector_store %arg8[%swap3A_415], %swap3A_418 {strides = array<i32>} : memref<32768xf32, #tpu.memory_space<vmem>>, vector<16xf32>,
        %add3A_419 = vector.broadcast %select_n3A_309 : f32 to vector<16xf32>
        %add3A_420 = arith.addf %get3A_335, %add3A_419 : vector<16xf32>
        %mul3A_421 = arith.constant 8 : i32
        %mul3A_422 = arith.muli %multiple_of3A_329, %mul3A_421 : i32
        %add3A_423 = arith.constant 896 : i32
        %add3A_424 = arith.addi %mul3A_422, %add3A_423 : i32
        %add3A_425 = arith.constant 0 : i32
        %add3A_426 = arith.addi %add3A_424, %add3A_425 : i32
        %swap3A_427 = arith.index_cast %add3A_426 : i32 to index
        %swap3A_428 = tpu.vector_load %arg8[%swap3A_427] {strides = array<i32>} : memref<32768xf32, #tpu.memory_space<vmem>>, vector<16xf32>,
        %swap3A_429 = vector.shape_cast %swap3A_428 : vector<16xf32> to vector<16xf32>
        %swap3A_430 = vector.shape_cast %add3A_420 : vector<16xf32> to vector<16xf32>
        tpu.vector_store %arg8[%swap3A_427], %swap3A_430 {strides = array<i32>} : memref<32768xf32, #tpu.memory_space<vmem>>, vector<16xf32>,
        %add3A_431 = arith.constant 16 : i32
        %add3A_432 = arith.addi %multiple_of3A_329, %add3A_431 : i32
        %get3A_433 = arith.index_cast %sub3A_204 : i32 to index
        %get3A_434 = arith.index_cast %add3A_432 : i32 to index
        %get3A_435 = tpu.vector_load %arg5[%get3A_433, %get3A_434] {strides = array<i32>} : memref<8x4096xf32, #tpu.memory_space<vmem>>, vector<1x16xf32>,
        %get3A_436 = vector.shape_cast %get3A_435 : vector<1x16xf32> to vector<16xf32>
        %add3A_437 = vector.broadcast %select_n3A_274 : f32 to vector<16xf32>
        %add3A_438 = arith.addf %get3A_436, %add3A_437 : vector<16xf32>
        %mul3A_439 = arith.constant 8 : i32
        %mul3A_440 = arith.muli %multiple_of3A_329, %mul3A_439 : i32
        %add3A_441 = arith.constant 0 : i32
        %add3A_442 = arith.addi %mul3A_440, %add3A_441 : i32
        %add3A_443 = arith.constant 16 : i32
        %add3A_444 = arith.addi %add3A_442, %add3A_443 : i32
        %swap3A_445 = arith.index_cast %add3A_444 : i32 to index
        %swap3A_446 = tpu.vector_load %arg8[%swap3A_445] {strides = array<i32>} : memref<32768xf32, #tpu.memory_space<vmem>>, vector<16xf32>,
        %swap3A_447 = vector.shape_cast %swap3A_446 : vector<16xf32> to vector<16xf32>
        %swap3A_448 = vector.shape_cast %add3A_438 : vector<16xf32> to vector<16xf32>
        tpu.vector_store %arg8[%swap3A_445], %swap3A_448 {strides = array<i32>} : memref<32768xf32, #tpu.memory_space<vmem>>, vector<16xf32>,
        %add3A_449 = vector.broadcast %select_n3A_279 : f32 to vector<16xf32>
        %add3A_450 = arith.addf %get3A_436, %add3A_449 : vector<16xf32>
        %mul3A_451 = arith.constant 8 : i32
        %mul3A_452 = arith.muli %multiple_of3A_329, %mul3A_451 : i32
        %add3A_453 = arith.constant 128 : i32
        %add3A_454 = arith.addi %mul3A_452, %add3A_453 : i32
        %add3A_455 = arith.constant 16 : i32
        %add3A_456 = arith.addi %add3A_454, %add3A_455 : i32
        %swap3A_457 = arith.index_cast %add3A_456 : i32 to index
        %swap3A_458 = tpu.vector_load %arg8[%swap3A_457] {strides = array<i32>} : memref<32768xf32, #tpu.memory_space<vmem>>, vector<16xf32>,
        %swap3A_459 = vector.shape_cast %swap3A_458 : vector<16xf32> to vector<16xf32>
        %swap3A_460 = vector.shape_cast %add3A_450 : vector<16xf32> to vector<16xf32>
        tpu.vector_store %arg8[%swap3A_457], %swap3A_460 {strides = array<i32>} : memref<32768xf32, #tpu.memory_space<vmem>>, vector<16xf32>,
        %add3A_461 = vector.broadcast %select_n3A_284 : f32 to vector<16xf32>
        %add3A_462 = arith.addf %get3A_436, %add3A_461 : vector<16xf32>
        %mul3A_463 = arith.constant 8 : i32
        %mul3A_464 = arith.muli %multiple_of3A_329, %mul3A_463 : i32
        %add3A_465 = arith.constant 256 : i32
        %add3A_466 = arith.addi %mul3A_464, %add3A_465 : i32
        %add3A_467 = arith.constant 16 : i32
        %add3A_468 = arith.addi %add3A_466, %add3A_467 : i32
        %swap3A_469 = arith.index_cast %add3A_468 : i32 to index
        %swap3A_470 = tpu.vector_load %arg8[%swap3A_469] {strides = array<i32>} : memref<32768xf32, #tpu.memory_space<vmem>>, vector<16xf32>,
        %swap3A_471 = vector.shape_cast %swap3A_470 : vector<16xf32> to vector<16xf32>
        %swap3A_472 = vector.shape_cast %add3A_462 : vector<16xf32> to vector<16xf32>
        tpu.vector_store %arg8[%swap3A_469], %swap3A_472 {strides = array<i32>} : memref<32768xf32, #tpu.memory_space<vmem>>, vector<16xf32>,
        %add3A_473 = vector.broadcast %select_n3A_289 : f32 to vector<16xf32>
        %add3A_474 = arith.addf %get3A_436, %add3A_473 : vector<16xf32>
        %mul3A_475 = arith.constant 8 : i32
        %mul3A_476 = arith.muli %multiple_of3A_329, %mul3A_475 : i32
        %add3A_477 = arith.constant 384 : i32
        %add3A_478 = arith.addi %mul3A_476, %add3A_477 : i32
        %add3A_479 = arith.constant 16 : i32
        %add3A_480 = arith.addi %add3A_478, %add3A_479 : i32
        %swap3A_481 = arith.index_cast %add3A_480 : i32 to index
        %swap3A_482 = tpu.vector_load %arg8[%swap3A_481] {strides = array<i32>} : memref<32768xf32, #tpu.memory_space<vmem>>, vector<16xf32>,
        %swap3A_483 = vector.shape_cast %swap3A_482 : vector<16xf32> to vector<16xf32>
        %swap3A_484 = vector.shape_cast %add3A_474 : vector<16xf32> to vector<16xf32>
        tpu.vector_store %arg8[%swap3A_481], %swap3A_484 {strides = array<i32>} : memref<32768xf32, #tpu.memory_space<vmem>>, vector<16xf32>,
        %add3A_485 = vector.broadcast %select_n3A_294 : f32 to vector<16xf32>
        %add3A_486 = arith.addf %get3A_436, %add3A_485 : vector<16xf32>
        %mul3A_487 = arith.constant 8 : i32
        %mul3A_488 = arith.muli %multiple_of3A_329, %mul3A_487 : i32
        %add3A_489 = arith.constant 512 : i32
        %add3A_490 = arith.addi %mul3A_488, %add3A_489 : i32
        %add3A_491 = arith.constant 16 : i32
        %add3A_492 = arith.addi %add3A_490, %add3A_491 : i32
        %swap3A_493 = arith.index_cast %add3A_492 : i32 to index
        %swap3A_494 = tpu.vector_load %arg8[%swap3A_493] {strides = array<i32>} : memref<32768xf32, #tpu.memory_space<vmem>>, vector<16xf32>,
        %swap3A_495 = vector.shape_cast %swap3A_494 : vector<16xf32> to vector<16xf32>
        %swap3A_496 = vector.shape_cast %add3A_486 : vector<16xf32> to vector<16xf32>
        tpu.vector_store %arg8[%swap3A_493], %swap3A_496 {strides = array<i32>} : memref<32768xf32, #tpu.memory_space<vmem>>, vector<16xf32>,
        %add3A_497 = vector.broadcast %select_n3A_299 : f32 to vector<16xf32>
        %add3A_498 = arith.addf %get3A_436, %add3A_497 : vector<16xf32>
        %mul3A_499 = arith.constant 8 : i32
        %mul3A_500 = arith.muli %multiple_of3A_329, %mul3A_499 : i32
        %add3A_501 = arith.constant 640 : i32
        %add3A_502 = arith.addi %mul3A_500, %add3A_501 : i32
        %add3A_503 = arith.constant 16 : i32
        %add3A_504 = arith.addi %add3A_502, %add3A_503 : i32
        %swap3A_505 = arith.index_cast %add3A_504 : i32 to index
        %swap3A_506 = tpu.vector_load %arg8[%swap3A_505] {strides = array<i32>} : memref<32768xf32, #tpu.memory_space<vmem>>, vector<16xf32>,
        %swap3A_507 = vector.shape_cast %swap3A_506 : vector<16xf32> to vector<16xf32>
        %swap3A_508 = vector.shape_cast %add3A_498 : vector<16xf32> to vector<16xf32>
        tpu.vector_store %arg8[%swap3A_505], %swap3A_508 {strides = array<i32>} : memref<32768xf32, #tpu.memory_space<vmem>>, vector<16xf32>,
        %add3A_509 = vector.broadcast %select_n3A_304 : f32 to vector<16xf32>
        %add3A_510 = arith.addf %get3A_436, %add3A_509 : vector<16xf32>
        %mul3A_511 = arith.constant 8 : i32
        %mul3A_512 = arith.muli %multiple_of3A_329, %mul3A_511 : i32
        %add3A_513 = arith.constant 768 : i32
        %add3A_514 = arith.addi %mul3A_512, %add3A_513 : i32
        %add3A_515 = arith.constant 16 : i32
        %add3A_516 = arith.addi %add3A_514, %add3A_515 : i32
        %swap3A_517 = arith.index_cast %add3A_516 : i32 to index
        %swap3A_518 = tpu.vector_load %arg8[%swap3A_517] {strides = array<i32>} : memref<32768xf32, #tpu.memory_space<vmem>>, vector<16xf32>,
        %swap3A_519 = vector.shape_cast %swap3A_518 : vector<16xf32> to vector<16xf32>
        %swap3A_520 = vector.shape_cast %add3A_510 : vector<16xf32> to vector<16xf32>
        tpu.vector_store %arg8[%swap3A_517], %swap3A_520 {strides = array<i32>} : memref<32768xf32, #tpu.memory_space<vmem>>, vector<16xf32>,
        %add3A_521 = vector.broadcast %select_n3A_309 : f32 to vector<16xf32>
        %add3A_522 = arith.addf %get3A_436, %add3A_521 : vector<16xf32>
        %mul3A_523 = arith.constant 8 : i32
        %mul3A_524 = arith.muli %multiple_of3A_329, %mul3A_523 : i32
        %add3A_525 = arith.constant 896 : i32
        %add3A_526 = arith.addi %mul3A_524, %add3A_525 : i32
        %add3A_527 = arith.constant 16 : i32
        %add3A_528 = arith.addi %add3A_526, %add3A_527 : i32
        %swap3A_529 = arith.index_cast %add3A_528 : i32 to index
        %swap3A_530 = tpu.vector_load %arg8[%swap3A_529] {strides = array<i32>} : memref<32768xf32, #tpu.memory_space<vmem>>, vector<16xf32>,
        %swap3A_531 = vector.shape_cast %swap3A_530 : vector<16xf32> to vector<16xf32>
        %swap3A_532 = vector.shape_cast %add3A_522 : vector<16xf32> to vector<16xf32>
        tpu.vector_store %arg8[%swap3A_529], %swap3A_532 {strides = array<i32>} : memref<32768xf32, #tpu.memory_space<vmem>>, vector<16xf32>,
        %add3A_533 = arith.constant 32 : i32
        %add3A_534 = arith.addi %multiple_of3A_329, %add3A_533 : i32
        %get3A_535 = arith.index_cast %sub3A_204 : i32 to index
        %get3A_536 = arith.index_cast %add3A_534 : i32 to index
        %get3A_537 = tpu.vector_load %arg5[%get3A_535, %get3A_536] {strides = array<i32>} : memref<8x4096xf32, #tpu.memory_space<vmem>>, vector<1x16xf32>,
        %get3A_538 = vector.shape_cast %get3A_537 : vector<1x16xf32> to vector<16xf32>
        %add3A_539 = vector.broadcast %select_n3A_274 : f32 to vector<16xf32>
        %add3A_540 = arith.addf %get3A_538, %add3A_539 : vector<16xf32>
        %mul3A_541 = arith.constant 8 : i32
        %mul3A_542 = arith.muli %multiple_of3A_329, %mul3A_541 : i32
        %add3A_543 = arith.constant 0 : i32
        %add3A_544 = arith.addi %mul3A_542, %add3A_543 : i32
        %add3A_545 = arith.constant 32 : i32
        %add3A_546 = arith.addi %add3A_544, %add3A_545 : i32
        %swap3A_547 = arith.index_cast %add3A_546 : i32 to index
        %swap3A_548 = tpu.vector_load %arg8[%swap3A_547] {strides = array<i32>} : memref<32768xf32, #tpu.memory_space<vmem>>, vector<16xf32>,
        %swap3A_549 = vector.shape_cast %swap3A_548 : vector<16xf32> to vector<16xf32>
        %swap3A_550 = vector.shape_cast %add3A_540 : vector<16xf32> to vector<16xf32>
        tpu.vector_store %arg8[%swap3A_547], %swap3A_550 {strides = array<i32>} : memref<32768xf32, #tpu.memory_space<vmem>>, vector<16xf32>,
        %add3A_551 = vector.broadcast %select_n3A_279 : f32 to vector<16xf32>
        %add3A_552 = arith.addf %get3A_538, %add3A_551 : vector<16xf32>
        %mul3A_553 = arith.constant 8 : i32
        %mul3A_554 = arith.muli %multiple_of3A_329, %mul3A_553 : i32
        %add3A_555 = arith.constant 128 : i32
        %add3A_556 = arith.addi %mul3A_554, %add3A_555 : i32
        %add3A_557 = arith.constant 32 : i32
        %add3A_558 = arith.addi %add3A_556, %add3A_557 : i32
        %swap3A_559 = arith.index_cast %add3A_558 : i32 to index
        %swap3A_560 = tpu.vector_load %arg8[%swap3A_559] {strides = array<i32>} : memref<32768xf32, #tpu.memory_space<vmem>>, vector<16xf32>,
        %swap3A_561 = vector.shape_cast %swap3A_560 : vector<16xf32> to vector<16xf32>
        %swap3A_562 = vector.shape_cast %add3A_552 : vector<16xf32> to vector<16xf32>
        tpu.vector_store %arg8[%swap3A_559], %swap3A_562 {strides = array<i32>} : memref<32768xf32, #tpu.memory_space<vmem>>, vector<16xf32>,
        %add3A_563 = vector.broadcast %select_n3A_284 : f32 to vector<16xf32>
        %add3A_564 = arith.addf %get3A_538, %add3A_563 : vector<16xf32>
        %mul3A_565 = arith.constant 8 : i32
        %mul3A_566 = arith.muli %multiple_of3A_329, %mul3A_565 : i32
        %add3A_567 = arith.constant 256 : i32
        %add3A_568 = arith.addi %mul3A_566, %add3A_567 : i32
        %add3A_569 = arith.constant 32 : i32
        %add3A_570 = arith.addi %add3A_568, %add3A_569 : i32
        %swap3A_571 = arith.index_cast %add3A_570 : i32 to index
        %swap3A_572 = tpu.vector_load %arg8[%swap3A_571] {strides = array<i32>} : memref<32768xf32, #tpu.memory_space<vmem>>, vector<16xf32>,
        %swap3A_573 = vector.shape_cast %swap3A_572 : vector<16xf32> to vector<16xf32>
        %swap3A_574 = vector.shape_cast %add3A_564 : vector<16xf32> to vector<16xf32>
        tpu.vector_store %arg8[%swap3A_571], %swap3A_574 {strides = array<i32>} : memref<32768xf32, #tpu.memory_space<vmem>>, vector<16xf32>,
        %add3A_575 = vector.broadcast %select_n3A_289 : f32 to vector<16xf32>
        %add3A_576 = arith.addf %get3A_538, %add3A_575 : vector<16xf32>
        %mul3A_577 = arith.constant 8 : i32
        %mul3A_578 = arith.muli %multiple_of3A_329, %mul3A_577 : i32
        %add3A_579 = arith.constant 384 : i32
        %add3A_580 = arith.addi %mul3A_578, %add3A_579 : i32
        %add3A_581 = arith.constant 32 : i32
        %add3A_582 = arith.addi %add3A_580, %add3A_581 : i32
        %swap3A_583 = arith.index_cast %add3A_582 : i32 to index
        %swap3A_584 = tpu.vector_load %arg8[%swap3A_583] {strides = array<i32>} : memref<32768xf32, #tpu.memory_space<vmem>>, vector<16xf32>,
        %swap3A_585 = vector.shape_cast %swap3A_584 : vector<16xf32> to vector<16xf32>
        %swap3A_586 = vector.shape_cast %add3A_576 : vector<16xf32> to vector<16xf32>
        tpu.vector_store %arg8[%swap3A_583], %swap3A_586 {strides = array<i32>} : memref<32768xf32, #tpu.memory_space<vmem>>, vector<16xf32>,
        %add3A_587 = vector.broadcast %select_n3A_294 : f32 to vector<16xf32>
        %add3A_588 = arith.addf %get3A_538, %add3A_587 : vector<16xf32>
        %mul3A_589 = arith.constant 8 : i32
        %mul3A_590 = arith.muli %multiple_of3A_329, %mul3A_589 : i32
        %add3A_591 = arith.constant 512 : i32
        %add3A_592 = arith.addi %mul3A_590, %add3A_591 : i32
        %add3A_593 = arith.constant 32 : i32
        %add3A_594 = arith.addi %add3A_592, %add3A_593 : i32
        %swap3A_595 = arith.index_cast %add3A_594 : i32 to index
        %swap3A_596 = tpu.vector_load %arg8[%swap3A_595] {strides = array<i32>} : memref<32768xf32, #tpu.memory_space<vmem>>, vector<16xf32>,
        %swap3A_597 = vector.shape_cast %swap3A_596 : vector<16xf32> to vector<16xf32>
        %swap3A_598 = vector.shape_cast %add3A_588 : vector<16xf32> to vector<16xf32>
        tpu.vector_store %arg8[%swap3A_595], %swap3A_598 {strides = array<i32>} : memref<32768xf32, #tpu.memory_space<vmem>>, vector<16xf32>,
        %add3A_599 = vector.broadcast %select_n3A_299 : f32 to vector<16xf32>
        %add3A_600 = arith.addf %get3A_538, %add3A_599 : vector<16xf32>
        %mul3A_601 = arith.constant 8 : i32
        %mul3A_602 = arith.muli %multiple_of3A_329, %mul3A_601 : i32
        %add3A_603 = arith.constant 640 : i32
        %add3A_604 = arith.addi %mul3A_602, %add3A_603 : i32
        %add3A_605 = arith.constant 32 : i32
        %add3A_606 = arith.addi %add3A_604, %add3A_605 : i32
        %swap3A_607 = arith.index_cast %add3A_606 : i32 to index
        %swap3A_608 = tpu.vector_load %arg8[%swap3A_607] {strides = array<i32>} : memref<32768xf32, #tpu.memory_space<vmem>>, vector<16xf32>,
        %swap3A_609 = vector.shape_cast %swap3A_608 : vector<16xf32> to vector<16xf32>
        %swap3A_610 = vector.shape_cast %add3A_600 : vector<16xf32> to vector<16xf32>
        tpu.vector_store %arg8[%swap3A_607], %swap3A_610 {strides = array<i32>} : memref<32768xf32, #tpu.memory_space<vmem>>, vector<16xf32>,
        %add3A_611 = vector.broadcast %select_n3A_304 : f32 to vector<16xf32>
        %add3A_612 = arith.addf %get3A_538, %add3A_611 : vector<16xf32>
        %mul3A_613 = arith.constant 8 : i32
        %mul3A_614 = arith.muli %multiple_of3A_329, %mul3A_613 : i32
        %add3A_615 = arith.constant 768 : i32
        %add3A_616 = arith.addi %mul3A_614, %add3A_615 : i32
        %add3A_617 = arith.constant 32 : i32
        %add3A_618 = arith.addi %add3A_616, %add3A_617 : i32
        %swap3A_619 = arith.index_cast %add3A_618 : i32 to index
        %swap3A_620 = tpu.vector_load %arg8[%swap3A_619] {strides = array<i32>} : memref<32768xf32, #tpu.memory_space<vmem>>, vector<16xf32>,
        %swap3A_621 = vector.shape_cast %swap3A_620 : vector<16xf32> to vector<16xf32>
        %swap3A_622 = vector.shape_cast %add3A_612 : vector<16xf32> to vector<16xf32>
        tpu.vector_store %arg8[%swap3A_619], %swap3A_622 {strides = array<i32>} : memref<32768xf32, #tpu.memory_space<vmem>>, vector<16xf32>,
        %add3A_623 = vector.broadcast %select_n3A_309 : f32 to vector<16xf32>
        %add3A_624 = arith.addf %get3A_538, %add3A_623 : vector<16xf32>
        %mul3A_625 = arith.constant 8 : i32
        %mul3A_626 = arith.muli %multiple_of3A_329, %mul3A_625 : i32
        %add3A_627 = arith.constant 896 : i32
        %add3A_628 = arith.addi %mul3A_626, %add3A_627 : i32
        %add3A_629 = arith.constant 32 : i32
        %add3A_630 = arith.addi %add3A_628, %add3A_629 : i32
        %swap3A_631 = arith.index_cast %add3A_630 : i32 to index
        %swap3A_632 = tpu.vector_load %arg8[%swap3A_631] {strides = array<i32>} : memref<32768xf32, #tpu.memory_space<vmem>>, vector<16xf32>,
        %swap3A_633 = vector.shape_cast %swap3A_632 : vector<16xf32> to vector<16xf32>
        %swap3A_634 = vector.shape_cast %add3A_624 : vector<16xf32> to vector<16xf32>
        tpu.vector_store %arg8[%swap3A_631], %swap3A_634 {strides = array<i32>} : memref<32768xf32, #tpu.memory_space<vmem>>, vector<16xf32>,
        %add3A_635 = arith.constant 48 : i32
        %add3A_636 = arith.addi %multiple_of3A_329, %add3A_635 : i32
        %get3A_637 = arith.index_cast %sub3A_204 : i32 to index
        %get3A_638 = arith.index_cast %add3A_636 : i32 to index
        %get3A_639 = tpu.vector_load %arg5[%get3A_637, %get3A_638] {strides = array<i32>} : memref<8x4096xf32, #tpu.memory_space<vmem>>, vector<1x16xf32>,
        %get3A_640 = vector.shape_cast %get3A_639 : vector<1x16xf32> to vector<16xf32>
        %add3A_641 = vector.broadcast %select_n3A_274 : f32 to vector<16xf32>
        %add3A_642 = arith.addf %get3A_640, %add3A_641 : vector<16xf32>
        %mul3A_643 = arith.constant 8 : i32
        %mul3A_644 = arith.muli %multiple_of3A_329, %mul3A_643 : i32
        %add3A_645 = arith.constant 0 : i32
        %add3A_646 = arith.addi %mul3A_644, %add3A_645 : i32
        %add3A_647 = arith.constant 48 : i32
        %add3A_648 = arith.addi %add3A_646, %add3A_647 : i32
        %swap3A_649 = arith.index_cast %add3A_648 : i32 to index
        %swap3A_650 = tpu.vector_load %arg8[%swap3A_649] {strides = array<i32>} : memref<32768xf32, #tpu.memory_space<vmem>>, vector<16xf32>,
        %swap3A_651 = vector.shape_cast %swap3A_650 : vector<16xf32> to vector<16xf32>
        %swap3A_652 = vector.shape_cast %add3A_642 : vector<16xf32> to vector<16xf32>
        tpu.vector_store %arg8[%swap3A_649], %swap3A_652 {strides = array<i32>} : memref<32768xf32, #tpu.memory_space<vmem>>, vector<16xf32>,
        %add3A_653 = vector.broadcast %select_n3A_279 : f32 to vector<16xf32>
        %add3A_654 = arith.addf %get3A_640, %add3A_653 : vector<16xf32>
        %mul3A_655 = arith.constant 8 : i32
        %mul3A_656 = arith.muli %multiple_of3A_329, %mul3A_655 : i32
        %add3A_657 = arith.constant 128 : i32
        %add3A_658 = arith.addi %mul3A_656, %add3A_657 : i32
        %add3A_659 = arith.constant 48 : i32
        %add3A_660 = arith.addi %add3A_658, %add3A_659 : i32
        %swap3A_661 = arith.index_cast %add3A_660 : i32 to index
        %swap3A_662 = tpu.vector_load %arg8[%swap3A_661] {strides = array<i32>} : memref<32768xf32, #tpu.memory_space<vmem>>, vector<16xf32>,
        %swap3A_663 = vector.shape_cast %swap3A_662 : vector<16xf32> to vector<16xf32>
        %swap3A_664 = vector.shape_cast %add3A_654 : vector<16xf32> to vector<16xf32>
        tpu.vector_store %arg8[%swap3A_661], %swap3A_664 {strides = array<i32>} : memref<32768xf32, #tpu.memory_space<vmem>>, vector<16xf32>,
        %add3A_665 = vector.broadcast %select_n3A_284 : f32 to vector<16xf32>
        %add3A_666 = arith.addf %get3A_640, %add3A_665 : vector<16xf32>
        %mul3A_667 = arith.constant 8 : i32
        %mul3A_668 = arith.muli %multiple_of3A_329, %mul3A_667 : i32
        %add3A_669 = arith.constant 256 : i32
        %add3A_670 = arith.addi %mul3A_668, %add3A_669 : i32
        %add3A_671 = arith.constant 48 : i32
        %add3A_672 = arith.addi %add3A_670, %add3A_671 : i32
        %swap3A_673 = arith.index_cast %add3A_672 : i32 to index
        %swap3A_674 = tpu.vector_load %arg8[%swap3A_673] {strides = array<i32>} : memref<32768xf32, #tpu.memory_space<vmem>>, vector<16xf32>,
        %swap3A_675 = vector.shape_cast %swap3A_674 : vector<16xf32> to vector<16xf32>
        %swap3A_676 = vector.shape_cast %add3A_666 : vector<16xf32> to vector<16xf32>
        tpu.vector_store %arg8[%swap3A_673], %swap3A_676 {strides = array<i32>} : memref<32768xf32, #tpu.memory_space<vmem>>, vector<16xf32>,
        %add3A_677 = vector.broadcast %select_n3A_289 : f32 to vector<16xf32>
        %add3A_678 = arith.addf %get3A_640, %add3A_677 : vector<16xf32>
        %mul3A_679 = arith.constant 8 : i32
        %mul3A_680 = arith.muli %multiple_of3A_329, %mul3A_679 : i32
        %add3A_681 = arith.constant 384 : i32
        %add3A_682 = arith.addi %mul3A_680, %add3A_681 : i32
        %add3A_683 = arith.constant 48 : i32
        %add3A_684 = arith.addi %add3A_682, %add3A_683 : i32
        %swap3A_685 = arith.index_cast %add3A_684 : i32 to index
        %swap3A_686 = tpu.vector_load %arg8[%swap3A_685] {strides = array<i32>} : memref<32768xf32, #tpu.memory_space<vmem>>, vector<16xf32>,
        %swap3A_687 = vector.shape_cast %swap3A_686 : vector<16xf32> to vector<16xf32>
        %swap3A_688 = vector.shape_cast %add3A_678 : vector<16xf32> to vector<16xf32>
        tpu.vector_store %arg8[%swap3A_685], %swap3A_688 {strides = array<i32>} : memref<32768xf32, #tpu.memory_space<vmem>>, vector<16xf32>,
        %add3A_689 = vector.broadcast %select_n3A_294 : f32 to vector<16xf32>
        %add3A_690 = arith.addf %get3A_640, %add3A_689 : vector<16xf32>
        %mul3A_691 = arith.constant 8 : i32
        %mul3A_692 = arith.muli %multiple_of3A_329, %mul3A_691 : i32
        %add3A_693 = arith.constant 512 : i32
        %add3A_694 = arith.addi %mul3A_692, %add3A_693 : i32
        %add3A_695 = arith.constant 48 : i32
        %add3A_696 = arith.addi %add3A_694, %add3A_695 : i32
        %swap3A_697 = arith.index_cast %add3A_696 : i32 to index
        %swap3A_698 = tpu.vector_load %arg8[%swap3A_697] {strides = array<i32>} : memref<32768xf32, #tpu.memory_space<vmem>>, vector<16xf32>,
        %swap3A_699 = vector.shape_cast %swap3A_698 : vector<16xf32> to vector<16xf32>
        %swap3A_700 = vector.shape_cast %add3A_690 : vector<16xf32> to vector<16xf32>
        tpu.vector_store %arg8[%swap3A_697], %swap3A_700 {strides = array<i32>} : memref<32768xf32, #tpu.memory_space<vmem>>, vector<16xf32>,
        %add3A_701 = vector.broadcast %select_n3A_299 : f32 to vector<16xf32>
        %add3A_702 = arith.addf %get3A_640, %add3A_701 : vector<16xf32>
        %mul3A_703 = arith.constant 8 : i32
        %mul3A_704 = arith.muli %multiple_of3A_329, %mul3A_703 : i32
        %add3A_705 = arith.constant 640 : i32
        %add3A_706 = arith.addi %mul3A_704, %add3A_705 : i32
        %add3A_707 = arith.constant 48 : i32
        %add3A_708 = arith.addi %add3A_706, %add3A_707 : i32
        %swap3A_709 = arith.index_cast %add3A_708 : i32 to index
        %swap3A_710 = tpu.vector_load %arg8[%swap3A_709] {strides = array<i32>} : memref<32768xf32, #tpu.memory_space<vmem>>, vector<16xf32>,
        %swap3A_711 = vector.shape_cast %swap3A_710 : vector<16xf32> to vector<16xf32>
        %swap3A_712 = vector.shape_cast %add3A_702 : vector<16xf32> to vector<16xf32>
        tpu.vector_store %arg8[%swap3A_709], %swap3A_712 {strides = array<i32>} : memref<32768xf32, #tpu.memory_space<vmem>>, vector<16xf32>,
        %add3A_713 = vector.broadcast %select_n3A_304 : f32 to vector<16xf32>
        %add3A_714 = arith.addf %get3A_640, %add3A_713 : vector<16xf32>
        %mul3A_715 = arith.constant 8 : i32
        %mul3A_716 = arith.muli %multiple_of3A_329, %mul3A_715 : i32
        %add3A_717 = arith.constant 768 : i32
        %add3A_718 = arith.addi %mul3A_716, %add3A_717 : i32
        %add3A_719 = arith.constant 48 : i32
        %add3A_720 = arith.addi %add3A_718, %add3A_719 : i32
        %swap3A_721 = arith.index_cast %add3A_720 : i32 to index
        %swap3A_722 = tpu.vector_load %arg8[%swap3A_721] {strides = array<i32>} : memref<32768xf32, #tpu.memory_space<vmem>>, vector<16xf32>,
        %swap3A_723 = vector.shape_cast %swap3A_722 : vector<16xf32> to vector<16xf32>
        %swap3A_724 = vector.shape_cast %add3A_714 : vector<16xf32> to vector<16xf32>
        tpu.vector_store %arg8[%swap3A_721], %swap3A_724 {strides = array<i32>} : memref<32768xf32, #tpu.memory_space<vmem>>, vector<16xf32>,
        %add3A_725 = vector.broadcast %select_n3A_309 : f32 to vector<16xf32>
        %add3A_726 = arith.addf %get3A_640, %add3A_725 : vector<16xf32>
        %mul3A_727 = arith.constant 8 : i32
        %mul3A_728 = arith.muli %multiple_of3A_329, %mul3A_727 : i32
        %add3A_729 = arith.constant 896 : i32
        %add3A_730 = arith.addi %mul3A_728, %add3A_729 : i32
        %add3A_731 = arith.constant 48 : i32
        %add3A_732 = arith.addi %add3A_730, %add3A_731 : i32
        %swap3A_733 = arith.index_cast %add3A_732 : i32 to index
        %swap3A_734 = tpu.vector_load %arg8[%swap3A_733] {strides = array<i32>} : memref<32768xf32, #tpu.memory_space<vmem>>, vector<16xf32>,
        %swap3A_735 = vector.shape_cast %swap3A_734 : vector<16xf32> to vector<16xf32>
        %swap3A_736 = vector.shape_cast %add3A_726 : vector<16xf32> to vector<16xf32>
        tpu.vector_store %arg8[%swap3A_733], %swap3A_736 {strides = array<i32>} : memref<32768xf32, #tpu.memory_space<vmem>>, vector<16xf32>,
        %add3A_737 = arith.constant 64 : i32
        %add3A_738 = arith.addi %multiple_of3A_329, %add3A_737 : i32
        %get3A_739 = arith.index_cast %sub3A_204 : i32 to index
        %get3A_740 = arith.index_cast %add3A_738 : i32 to index
        %get3A_741 = tpu.vector_load %arg5[%get3A_739, %get3A_740] {strides = array<i32>} : memref<8x4096xf32, #tpu.memory_space<vmem>>, vector<1x16xf32>,
        %get3A_742 = vector.shape_cast %get3A_741 : vector<1x16xf32> to vector<16xf32>
        %add3A_743 = vector.broadcast %select_n3A_274 : f32 to vector<16xf32>
        %add3A_744 = arith.addf %get3A_742, %add3A_743 : vector<16xf32>
        %mul3A_745 = arith.constant 8 : i32
        %mul3A_746 = arith.muli %multiple_of3A_329, %mul3A_745 : i32
        %add3A_747 = arith.constant 0 : i32
        %add3A_748 = arith.addi %mul3A_746, %add3A_747 : i32
        %add3A_749 = arith.constant 64 : i32
        %add3A_750 = arith.addi %add3A_748, %add3A_749 : i32
        %swap3A_751 = arith.index_cast %add3A_750 : i32 to index
        %swap3A_752 = tpu.vector_load %arg8[%swap3A_751] {strides = array<i32>} : memref<32768xf32, #tpu.memory_space<vmem>>, vector<16xf32>,
        %swap3A_753 = vector.shape_cast %swap3A_752 : vector<16xf32> to vector<16xf32>
        %swap3A_754 = vector.shape_cast %add3A_744 : vector<16xf32> to vector<16xf32>
        tpu.vector_store %arg8[%swap3A_751], %swap3A_754 {strides = array<i32>} : memref<32768xf32, #tpu.memory_space<vmem>>, vector<16xf32>,
        %add3A_755 = vector.broadcast %select_n3A_279 : f32 to vector<16xf32>
        %add3A_756 = arith.addf %get3A_742, %add3A_755 : vector<16xf32>
        %mul3A_757 = arith.constant 8 : i32
        %mul3A_758 = arith.muli %multiple_of3A_329, %mul3A_757 : i32
        %add3A_759 = arith.constant 128 : i32
        %add3A_760 = arith.addi %mul3A_758, %add3A_759 : i32
        %add3A_761 = arith.constant 64 : i32
        %add3A_762 = arith.addi %add3A_760, %add3A_761 : i32
        %swap3A_763 = arith.index_cast %add3A_762 : i32 to index
        %swap3A_764 = tpu.vector_load %arg8[%swap3A_763] {strides = array<i32>} : memref<32768xf32, #tpu.memory_space<vmem>>, vector<16xf32>,
        %swap3A_765 = vector.shape_cast %swap3A_764 : vector<16xf32> to vector<16xf32>
        %swap3A_766 = vector.shape_cast %add3A_756 : vector<16xf32> to vector<16xf32>
        tpu.vector_store %arg8[%swap3A_763], %swap3A_766 {strides = array<i32>} : memref<32768xf32, #tpu.memory_space<vmem>>, vector<16xf32>,
        %add3A_767 = vector.broadcast %select_n3A_284 : f32 to vector<16xf32>
        %add3A_768 = arith.addf %get3A_742, %add3A_767 : vector<16xf32>
        %mul3A_769 = arith.constant 8 : i32
        %mul3A_770 = arith.muli %multiple_of3A_329, %mul3A_769 : i32
        %add3A_771 = arith.constant 256 : i32
        %add3A_772 = arith.addi %mul3A_770, %add3A_771 : i32
        %add3A_773 = arith.constant 64 : i32
        %add3A_774 = arith.addi %add3A_772, %add3A_773 : i32
        %swap3A_775 = arith.index_cast %add3A_774 : i32 to index
        %swap3A_776 = tpu.vector_load %arg8[%swap3A_775] {strides = array<i32>} : memref<32768xf32, #tpu.memory_space<vmem>>, vector<16xf32>,
        %swap3A_777 = vector.shape_cast %swap3A_776 : vector<16xf32> to vector<16xf32>
        %swap3A_778 = vector.shape_cast %add3A_768 : vector<16xf32> to vector<16xf32>
        tpu.vector_store %arg8[%swap3A_775], %swap3A_778 {strides = array<i32>} : memref<32768xf32, #tpu.memory_space<vmem>>, vector<16xf32>,
        %add3A_779 = vector.broadcast %select_n3A_289 : f32 to vector<16xf32>
        %add3A_780 = arith.addf %get3A_742, %add3A_779 : vector<16xf32>
        %mul3A_781 = arith.constant 8 : i32
        %mul3A_782 = arith.muli %multiple_of3A_329, %mul3A_781 : i32
        %add3A_783 = arith.constant 384 : i32
        %add3A_784 = arith.addi %mul3A_782, %add3A_783 : i32
        %add3A_785 = arith.constant 64 : i32
        %add3A_786 = arith.addi %add3A_784, %add3A_785 : i32
        %swap3A_787 = arith.index_cast %add3A_786 : i32 to index
        %swap3A_788 = tpu.vector_load %arg8[%swap3A_787] {strides = array<i32>} : memref<32768xf32, #tpu.memory_space<vmem>>, vector<16xf32>,
        %swap3A_789 = vector.shape_cast %swap3A_788 : vector<16xf32> to vector<16xf32>
        %swap3A_790 = vector.shape_cast %add3A_780 : vector<16xf32> to vector<16xf32>
        tpu.vector_store %arg8[%swap3A_787], %swap3A_790 {strides = array<i32>} : memref<32768xf32, #tpu.memory_space<vmem>>, vector<16xf32>,
        %add3A_791 = vector.broadcast %select_n3A_294 : f32 to vector<16xf32>
        %add3A_792 = arith.addf %get3A_742, %add3A_791 : vector<16xf32>
        %mul3A_793 = arith.constant 8 : i32
        %mul3A_794 = arith.muli %multiple_of3A_329, %mul3A_793 : i32
        %add3A_795 = arith.constant 512 : i32
        %add3A_796 = arith.addi %mul3A_794, %add3A_795 : i32
        %add3A_797 = arith.constant 64 : i32
        %add3A_798 = arith.addi %add3A_796, %add3A_797 : i32
        %swap3A_799 = arith.index_cast %add3A_798 : i32 to index
        %swap3A_800 = tpu.vector_load %arg8[%swap3A_799] {strides = array<i32>} : memref<32768xf32, #tpu.memory_space<vmem>>, vector<16xf32>,
        %swap3A_801 = vector.shape_cast %swap3A_800 : vector<16xf32> to vector<16xf32>
        %swap3A_802 = vector.shape_cast %add3A_792 : vector<16xf32> to vector<16xf32>
        tpu.vector_store %arg8[%swap3A_799], %swap3A_802 {strides = array<i32>} : memref<32768xf32, #tpu.memory_space<vmem>>, vector<16xf32>,
        %add3A_803 = vector.broadcast %select_n3A_299 : f32 to vector<16xf32>
        %add3A_804 = arith.addf %get3A_742, %add3A_803 : vector<16xf32>
        %mul3A_805 = arith.constant 8 : i32
        %mul3A_806 = arith.muli %multiple_of3A_329, %mul3A_805 : i32
        %add3A_807 = arith.constant 640 : i32
        %add3A_808 = arith.addi %mul3A_806, %add3A_807 : i32
        %add3A_809 = arith.constant 64 : i32
        %add3A_810 = arith.addi %add3A_808, %add3A_809 : i32
        %swap3A_811 = arith.index_cast %add3A_810 : i32 to index
        %swap3A_812 = tpu.vector_load %arg8[%swap3A_811] {strides = array<i32>} : memref<32768xf32, #tpu.memory_space<vmem>>, vector<16xf32>,
        %swap3A_813 = vector.shape_cast %swap3A_812 : vector<16xf32> to vector<16xf32>
        %swap3A_814 = vector.shape_cast %add3A_804 : vector<16xf32> to vector<16xf32>
        tpu.vector_store %arg8[%swap3A_811], %swap3A_814 {strides = array<i32>} : memref<32768xf32, #tpu.memory_space<vmem>>, vector<16xf32>,
        %add3A_815 = vector.broadcast %select_n3A_304 : f32 to vector<16xf32>
        %add3A_816 = arith.addf %get3A_742, %add3A_815 : vector<16xf32>
        %mul3A_817 = arith.constant 8 : i32
        %mul3A_818 = arith.muli %multiple_of3A_329, %mul3A_817 : i32
        %add3A_819 = arith.constant 768 : i32
        %add3A_820 = arith.addi %mul3A_818, %add3A_819 : i32
        %add3A_821 = arith.constant 64 : i32
        %add3A_822 = arith.addi %add3A_820, %add3A_821 : i32
        %swap3A_823 = arith.index_cast %add3A_822 : i32 to index
        %swap3A_824 = tpu.vector_load %arg8[%swap3A_823] {strides = array<i32>} : memref<32768xf32, #tpu.memory_space<vmem>>, vector<16xf32>,
        %swap3A_825 = vector.shape_cast %swap3A_824 : vector<16xf32> to vector<16xf32>
        %swap3A_826 = vector.shape_cast %add3A_816 : vector<16xf32> to vector<16xf32>
        tpu.vector_store %arg8[%swap3A_823], %swap3A_826 {strides = array<i32>} : memref<32768xf32, #tpu.memory_space<vmem>>, vector<16xf32>,
        %add3A_827 = vector.broadcast %select_n3A_309 : f32 to vector<16xf32>
        %add3A_828 = arith.addf %get3A_742, %add3A_827 : vector<16xf32>
        %mul3A_829 = arith.constant 8 : i32
        %mul3A_830 = arith.muli %multiple_of3A_329, %mul3A_829 : i32
        %add3A_831 = arith.constant 896 : i32
        %add3A_832 = arith.addi %mul3A_830, %add3A_831 : i32
        %add3A_833 = arith.constant 64 : i32
        %add3A_834 = arith.addi %add3A_832, %add3A_833 : i32
        %swap3A_835 = arith.index_cast %add3A_834 : i32 to index
        %swap3A_836 = tpu.vector_load %arg8[%swap3A_835] {strides = array<i32>} : memref<32768xf32, #tpu.memory_space<vmem>>, vector<16xf32>,
        %swap3A_837 = vector.shape_cast %swap3A_836 : vector<16xf32> to vector<16xf32>
        %swap3A_838 = vector.shape_cast %add3A_828 : vector<16xf32> to vector<16xf32>
        tpu.vector_store %arg8[%swap3A_835], %swap3A_838 {strides = array<i32>} : memref<32768xf32, #tpu.memory_space<vmem>>, vector<16xf32>,
        %add3A_839 = arith.constant 80 : i32
        %add3A_840 = arith.addi %multiple_of3A_329, %add3A_839 : i32
        %get3A_841 = arith.index_cast %sub3A_204 : i32 to index
        %get3A_842 = arith.index_cast %add3A_840 : i32 to index
        %get3A_843 = tpu.vector_load %arg5[%get3A_841, %get3A_842] {strides = array<i32>} : memref<8x4096xf32, #tpu.memory_space<vmem>>, vector<1x16xf32>,
        %get3A_844 = vector.shape_cast %get3A_843 : vector<1x16xf32> to vector<16xf32>
        %add3A_845 = vector.broadcast %select_n3A_274 : f32 to vector<16xf32>
        %add3A_846 = arith.addf %get3A_844, %add3A_845 : vector<16xf32>
        %mul3A_847 = arith.constant 8 : i32
        %mul3A_848 = arith.muli %multiple_of3A_329, %mul3A_847 : i32
        %add3A_849 = arith.constant 0 : i32
        %add3A_850 = arith.addi %mul3A_848, %add3A_849 : i32
        %add3A_851 = arith.constant 80 : i32
        %add3A_852 = arith.addi %add3A_850, %add3A_851 : i32
        %swap3A_853 = arith.index_cast %add3A_852 : i32 to index
        %swap3A_854 = tpu.vector_load %arg8[%swap3A_853] {strides = array<i32>} : memref<32768xf32, #tpu.memory_space<vmem>>, vector<16xf32>,
        %swap3A_855 = vector.shape_cast %swap3A_854 : vector<16xf32> to vector<16xf32>
        %swap3A_856 = vector.shape_cast %add3A_846 : vector<16xf32> to vector<16xf32>
        tpu.vector_store %arg8[%swap3A_853], %swap3A_856 {strides = array<i32>} : memref<32768xf32, #tpu.memory_space<vmem>>, vector<16xf32>,
        %add3A_857 = vector.broadcast %select_n3A_279 : f32 to vector<16xf32>
        %add3A_858 = arith.addf %get3A_844, %add3A_857 : vector<16xf32>
        %mul3A_859 = arith.constant 8 : i32
        %mul3A_860 = arith.muli %multiple_of3A_329, %mul3A_859 : i32
        %add3A_861 = arith.constant 128 : i32
        %add3A_862 = arith.addi %mul3A_860, %add3A_861 : i32
        %add3A_863 = arith.constant 80 : i32
        %add3A_864 = arith.addi %add3A_862, %add3A_863 : i32
        %swap3A_865 = arith.index_cast %add3A_864 : i32 to index
        %swap3A_866 = tpu.vector_load %arg8[%swap3A_865] {strides = array<i32>} : memref<32768xf32, #tpu.memory_space<vmem>>, vector<16xf32>,
        %swap3A_867 = vector.shape_cast %swap3A_866 : vector<16xf32> to vector<16xf32>
        %swap3A_868 = vector.shape_cast %add3A_858 : vector<16xf32> to vector<16xf32>
        tpu.vector_store %arg8[%swap3A_865], %swap3A_868 {strides = array<i32>} : memref<32768xf32, #tpu.memory_space<vmem>>, vector<16xf32>,
        %add3A_869 = vector.broadcast %select_n3A_284 : f32 to vector<16xf32>
        %add3A_870 = arith.addf %get3A_844, %add3A_869 : vector<16xf32>
        %mul3A_871 = arith.constant 8 : i32
        %mul3A_872 = arith.muli %multiple_of3A_329, %mul3A_871 : i32
        %add3A_873 = arith.constant 256 : i32
        %add3A_874 = arith.addi %mul3A_872, %add3A_873 : i32
        %add3A_875 = arith.constant 80 : i32
        %add3A_876 = arith.addi %add3A_874, %add3A_875 : i32
        %swap3A_877 = arith.index_cast %add3A_876 : i32 to index
        %swap3A_878 = tpu.vector_load %arg8[%swap3A_877] {strides = array<i32>} : memref<32768xf32, #tpu.memory_space<vmem>>, vector<16xf32>,
        %swap3A_879 = vector.shape_cast %swap3A_878 : vector<16xf32> to vector<16xf32>
        %swap3A_880 = vector.shape_cast %add3A_870 : vector<16xf32> to vector<16xf32>
        tpu.vector_store %arg8[%swap3A_877], %swap3A_880 {strides = array<i32>} : memref<32768xf32, #tpu.memory_space<vmem>>, vector<16xf32>,
        %add3A_881 = vector.broadcast %select_n3A_289 : f32 to vector<16xf32>
        %add3A_882 = arith.addf %get3A_844, %add3A_881 : vector<16xf32>
        %mul3A_883 = arith.constant 8 : i32
        %mul3A_884 = arith.muli %multiple_of3A_329, %mul3A_883 : i32
        %add3A_885 = arith.constant 384 : i32
        %add3A_886 = arith.addi %mul3A_884, %add3A_885 : i32
        %add3A_887 = arith.constant 80 : i32
        %add3A_888 = arith.addi %add3A_886, %add3A_887 : i32
        %swap3A_889 = arith.index_cast %add3A_888 : i32 to index
        %swap3A_890 = tpu.vector_load %arg8[%swap3A_889] {strides = array<i32>} : memref<32768xf32, #tpu.memory_space<vmem>>, vector<16xf32>,
        %swap3A_891 = vector.shape_cast %swap3A_890 : vector<16xf32> to vector<16xf32>
        %swap3A_892 = vector.shape_cast %add3A_882 : vector<16xf32> to vector<16xf32>
        tpu.vector_store %arg8[%swap3A_889], %swap3A_892 {strides = array<i32>} : memref<32768xf32, #tpu.memory_space<vmem>>, vector<16xf32>,
        %add3A_893 = vector.broadcast %select_n3A_294 : f32 to vector<16xf32>
        %add3A_894 = arith.addf %get3A_844, %add3A_893 : vector<16xf32>
        %mul3A_895 = arith.constant 8 : i32
        %mul3A_896 = arith.muli %multiple_of3A_329, %mul3A_895 : i32
        %add3A_897 = arith.constant 512 : i32
        %add3A_898 = arith.addi %mul3A_896, %add3A_897 : i32
        %add3A_899 = arith.constant 80 : i32
        %add3A_900 = arith.addi %add3A_898, %add3A_899 : i32
        %swap3A_901 = arith.index_cast %add3A_900 : i32 to index
        %swap3A_902 = tpu.vector_load %arg8[%swap3A_901] {strides = array<i32>} : memref<32768xf32, #tpu.memory_space<vmem>>, vector<16xf32>,
        %swap3A_903 = vector.shape_cast %swap3A_902 : vector<16xf32> to vector<16xf32>
        %swap3A_904 = vector.shape_cast %add3A_894 : vector<16xf32> to vector<16xf32>
        tpu.vector_store %arg8[%swap3A_901], %swap3A_904 {strides = array<i32>} : memref<32768xf32, #tpu.memory_space<vmem>>, vector<16xf32>,
        %add3A_905 = vector.broadcast %select_n3A_299 : f32 to vector<16xf32>
        %add3A_906 = arith.addf %get3A_844, %add3A_905 : vector<16xf32>
        %mul3A_907 = arith.constant 8 : i32
        %mul3A_908 = arith.muli %multiple_of3A_329, %mul3A_907 : i32
        %add3A_909 = arith.constant 640 : i32
        %add3A_910 = arith.addi %mul3A_908, %add3A_909 : i32
        %add3A_911 = arith.constant 80 : i32
        %add3A_912 = arith.addi %add3A_910, %add3A_911 : i32
        %swap3A_913 = arith.index_cast %add3A_912 : i32 to index
        %swap3A_914 = tpu.vector_load %arg8[%swap3A_913] {strides = array<i32>} : memref<32768xf32, #tpu.memory_space<vmem>>, vector<16xf32>,
        %swap3A_915 = vector.shape_cast %swap3A_914 : vector<16xf32> to vector<16xf32>
        %swap3A_916 = vector.shape_cast %add3A_906 : vector<16xf32> to vector<16xf32>
        tpu.vector_store %arg8[%swap3A_913], %swap3A_916 {strides = array<i32>} : memref<32768xf32, #tpu.memory_space<vmem>>, vector<16xf32>,
        %add3A_917 = vector.broadcast %select_n3A_304 : f32 to vector<16xf32>
        %add3A_918 = arith.addf %get3A_844, %add3A_917 : vector<16xf32>
        %mul3A_919 = arith.constant 8 : i32
        %mul3A_920 = arith.muli %multiple_of3A_329, %mul3A_919 : i32
        %add3A_921 = arith.constant 768 : i32
        %add3A_922 = arith.addi %mul3A_920, %add3A_921 : i32
        %add3A_923 = arith.constant 80 : i32
        %add3A_924 = arith.addi %add3A_922, %add3A_923 : i32
        %swap3A_925 = arith.index_cast %add3A_924 : i32 to index
        %swap3A_926 = tpu.vector_load %arg8[%swap3A_925] {strides = array<i32>} : memref<32768xf32, #tpu.memory_space<vmem>>, vector<16xf32>,
        %swap3A_927 = vector.shape_cast %swap3A_926 : vector<16xf32> to vector<16xf32>
        %swap3A_928 = vector.shape_cast %add3A_918 : vector<16xf32> to vector<16xf32>
        tpu.vector_store %arg8[%swap3A_925], %swap3A_928 {strides = array<i32>} : memref<32768xf32, #tpu.memory_space<vmem>>, vector<16xf32>,
        %add3A_929 = vector.broadcast %select_n3A_309 : f32 to vector<16xf32>
        %add3A_930 = arith.addf %get3A_844, %add3A_929 : vector<16xf32>
        %mul3A_931 = arith.constant 8 : i32
        %mul3A_932 = arith.muli %multiple_of3A_329, %mul3A_931 : i32
        %add3A_933 = arith.constant 896 : i32
        %add3A_934 = arith.addi %mul3A_932, %add3A_933 : i32
        %add3A_935 = arith.constant 80 : i32
        %add3A_936 = arith.addi %add3A_934, %add3A_935 : i32
        %swap3A_937 = arith.index_cast %add3A_936 : i32 to index
        %swap3A_938 = tpu.vector_load %arg8[%swap3A_937] {strides = array<i32>} : memref<32768xf32, #tpu.memory_space<vmem>>, vector<16xf32>,
        %swap3A_939 = vector.shape_cast %swap3A_938 : vector<16xf32> to vector<16xf32>
        %swap3A_940 = vector.shape_cast %add3A_930 : vector<16xf32> to vector<16xf32>
        tpu.vector_store %arg8[%swap3A_937], %swap3A_940 {strides = array<i32>} : memref<32768xf32, #tpu.memory_space<vmem>>, vector<16xf32>,
        %add3A_941 = arith.constant 96 : i32
        %add3A_942 = arith.addi %multiple_of3A_329, %add3A_941 : i32
        %get3A_943 = arith.index_cast %sub3A_204 : i32 to index
        %get3A_944 = arith.index_cast %add3A_942 : i32 to index
        %get3A_945 = tpu.vector_load %arg5[%get3A_943, %get3A_944] {strides = array<i32>} : memref<8x4096xf32, #tpu.memory_space<vmem>>, vector<1x16xf32>,
        %get3A_946 = vector.shape_cast %get3A_945 : vector<1x16xf32> to vector<16xf32>
        %add3A_947 = vector.broadcast %select_n3A_274 : f32 to vector<16xf32>
        %add3A_948 = arith.addf %get3A_946, %add3A_947 : vector<16xf32>
        %mul3A_949 = arith.constant 8 : i32
        %mul3A_950 = arith.muli %multiple_of3A_329, %mul3A_949 : i32
        %add3A_951 = arith.constant 0 : i32
        %add3A_952 = arith.addi %mul3A_950, %add3A_951 : i32
        %add3A_953 = arith.constant 96 : i32
        %add3A_954 = arith.addi %add3A_952, %add3A_953 : i32
        %swap3A_955 = arith.index_cast %add3A_954 : i32 to index
        %swap3A_956 = tpu.vector_load %arg8[%swap3A_955] {strides = array<i32>} : memref<32768xf32, #tpu.memory_space<vmem>>, vector<16xf32>,
        %swap3A_957 = vector.shape_cast %swap3A_956 : vector<16xf32> to vector<16xf32>
        %swap3A_958 = vector.shape_cast %add3A_948 : vector<16xf32> to vector<16xf32>
        tpu.vector_store %arg8[%swap3A_955], %swap3A_958 {strides = array<i32>} : memref<32768xf32, #tpu.memory_space<vmem>>, vector<16xf32>,
        %add3A_959 = vector.broadcast %select_n3A_279 : f32 to vector<16xf32>
        %add3A_960 = arith.addf %get3A_946, %add3A_959 : vector<16xf32>
        %mul3A_961 = arith.constant 8 : i32
        %mul3A_962 = arith.muli %multiple_of3A_329, %mul3A_961 : i32
        %add3A_963 = arith.constant 128 : i32
        %add3A_964 = arith.addi %mul3A_962, %add3A_963 : i32
        %add3A_965 = arith.constant 96 : i32
        %add3A_966 = arith.addi %add3A_964, %add3A_965 : i32
        %swap3A_967 = arith.index_cast %add3A_966 : i32 to index
        %swap3A_968 = tpu.vector_load %arg8[%swap3A_967] {strides = array<i32>} : memref<32768xf32, #tpu.memory_space<vmem>>, vector<16xf32>,
        %swap3A_969 = vector.shape_cast %swap3A_968 : vector<16xf32> to vector<16xf32>
        %swap3A_970 = vector.shape_cast %add3A_960 : vector<16xf32> to vector<16xf32>
        tpu.vector_store %arg8[%swap3A_967], %swap3A_970 {strides = array<i32>} : memref<32768xf32, #tpu.memory_space<vmem>>, vector<16xf32>,
        %add3A_971 = vector.broadcast %select_n3A_284 : f32 to vector<16xf32>
        %add3A_972 = arith.addf %get3A_946, %add3A_971 : vector<16xf32>
        %mul3A_973 = arith.constant 8 : i32
        %mul3A_974 = arith.muli %multiple_of3A_329, %mul3A_973 : i32
        %add3A_975 = arith.constant 256 : i32
        %add3A_976 = arith.addi %mul3A_974, %add3A_975 : i32
        %add3A_977 = arith.constant 96 : i32
        %add3A_978 = arith.addi %add3A_976, %add3A_977 : i32
        %swap3A_979 = arith.index_cast %add3A_978 : i32 to index
        %swap3A_980 = tpu.vector_load %arg8[%swap3A_979] {strides = array<i32>} : memref<32768xf32, #tpu.memory_space<vmem>>, vector<16xf32>,
        %swap3A_981 = vector.shape_cast %swap3A_980 : vector<16xf32> to vector<16xf32>
        %swap3A_982 = vector.shape_cast %add3A_972 : vector<16xf32> to vector<16xf32>
        tpu.vector_store %arg8[%swap3A_979], %swap3A_982 {strides = array<i32>} : memref<32768xf32, #tpu.memory_space<vmem>>, vector<16xf32>,
        %add3A_983 = vector.broadcast %select_n3A_289 : f32 to vector<16xf32>
        %add3A_984 = arith.addf %get3A_946, %add3A_983 : vector<16xf32>
        %mul3A_985 = arith.constant 8 : i32
        %mul3A_986 = arith.muli %multiple_of3A_329, %mul3A_985 : i32
        %add3A_987 = arith.constant 384 : i32
        %add3A_988 = arith.addi %mul3A_986, %add3A_987 : i32
        %add3A_989 = arith.constant 96 : i32
        %add3A_990 = arith.addi %add3A_988, %add3A_989 : i32
        %swap3A_991 = arith.index_cast %add3A_990 : i32 to index
        %swap3A_992 = tpu.vector_load %arg8[%swap3A_991] {strides = array<i32>} : memref<32768xf32, #tpu.memory_space<vmem>>, vector<16xf32>,
        %swap3A_993 = vector.shape_cast %swap3A_992 : vector<16xf32> to vector<16xf32>
        %swap3A_994 = vector.shape_cast %add3A_984 : vector<16xf32> to vector<16xf32>
        tpu.vector_store %arg8[%swap3A_991], %swap3A_994 {strides = array<i32>} : memref<32768xf32, #tpu.memory_space<vmem>>, vector<16xf32>,
        %add3A_995 = vector.broadcast %select_n3A_294 : f32 to vector<16xf32>
        %add3A_996 = arith.addf %get3A_946, %add3A_995 : vector<16xf32>
        %mul3A_997 = arith.constant 8 : i32
        %mul3A_998 = arith.muli %multiple_of3A_329, %mul3A_997 : i32
        %add3A_999 = arith.constant 512 : i32
        %add3A_1000 = arith.addi %mul3A_998, %add3A_999 : i32
        %add3A_1001 = arith.constant 96 : i32
        %add3A_1002 = arith.addi %add3A_1000, %add3A_1001 : i32
        %swap3A_1003 = arith.index_cast %add3A_1002 : i32 to index
        %swap3A_1004 = tpu.vector_load %arg8[%swap3A_1003] {strides = array<i32>} : memref<32768xf32, #tpu.memory_space<vmem>>, vector<16xf32>,
        %swap3A_1005 = vector.shape_cast %swap3A_1004 : vector<16xf32> to vector<16xf32>
        %swap3A_1006 = vector.shape_cast %add3A_996 : vector<16xf32> to vector<16xf32>
        tpu.vector_store %arg8[%swap3A_1003], %swap3A_1006 {strides = array<i32>} : memref<32768xf32, #tpu.memory_space<vmem>>, vector<16xf32>,
        %add3A_1007 = vector.broadcast %select_n3A_299 : f32 to vector<16xf32>
        %add3A_1008 = arith.addf %get3A_946, %add3A_1007 : vector<16xf32>
        %mul3A_1009 = arith.constant 8 : i32
        %mul3A_1010 = arith.muli %multiple_of3A_329, %mul3A_1009 : i32
        %add3A_1011 = arith.constant 640 : i32
        %add3A_1012 = arith.addi %mul3A_1010, %add3A_1011 : i32
        %add3A_1013 = arith.constant 96 : i32
        %add3A_1014 = arith.addi %add3A_1012, %add3A_1013 : i32
        %swap3A_1015 = arith.index_cast %add3A_1014 : i32 to index
        %swap3A_1016 = tpu.vector_load %arg8[%swap3A_1015] {strides = array<i32>} : memref<32768xf32, #tpu.memory_space<vmem>>, vector<16xf32>,
        %swap3A_1017 = vector.shape_cast %swap3A_1016 : vector<16xf32> to vector<16xf32>
        %swap3A_1018 = vector.shape_cast %add3A_1008 : vector<16xf32> to vector<16xf32>
        tpu.vector_store %arg8[%swap3A_1015], %swap3A_1018 {strides = array<i32>} : memref<32768xf32, #tpu.memory_space<vmem>>, vector<16xf32>,
        %add3A_1019 = vector.broadcast %select_n3A_304 : f32 to vector<16xf32>
        %add3A_1020 = arith.addf %get3A_946, %add3A_1019 : vector<16xf32>
        %mul3A_1021 = arith.constant 8 : i32
        %mul3A_1022 = arith.muli %multiple_of3A_329, %mul3A_1021 : i32
        %add3A_1023 = arith.constant 768 : i32
        %add3A_1024 = arith.addi %mul3A_1022, %add3A_1023 : i32
        %add3A_1025 = arith.constant 96 : i32
        %add3A_1026 = arith.addi %add3A_1024, %add3A_1025 : i32
        %swap3A_1027 = arith.index_cast %add3A_1026 : i32 to index
        %swap3A_1028 = tpu.vector_load %arg8[%swap3A_1027] {strides = array<i32>} : memref<32768xf32, #tpu.memory_space<vmem>>, vector<16xf32>,
        %swap3A_1029 = vector.shape_cast %swap3A_1028 : vector<16xf32> to vector<16xf32>
        %swap3A_1030 = vector.shape_cast %add3A_1020 : vector<16xf32> to vector<16xf32>
        tpu.vector_store %arg8[%swap3A_1027], %swap3A_1030 {strides = array<i32>} : memref<32768xf32, #tpu.memory_space<vmem>>, vector<16xf32>,
        %add3A_1031 = vector.broadcast %select_n3A_309 : f32 to vector<16xf32>
        %add3A_1032 = arith.addf %get3A_946, %add3A_1031 : vector<16xf32>
        %mul3A_1033 = arith.constant 8 : i32
        %mul3A_1034 = arith.muli %multiple_of3A_329, %mul3A_1033 : i32
        %add3A_1035 = arith.constant 896 : i32
        %add3A_1036 = arith.addi %mul3A_1034, %add3A_1035 : i32
        %add3A_1037 = arith.constant 96 : i32
        %add3A_1038 = arith.addi %add3A_1036, %add3A_1037 : i32
        %swap3A_1039 = arith.index_cast %add3A_1038 : i32 to index
        %swap3A_1040 = tpu.vector_load %arg8[%swap3A_1039] {strides = array<i32>} : memref<32768xf32, #tpu.memory_space<vmem>>, vector<16xf32>,
        %swap3A_1041 = vector.shape_cast %swap3A_1040 : vector<16xf32> to vector<16xf32>
        %swap3A_1042 = vector.shape_cast %add3A_1032 : vector<16xf32> to vector<16xf32>
        tpu.vector_store %arg8[%swap3A_1039], %swap3A_1042 {strides = array<i32>} : memref<32768xf32, #tpu.memory_space<vmem>>, vector<16xf32>,
        %add3A_1043 = arith.constant 112 : i32
        %add3A_1044 = arith.addi %multiple_of3A_329, %add3A_1043 : i32
        %get3A_1045 = arith.index_cast %sub3A_204 : i32 to index
        %get3A_1046 = arith.index_cast %add3A_1044 : i32 to index
        %get3A_1047 = tpu.vector_load %arg5[%get3A_1045, %get3A_1046] {strides = array<i32>} : memref<8x4096xf32, #tpu.memory_space<vmem>>, vector<1x16xf32>,
        %get3A_1048 = vector.shape_cast %get3A_1047 : vector<1x16xf32> to vector<16xf32>
        %add3A_1049 = vector.broadcast %select_n3A_274 : f32 to vector<16xf32>
        %add3A_1050 = arith.addf %get3A_1048, %add3A_1049 : vector<16xf32>
        %mul3A_1051 = arith.constant 8 : i32
        %mul3A_1052 = arith.muli %multiple_of3A_329, %mul3A_1051 : i32
        %add3A_1053 = arith.constant 0 : i32
        %add3A_1054 = arith.addi %mul3A_1052, %add3A_1053 : i32
        %add3A_1055 = arith.constant 112 : i32
        %add3A_1056 = arith.addi %add3A_1054, %add3A_1055 : i32
        %swap3A_1057 = arith.index_cast %add3A_1056 : i32 to index
        %swap3A_1058 = tpu.vector_load %arg8[%swap3A_1057] {strides = array<i32>} : memref<32768xf32, #tpu.memory_space<vmem>>, vector<16xf32>,
        %swap3A_1059 = vector.shape_cast %swap3A_1058 : vector<16xf32> to vector<16xf32>
        %swap3A_1060 = vector.shape_cast %add3A_1050 : vector<16xf32> to vector<16xf32>
        tpu.vector_store %arg8[%swap3A_1057], %swap3A_1060 {strides = array<i32>} : memref<32768xf32, #tpu.memory_space<vmem>>, vector<16xf32>,
        %add3A_1061 = vector.broadcast %select_n3A_279 : f32 to vector<16xf32>
        %add3A_1062 = arith.addf %get3A_1048, %add3A_1061 : vector<16xf32>
        %mul3A_1063 = arith.constant 8 : i32
        %mul3A_1064 = arith.muli %multiple_of3A_329, %mul3A_1063 : i32
        %add3A_1065 = arith.constant 128 : i32
        %add3A_1066 = arith.addi %mul3A_1064, %add3A_1065 : i32
        %add3A_1067 = arith.constant 112 : i32
        %add3A_1068 = arith.addi %add3A_1066, %add3A_1067 : i32
        %swap3A_1069 = arith.index_cast %add3A_1068 : i32 to index
        %swap3A_1070 = tpu.vector_load %arg8[%swap3A_1069] {strides = array<i32>} : memref<32768xf32, #tpu.memory_space<vmem>>, vector<16xf32>,
        %swap3A_1071 = vector.shape_cast %swap3A_1070 : vector<16xf32> to vector<16xf32>
        %swap3A_1072 = vector.shape_cast %add3A_1062 : vector<16xf32> to vector<16xf32>
        tpu.vector_store %arg8[%swap3A_1069], %swap3A_1072 {strides = array<i32>} : memref<32768xf32, #tpu.memory_space<vmem>>, vector<16xf32>,
        %add3A_1073 = vector.broadcast %select_n3A_284 : f32 to vector<16xf32>
        %add3A_1074 = arith.addf %get3A_1048, %add3A_1073 : vector<16xf32>
        %mul3A_1075 = arith.constant 8 : i32
        %mul3A_1076 = arith.muli %multiple_of3A_329, %mul3A_1075 : i32
        %add3A_1077 = arith.constant 256 : i32
        %add3A_1078 = arith.addi %mul3A_1076, %add3A_1077 : i32
        %add3A_1079 = arith.constant 112 : i32
        %add3A_1080 = arith.addi %add3A_1078, %add3A_1079 : i32
        %swap3A_1081 = arith.index_cast %add3A_1080 : i32 to index
        %swap3A_1082 = tpu.vector_load %arg8[%swap3A_1081] {strides = array<i32>} : memref<32768xf32, #tpu.memory_space<vmem>>, vector<16xf32>,
        %swap3A_1083 = vector.shape_cast %swap3A_1082 : vector<16xf32> to vector<16xf32>
        %swap3A_1084 = vector.shape_cast %add3A_1074 : vector<16xf32> to vector<16xf32>
        tpu.vector_store %arg8[%swap3A_1081], %swap3A_1084 {strides = array<i32>} : memref<32768xf32, #tpu.memory_space<vmem>>, vector<16xf32>,
        %add3A_1085 = vector.broadcast %select_n3A_289 : f32 to vector<16xf32>
        %add3A_1086 = arith.addf %get3A_1048, %add3A_1085 : vector<16xf32>
        %mul3A_1087 = arith.constant 8 : i32
        %mul3A_1088 = arith.muli %multiple_of3A_329, %mul3A_1087 : i32
        %add3A_1089 = arith.constant 384 : i32
        %add3A_1090 = arith.addi %mul3A_1088, %add3A_1089 : i32
        %add3A_1091 = arith.constant 112 : i32
        %add3A_1092 = arith.addi %add3A_1090, %add3A_1091 : i32
        %swap3A_1093 = arith.index_cast %add3A_1092 : i32 to index
        %swap3A_1094 = tpu.vector_load %arg8[%swap3A_1093] {strides = array<i32>} : memref<32768xf32, #tpu.memory_space<vmem>>, vector<16xf32>,
        %swap3A_1095 = vector.shape_cast %swap3A_1094 : vector<16xf32> to vector<16xf32>
        %swap3A_1096 = vector.shape_cast %add3A_1086 : vector<16xf32> to vector<16xf32>
        tpu.vector_store %arg8[%swap3A_1093], %swap3A_1096 {strides = array<i32>} : memref<32768xf32, #tpu.memory_space<vmem>>, vector<16xf32>,
        %add3A_1097 = vector.broadcast %select_n3A_294 : f32 to vector<16xf32>
        %add3A_1098 = arith.addf %get3A_1048, %add3A_1097 : vector<16xf32>
        %mul3A_1099 = arith.constant 8 : i32
        %mul3A_1100 = arith.muli %multiple_of3A_329, %mul3A_1099 : i32
        %add3A_1101 = arith.constant 512 : i32
        %add3A_1102 = arith.addi %mul3A_1100, %add3A_1101 : i32
        %add3A_1103 = arith.constant 112 : i32
        %add3A_1104 = arith.addi %add3A_1102, %add3A_1103 : i32
        %swap3A_1105 = arith.index_cast %add3A_1104 : i32 to index
        %swap3A_1106 = tpu.vector_load %arg8[%swap3A_1105] {strides = array<i32>} : memref<32768xf32, #tpu.memory_space<vmem>>, vector<16xf32>,
        %swap3A_1107 = vector.shape_cast %swap3A_1106 : vector<16xf32> to vector<16xf32>
        %swap3A_1108 = vector.shape_cast %add3A_1098 : vector<16xf32> to vector<16xf32>
        tpu.vector_store %arg8[%swap3A_1105], %swap3A_1108 {strides = array<i32>} : memref<32768xf32, #tpu.memory_space<vmem>>, vector<16xf32>,
        %add3A_1109 = vector.broadcast %select_n3A_299 : f32 to vector<16xf32>
        %add3A_1110 = arith.addf %get3A_1048, %add3A_1109 : vector<16xf32>
        %mul3A_1111 = arith.constant 8 : i32
        %mul3A_1112 = arith.muli %multiple_of3A_329, %mul3A_1111 : i32
        %add3A_1113 = arith.constant 640 : i32
        %add3A_1114 = arith.addi %mul3A_1112, %add3A_1113 : i32
        %add3A_1115 = arith.constant 112 : i32
        %add3A_1116 = arith.addi %add3A_1114, %add3A_1115 : i32
        %swap3A_1117 = arith.index_cast %add3A_1116 : i32 to index
        %swap3A_1118 = tpu.vector_load %arg8[%swap3A_1117] {strides = array<i32>} : memref<32768xf32, #tpu.memory_space<vmem>>, vector<16xf32>,
        %swap3A_1119 = vector.shape_cast %swap3A_1118 : vector<16xf32> to vector<16xf32>
        %swap3A_1120 = vector.shape_cast %add3A_1110 : vector<16xf32> to vector<16xf32>
        tpu.vector_store %arg8[%swap3A_1117], %swap3A_1120 {strides = array<i32>} : memref<32768xf32, #tpu.memory_space<vmem>>, vector<16xf32>,
        %add3A_1121 = vector.broadcast %select_n3A_304 : f32 to vector<16xf32>
        %add3A_1122 = arith.addf %get3A_1048, %add3A_1121 : vector<16xf32>
        %mul3A_1123 = arith.constant 8 : i32
        %mul3A_1124 = arith.muli %multiple_of3A_329, %mul3A_1123 : i32
        %add3A_1125 = arith.constant 768 : i32
        %add3A_1126 = arith.addi %mul3A_1124, %add3A_1125 : i32
        %add3A_1127 = arith.constant 112 : i32
        %add3A_1128 = arith.addi %add3A_1126, %add3A_1127 : i32
        %swap3A_1129 = arith.index_cast %add3A_1128 : i32 to index
        %swap3A_1130 = tpu.vector_load %arg8[%swap3A_1129] {strides = array<i32>} : memref<32768xf32, #tpu.memory_space<vmem>>, vector<16xf32>,
        %swap3A_1131 = vector.shape_cast %swap3A_1130 : vector<16xf32> to vector<16xf32>
        %swap3A_1132 = vector.shape_cast %add3A_1122 : vector<16xf32> to vector<16xf32>
        tpu.vector_store %arg8[%swap3A_1129], %swap3A_1132 {strides = array<i32>} : memref<32768xf32, #tpu.memory_space<vmem>>, vector<16xf32>,
        %add3A_1133 = vector.broadcast %select_n3A_309 : f32 to vector<16xf32>
        %add3A_1134 = arith.addf %get3A_1048, %add3A_1133 : vector<16xf32>
        %mul3A_1135 = arith.constant 8 : i32
        %mul3A_1136 = arith.muli %multiple_of3A_329, %mul3A_1135 : i32
        %add3A_1137 = arith.constant 896 : i32
        %add3A_1138 = arith.addi %mul3A_1136, %add3A_1137 : i32
        %add3A_1139 = arith.constant 112 : i32
        %add3A_1140 = arith.addi %add3A_1138, %add3A_1139 : i32
        %swap3A_1141 = arith.index_cast %add3A_1140 : i32 to index
        %swap3A_1142 = tpu.vector_load %arg8[%swap3A_1141] {strides = array<i32>} : memref<32768xf32, #tpu.memory_space<vmem>>, vector<16xf32>,
        %swap3A_1143 = vector.shape_cast %swap3A_1142 : vector<16xf32> to vector<16xf32>
        %swap3A_1144 = vector.shape_cast %add3A_1134 : vector<16xf32> to vector<16xf32>
        tpu.vector_store %arg8[%swap3A_1141], %swap3A_1144 {strides = array<i32>} : memref<32768xf32, #tpu.memory_space<vmem>>, vector<16xf32>,
        %mul3A_1145 = arith.constant 2 : i32
        %mul3A_1146 = arith.muli %scan3A_322, %mul3A_1145 : i32
        %add3A_1147 = arith.constant 1 : i32
        %add3A_1148 = arith.addi %mul3A_1146, %add3A_1147 : i32
        %mul3A_1149 = arith.constant 128 : i32
        %mul3A_1150 = arith.muli %add3A_1148, %mul3A_1149 : i32
        %multiple_of3A_1151 = tpu.assume_multiple %mul3A_1150, 128 : i32
        %add3A_1152 = arith.constant 0 : i32
        %add3A_1153 = arith.addi %multiple_of3A_1151, %add3A_1152 : i32
        %get3A_1154 = arith.index_cast %sub3A_204 : i32 to index
        %get3A_1155 = arith.index_cast %add3A_1153 : i32 to index
        %get3A_1156 = tpu.vector_load %arg5[%get3A_1154, %get3A_1155] {strides = array<i32>} : memref<8x4096xf32, #tpu.memory_space<vmem>>, vector<1x16xf32>,
        %get3A_1157 = vector.shape_cast %get3A_1156 : vector<1x16xf32> to vector<16xf32>
        %add3A_1158 = vector.broadcast %select_n3A_274 : f32 to vector<16xf32>
        %add3A_1159 = arith.addf %get3A_1157, %add3A_1158 : vector<16xf32>
        %mul3A_1160 = arith.constant 8 : i32
        %mul3A_1161 = arith.muli %multiple_of3A_1151, %mul3A_1160 : i32
        %add3A_1162 = arith.constant 0 : i32
        %add3A_1163 = arith.addi %mul3A_1161, %add3A_1162 : i32
        %add3A_1164 = arith.constant 0 : i32
        %add3A_1165 = arith.addi %add3A_1163, %add3A_1164 : i32
        %swap3A_1166 = arith.index_cast %add3A_1165 : i32 to index
        %swap3A_1167 = tpu.vector_load %arg8[%swap3A_1166] {strides = array<i32>} : memref<32768xf32, #tpu.memory_space<vmem>>, vector<16xf32>,
        %swap3A_1168 = vector.shape_cast %swap3A_1167 : vector<16xf32> to vector<16xf32>
        %swap3A_1169 = vector.shape_cast %add3A_1159 : vector<16xf32> to vector<16xf32>
        tpu.vector_store %arg8[%swap3A_1166], %swap3A_1169 {strides = array<i32>} : memref<32768xf32, #tpu.memory_space<vmem>>, vector<16xf32>,
        %add3A_1170 = vector.broadcast %select_n3A_279 : f32 to vector<16xf32>
        %add3A_1171 = arith.addf %get3A_1157, %add3A_1170 : vector<16xf32>
        %mul3A_1172 = arith.constant 8 : i32
        %mul3A_1173 = arith.muli %multiple_of3A_1151, %mul3A_1172 : i32
        %add3A_1174 = arith.constant 128 : i32
        %add3A_1175 = arith.addi %mul3A_1173, %add3A_1174 : i32
        %add3A_1176 = arith.constant 0 : i32
        %add3A_1177 = arith.addi %add3A_1175, %add3A_1176 : i32
        %swap3A_1178 = arith.index_cast %add3A_1177 : i32 to index
        %swap3A_1179 = tpu.vector_load %arg8[%swap3A_1178] {strides = array<i32>} : memref<32768xf32, #tpu.memory_space<vmem>>, vector<16xf32>,
        %swap3A_1180 = vector.shape_cast %swap3A_1179 : vector<16xf32> to vector<16xf32>
        %swap3A_1181 = vector.shape_cast %add3A_1171 : vector<16xf32> to vector<16xf32>
        tpu.vector_store %arg8[%swap3A_1178], %swap3A_1181 {strides = array<i32>} : memref<32768xf32, #tpu.memory_space<vmem>>, vector<16xf32>,
        %add3A_1182 = vector.broadcast %select_n3A_284 : f32 to vector<16xf32>
        %add3A_1183 = arith.addf %get3A_1157, %add3A_1182 : vector<16xf32>
        %mul3A_1184 = arith.constant 8 : i32
        %mul3A_1185 = arith.muli %multiple_of3A_1151, %mul3A_1184 : i32
        %add3A_1186 = arith.constant 256 : i32
        %add3A_1187 = arith.addi %mul3A_1185, %add3A_1186 : i32
        %add3A_1188 = arith.constant 0 : i32
        %add3A_1189 = arith.addi %add3A_1187, %add3A_1188 : i32
        %swap3A_1190 = arith.index_cast %add3A_1189 : i32 to index
        %swap3A_1191 = tpu.vector_load %arg8[%swap3A_1190] {strides = array<i32>} : memref<32768xf32, #tpu.memory_space<vmem>>, vector<16xf32>,
        %swap3A_1192 = vector.shape_cast %swap3A_1191 : vector<16xf32> to vector<16xf32>
        %swap3A_1193 = vector.shape_cast %add3A_1183 : vector<16xf32> to vector<16xf32>
        tpu.vector_store %arg8[%swap3A_1190], %swap3A_1193 {strides = array<i32>} : memref<32768xf32, #tpu.memory_space<vmem>>, vector<16xf32>,
        %add3A_1194 = vector.broadcast %select_n3A_289 : f32 to vector<16xf32>
        %add3A_1195 = arith.addf %get3A_1157, %add3A_1194 : vector<16xf32>
        %mul3A_1196 = arith.constant 8 : i32
        %mul3A_1197 = arith.muli %multiple_of3A_1151, %mul3A_1196 : i32
        %add3A_1198 = arith.constant 384 : i32
        %add3A_1199 = arith.addi %mul3A_1197, %add3A_1198 : i32
        %add3A_1200 = arith.constant 0 : i32
        %add3A_1201 = arith.addi %add3A_1199, %add3A_1200 : i32
        %swap3A_1202 = arith.index_cast %add3A_1201 : i32 to index
        %swap3A_1203 = tpu.vector_load %arg8[%swap3A_1202] {strides = array<i32>} : memref<32768xf32, #tpu.memory_space<vmem>>, vector<16xf32>,
        %swap3A_1204 = vector.shape_cast %swap3A_1203 : vector<16xf32> to vector<16xf32>
        %swap3A_1205 = vector.shape_cast %add3A_1195 : vector<16xf32> to vector<16xf32>
        tpu.vector_store %arg8[%swap3A_1202], %swap3A_1205 {strides = array<i32>} : memref<32768xf32, #tpu.memory_space<vmem>>, vector<16xf32>,
        %add3A_1206 = vector.broadcast %select_n3A_294 : f32 to vector<16xf32>
        %add3A_1207 = arith.addf %get3A_1157, %add3A_1206 : vector<16xf32>
        %mul3A_1208 = arith.constant 8 : i32
        %mul3A_1209 = arith.muli %multiple_of3A_1151, %mul3A_1208 : i32
        %add3A_1210 = arith.constant 512 : i32
        %add3A_1211 = arith.addi %mul3A_1209, %add3A_1210 : i32
        %add3A_1212 = arith.constant 0 : i32
        %add3A_1213 = arith.addi %add3A_1211, %add3A_1212 : i32
        %swap3A_1214 = arith.index_cast %add3A_1213 : i32 to index
        %swap3A_1215 = tpu.vector_load %arg8[%swap3A_1214] {strides = array<i32>} : memref<32768xf32, #tpu.memory_space<vmem>>, vector<16xf32>,
        %swap3A_1216 = vector.shape_cast %swap3A_1215 : vector<16xf32> to vector<16xf32>
        %swap3A_1217 = vector.shape_cast %add3A_1207 : vector<16xf32> to vector<16xf32>
        tpu.vector_store %arg8[%swap3A_1214], %swap3A_1217 {strides = array<i32>} : memref<32768xf32, #tpu.memory_space<vmem>>, vector<16xf32>,
        %add3A_1218 = vector.broadcast %select_n3A_299 : f32 to vector<16xf32>
        %add3A_1219 = arith.addf %get3A_1157, %add3A_1218 : vector<16xf32>
        %mul3A_1220 = arith.constant 8 : i32
        %mul3A_1221 = arith.muli %multiple_of3A_1151, %mul3A_1220 : i32
        %add3A_1222 = arith.constant 640 : i32
        %add3A_1223 = arith.addi %mul3A_1221, %add3A_1222 : i32
        %add3A_1224 = arith.constant 0 : i32
        %add3A_1225 = arith.addi %add3A_1223, %add3A_1224 : i32
        %swap3A_1226 = arith.index_cast %add3A_1225 : i32 to index
        %swap3A_1227 = tpu.vector_load %arg8[%swap3A_1226] {strides = array<i32>} : memref<32768xf32, #tpu.memory_space<vmem>>, vector<16xf32>,
        %swap3A_1228 = vector.shape_cast %swap3A_1227 : vector<16xf32> to vector<16xf32>
        %swap3A_1229 = vector.shape_cast %add3A_1219 : vector<16xf32> to vector<16xf32>
        tpu.vector_store %arg8[%swap3A_1226], %swap3A_1229 {strides = array<i32>} : memref<32768xf32, #tpu.memory_space<vmem>>, vector<16xf32>,
        %add3A_1230 = vector.broadcast %select_n3A_304 : f32 to vector<16xf32>
        %add3A_1231 = arith.addf %get3A_1157, %add3A_1230 : vector<16xf32>
        %mul3A_1232 = arith.constant 8 : i32
        %mul3A_1233 = arith.muli %multiple_of3A_1151, %mul3A_1232 : i32
        %add3A_1234 = arith.constant 768 : i32
        %add3A_1235 = arith.addi %mul3A_1233, %add3A_1234 : i32
        %add3A_1236 = arith.constant 0 : i32
        %add3A_1237 = arith.addi %add3A_1235, %add3A_1236 : i32
        %swap3A_1238 = arith.index_cast %add3A_1237 : i32 to index
        %swap3A_1239 = tpu.vector_load %arg8[%swap3A_1238] {strides = array<i32>} : memref<32768xf32, #tpu.memory_space<vmem>>, vector<16xf32>,
        %swap3A_1240 = vector.shape_cast %swap3A_1239 : vector<16xf32> to vector<16xf32>
        %swap3A_1241 = vector.shape_cast %add3A_1231 : vector<16xf32> to vector<16xf32>
        tpu.vector_store %arg8[%swap3A_1238], %swap3A_1241 {strides = array<i32>} : memref<32768xf32, #tpu.memory_space<vmem>>, vector<16xf32>,
        %add3A_1242 = vector.broadcast %select_n3A_309 : f32 to vector<16xf32>
        %add3A_1243 = arith.addf %get3A_1157, %add3A_1242 : vector<16xf32>
        %mul3A_1244 = arith.constant 8 : i32
        %mul3A_1245 = arith.muli %multiple_of3A_1151, %mul3A_1244 : i32
        %add3A_1246 = arith.constant 896 : i32
        %add3A_1247 = arith.addi %mul3A_1245, %add3A_1246 : i32
        %add3A_1248 = arith.constant 0 : i32
        %add3A_1249 = arith.addi %add3A_1247, %add3A_1248 : i32
        %swap3A_1250 = arith.index_cast %add3A_1249 : i32 to index
        %swap3A_1251 = tpu.vector_load %arg8[%swap3A_1250] {strides = array<i32>} : memref<32768xf32, #tpu.memory_space<vmem>>, vector<16xf32>,
        %swap3A_1252 = vector.shape_cast %swap3A_1251 : vector<16xf32> to vector<16xf32>
        %swap3A_1253 = vector.shape_cast %add3A_1243 : vector<16xf32> to vector<16xf32>
        tpu.vector_store %arg8[%swap3A_1250], %swap3A_1253 {strides = array<i32>} : memref<32768xf32, #tpu.memory_space<vmem>>, vector<16xf32>,
        %add3A_1254 = arith.constant 16 : i32
        %add3A_1255 = arith.addi %multiple_of3A_1151, %add3A_1254 : i32
        %get3A_1256 = arith.index_cast %sub3A_204 : i32 to index
        %get3A_1257 = arith.index_cast %add3A_1255 : i32 to index
        %get3A_1258 = tpu.vector_load %arg5[%get3A_1256, %get3A_1257] {strides = array<i32>} : memref<8x4096xf32, #tpu.memory_space<vmem>>, vector<1x16xf32>,
        %get3A_1259 = vector.shape_cast %get3A_1258 : vector<1x16xf32> to vector<16xf32>
        %add3A_1260 = vector.broadcast %select_n3A_274 : f32 to vector<16xf32>
        %add3A_1261 = arith.addf %get3A_1259, %add3A_1260 : vector<16xf32>
        %mul3A_1262 = arith.constant 8 : i32
        %mul3A_1263 = arith.muli %multiple_of3A_1151, %mul3A_1262 : i32
        %add3A_1264 = arith.constant 0 : i32
        %add3A_1265 = arith.addi %mul3A_1263, %add3A_1264 : i32
        %add3A_1266 = arith.constant 16 : i32
        %add3A_1267 = arith.addi %add3A_1265, %add3A_1266 : i32
        %swap3A_1268 = arith.index_cast %add3A_1267 : i32 to index
        %swap3A_1269 = tpu.vector_load %arg8[%swap3A_1268] {strides = array<i32>} : memref<32768xf32, #tpu.memory_space<vmem>>, vector<16xf32>,
        %swap3A_1270 = vector.shape_cast %swap3A_1269 : vector<16xf32> to vector<16xf32>
        %swap3A_1271 = vector.shape_cast %add3A_1261 : vector<16xf32> to vector<16xf32>
        tpu.vector_store %arg8[%swap3A_1268], %swap3A_1271 {strides = array<i32>} : memref<32768xf32, #tpu.memory_space<vmem>>, vector<16xf32>,
        %add3A_1272 = vector.broadcast %select_n3A_279 : f32 to vector<16xf32>
        %add3A_1273 = arith.addf %get3A_1259, %add3A_1272 : vector<16xf32>
        %mul3A_1274 = arith.constant 8 : i32
        %mul3A_1275 = arith.muli %multiple_of3A_1151, %mul3A_1274 : i32
        %add3A_1276 = arith.constant 128 : i32
        %add3A_1277 = arith.addi %mul3A_1275, %add3A_1276 : i32
        %add3A_1278 = arith.constant 16 : i32
        %add3A_1279 = arith.addi %add3A_1277, %add3A_1278 : i32
        %swap3A_1280 = arith.index_cast %add3A_1279 : i32 to index
        %swap3A_1281 = tpu.vector_load %arg8[%swap3A_1280] {strides = array<i32>} : memref<32768xf32, #tpu.memory_space<vmem>>, vector<16xf32>,
        %swap3A_1282 = vector.shape_cast %swap3A_1281 : vector<16xf32> to vector<16xf32>
        %swap3A_1283 = vector.shape_cast %add3A_1273 : vector<16xf32> to vector<16xf32>
        tpu.vector_store %arg8[%swap3A_1280], %swap3A_1283 {strides = array<i32>} : memref<32768xf32, #tpu.memory_space<vmem>>, vector<16xf32>,
        %add3A_1284 = vector.broadcast %select_n3A_284 : f32 to vector<16xf32>
        %add3A_1285 = arith.addf %get3A_1259, %add3A_1284 : vector<16xf32>
        %mul3A_1286 = arith.constant 8 : i32
        %mul3A_1287 = arith.muli %multiple_of3A_1151, %mul3A_1286 : i32
        %add3A_1288 = arith.constant 256 : i32
        %add3A_1289 = arith.addi %mul3A_1287, %add3A_1288 : i32
        %add3A_1290 = arith.constant 16 : i32
        %add3A_1291 = arith.addi %add3A_1289, %add3A_1290 : i32
        %swap3A_1292 = arith.index_cast %add3A_1291 : i32 to index
        %swap3A_1293 = tpu.vector_load %arg8[%swap3A_1292] {strides = array<i32>} : memref<32768xf32, #tpu.memory_space<vmem>>, vector<16xf32>,
        %swap3A_1294 = vector.shape_cast %swap3A_1293 : vector<16xf32> to vector<16xf32>
        %swap3A_1295 = vector.shape_cast %add3A_1285 : vector<16xf32> to vector<16xf32>
        tpu.vector_store %arg8[%swap3A_1292], %swap3A_1295 {strides = array<i32>} : memref<32768xf32, #tpu.memory_space<vmem>>, vector<16xf32>,
        %add3A_1296 = vector.broadcast %select_n3A_289 : f32 to vector<16xf32>
        %add3A_1297 = arith.addf %get3A_1259, %add3A_1296 : vector<16xf32>
        %mul3A_1298 = arith.constant 8 : i32
        %mul3A_1299 = arith.muli %multiple_of3A_1151, %mul3A_1298 : i32
        %add3A_1300 = arith.constant 384 : i32
        %add3A_1301 = arith.addi %mul3A_1299, %add3A_1300 : i32
        %add3A_1302 = arith.constant 16 : i32
        %add3A_1303 = arith.addi %add3A_1301, %add3A_1302 : i32
        %swap3A_1304 = arith.index_cast %add3A_1303 : i32 to index
        %swap3A_1305 = tpu.vector_load %arg8[%swap3A_1304] {strides = array<i32>} : memref<32768xf32, #tpu.memory_space<vmem>>, vector<16xf32>,
        %swap3A_1306 = vector.shape_cast %swap3A_1305 : vector<16xf32> to vector<16xf32>
        %swap3A_1307 = vector.shape_cast %add3A_1297 : vector<16xf32> to vector<16xf32>
        tpu.vector_store %arg8[%swap3A_1304], %swap3A_1307 {strides = array<i32>} : memref<32768xf32, #tpu.memory_space<vmem>>, vector<16xf32>,
        %add3A_1308 = vector.broadcast %select_n3A_294 : f32 to vector<16xf32>
        %add3A_1309 = arith.addf %get3A_1259, %add3A_1308 : vector<16xf32>
        %mul3A_1310 = arith.constant 8 : i32
        %mul3A_1311 = arith.muli %multiple_of3A_1151, %mul3A_1310 : i32
        %add3A_1312 = arith.constant 512 : i32
        %add3A_1313 = arith.addi %mul3A_1311, %add3A_1312 : i32
        %add3A_1314 = arith.constant 16 : i32
        %add3A_1315 = arith.addi %add3A_1313, %add3A_1314 : i32
        %swap3A_1316 = arith.index_cast %add3A_1315 : i32 to index
        %swap3A_1317 = tpu.vector_load %arg8[%swap3A_1316] {strides = array<i32>} : memref<32768xf32, #tpu.memory_space<vmem>>, vector<16xf32>,
        %swap3A_1318 = vector.shape_cast %swap3A_1317 : vector<16xf32> to vector<16xf32>
        %swap3A_1319 = vector.shape_cast %add3A_1309 : vector<16xf32> to vector<16xf32>
        tpu.vector_store %arg8[%swap3A_1316], %swap3A_1319 {strides = array<i32>} : memref<32768xf32, #tpu.memory_space<vmem>>, vector<16xf32>,
        %add3A_1320 = vector.broadcast %select_n3A_299 : f32 to vector<16xf32>
        %add3A_1321 = arith.addf %get3A_1259, %add3A_1320 : vector<16xf32>
        %mul3A_1322 = arith.constant 8 : i32
        %mul3A_1323 = arith.muli %multiple_of3A_1151, %mul3A_1322 : i32
        %add3A_1324 = arith.constant 640 : i32
        %add3A_1325 = arith.addi %mul3A_1323, %add3A_1324 : i32
        %add3A_1326 = arith.constant 16 : i32
        %add3A_1327 = arith.addi %add3A_1325, %add3A_1326 : i32
        %swap3A_1328 = arith.index_cast %add3A_1327 : i32 to index
        %swap3A_1329 = tpu.vector_load %arg8[%swap3A_1328] {strides = array<i32>} : memref<32768xf32, #tpu.memory_space<vmem>>, vector<16xf32>,
        %swap3A_1330 = vector.shape_cast %swap3A_1329 : vector<16xf32> to vector<16xf32>
        %swap3A_1331 = vector.shape_cast %add3A_1321 : vector<16xf32> to vector<16xf32>
        tpu.vector_store %arg8[%swap3A_1328], %swap3A_1331 {strides = array<i32>} : memref<32768xf32, #tpu.memory_space<vmem>>, vector<16xf32>,
        %add3A_1332 = vector.broadcast %select_n3A_304 : f32 to vector<16xf32>
        %add3A_1333 = arith.addf %get3A_1259, %add3A_1332 : vector<16xf32>
        %mul3A_1334 = arith.constant 8 : i32
        %mul3A_1335 = arith.muli %multiple_of3A_1151, %mul3A_1334 : i32
        %add3A_1336 = arith.constant 768 : i32
        %add3A_1337 = arith.addi %mul3A_1335, %add3A_1336 : i32
        %add3A_1338 = arith.constant 16 : i32
        %add3A_1339 = arith.addi %add3A_1337, %add3A_1338 : i32
        %swap3A_1340 = arith.index_cast %add3A_1339 : i32 to index
        %swap3A_1341 = tpu.vector_load %arg8[%swap3A_1340] {strides = array<i32>} : memref<32768xf32, #tpu.memory_space<vmem>>, vector<16xf32>,
        %swap3A_1342 = vector.shape_cast %swap3A_1341 : vector<16xf32> to vector<16xf32>
        %swap3A_1343 = vector.shape_cast %add3A_1333 : vector<16xf32> to vector<16xf32>
        tpu.vector_store %arg8[%swap3A_1340], %swap3A_1343 {strides = array<i32>} : memref<32768xf32, #tpu.memory_space<vmem>>, vector<16xf32>,
        %add3A_1344 = vector.broadcast %select_n3A_309 : f32 to vector<16xf32>
        %add3A_1345 = arith.addf %get3A_1259, %add3A_1344 : vector<16xf32>
        %mul3A_1346 = arith.constant 8 : i32
        %mul3A_1347 = arith.muli %multiple_of3A_1151, %mul3A_1346 : i32
        %add3A_1348 = arith.constant 896 : i32
        %add3A_1349 = arith.addi %mul3A_1347, %add3A_1348 : i32
        %add3A_1350 = arith.constant 16 : i32
        %add3A_1351 = arith.addi %add3A_1349, %add3A_1350 : i32
        %swap3A_1352 = arith.index_cast %add3A_1351 : i32 to index
        %swap3A_1353 = tpu.vector_load %arg8[%swap3A_1352] {strides = array<i32>} : memref<32768xf32, #tpu.memory_space<vmem>>, vector<16xf32>,
        %swap3A_1354 = vector.shape_cast %swap3A_1353 : vector<16xf32> to vector<16xf32>
        %swap3A_1355 = vector.shape_cast %add3A_1345 : vector<16xf32> to vector<16xf32>
        tpu.vector_store %arg8[%swap3A_1352], %swap3A_1355 {strides = array<i32>} : memref<32768xf32, #tpu.memory_space<vmem>>, vector<16xf32>,
        %add3A_1356 = arith.constant 32 : i32
        %add3A_1357 = arith.addi %multiple_of3A_1151, %add3A_1356 : i32
        %get3A_1358 = arith.index_cast %sub3A_204 : i32 to index
        %get3A_1359 = arith.index_cast %add3A_1357 : i32 to index
        %get3A_1360 = tpu.vector_load %arg5[%get3A_1358, %get3A_1359] {strides = array<i32>} : memref<8x4096xf32, #tpu.memory_space<vmem>>, vector<1x16xf32>,
        %get3A_1361 = vector.shape_cast %get3A_1360 : vector<1x16xf32> to vector<16xf32>
        %add3A_1362 = vector.broadcast %select_n3A_274 : f32 to vector<16xf32>
        %add3A_1363 = arith.addf %get3A_1361, %add3A_1362 : vector<16xf32>
        %mul3A_1364 = arith.constant 8 : i32
        %mul3A_1365 = arith.muli %multiple_of3A_1151, %mul3A_1364 : i32
        %add3A_1366 = arith.constant 0 : i32
        %add3A_1367 = arith.addi %mul3A_1365, %add3A_1366 : i32
        %add3A_1368 = arith.constant 32 : i32
        %add3A_1369 = arith.addi %add3A_1367, %add3A_1368 : i32
        %swap3A_1370 = arith.index_cast %add3A_1369 : i32 to index
        %swap3A_1371 = tpu.vector_load %arg8[%swap3A_1370] {strides = array<i32>} : memref<32768xf32, #tpu.memory_space<vmem>>, vector<16xf32>,
        %swap3A_1372 = vector.shape_cast %swap3A_1371 : vector<16xf32> to vector<16xf32>
        %swap3A_1373 = vector.shape_cast %add3A_1363 : vector<16xf32> to vector<16xf32>
        tpu.vector_store %arg8[%swap3A_1370], %swap3A_1373 {strides = array<i32>} : memref<32768xf32, #tpu.memory_space<vmem>>, vector<16xf32>,
        %add3A_1374 = vector.broadcast %select_n3A_279 : f32 to vector<16xf32>
        %add3A_1375 = arith.addf %get3A_1361, %add3A_1374 : vector<16xf32>
        %mul3A_1376 = arith.constant 8 : i32
        %mul3A_1377 = arith.muli %multiple_of3A_1151, %mul3A_1376 : i32
        %add3A_1378 = arith.constant 128 : i32
        %add3A_1379 = arith.addi %mul3A_1377, %add3A_1378 : i32
        %add3A_1380 = arith.constant 32 : i32
        %add3A_1381 = arith.addi %add3A_1379, %add3A_1380 : i32
        %swap3A_1382 = arith.index_cast %add3A_1381 : i32 to index
        %swap3A_1383 = tpu.vector_load %arg8[%swap3A_1382] {strides = array<i32>} : memref<32768xf32, #tpu.memory_space<vmem>>, vector<16xf32>,
        %swap3A_1384 = vector.shape_cast %swap3A_1383 : vector<16xf32> to vector<16xf32>
        %swap3A_1385 = vector.shape_cast %add3A_1375 : vector<16xf32> to vector<16xf32>
        tpu.vector_store %arg8[%swap3A_1382], %swap3A_1385 {strides = array<i32>} : memref<32768xf32, #tpu.memory_space<vmem>>, vector<16xf32>,
        %add3A_1386 = vector.broadcast %select_n3A_284 : f32 to vector<16xf32>
        %add3A_1387 = arith.addf %get3A_1361, %add3A_1386 : vector<16xf32>
        %mul3A_1388 = arith.constant 8 : i32
        %mul3A_1389 = arith.muli %multiple_of3A_1151, %mul3A_1388 : i32
        %add3A_1390 = arith.constant 256 : i32
        %add3A_1391 = arith.addi %mul3A_1389, %add3A_1390 : i32
        %add3A_1392 = arith.constant 32 : i32
        %add3A_1393 = arith.addi %add3A_1391, %add3A_1392 : i32
        %swap3A_1394 = arith.index_cast %add3A_1393 : i32 to index
        %swap3A_1395 = tpu.vector_load %arg8[%swap3A_1394] {strides = array<i32>} : memref<32768xf32, #tpu.memory_space<vmem>>, vector<16xf32>,
        %swap3A_1396 = vector.shape_cast %swap3A_1395 : vector<16xf32> to vector<16xf32>
        %swap3A_1397 = vector.shape_cast %add3A_1387 : vector<16xf32> to vector<16xf32>
        tpu.vector_store %arg8[%swap3A_1394], %swap3A_1397 {strides = array<i32>} : memref<32768xf32, #tpu.memory_space<vmem>>, vector<16xf32>,
        %add3A_1398 = vector.broadcast %select_n3A_289 : f32 to vector<16xf32>
        %add3A_1399 = arith.addf %get3A_1361, %add3A_1398 : vector<16xf32>
        %mul3A_1400 = arith.constant 8 : i32
        %mul3A_1401 = arith.muli %multiple_of3A_1151, %mul3A_1400 : i32
        %add3A_1402 = arith.constant 384 : i32
        %add3A_1403 = arith.addi %mul3A_1401, %add3A_1402 : i32
        %add3A_1404 = arith.constant 32 : i32
        %add3A_1405 = arith.addi %add3A_1403, %add3A_1404 : i32
        %swap3A_1406 = arith.index_cast %add3A_1405 : i32 to index
        %swap3A_1407 = tpu.vector_load %arg8[%swap3A_1406] {strides = array<i32>} : memref<32768xf32, #tpu.memory_space<vmem>>, vector<16xf32>,
        %swap3A_1408 = vector.shape_cast %swap3A_1407 : vector<16xf32> to vector<16xf32>
        %swap3A_1409 = vector.shape_cast %add3A_1399 : vector<16xf32> to vector<16xf32>
        tpu.vector_store %arg8[%swap3A_1406], %swap3A_1409 {strides = array<i32>} : memref<32768xf32, #tpu.memory_space<vmem>>, vector<16xf32>,
        %add3A_1410 = vector.broadcast %select_n3A_294 : f32 to vector<16xf32>
        %add3A_1411 = arith.addf %get3A_1361, %add3A_1410 : vector<16xf32>
        %mul3A_1412 = arith.constant 8 : i32
        %mul3A_1413 = arith.muli %multiple_of3A_1151, %mul3A_1412 : i32
        %add3A_1414 = arith.constant 512 : i32
        %add3A_1415 = arith.addi %mul3A_1413, %add3A_1414 : i32
        %add3A_1416 = arith.constant 32 : i32
        %add3A_1417 = arith.addi %add3A_1415, %add3A_1416 : i32
        %swap3A_1418 = arith.index_cast %add3A_1417 : i32 to index
        %swap3A_1419 = tpu.vector_load %arg8[%swap3A_1418] {strides = array<i32>} : memref<32768xf32, #tpu.memory_space<vmem>>, vector<16xf32>,
        %swap3A_1420 = vector.shape_cast %swap3A_1419 : vector<16xf32> to vector<16xf32>
        %swap3A_1421 = vector.shape_cast %add3A_1411 : vector<16xf32> to vector<16xf32>
        tpu.vector_store %arg8[%swap3A_1418], %swap3A_1421 {strides = array<i32>} : memref<32768xf32, #tpu.memory_space<vmem>>, vector<16xf32>,
        %add3A_1422 = vector.broadcast %select_n3A_299 : f32 to vector<16xf32>
        %add3A_1423 = arith.addf %get3A_1361, %add3A_1422 : vector<16xf32>
        %mul3A_1424 = arith.constant 8 : i32
        %mul3A_1425 = arith.muli %multiple_of3A_1151, %mul3A_1424 : i32
        %add3A_1426 = arith.constant 640 : i32
        %add3A_1427 = arith.addi %mul3A_1425, %add3A_1426 : i32
        %add3A_1428 = arith.constant 32 : i32
        %add3A_1429 = arith.addi %add3A_1427, %add3A_1428 : i32
        %swap3A_1430 = arith.index_cast %add3A_1429 : i32 to index
        %swap3A_1431 = tpu.vector_load %arg8[%swap3A_1430] {strides = array<i32>} : memref<32768xf32, #tpu.memory_space<vmem>>, vector<16xf32>,
        %swap3A_1432 = vector.shape_cast %swap3A_1431 : vector<16xf32> to vector<16xf32>
        %swap3A_1433 = vector.shape_cast %add3A_1423 : vector<16xf32> to vector<16xf32>
        tpu.vector_store %arg8[%swap3A_1430], %swap3A_1433 {strides = array<i32>} : memref<32768xf32, #tpu.memory_space<vmem>>, vector<16xf32>,
        %add3A_1434 = vector.broadcast %select_n3A_304 : f32 to vector<16xf32>
        %add3A_1435 = arith.addf %get3A_1361, %add3A_1434 : vector<16xf32>
        %mul3A_1436 = arith.constant 8 : i32
        %mul3A_1437 = arith.muli %multiple_of3A_1151, %mul3A_1436 : i32
        %add3A_1438 = arith.constant 768 : i32
        %add3A_1439 = arith.addi %mul3A_1437, %add3A_1438 : i32
        %add3A_1440 = arith.constant 32 : i32
        %add3A_1441 = arith.addi %add3A_1439, %add3A_1440 : i32
        %swap3A_1442 = arith.index_cast %add3A_1441 : i32 to index
        %swap3A_1443 = tpu.vector_load %arg8[%swap3A_1442] {strides = array<i32>} : memref<32768xf32, #tpu.memory_space<vmem>>, vector<16xf32>,
        %swap3A_1444 = vector.shape_cast %swap3A_1443 : vector<16xf32> to vector<16xf32>
        %swap3A_1445 = vector.shape_cast %add3A_1435 : vector<16xf32> to vector<16xf32>
        tpu.vector_store %arg8[%swap3A_1442], %swap3A_1445 {strides = array<i32>} : memref<32768xf32, #tpu.memory_space<vmem>>, vector<16xf32>,
        %add3A_1446 = vector.broadcast %select_n3A_309 : f32 to vector<16xf32>
        %add3A_1447 = arith.addf %get3A_1361, %add3A_1446 : vector<16xf32>
        %mul3A_1448 = arith.constant 8 : i32
        %mul3A_1449 = arith.muli %multiple_of3A_1151, %mul3A_1448 : i32
        %add3A_1450 = arith.constant 896 : i32
        %add3A_1451 = arith.addi %mul3A_1449, %add3A_1450 : i32
        %add3A_1452 = arith.constant 32 : i32
        %add3A_1453 = arith.addi %add3A_1451, %add3A_1452 : i32
        %swap3A_1454 = arith.index_cast %add3A_1453 : i32 to index
        %swap3A_1455 = tpu.vector_load %arg8[%swap3A_1454] {strides = array<i32>} : memref<32768xf32, #tpu.memory_space<vmem>>, vector<16xf32>,
        %swap3A_1456 = vector.shape_cast %swap3A_1455 : vector<16xf32> to vector<16xf32>
        %swap3A_1457 = vector.shape_cast %add3A_1447 : vector<16xf32> to vector<16xf32>
        tpu.vector_store %arg8[%swap3A_1454], %swap3A_1457 {strides = array<i32>} : memref<32768xf32, #tpu.memory_space<vmem>>, vector<16xf32>,
        %add3A_1458 = arith.constant 48 : i32
        %add3A_1459 = arith.addi %multiple_of3A_1151, %add3A_1458 : i32
        %get3A_1460 = arith.index_cast %sub3A_204 : i32 to index
        %get3A_1461 = arith.index_cast %add3A_1459 : i32 to index
        %get3A_1462 = tpu.vector_load %arg5[%get3A_1460, %get3A_1461] {strides = array<i32>} : memref<8x4096xf32, #tpu.memory_space<vmem>>, vector<1x16xf32>,
        %get3A_1463 = vector.shape_cast %get3A_1462 : vector<1x16xf32> to vector<16xf32>
        %add3A_1464 = vector.broadcast %select_n3A_274 : f32 to vector<16xf32>
        %add3A_1465 = arith.addf %get3A_1463, %add3A_1464 : vector<16xf32>
        %mul3A_1466 = arith.constant 8 : i32
        %mul3A_1467 = arith.muli %multiple_of3A_1151, %mul3A_1466 : i32
        %add3A_1468 = arith.constant 0 : i32
        %add3A_1469 = arith.addi %mul3A_1467, %add3A_1468 : i32
        %add3A_1470 = arith.constant 48 : i32
        %add3A_1471 = arith.addi %add3A_1469, %add3A_1470 : i32
        %swap3A_1472 = arith.index_cast %add3A_1471 : i32 to index
        %swap3A_1473 = tpu.vector_load %arg8[%swap3A_1472] {strides = array<i32>} : memref<32768xf32, #tpu.memory_space<vmem>>, vector<16xf32>,
        %swap3A_1474 = vector.shape_cast %swap3A_1473 : vector<16xf32> to vector<16xf32>
        %swap3A_1475 = vector.shape_cast %add3A_1465 : vector<16xf32> to vector<16xf32>
        tpu.vector_store %arg8[%swap3A_1472], %swap3A_1475 {strides = array<i32>} : memref<32768xf32, #tpu.memory_space<vmem>>, vector<16xf32>,
        %add3A_1476 = vector.broadcast %select_n3A_279 : f32 to vector<16xf32>
        %add3A_1477 = arith.addf %get3A_1463, %add3A_1476 : vector<16xf32>
        %mul3A_1478 = arith.constant 8 : i32
        %mul3A_1479 = arith.muli %multiple_of3A_1151, %mul3A_1478 : i32
        %add3A_1480 = arith.constant 128 : i32
        %add3A_1481 = arith.addi %mul3A_1479, %add3A_1480 : i32
        %add3A_1482 = arith.constant 48 : i32
        %add3A_1483 = arith.addi %add3A_1481, %add3A_1482 : i32
        %swap3A_1484 = arith.index_cast %add3A_1483 : i32 to index
        %swap3A_1485 = tpu.vector_load %arg8[%swap3A_1484] {strides = array<i32>} : memref<32768xf32, #tpu.memory_space<vmem>>, vector<16xf32>,
        %swap3A_1486 = vector.shape_cast %swap3A_1485 : vector<16xf32> to vector<16xf32>
        %swap3A_1487 = vector.shape_cast %add3A_1477 : vector<16xf32> to vector<16xf32>
        tpu.vector_store %arg8[%swap3A_1484], %swap3A_1487 {strides = array<i32>} : memref<32768xf32, #tpu.memory_space<vmem>>, vector<16xf32>,
        %add3A_1488 = vector.broadcast %select_n3A_284 : f32 to vector<16xf32>
        %add3A_1489 = arith.addf %get3A_1463, %add3A_1488 : vector<16xf32>
        %mul3A_1490 = arith.constant 8 : i32
        %mul3A_1491 = arith.muli %multiple_of3A_1151, %mul3A_1490 : i32
        %add3A_1492 = arith.constant 256 : i32
        %add3A_1493 = arith.addi %mul3A_1491, %add3A_1492 : i32
        %add3A_1494 = arith.constant 48 : i32
        %add3A_1495 = arith.addi %add3A_1493, %add3A_1494 : i32
        %swap3A_1496 = arith.index_cast %add3A_1495 : i32 to index
        %swap3A_1497 = tpu.vector_load %arg8[%swap3A_1496] {strides = array<i32>} : memref<32768xf32, #tpu.memory_space<vmem>>, vector<16xf32>,
        %swap3A_1498 = vector.shape_cast %swap3A_1497 : vector<16xf32> to vector<16xf32>
        %swap3A_1499 = vector.shape_cast %add3A_1489 : vector<16xf32> to vector<16xf32>
        tpu.vector_store %arg8[%swap3A_1496], %swap3A_1499 {strides = array<i32>} : memref<32768xf32, #tpu.memory_space<vmem>>, vector<16xf32>,
        %add3A_1500 = vector.broadcast %select_n3A_289 : f32 to vector<16xf32>
        %add3A_1501 = arith.addf %get3A_1463, %add3A_1500 : vector<16xf32>
        %mul3A_1502 = arith.constant 8 : i32
        %mul3A_1503 = arith.muli %multiple_of3A_1151, %mul3A_1502 : i32
        %add3A_1504 = arith.constant 384 : i32
        %add3A_1505 = arith.addi %mul3A_1503, %add3A_1504 : i32
        %add3A_1506 = arith.constant 48 : i32
        %add3A_1507 = arith.addi %add3A_1505, %add3A_1506 : i32
        %swap3A_1508 = arith.index_cast %add3A_1507 : i32 to index
        %swap3A_1509 = tpu.vector_load %arg8[%swap3A_1508] {strides = array<i32>} : memref<32768xf32, #tpu.memory_space<vmem>>, vector<16xf32>,
        %swap3A_1510 = vector.shape_cast %swap3A_1509 : vector<16xf32> to vector<16xf32>
        %swap3A_1511 = vector.shape_cast %add3A_1501 : vector<16xf32> to vector<16xf32>
        tpu.vector_store %arg8[%swap3A_1508], %swap3A_1511 {strides = array<i32>} : memref<32768xf32, #tpu.memory_space<vmem>>, vector<16xf32>,
        %add3A_1512 = vector.broadcast %select_n3A_294 : f32 to vector<16xf32>
        %add3A_1513 = arith.addf %get3A_1463, %add3A_1512 : vector<16xf32>
        %mul3A_1514 = arith.constant 8 : i32
        %mul3A_1515 = arith.muli %multiple_of3A_1151, %mul3A_1514 : i32
        %add3A_1516 = arith.constant 512 : i32
        %add3A_1517 = arith.addi %mul3A_1515, %add3A_1516 : i32
        %add3A_1518 = arith.constant 48 : i32
        %add3A_1519 = arith.addi %add3A_1517, %add3A_1518 : i32
        %swap3A_1520 = arith.index_cast %add3A_1519 : i32 to index
        %swap3A_1521 = tpu.vector_load %arg8[%swap3A_1520] {strides = array<i32>} : memref<32768xf32, #tpu.memory_space<vmem>>, vector<16xf32>,
        %swap3A_1522 = vector.shape_cast %swap3A_1521 : vector<16xf32> to vector<16xf32>
        %swap3A_1523 = vector.shape_cast %add3A_1513 : vector<16xf32> to vector<16xf32>
        tpu.vector_store %arg8[%swap3A_1520], %swap3A_1523 {strides = array<i32>} : memref<32768xf32, #tpu.memory_space<vmem>>, vector<16xf32>,
        %add3A_1524 = vector.broadcast %select_n3A_299 : f32 to vector<16xf32>
        %add3A_1525 = arith.addf %get3A_1463, %add3A_1524 : vector<16xf32>
        %mul3A_1526 = arith.constant 8 : i32
        %mul3A_1527 = arith.muli %multiple_of3A_1151, %mul3A_1526 : i32
        %add3A_1528 = arith.constant 640 : i32
        %add3A_1529 = arith.addi %mul3A_1527, %add3A_1528 : i32
        %add3A_1530 = arith.constant 48 : i32
        %add3A_1531 = arith.addi %add3A_1529, %add3A_1530 : i32
        %swap3A_1532 = arith.index_cast %add3A_1531 : i32 to index
        %swap3A_1533 = tpu.vector_load %arg8[%swap3A_1532] {strides = array<i32>} : memref<32768xf32, #tpu.memory_space<vmem>>, vector<16xf32>,
        %swap3A_1534 = vector.shape_cast %swap3A_1533 : vector<16xf32> to vector<16xf32>
        %swap3A_1535 = vector.shape_cast %add3A_1525 : vector<16xf32> to vector<16xf32>
        tpu.vector_store %arg8[%swap3A_1532], %swap3A_1535 {strides = array<i32>} : memref<32768xf32, #tpu.memory_space<vmem>>, vector<16xf32>,
        %add3A_1536 = vector.broadcast %select_n3A_304 : f32 to vector<16xf32>
        %add3A_1537 = arith.addf %get3A_1463, %add3A_1536 : vector<16xf32>
        %mul3A_1538 = arith.constant 8 : i32
        %mul3A_1539 = arith.muli %multiple_of3A_1151, %mul3A_1538 : i32
        %add3A_1540 = arith.constant 768 : i32
        %add3A_1541 = arith.addi %mul3A_1539, %add3A_1540 : i32
        %add3A_1542 = arith.constant 48 : i32
        %add3A_1543 = arith.addi %add3A_1541, %add3A_1542 : i32
        %swap3A_1544 = arith.index_cast %add3A_1543 : i32 to index
        %swap3A_1545 = tpu.vector_load %arg8[%swap3A_1544] {strides = array<i32>} : memref<32768xf32, #tpu.memory_space<vmem>>, vector<16xf32>,
        %swap3A_1546 = vector.shape_cast %swap3A_1545 : vector<16xf32> to vector<16xf32>
        %swap3A_1547 = vector.shape_cast %add3A_1537 : vector<16xf32> to vector<16xf32>
        tpu.vector_store %arg8[%swap3A_1544], %swap3A_1547 {strides = array<i32>} : memref<32768xf32, #tpu.memory_space<vmem>>, vector<16xf32>,
        %add3A_1548 = vector.broadcast %select_n3A_309 : f32 to vector<16xf32>
        %add3A_1549 = arith.addf %get3A_1463, %add3A_1548 : vector<16xf32>
        %mul3A_1550 = arith.constant 8 : i32
        %mul3A_1551 = arith.muli %multiple_of3A_1151, %mul3A_1550 : i32
        %add3A_1552 = arith.constant 896 : i32
        %add3A_1553 = arith.addi %mul3A_1551, %add3A_1552 : i32
        %add3A_1554 = arith.constant 48 : i32
        %add3A_1555 = arith.addi %add3A_1553, %add3A_1554 : i32
        %swap3A_1556 = arith.index_cast %add3A_1555 : i32 to index
        %swap3A_1557 = tpu.vector_load %arg8[%swap3A_1556] {strides = array<i32>} : memref<32768xf32, #tpu.memory_space<vmem>>, vector<16xf32>,
        %swap3A_1558 = vector.shape_cast %swap3A_1557 : vector<16xf32> to vector<16xf32>
        %swap3A_1559 = vector.shape_cast %add3A_1549 : vector<16xf32> to vector<16xf32>
        tpu.vector_store %arg8[%swap3A_1556], %swap3A_1559 {strides = array<i32>} : memref<32768xf32, #tpu.memory_space<vmem>>, vector<16xf32>,
        %add3A_1560 = arith.constant 64 : i32
        %add3A_1561 = arith.addi %multiple_of3A_1151, %add3A_1560 : i32
        %get3A_1562 = arith.index_cast %sub3A_204 : i32 to index
        %get3A_1563 = arith.index_cast %add3A_1561 : i32 to index
        %get3A_1564 = tpu.vector_load %arg5[%get3A_1562, %get3A_1563] {strides = array<i32>} : memref<8x4096xf32, #tpu.memory_space<vmem>>, vector<1x16xf32>,
        %get3A_1565 = vector.shape_cast %get3A_1564 : vector<1x16xf32> to vector<16xf32>
        %add3A_1566 = vector.broadcast %select_n3A_274 : f32 to vector<16xf32>
        %add3A_1567 = arith.addf %get3A_1565, %add3A_1566 : vector<16xf32>
        %mul3A_1568 = arith.constant 8 : i32
        %mul3A_1569 = arith.muli %multiple_of3A_1151, %mul3A_1568 : i32
        %add3A_1570 = arith.constant 0 : i32
        %add3A_1571 = arith.addi %mul3A_1569, %add3A_1570 : i32
        %add3A_1572 = arith.constant 64 : i32
        %add3A_1573 = arith.addi %add3A_1571, %add3A_1572 : i32
        %swap3A_1574 = arith.index_cast %add3A_1573 : i32 to index
        %swap3A_1575 = tpu.vector_load %arg8[%swap3A_1574] {strides = array<i32>} : memref<32768xf32, #tpu.memory_space<vmem>>, vector<16xf32>,
        %swap3A_1576 = vector.shape_cast %swap3A_1575 : vector<16xf32> to vector<16xf32>
        %swap3A_1577 = vector.shape_cast %add3A_1567 : vector<16xf32> to vector<16xf32>
        tpu.vector_store %arg8[%swap3A_1574], %swap3A_1577 {strides = array<i32>} : memref<32768xf32, #tpu.memory_space<vmem>>, vector<16xf32>,
        %add3A_1578 = vector.broadcast %select_n3A_279 : f32 to vector<16xf32>
        %add3A_1579 = arith.addf %get3A_1565, %add3A_1578 : vector<16xf32>
        %mul3A_1580 = arith.constant 8 : i32
        %mul3A_1581 = arith.muli %multiple_of3A_1151, %mul3A_1580 : i32
        %add3A_1582 = arith.constant 128 : i32
        %add3A_1583 = arith.addi %mul3A_1581, %add3A_1582 : i32
        %add3A_1584 = arith.constant 64 : i32
        %add3A_1585 = arith.addi %add3A_1583, %add3A_1584 : i32
        %swap3A_1586 = arith.index_cast %add3A_1585 : i32 to index
        %swap3A_1587 = tpu.vector_load %arg8[%swap3A_1586] {strides = array<i32>} : memref<32768xf32, #tpu.memory_space<vmem>>, vector<16xf32>,
        %swap3A_1588 = vector.shape_cast %swap3A_1587 : vector<16xf32> to vector<16xf32>
        %swap3A_1589 = vector.shape_cast %add3A_1579 : vector<16xf32> to vector<16xf32>
        tpu.vector_store %arg8[%swap3A_1586], %swap3A_1589 {strides = array<i32>} : memref<32768xf32, #tpu.memory_space<vmem>>, vector<16xf32>,
        %add3A_1590 = vector.broadcast %select_n3A_284 : f32 to vector<16xf32>
        %add3A_1591 = arith.addf %get3A_1565, %add3A_1590 : vector<16xf32>
        %mul3A_1592 = arith.constant 8 : i32
        %mul3A_1593 = arith.muli %multiple_of3A_1151, %mul3A_1592 : i32
        %add3A_1594 = arith.constant 256 : i32
        %add3A_1595 = arith.addi %mul3A_1593, %add3A_1594 : i32
        %add3A_1596 = arith.constant 64 : i32
        %add3A_1597 = arith.addi %add3A_1595, %add3A_1596 : i32
        %swap3A_1598 = arith.index_cast %add3A_1597 : i32 to index
        %swap3A_1599 = tpu.vector_load %arg8[%swap3A_1598] {strides = array<i32>} : memref<32768xf32, #tpu.memory_space<vmem>>, vector<16xf32>,
        %swap3A_1600 = vector.shape_cast %swap3A_1599 : vector<16xf32> to vector<16xf32>
        %swap3A_1601 = vector.shape_cast %add3A_1591 : vector<16xf32> to vector<16xf32>
        tpu.vector_store %arg8[%swap3A_1598], %swap3A_1601 {strides = array<i32>} : memref<32768xf32, #tpu.memory_space<vmem>>, vector<16xf32>,
        %add3A_1602 = vector.broadcast %select_n3A_289 : f32 to vector<16xf32>
        %add3A_1603 = arith.addf %get3A_1565, %add3A_1602 : vector<16xf32>
        %mul3A_1604 = arith.constant 8 : i32
        %mul3A_1605 = arith.muli %multiple_of3A_1151, %mul3A_1604 : i32
        %add3A_1606 = arith.constant 384 : i32
        %add3A_1607 = arith.addi %mul3A_1605, %add3A_1606 : i32
        %add3A_1608 = arith.constant 64 : i32
        %add3A_1609 = arith.addi %add3A_1607, %add3A_1608 : i32
        %swap3A_1610 = arith.index_cast %add3A_1609 : i32 to index
        %swap3A_1611 = tpu.vector_load %arg8[%swap3A_1610] {strides = array<i32>} : memref<32768xf32, #tpu.memory_space<vmem>>, vector<16xf32>,
        %swap3A_1612 = vector.shape_cast %swap3A_1611 : vector<16xf32> to vector<16xf32>
        %swap3A_1613 = vector.shape_cast %add3A_1603 : vector<16xf32> to vector<16xf32>
        tpu.vector_store %arg8[%swap3A_1610], %swap3A_1613 {strides = array<i32>} : memref<32768xf32, #tpu.memory_space<vmem>>, vector<16xf32>,
        %add3A_1614 = vector.broadcast %select_n3A_294 : f32 to vector<16xf32>
        %add3A_1615 = arith.addf %get3A_1565, %add3A_1614 : vector<16xf32>
        %mul3A_1616 = arith.constant 8 : i32
        %mul3A_1617 = arith.muli %multiple_of3A_1151, %mul3A_1616 : i32
        %add3A_1618 = arith.constant 512 : i32
        %add3A_1619 = arith.addi %mul3A_1617, %add3A_1618 : i32
        %add3A_1620 = arith.constant 64 : i32
        %add3A_1621 = arith.addi %add3A_1619, %add3A_1620 : i32
        %swap3A_1622 = arith.index_cast %add3A_1621 : i32 to index
        %swap3A_1623 = tpu.vector_load %arg8[%swap3A_1622] {strides = array<i32>} : memref<32768xf32, #tpu.memory_space<vmem>>, vector<16xf32>,
        %swap3A_1624 = vector.shape_cast %swap3A_1623 : vector<16xf32> to vector<16xf32>
        %swap3A_1625 = vector.shape_cast %add3A_1615 : vector<16xf32> to vector<16xf32>
        tpu.vector_store %arg8[%swap3A_1622], %swap3A_1625 {strides = array<i32>} : memref<32768xf32, #tpu.memory_space<vmem>>, vector<16xf32>,
        %add3A_1626 = vector.broadcast %select_n3A_299 : f32 to vector<16xf32>
        %add3A_1627 = arith.addf %get3A_1565, %add3A_1626 : vector<16xf32>
        %mul3A_1628 = arith.constant 8 : i32
        %mul3A_1629 = arith.muli %multiple_of3A_1151, %mul3A_1628 : i32
        %add3A_1630 = arith.constant 640 : i32
        %add3A_1631 = arith.addi %mul3A_1629, %add3A_1630 : i32
        %add3A_1632 = arith.constant 64 : i32
        %add3A_1633 = arith.addi %add3A_1631, %add3A_1632 : i32
        %swap3A_1634 = arith.index_cast %add3A_1633 : i32 to index
        %swap3A_1635 = tpu.vector_load %arg8[%swap3A_1634] {strides = array<i32>} : memref<32768xf32, #tpu.memory_space<vmem>>, vector<16xf32>,
        %swap3A_1636 = vector.shape_cast %swap3A_1635 : vector<16xf32> to vector<16xf32>
        %swap3A_1637 = vector.shape_cast %add3A_1627 : vector<16xf32> to vector<16xf32>
        tpu.vector_store %arg8[%swap3A_1634], %swap3A_1637 {strides = array<i32>} : memref<32768xf32, #tpu.memory_space<vmem>>, vector<16xf32>,
        %add3A_1638 = vector.broadcast %select_n3A_304 : f32 to vector<16xf32>
        %add3A_1639 = arith.addf %get3A_1565, %add3A_1638 : vector<16xf32>
        %mul3A_1640 = arith.constant 8 : i32
        %mul3A_1641 = arith.muli %multiple_of3A_1151, %mul3A_1640 : i32
        %add3A_1642 = arith.constant 768 : i32
        %add3A_1643 = arith.addi %mul3A_1641, %add3A_1642 : i32
        %add3A_1644 = arith.constant 64 : i32
        %add3A_1645 = arith.addi %add3A_1643, %add3A_1644 : i32
        %swap3A_1646 = arith.index_cast %add3A_1645 : i32 to index
        %swap3A_1647 = tpu.vector_load %arg8[%swap3A_1646] {strides = array<i32>} : memref<32768xf32, #tpu.memory_space<vmem>>, vector<16xf32>,
        %swap3A_1648 = vector.shape_cast %swap3A_1647 : vector<16xf32> to vector<16xf32>
        %swap3A_1649 = vector.shape_cast %add3A_1639 : vector<16xf32> to vector<16xf32>
        tpu.vector_store %arg8[%swap3A_1646], %swap3A_1649 {strides = array<i32>} : memref<32768xf32, #tpu.memory_space<vmem>>, vector<16xf32>,
        %add3A_1650 = vector.broadcast %select_n3A_309 : f32 to vector<16xf32>
        %add3A_1651 = arith.addf %get3A_1565, %add3A_1650 : vector<16xf32>
        %mul3A_1652 = arith.constant 8 : i32
        %mul3A_1653 = arith.muli %multiple_of3A_1151, %mul3A_1652 : i32
        %add3A_1654 = arith.constant 896 : i32
        %add3A_1655 = arith.addi %mul3A_1653, %add3A_1654 : i32
        %add3A_1656 = arith.constant 64 : i32
        %add3A_1657 = arith.addi %add3A_1655, %add3A_1656 : i32
        %swap3A_1658 = arith.index_cast %add3A_1657 : i32 to index
        %swap3A_1659 = tpu.vector_load %arg8[%swap3A_1658] {strides = array<i32>} : memref<32768xf32, #tpu.memory_space<vmem>>, vector<16xf32>,
        %swap3A_1660 = vector.shape_cast %swap3A_1659 : vector<16xf32> to vector<16xf32>
        %swap3A_1661 = vector.shape_cast %add3A_1651 : vector<16xf32> to vector<16xf32>
        tpu.vector_store %arg8[%swap3A_1658], %swap3A_1661 {strides = array<i32>} : memref<32768xf32, #tpu.memory_space<vmem>>, vector<16xf32>,
        %add3A_1662 = arith.constant 80 : i32
        %add3A_1663 = arith.addi %multiple_of3A_1151, %add3A_1662 : i32
        %get3A_1664 = arith.index_cast %sub3A_204 : i32 to index
        %get3A_1665 = arith.index_cast %add3A_1663 : i32 to index
        %get3A_1666 = tpu.vector_load %arg5[%get3A_1664, %get3A_1665] {strides = array<i32>} : memref<8x4096xf32, #tpu.memory_space<vmem>>, vector<1x16xf32>,
        %get3A_1667 = vector.shape_cast %get3A_1666 : vector<1x16xf32> to vector<16xf32>
        %add3A_1668 = vector.broadcast %select_n3A_274 : f32 to vector<16xf32>
        %add3A_1669 = arith.addf %get3A_1667, %add3A_1668 : vector<16xf32>
        %mul3A_1670 = arith.constant 8 : i32
        %mul3A_1671 = arith.muli %multiple_of3A_1151, %mul3A_1670 : i32
        %add3A_1672 = arith.constant 0 : i32
        %add3A_1673 = arith.addi %mul3A_1671, %add3A_1672 : i32
        %add3A_1674 = arith.constant 80 : i32
        %add3A_1675 = arith.addi %add3A_1673, %add3A_1674 : i32
        %swap3A_1676 = arith.index_cast %add3A_1675 : i32 to index
        %swap3A_1677 = tpu.vector_load %arg8[%swap3A_1676] {strides = array<i32>} : memref<32768xf32, #tpu.memory_space<vmem>>, vector<16xf32>,
        %swap3A_1678 = vector.shape_cast %swap3A_1677 : vector<16xf32> to vector<16xf32>
        %swap3A_1679 = vector.shape_cast %add3A_1669 : vector<16xf32> to vector<16xf32>
        tpu.vector_store %arg8[%swap3A_1676], %swap3A_1679 {strides = array<i32>} : memref<32768xf32, #tpu.memory_space<vmem>>, vector<16xf32>,
        %add3A_1680 = vector.broadcast %select_n3A_279 : f32 to vector<16xf32>
        %add3A_1681 = arith.addf %get3A_1667, %add3A_1680 : vector<16xf32>
        %mul3A_1682 = arith.constant 8 : i32
        %mul3A_1683 = arith.muli %multiple_of3A_1151, %mul3A_1682 : i32
        %add3A_1684 = arith.constant 128 : i32
        %add3A_1685 = arith.addi %mul3A_1683, %add3A_1684 : i32
        %add3A_1686 = arith.constant 80 : i32
        %add3A_1687 = arith.addi %add3A_1685, %add3A_1686 : i32
        %swap3A_1688 = arith.index_cast %add3A_1687 : i32 to index
        %swap3A_1689 = tpu.vector_load %arg8[%swap3A_1688] {strides = array<i32>} : memref<32768xf32, #tpu.memory_space<vmem>>, vector<16xf32>,
        %swap3A_1690 = vector.shape_cast %swap3A_1689 : vector<16xf32> to vector<16xf32>
        %swap3A_1691 = vector.shape_cast %add3A_1681 : vector<16xf32> to vector<16xf32>
        tpu.vector_store %arg8[%swap3A_1688], %swap3A_1691 {strides = array<i32>} : memref<32768xf32, #tpu.memory_space<vmem>>, vector<16xf32>,
        %add3A_1692 = vector.broadcast %select_n3A_284 : f32 to vector<16xf32>
        %add3A_1693 = arith.addf %get3A_1667, %add3A_1692 : vector<16xf32>
        %mul3A_1694 = arith.constant 8 : i32
        %mul3A_1695 = arith.muli %multiple_of3A_1151, %mul3A_1694 : i32
        %add3A_1696 = arith.constant 256 : i32
        %add3A_1697 = arith.addi %mul3A_1695, %add3A_1696 : i32
        %add3A_1698 = arith.constant 80 : i32
        %add3A_1699 = arith.addi %add3A_1697, %add3A_1698 : i32
        %swap3A_1700 = arith.index_cast %add3A_1699 : i32 to index
        %swap3A_1701 = tpu.vector_load %arg8[%swap3A_1700] {strides = array<i32>} : memref<32768xf32, #tpu.memory_space<vmem>>, vector<16xf32>,
        %swap3A_1702 = vector.shape_cast %swap3A_1701 : vector<16xf32> to vector<16xf32>
        %swap3A_1703 = vector.shape_cast %add3A_1693 : vector<16xf32> to vector<16xf32>
        tpu.vector_store %arg8[%swap3A_1700], %swap3A_1703 {strides = array<i32>} : memref<32768xf32, #tpu.memory_space<vmem>>, vector<16xf32>,
        %add3A_1704 = vector.broadcast %select_n3A_289 : f32 to vector<16xf32>
        %add3A_1705 = arith.addf %get3A_1667, %add3A_1704 : vector<16xf32>
        %mul3A_1706 = arith.constant 8 : i32
        %mul3A_1707 = arith.muli %multiple_of3A_1151, %mul3A_1706 : i32
        %add3A_1708 = arith.constant 384 : i32
        %add3A_1709 = arith.addi %mul3A_1707, %add3A_1708 : i32
        %add3A_1710 = arith.constant 80 : i32
        %add3A_1711 = arith.addi %add3A_1709, %add3A_1710 : i32
        %swap3A_1712 = arith.index_cast %add3A_1711 : i32 to index
        %swap3A_1713 = tpu.vector_load %arg8[%swap3A_1712] {strides = array<i32>} : memref<32768xf32, #tpu.memory_space<vmem>>, vector<16xf32>,
        %swap3A_1714 = vector.shape_cast %swap3A_1713 : vector<16xf32> to vector<16xf32>
        %swap3A_1715 = vector.shape_cast %add3A_1705 : vector<16xf32> to vector<16xf32>
        tpu.vector_store %arg8[%swap3A_1712], %swap3A_1715 {strides = array<i32>} : memref<32768xf32, #tpu.memory_space<vmem>>, vector<16xf32>,
        %add3A_1716 = vector.broadcast %select_n3A_294 : f32 to vector<16xf32>
        %add3A_1717 = arith.addf %get3A_1667, %add3A_1716 : vector<16xf32>
        %mul3A_1718 = arith.constant 8 : i32
        %mul3A_1719 = arith.muli %multiple_of3A_1151, %mul3A_1718 : i32
        %add3A_1720 = arith.constant 512 : i32
        %add3A_1721 = arith.addi %mul3A_1719, %add3A_1720 : i32
        %add3A_1722 = arith.constant 80 : i32
        %add3A_1723 = arith.addi %add3A_1721, %add3A_1722 : i32
        %swap3A_1724 = arith.index_cast %add3A_1723 : i32 to index
        %swap3A_1725 = tpu.vector_load %arg8[%swap3A_1724] {strides = array<i32>} : memref<32768xf32, #tpu.memory_space<vmem>>, vector<16xf32>,
        %swap3A_1726 = vector.shape_cast %swap3A_1725 : vector<16xf32> to vector<16xf32>
        %swap3A_1727 = vector.shape_cast %add3A_1717 : vector<16xf32> to vector<16xf32>
        tpu.vector_store %arg8[%swap3A_1724], %swap3A_1727 {strides = array<i32>} : memref<32768xf32, #tpu.memory_space<vmem>>, vector<16xf32>,
        %add3A_1728 = vector.broadcast %select_n3A_299 : f32 to vector<16xf32>
        %add3A_1729 = arith.addf %get3A_1667, %add3A_1728 : vector<16xf32>
        %mul3A_1730 = arith.constant 8 : i32
        %mul3A_1731 = arith.muli %multiple_of3A_1151, %mul3A_1730 : i32
        %add3A_1732 = arith.constant 640 : i32
        %add3A_1733 = arith.addi %mul3A_1731, %add3A_1732 : i32
        %add3A_1734 = arith.constant 80 : i32
        %add3A_1735 = arith.addi %add3A_1733, %add3A_1734 : i32
        %swap3A_1736 = arith.index_cast %add3A_1735 : i32 to index
        %swap3A_1737 = tpu.vector_load %arg8[%swap3A_1736] {strides = array<i32>} : memref<32768xf32, #tpu.memory_space<vmem>>, vector<16xf32>,
        %swap3A_1738 = vector.shape_cast %swap3A_1737 : vector<16xf32> to vector<16xf32>
        %swap3A_1739 = vector.shape_cast %add3A_1729 : vector<16xf32> to vector<16xf32>
        tpu.vector_store %arg8[%swap3A_1736], %swap3A_1739 {strides = array<i32>} : memref<32768xf32, #tpu.memory_space<vmem>>, vector<16xf32>,
        %add3A_1740 = vector.broadcast %select_n3A_304 : f32 to vector<16xf32>
        %add3A_1741 = arith.addf %get3A_1667, %add3A_1740 : vector<16xf32>
        %mul3A_1742 = arith.constant 8 : i32
        %mul3A_1743 = arith.muli %multiple_of3A_1151, %mul3A_1742 : i32
        %add3A_1744 = arith.constant 768 : i32
        %add3A_1745 = arith.addi %mul3A_1743, %add3A_1744 : i32
        %add3A_1746 = arith.constant 80 : i32
        %add3A_1747 = arith.addi %add3A_1745, %add3A_1746 : i32
        %swap3A_1748 = arith.index_cast %add3A_1747 : i32 to index
        %swap3A_1749 = tpu.vector_load %arg8[%swap3A_1748] {strides = array<i32>} : memref<32768xf32, #tpu.memory_space<vmem>>, vector<16xf32>,
        %swap3A_1750 = vector.shape_cast %swap3A_1749 : vector<16xf32> to vector<16xf32>
        %swap3A_1751 = vector.shape_cast %add3A_1741 : vector<16xf32> to vector<16xf32>
        tpu.vector_store %arg8[%swap3A_1748], %swap3A_1751 {strides = array<i32>} : memref<32768xf32, #tpu.memory_space<vmem>>, vector<16xf32>,
        %add3A_1752 = vector.broadcast %select_n3A_309 : f32 to vector<16xf32>
        %add3A_1753 = arith.addf %get3A_1667, %add3A_1752 : vector<16xf32>
        %mul3A_1754 = arith.constant 8 : i32
        %mul3A_1755 = arith.muli %multiple_of3A_1151, %mul3A_1754 : i32
        %add3A_1756 = arith.constant 896 : i32
        %add3A_1757 = arith.addi %mul3A_1755, %add3A_1756 : i32
        %add3A_1758 = arith.constant 80 : i32
        %add3A_1759 = arith.addi %add3A_1757, %add3A_1758 : i32
        %swap3A_1760 = arith.index_cast %add3A_1759 : i32 to index
        %swap3A_1761 = tpu.vector_load %arg8[%swap3A_1760] {strides = array<i32>} : memref<32768xf32, #tpu.memory_space<vmem>>, vector<16xf32>,
        %swap3A_1762 = vector.shape_cast %swap3A_1761 : vector<16xf32> to vector<16xf32>
        %swap3A_1763 = vector.shape_cast %add3A_1753 : vector<16xf32> to vector<16xf32>
        tpu.vector_store %arg8[%swap3A_1760], %swap3A_1763 {strides = array<i32>} : memref<32768xf32, #tpu.memory_space<vmem>>, vector<16xf32>,
        %add3A_1764 = arith.constant 96 : i32
        %add3A_1765 = arith.addi %multiple_of3A_1151, %add3A_1764 : i32
        %get3A_1766 = arith.index_cast %sub3A_204 : i32 to index
        %get3A_1767 = arith.index_cast %add3A_1765 : i32 to index
        %get3A_1768 = tpu.vector_load %arg5[%get3A_1766, %get3A_1767] {strides = array<i32>} : memref<8x4096xf32, #tpu.memory_space<vmem>>, vector<1x16xf32>,
        %get3A_1769 = vector.shape_cast %get3A_1768 : vector<1x16xf32> to vector<16xf32>
        %add3A_1770 = vector.broadcast %select_n3A_274 : f32 to vector<16xf32>
        %add3A_1771 = arith.addf %get3A_1769, %add3A_1770 : vector<16xf32>
        %mul3A_1772 = arith.constant 8 : i32
        %mul3A_1773 = arith.muli %multiple_of3A_1151, %mul3A_1772 : i32
        %add3A_1774 = arith.constant 0 : i32
        %add3A_1775 = arith.addi %mul3A_1773, %add3A_1774 : i32
        %add3A_1776 = arith.constant 96 : i32
        %add3A_1777 = arith.addi %add3A_1775, %add3A_1776 : i32
        %swap3A_1778 = arith.index_cast %add3A_1777 : i32 to index
        %swap3A_1779 = tpu.vector_load %arg8[%swap3A_1778] {strides = array<i32>} : memref<32768xf32, #tpu.memory_space<vmem>>, vector<16xf32>,
        %swap3A_1780 = vector.shape_cast %swap3A_1779 : vector<16xf32> to vector<16xf32>
        %swap3A_1781 = vector.shape_cast %add3A_1771 : vector<16xf32> to vector<16xf32>
        tpu.vector_store %arg8[%swap3A_1778], %swap3A_1781 {strides = array<i32>} : memref<32768xf32, #tpu.memory_space<vmem>>, vector<16xf32>,
        %add3A_1782 = vector.broadcast %select_n3A_279 : f32 to vector<16xf32>
        %add3A_1783 = arith.addf %get3A_1769, %add3A_1782 : vector<16xf32>
        %mul3A_1784 = arith.constant 8 : i32
        %mul3A_1785 = arith.muli %multiple_of3A_1151, %mul3A_1784 : i32
        %add3A_1786 = arith.constant 128 : i32
        %add3A_1787 = arith.addi %mul3A_1785, %add3A_1786 : i32
        %add3A_1788 = arith.constant 96 : i32
        %add3A_1789 = arith.addi %add3A_1787, %add3A_1788 : i32
        %swap3A_1790 = arith.index_cast %add3A_1789 : i32 to index
        %swap3A_1791 = tpu.vector_load %arg8[%swap3A_1790] {strides = array<i32>} : memref<32768xf32, #tpu.memory_space<vmem>>, vector<16xf32>,
        %swap3A_1792 = vector.shape_cast %swap3A_1791 : vector<16xf32> to vector<16xf32>
        %swap3A_1793 = vector.shape_cast %add3A_1783 : vector<16xf32> to vector<16xf32>
        tpu.vector_store %arg8[%swap3A_1790], %swap3A_1793 {strides = array<i32>} : memref<32768xf32, #tpu.memory_space<vmem>>, vector<16xf32>,
        %add3A_1794 = vector.broadcast %select_n3A_284 : f32 to vector<16xf32>
        %add3A_1795 = arith.addf %get3A_1769, %add3A_1794 : vector<16xf32>
        %mul3A_1796 = arith.constant 8 : i32
        %mul3A_1797 = arith.muli %multiple_of3A_1151, %mul3A_1796 : i32
        %add3A_1798 = arith.constant 256 : i32
        %add3A_1799 = arith.addi %mul3A_1797, %add3A_1798 : i32
        %add3A_1800 = arith.constant 96 : i32
        %add3A_1801 = arith.addi %add3A_1799, %add3A_1800 : i32
        %swap3A_1802 = arith.index_cast %add3A_1801 : i32 to index
        %swap3A_1803 = tpu.vector_load %arg8[%swap3A_1802] {strides = array<i32>} : memref<32768xf32, #tpu.memory_space<vmem>>, vector<16xf32>,
        %swap3A_1804 = vector.shape_cast %swap3A_1803 : vector<16xf32> to vector<16xf32>
        %swap3A_1805 = vector.shape_cast %add3A_1795 : vector<16xf32> to vector<16xf32>
        tpu.vector_store %arg8[%swap3A_1802], %swap3A_1805 {strides = array<i32>} : memref<32768xf32, #tpu.memory_space<vmem>>, vector<16xf32>,
        %add3A_1806 = vector.broadcast %select_n3A_289 : f32 to vector<16xf32>
        %add3A_1807 = arith.addf %get3A_1769, %add3A_1806 : vector<16xf32>
        %mul3A_1808 = arith.constant 8 : i32
        %mul3A_1809 = arith.muli %multiple_of3A_1151, %mul3A_1808 : i32
        %add3A_1810 = arith.constant 384 : i32
        %add3A_1811 = arith.addi %mul3A_1809, %add3A_1810 : i32
        %add3A_1812 = arith.constant 96 : i32
        %add3A_1813 = arith.addi %add3A_1811, %add3A_1812 : i32
        %swap3A_1814 = arith.index_cast %add3A_1813 : i32 to index
        %swap3A_1815 = tpu.vector_load %arg8[%swap3A_1814] {strides = array<i32>} : memref<32768xf32, #tpu.memory_space<vmem>>, vector<16xf32>,
        %swap3A_1816 = vector.shape_cast %swap3A_1815 : vector<16xf32> to vector<16xf32>
        %swap3A_1817 = vector.shape_cast %add3A_1807 : vector<16xf32> to vector<16xf32>
        tpu.vector_store %arg8[%swap3A_1814], %swap3A_1817 {strides = array<i32>} : memref<32768xf32, #tpu.memory_space<vmem>>, vector<16xf32>,
        %add3A_1818 = vector.broadcast %select_n3A_294 : f32 to vector<16xf32>
        %add3A_1819 = arith.addf %get3A_1769, %add3A_1818 : vector<16xf32>
        %mul3A_1820 = arith.constant 8 : i32
        %mul3A_1821 = arith.muli %multiple_of3A_1151, %mul3A_1820 : i32
        %add3A_1822 = arith.constant 512 : i32
        %add3A_1823 = arith.addi %mul3A_1821, %add3A_1822 : i32
        %add3A_1824 = arith.constant 96 : i32
        %add3A_1825 = arith.addi %add3A_1823, %add3A_1824 : i32
        %swap3A_1826 = arith.index_cast %add3A_1825 : i32 to index
        %swap3A_1827 = tpu.vector_load %arg8[%swap3A_1826] {strides = array<i32>} : memref<32768xf32, #tpu.memory_space<vmem>>, vector<16xf32>,
        %swap3A_1828 = vector.shape_cast %swap3A_1827 : vector<16xf32> to vector<16xf32>
        %swap3A_1829 = vector.shape_cast %add3A_1819 : vector<16xf32> to vector<16xf32>
        tpu.vector_store %arg8[%swap3A_1826], %swap3A_1829 {strides = array<i32>} : memref<32768xf32, #tpu.memory_space<vmem>>, vector<16xf32>,
        %add3A_1830 = vector.broadcast %select_n3A_299 : f32 to vector<16xf32>
        %add3A_1831 = arith.addf %get3A_1769, %add3A_1830 : vector<16xf32>
        %mul3A_1832 = arith.constant 8 : i32
        %mul3A_1833 = arith.muli %multiple_of3A_1151, %mul3A_1832 : i32
        %add3A_1834 = arith.constant 640 : i32
        %add3A_1835 = arith.addi %mul3A_1833, %add3A_1834 : i32
        %add3A_1836 = arith.constant 96 : i32
        %add3A_1837 = arith.addi %add3A_1835, %add3A_1836 : i32
        %swap3A_1838 = arith.index_cast %add3A_1837 : i32 to index
        %swap3A_1839 = tpu.vector_load %arg8[%swap3A_1838] {strides = array<i32>} : memref<32768xf32, #tpu.memory_space<vmem>>, vector<16xf32>,
        %swap3A_1840 = vector.shape_cast %swap3A_1839 : vector<16xf32> to vector<16xf32>
        %swap3A_1841 = vector.shape_cast %add3A_1831 : vector<16xf32> to vector<16xf32>
        tpu.vector_store %arg8[%swap3A_1838], %swap3A_1841 {strides = array<i32>} : memref<32768xf32, #tpu.memory_space<vmem>>, vector<16xf32>,
        %add3A_1842 = vector.broadcast %select_n3A_304 : f32 to vector<16xf32>
        %add3A_1843 = arith.addf %get3A_1769, %add3A_1842 : vector<16xf32>
        %mul3A_1844 = arith.constant 8 : i32
        %mul3A_1845 = arith.muli %multiple_of3A_1151, %mul3A_1844 : i32
        %add3A_1846 = arith.constant 768 : i32
        %add3A_1847 = arith.addi %mul3A_1845, %add3A_1846 : i32
        %add3A_1848 = arith.constant 96 : i32
        %add3A_1849 = arith.addi %add3A_1847, %add3A_1848 : i32
        %swap3A_1850 = arith.index_cast %add3A_1849 : i32 to index
        %swap3A_1851 = tpu.vector_load %arg8[%swap3A_1850] {strides = array<i32>} : memref<32768xf32, #tpu.memory_space<vmem>>, vector<16xf32>,
        %swap3A_1852 = vector.shape_cast %swap3A_1851 : vector<16xf32> to vector<16xf32>
        %swap3A_1853 = vector.shape_cast %add3A_1843 : vector<16xf32> to vector<16xf32>
        tpu.vector_store %arg8[%swap3A_1850], %swap3A_1853 {strides = array<i32>} : memref<32768xf32, #tpu.memory_space<vmem>>, vector<16xf32>,
        %add3A_1854 = vector.broadcast %select_n3A_309 : f32 to vector<16xf32>
        %add3A_1855 = arith.addf %get3A_1769, %add3A_1854 : vector<16xf32>
        %mul3A_1856 = arith.constant 8 : i32
        %mul3A_1857 = arith.muli %multiple_of3A_1151, %mul3A_1856 : i32
        %add3A_1858 = arith.constant 896 : i32
        %add3A_1859 = arith.addi %mul3A_1857, %add3A_1858 : i32
        %add3A_1860 = arith.constant 96 : i32
        %add3A_1861 = arith.addi %add3A_1859, %add3A_1860 : i32
        %swap3A_1862 = arith.index_cast %add3A_1861 : i32 to index
        %swap3A_1863 = tpu.vector_load %arg8[%swap3A_1862] {strides = array<i32>} : memref<32768xf32, #tpu.memory_space<vmem>>, vector<16xf32>,
        %swap3A_1864 = vector.shape_cast %swap3A_1863 : vector<16xf32> to vector<16xf32>
        %swap3A_1865 = vector.shape_cast %add3A_1855 : vector<16xf32> to vector<16xf32>
        tpu.vector_store %arg8[%swap3A_1862], %swap3A_1865 {strides = array<i32>} : memref<32768xf32, #tpu.memory_space<vmem>>, vector<16xf32>,
        %add3A_1866 = arith.constant 112 : i32
        %add3A_1867 = arith.addi %multiple_of3A_1151, %add3A_1866 : i32
        %get3A_1868 = arith.index_cast %sub3A_204 : i32 to index
        %get3A_1869 = arith.index_cast %add3A_1867 : i32 to index
        %get3A_1870 = tpu.vector_load %arg5[%get3A_1868, %get3A_1869] {strides = array<i32>} : memref<8x4096xf32, #tpu.memory_space<vmem>>, vector<1x16xf32>,
        %get3A_1871 = vector.shape_cast %get3A_1870 : vector<1x16xf32> to vector<16xf32>
        %add3A_1872 = vector.broadcast %select_n3A_274 : f32 to vector<16xf32>
        %add3A_1873 = arith.addf %get3A_1871, %add3A_1872 : vector<16xf32>
        %mul3A_1874 = arith.constant 8 : i32
        %mul3A_1875 = arith.muli %multiple_of3A_1151, %mul3A_1874 : i32
        %add3A_1876 = arith.constant 0 : i32
        %add3A_1877 = arith.addi %mul3A_1875, %add3A_1876 : i32
        %add3A_1878 = arith.constant 112 : i32
        %add3A_1879 = arith.addi %add3A_1877, %add3A_1878 : i32
        %swap3A_1880 = arith.index_cast %add3A_1879 : i32 to index
        %swap3A_1881 = tpu.vector_load %arg8[%swap3A_1880] {strides = array<i32>} : memref<32768xf32, #tpu.memory_space<vmem>>, vector<16xf32>,
        %swap3A_1882 = vector.shape_cast %swap3A_1881 : vector<16xf32> to vector<16xf32>
        %swap3A_1883 = vector.shape_cast %add3A_1873 : vector<16xf32> to vector<16xf32>
        tpu.vector_store %arg8[%swap3A_1880], %swap3A_1883 {strides = array<i32>} : memref<32768xf32, #tpu.memory_space<vmem>>, vector<16xf32>,
        %add3A_1884 = vector.broadcast %select_n3A_279 : f32 to vector<16xf32>
        %add3A_1885 = arith.addf %get3A_1871, %add3A_1884 : vector<16xf32>
        %mul3A_1886 = arith.constant 8 : i32
        %mul3A_1887 = arith.muli %multiple_of3A_1151, %mul3A_1886 : i32
        %add3A_1888 = arith.constant 128 : i32
        %add3A_1889 = arith.addi %mul3A_1887, %add3A_1888 : i32
        %add3A_1890 = arith.constant 112 : i32
        %add3A_1891 = arith.addi %add3A_1889, %add3A_1890 : i32
        %swap3A_1892 = arith.index_cast %add3A_1891 : i32 to index
        %swap3A_1893 = tpu.vector_load %arg8[%swap3A_1892] {strides = array<i32>} : memref<32768xf32, #tpu.memory_space<vmem>>, vector<16xf32>,
        %swap3A_1894 = vector.shape_cast %swap3A_1893 : vector<16xf32> to vector<16xf32>
        %swap3A_1895 = vector.shape_cast %add3A_1885 : vector<16xf32> to vector<16xf32>
        tpu.vector_store %arg8[%swap3A_1892], %swap3A_1895 {strides = array<i32>} : memref<32768xf32, #tpu.memory_space<vmem>>, vector<16xf32>,
        %add3A_1896 = vector.broadcast %select_n3A_284 : f32 to vector<16xf32>
        %add3A_1897 = arith.addf %get3A_1871, %add3A_1896 : vector<16xf32>
        %mul3A_1898 = arith.constant 8 : i32
        %mul3A_1899 = arith.muli %multiple_of3A_1151, %mul3A_1898 : i32
        %add3A_1900 = arith.constant 256 : i32
        %add3A_1901 = arith.addi %mul3A_1899, %add3A_1900 : i32
        %add3A_1902 = arith.constant 112 : i32
        %add3A_1903 = arith.addi %add3A_1901, %add3A_1902 : i32
        %swap3A_1904 = arith.index_cast %add3A_1903 : i32 to index
        %swap3A_1905 = tpu.vector_load %arg8[%swap3A_1904] {strides = array<i32>} : memref<32768xf32, #tpu.memory_space<vmem>>, vector<16xf32>,
        %swap3A_1906 = vector.shape_cast %swap3A_1905 : vector<16xf32> to vector<16xf32>
        %swap3A_1907 = vector.shape_cast %add3A_1897 : vector<16xf32> to vector<16xf32>
        tpu.vector_store %arg8[%swap3A_1904], %swap3A_1907 {strides = array<i32>} : memref<32768xf32, #tpu.memory_space<vmem>>, vector<16xf32>,
        %add3A_1908 = vector.broadcast %select_n3A_289 : f32 to vector<16xf32>
        %add3A_1909 = arith.addf %get3A_1871, %add3A_1908 : vector<16xf32>
        %mul3A_1910 = arith.constant 8 : i32
        %mul3A_1911 = arith.muli %multiple_of3A_1151, %mul3A_1910 : i32
        %add3A_1912 = arith.constant 384 : i32
        %add3A_1913 = arith.addi %mul3A_1911, %add3A_1912 : i32
        %add3A_1914 = arith.constant 112 : i32
        %add3A_1915 = arith.addi %add3A_1913, %add3A_1914 : i32
        %swap3A_1916 = arith.index_cast %add3A_1915 : i32 to index
        %swap3A_1917 = tpu.vector_load %arg8[%swap3A_1916] {strides = array<i32>} : memref<32768xf32, #tpu.memory_space<vmem>>, vector<16xf32>,
        %swap3A_1918 = vector.shape_cast %swap3A_1917 : vector<16xf32> to vector<16xf32>
        %swap3A_1919 = vector.shape_cast %add3A_1909 : vector<16xf32> to vector<16xf32>
        tpu.vector_store %arg8[%swap3A_1916], %swap3A_1919 {strides = array<i32>} : memref<32768xf32, #tpu.memory_space<vmem>>, vector<16xf32>,
        %add3A_1920 = vector.broadcast %select_n3A_294 : f32 to vector<16xf32>
        %add3A_1921 = arith.addf %get3A_1871, %add3A_1920 : vector<16xf32>
        %mul3A_1922 = arith.constant 8 : i32
        %mul3A_1923 = arith.muli %multiple_of3A_1151, %mul3A_1922 : i32
        %add3A_1924 = arith.constant 512 : i32
        %add3A_1925 = arith.addi %mul3A_1923, %add3A_1924 : i32
        %add3A_1926 = arith.constant 112 : i32
        %add3A_1927 = arith.addi %add3A_1925, %add3A_1926 : i32
        %swap3A_1928 = arith.index_cast %add3A_1927 : i32 to index
        %swap3A_1929 = tpu.vector_load %arg8[%swap3A_1928] {strides = array<i32>} : memref<32768xf32, #tpu.memory_space<vmem>>, vector<16xf32>,
        %swap3A_1930 = vector.shape_cast %swap3A_1929 : vector<16xf32> to vector<16xf32>
        %swap3A_1931 = vector.shape_cast %add3A_1921 : vector<16xf32> to vector<16xf32>
        tpu.vector_store %arg8[%swap3A_1928], %swap3A_1931 {strides = array<i32>} : memref<32768xf32, #tpu.memory_space<vmem>>, vector<16xf32>,
        %add3A_1932 = vector.broadcast %select_n3A_299 : f32 to vector<16xf32>
        %add3A_1933 = arith.addf %get3A_1871, %add3A_1932 : vector<16xf32>
        %mul3A_1934 = arith.constant 8 : i32
        %mul3A_1935 = arith.muli %multiple_of3A_1151, %mul3A_1934 : i32
        %add3A_1936 = arith.constant 640 : i32
        %add3A_1937 = arith.addi %mul3A_1935, %add3A_1936 : i32
        %add3A_1938 = arith.constant 112 : i32
        %add3A_1939 = arith.addi %add3A_1937, %add3A_1938 : i32
        %swap3A_1940 = arith.index_cast %add3A_1939 : i32 to index
        %swap3A_1941 = tpu.vector_load %arg8[%swap3A_1940] {strides = array<i32>} : memref<32768xf32, #tpu.memory_space<vmem>>, vector<16xf32>,
        %swap3A_1942 = vector.shape_cast %swap3A_1941 : vector<16xf32> to vector<16xf32>
        %swap3A_1943 = vector.shape_cast %add3A_1933 : vector<16xf32> to vector<16xf32>
        tpu.vector_store %arg8[%swap3A_1940], %swap3A_1943 {strides = array<i32>} : memref<32768xf32, #tpu.memory_space<vmem>>, vector<16xf32>,
        %add3A_1944 = vector.broadcast %select_n3A_304 : f32 to vector<16xf32>
        %add3A_1945 = arith.addf %get3A_1871, %add3A_1944 : vector<16xf32>
        %mul3A_1946 = arith.constant 8 : i32
        %mul3A_1947 = arith.muli %multiple_of3A_1151, %mul3A_1946 : i32
        %add3A_1948 = arith.constant 768 : i32
        %add3A_1949 = arith.addi %mul3A_1947, %add3A_1948 : i32
        %add3A_1950 = arith.constant 112 : i32
        %add3A_1951 = arith.addi %add3A_1949, %add3A_1950 : i32
        %swap3A_1952 = arith.index_cast %add3A_1951 : i32 to index
        %swap3A_1953 = tpu.vector_load %arg8[%swap3A_1952] {strides = array<i32>} : memref<32768xf32, #tpu.memory_space<vmem>>, vector<16xf32>,
        %swap3A_1954 = vector.shape_cast %swap3A_1953 : vector<16xf32> to vector<16xf32>
        %swap3A_1955 = vector.shape_cast %add3A_1945 : vector<16xf32> to vector<16xf32>
        tpu.vector_store %arg8[%swap3A_1952], %swap3A_1955 {strides = array<i32>} : memref<32768xf32, #tpu.memory_space<vmem>>, vector<16xf32>,
        %add3A_1956 = vector.broadcast %select_n3A_309 : f32 to vector<16xf32>
        %add3A_1957 = arith.addf %get3A_1871, %add3A_1956 : vector<16xf32>
        %mul3A_1958 = arith.constant 8 : i32
        %mul3A_1959 = arith.muli %multiple_of3A_1151, %mul3A_1958 : i32
        %add3A_1960 = arith.constant 896 : i32
        %add3A_1961 = arith.addi %mul3A_1959, %add3A_1960 : i32
        %add3A_1962 = arith.constant 112 : i32
        %add3A_1963 = arith.addi %add3A_1961, %add3A_1962 : i32
        %swap3A_1964 = arith.index_cast %add3A_1963 : i32 to index
        %swap3A_1965 = tpu.vector_load %arg8[%swap3A_1964] {strides = array<i32>} : memref<32768xf32, #tpu.memory_space<vmem>>, vector<16xf32>,
        %swap3A_1966 = vector.shape_cast %swap3A_1965 : vector<16xf32> to vector<16xf32>
        %swap3A_1967 = vector.shape_cast %add3A_1957 : vector<16xf32> to vector<16xf32>
        tpu.vector_store %arg8[%swap3A_1964], %swap3A_1967 {strides = array<i32>} : memref<32768xf32, #tpu.memory_space<vmem>>, vector<16xf32>,
      }
      %scan3A_315 = arith.constant 16 : i32
      %add3A_316 = arith.constant 1 : i32
      %add3A_317 = arith.addi %add3A_37, %add3A_316 : i32
      %mul3A_318 = arith.constant 32768 : i32
      %mul3A_319 = arith.muli %add3A_317, %mul3A_318 : i32
      %dma_start3A_320 = tpu.memref_slice %arg4[%mul3A_319] : memref<52428800xf32, #tpu.memory_space<hbm>> -> memref<32768xf32, #tpu.memory_space<hbm>>
      %dma_start3A_321 = tpu.memref_slice %arg4[%mul3A_319] : memref<52428800xf32, #tpu.memory_space<hbm>> -> memref<32768xf32, #tpu.memory_space<hbm>>
      tpu.enqueue_dma source(%arg8 : memref<32768xf32, #tpu.memory_space<vmem>>) target(%dma_start3A_321 : memref<32768xf32, #tpu.memory_space<hbm>>) target_semaphore(%arg10 : memref<!tpu.dma_semaphore, #tpu.memory_space<semaphore_mem>>)
    }
    %scan3A_26 = arith.constant 5 : i32
    %dma_wait3A = arith.constant 0 : i32
    %dma_wait3A_27 = tpu.memref_slice %arg4[%dma_wait3A] : memref<52428800xf32, #tpu.memory_space<hbm>> -> memref<32768xf32, #tpu.memory_space<hbm>>
    %dma_wait3A_28 = arith.constant 0 : i32
    %dma_wait3A_29 = tpu.memref_slice %arg4[%dma_wait3A_28] : memref<52428800xf32, #tpu.memory_space<hbm>> -> memref<32768xf32, #tpu.memory_space<hbm>>
    tpu.wait_dma2 semaphore(%arg9 : memref<!tpu.dma_semaphore, #tpu.memory_space<semaphore_mem>>) src(%arg7 : memref<32768xf32, #tpu.memory_space<vmem>>) dst(%dma_wait3A_29 : memref<32768xf32, #tpu.memory_space<hbm>>)
    %dma_wait3A_30 = arith.constant 0 : i32
    %dma_wait3A_31 = tpu.memref_slice %arg4[%dma_wait3A_30] : memref<52428800xf32, #tpu.memory_space<hbm>> -> memref<32768xf32, #tpu.memory_space<hbm>>
    %dma_wait3A_32 = arith.constant 0 : i32
    %dma_wait3A_33 = tpu.memref_slice %arg4[%dma_wait3A_32] : memref<52428800xf32, #tpu.memory_space<hbm>> -> memref<32768xf32, #tpu.memory_space<hbm>>
    tpu.wait_dma2 semaphore(%arg10 : memref<!tpu.dma_semaphore, #tpu.memory_space<semaphore_mem>>) src(%arg8 : memref<32768xf32, #tpu.memory_space<vmem>>) dst(%dma_wait3A_33 : memref<32768xf32, #tpu.memory_space<hbm>>)
    return
  }
}

module attributes {stable_mosaic.version = 14 : i64} {
  func.func @_tc_body(%arg0: i32, %arg1: memref<200x8x32x8x128xf32, #tpu.memory_space<any>>, %arg2: memref<8x32x128xf32, #tpu.memory_space<vmem>>, %arg3: memref<200x64xf32, #tpu.memory_space<vmem>>, %arg4: memref<8x8x32x8x128xf32, #tpu.memory_space<vmem>>) attributes {dimension_semantics = [#tpu.dimension_semantics<arbitrary>], iteration_bounds = array<i64: 20>, scalar_prefetch = 0 : i64, scratch_operands = 0 : i64, tpu.core_type = #tpu.core_type<tc>, window_params = [{}, {transform_indices = @transform_1, window_bounds = array<i64: 8, 32, 128>}, {pipeline_mode = #tpu.pipeline_mode<synchronous>, transform_indices = @transform_2, window_bounds = array<i64: 200, 64>}, {transform_indices = @transform_3, window_bounds = array<i64: 8, 8, 32, 8, 128>}]} {
    %get3A = arith.constant 0 : index
    %get3A_0 = arith.constant 0 : index
    %get3A_1 = arith.constant 0 : index
    %get3A_2 = vector.load %arg2[%get3A, %get3A_0, %get3A_1] : memref<8x32x128xf32, #tpu.memory_space<vmem>>, vector<1x32x128xf32>
    %get3A_3 = vector.shape_cast %get3A_2 : vector<1x32x128xf32> to vector<32x128xf32>
    %mul3A = arith.constant 8 : i32
    %mul3A_4 = arith.muli %arg0, %mul3A : i32
    %add3A = arith.constant 0 : i32
    %add3A_5 = arith.addi %mul3A_4, %add3A : i32
    %get3A_6 = arith.index_cast %add3A_5 : i32 to index
    %get3A_7 = arith.constant 0 : index
    %get3A_8 = vector.load %arg3[%get3A_6, %get3A_7] : memref<200x64xf32, #tpu.memory_space<vmem>>, vector<1x64xf32>
    %get3A_9 = vector.shape_cast %get3A_8 : vector<1x64xf32> to vector<64xf32>
    %broadcast_in_dim3A = vector.shape_cast %get3A_9 : vector<64xf32> to vector<1x64xf32>
    %broadcast_in_dim3A_10 = vector.shape_cast %broadcast_in_dim3A : vector<1x64xf32> to vector<1x64xf32>
    %broadcast_in_dim3A_11 = vector.broadcast %broadcast_in_dim3A_10 : vector<1x64xf32> to vector<128x64xf32>
    %transpose3A = tpu.transpose %broadcast_in_dim3A_11, [1, 0] : vector<128x64xf32> -> vector<64x128xf32>
    %broadcast_in_dim3A_12 = vector.shape_cast %get3A_3 : vector<32x128xf32> to vector<1x32x1x128xf32>
    %reshape3A = vector.shape_cast %transpose3A : vector<64x128xf32> to vector<8x8x128xf32>
    %broadcast_in_dim3A_13 = vector.shape_cast %reshape3A : vector<8x8x128xf32> to vector<8x1x8x128xf32>
    %add3A_14 = vector.broadcast %broadcast_in_dim3A_12 : vector<1x32x1x128xf32> to vector<8x32x8x128xf32>
    %add3A_15 = vector.broadcast %broadcast_in_dim3A_13 : vector<8x1x8x128xf32> to vector<8x32x8x128xf32>
    %add3A_16 = arith.addf %add3A_14, %add3A_15 : vector<8x32x8x128xf32>
    %swap3A = arith.constant 0 : index
    %swap3A_17 = arith.constant 0 : index
    %swap3A_18 = arith.constant 0 : index
    %swap3A_19 = arith.constant 0 : index
    %swap3A_20 = arith.constant 0 : index
    %swap3A_21 = vector.load %arg4[%swap3A, %swap3A_17, %swap3A_18, %swap3A_19, %swap3A_20] : memref<8x8x32x8x128xf32, #tpu.memory_space<vmem>>, vector<1x8x32x8x128xf32>
    %swap3A_22 = vector.shape_cast %swap3A_21 : vector<1x8x32x8x128xf32> to vector<8x32x8x128xf32>
    %swap3A_23 = vector.shape_cast %add3A_16 : vector<8x32x8x128xf32> to vector<1x8x32x8x128xf32>
    tpu.vector_store %arg4[%swap3A, %swap3A_17, %swap3A_18, %swap3A_19, %swap3A_20], %swap3A_23 {strides = array<i32>} : memref<8x8x32x8x128xf32, #tpu.memory_space<vmem>>, vector<1x8x32x8x128xf32>,
    %get3A_24 = arith.constant 1 : index
    %get3A_25 = arith.constant 0 : index
    %get3A_26 = arith.constant 0 : index
    %get3A_27 = vector.load %arg2[%get3A_24, %get3A_25, %get3A_26] : memref<8x32x128xf32, #tpu.memory_space<vmem>>, vector<1x32x128xf32>
    %get3A_28 = vector.shape_cast %get3A_27 : vector<1x32x128xf32> to vector<32x128xf32>
    %mul3A_29 = arith.constant 8 : i32
    %mul3A_30 = arith.muli %arg0, %mul3A_29 : i32
    %add3A_31 = arith.constant 1 : i32
    %add3A_32 = arith.addi %mul3A_30, %add3A_31 : i32
    %get3A_33 = arith.index_cast %add3A_32 : i32 to index
    %get3A_34 = arith.constant 0 : index
    %get3A_35 = vector.load %arg3[%get3A_33, %get3A_34] : memref<200x64xf32, #tpu.memory_space<vmem>>, vector<1x64xf32>
    %get3A_36 = vector.shape_cast %get3A_35 : vector<1x64xf32> to vector<64xf32>
    %broadcast_in_dim3A_37 = vector.shape_cast %get3A_36 : vector<64xf32> to vector<1x64xf32>
    %broadcast_in_dim3A_38 = vector.shape_cast %broadcast_in_dim3A_37 : vector<1x64xf32> to vector<1x64xf32>
    %broadcast_in_dim3A_39 = vector.broadcast %broadcast_in_dim3A_38 : vector<1x64xf32> to vector<128x64xf32>
    %transpose3A_40 = tpu.transpose %broadcast_in_dim3A_39, [1, 0] : vector<128x64xf32> -> vector<64x128xf32>
    %broadcast_in_dim3A_41 = vector.shape_cast %get3A_28 : vector<32x128xf32> to vector<1x32x1x128xf32>
    %reshape3A_42 = vector.shape_cast %transpose3A_40 : vector<64x128xf32> to vector<8x8x128xf32>
    %broadcast_in_dim3A_43 = vector.shape_cast %reshape3A_42 : vector<8x8x128xf32> to vector<8x1x8x128xf32>
    %add3A_44 = vector.broadcast %broadcast_in_dim3A_41 : vector<1x32x1x128xf32> to vector<8x32x8x128xf32>
    %add3A_45 = vector.broadcast %broadcast_in_dim3A_43 : vector<8x1x8x128xf32> to vector<8x32x8x128xf32>
    %add3A_46 = arith.addf %add3A_44, %add3A_45 : vector<8x32x8x128xf32>
    %swap3A_47 = arith.constant 1 : index
    %swap3A_48 = arith.constant 0 : index
    %swap3A_49 = arith.constant 0 : index
    %swap3A_50 = arith.constant 0 : index
    %swap3A_51 = arith.constant 0 : index
    %swap3A_52 = vector.load %arg4[%swap3A_47, %swap3A_48, %swap3A_49, %swap3A_50, %swap3A_51] : memref<8x8x32x8x128xf32, #tpu.memory_space<vmem>>, vector<1x8x32x8x128xf32>
    %swap3A_53 = vector.shape_cast %swap3A_52 : vector<1x8x32x8x128xf32> to vector<8x32x8x128xf32>
    %swap3A_54 = vector.shape_cast %add3A_46 : vector<8x32x8x128xf32> to vector<1x8x32x8x128xf32>
    tpu.vector_store %arg4[%swap3A_47, %swap3A_48, %swap3A_49, %swap3A_50, %swap3A_51], %swap3A_54 {strides = array<i32>} : memref<8x8x32x8x128xf32, #tpu.memory_space<vmem>>, vector<1x8x32x8x128xf32>,
    %get3A_55 = arith.constant 2 : index
    %get3A_56 = arith.constant 0 : index
    %get3A_57 = arith.constant 0 : index
    %get3A_58 = vector.load %arg2[%get3A_55, %get3A_56, %get3A_57] : memref<8x32x128xf32, #tpu.memory_space<vmem>>, vector<1x32x128xf32>
    %get3A_59 = vector.shape_cast %get3A_58 : vector<1x32x128xf32> to vector<32x128xf32>
    %mul3A_60 = arith.constant 8 : i32
    %mul3A_61 = arith.muli %arg0, %mul3A_60 : i32
    %add3A_62 = arith.constant 2 : i32
    %add3A_63 = arith.addi %mul3A_61, %add3A_62 : i32
    %get3A_64 = arith.index_cast %add3A_63 : i32 to index
    %get3A_65 = arith.constant 0 : index
    %get3A_66 = vector.load %arg3[%get3A_64, %get3A_65] : memref<200x64xf32, #tpu.memory_space<vmem>>, vector<1x64xf32>
    %get3A_67 = vector.shape_cast %get3A_66 : vector<1x64xf32> to vector<64xf32>
    %broadcast_in_dim3A_68 = vector.shape_cast %get3A_67 : vector<64xf32> to vector<1x64xf32>
    %broadcast_in_dim3A_69 = vector.shape_cast %broadcast_in_dim3A_68 : vector<1x64xf32> to vector<1x64xf32>
    %broadcast_in_dim3A_70 = vector.broadcast %broadcast_in_dim3A_69 : vector<1x64xf32> to vector<128x64xf32>
    %transpose3A_71 = tpu.transpose %broadcast_in_dim3A_70, [1, 0] : vector<128x64xf32> -> vector<64x128xf32>
    %broadcast_in_dim3A_72 = vector.shape_cast %get3A_59 : vector<32x128xf32> to vector<1x32x1x128xf32>
    %reshape3A_73 = vector.shape_cast %transpose3A_71 : vector<64x128xf32> to vector<8x8x128xf32>
    %broadcast_in_dim3A_74 = vector.shape_cast %reshape3A_73 : vector<8x8x128xf32> to vector<8x1x8x128xf32>
    %add3A_75 = vector.broadcast %broadcast_in_dim3A_72 : vector<1x32x1x128xf32> to vector<8x32x8x128xf32>
    %add3A_76 = vector.broadcast %broadcast_in_dim3A_74 : vector<8x1x8x128xf32> to vector<8x32x8x128xf32>
    %add3A_77 = arith.addf %add3A_75, %add3A_76 : vector<8x32x8x128xf32>
    %swap3A_78 = arith.constant 2 : index
    %swap3A_79 = arith.constant 0 : index
    %swap3A_80 = arith.constant 0 : index
    %swap3A_81 = arith.constant 0 : index
    %swap3A_82 = arith.constant 0 : index
    %swap3A_83 = vector.load %arg4[%swap3A_78, %swap3A_79, %swap3A_80, %swap3A_81, %swap3A_82] : memref<8x8x32x8x128xf32, #tpu.memory_space<vmem>>, vector<1x8x32x8x128xf32>
    %swap3A_84 = vector.shape_cast %swap3A_83 : vector<1x8x32x8x128xf32> to vector<8x32x8x128xf32>
    %swap3A_85 = vector.shape_cast %add3A_77 : vector<8x32x8x128xf32> to vector<1x8x32x8x128xf32>
    tpu.vector_store %arg4[%swap3A_78, %swap3A_79, %swap3A_80, %swap3A_81, %swap3A_82], %swap3A_85 {strides = array<i32>} : memref<8x8x32x8x128xf32, #tpu.memory_space<vmem>>, vector<1x8x32x8x128xf32>,
    %get3A_86 = arith.constant 3 : index
    %get3A_87 = arith.constant 0 : index
    %get3A_88 = arith.constant 0 : index
    %get3A_89 = vector.load %arg2[%get3A_86, %get3A_87, %get3A_88] : memref<8x32x128xf32, #tpu.memory_space<vmem>>, vector<1x32x128xf32>
    %get3A_90 = vector.shape_cast %get3A_89 : vector<1x32x128xf32> to vector<32x128xf32>
    %mul3A_91 = arith.constant 8 : i32
    %mul3A_92 = arith.muli %arg0, %mul3A_91 : i32
    %add3A_93 = arith.constant 3 : i32
    %add3A_94 = arith.addi %mul3A_92, %add3A_93 : i32
    %get3A_95 = arith.index_cast %add3A_94 : i32 to index
    %get3A_96 = arith.constant 0 : index
    %get3A_97 = vector.load %arg3[%get3A_95, %get3A_96] : memref<200x64xf32, #tpu.memory_space<vmem>>, vector<1x64xf32>
    %get3A_98 = vector.shape_cast %get3A_97 : vector<1x64xf32> to vector<64xf32>
    %broadcast_in_dim3A_99 = vector.shape_cast %get3A_98 : vector<64xf32> to vector<1x64xf32>
    %broadcast_in_dim3A_100 = vector.shape_cast %broadcast_in_dim3A_99 : vector<1x64xf32> to vector<1x64xf32>
    %broadcast_in_dim3A_101 = vector.broadcast %broadcast_in_dim3A_100 : vector<1x64xf32> to vector<128x64xf32>
    %transpose3A_102 = tpu.transpose %broadcast_in_dim3A_101, [1, 0] : vector<128x64xf32> -> vector<64x128xf32>
    %broadcast_in_dim3A_103 = vector.shape_cast %get3A_90 : vector<32x128xf32> to vector<1x32x1x128xf32>
    %reshape3A_104 = vector.shape_cast %transpose3A_102 : vector<64x128xf32> to vector<8x8x128xf32>
    %broadcast_in_dim3A_105 = vector.shape_cast %reshape3A_104 : vector<8x8x128xf32> to vector<8x1x8x128xf32>
    %add3A_106 = vector.broadcast %broadcast_in_dim3A_103 : vector<1x32x1x128xf32> to vector<8x32x8x128xf32>
    %add3A_107 = vector.broadcast %broadcast_in_dim3A_105 : vector<8x1x8x128xf32> to vector<8x32x8x128xf32>
    %add3A_108 = arith.addf %add3A_106, %add3A_107 : vector<8x32x8x128xf32>
    %swap3A_109 = arith.constant 3 : index
    %swap3A_110 = arith.constant 0 : index
    %swap3A_111 = arith.constant 0 : index
    %swap3A_112 = arith.constant 0 : index
    %swap3A_113 = arith.constant 0 : index
    %swap3A_114 = vector.load %arg4[%swap3A_109, %swap3A_110, %swap3A_111, %swap3A_112, %swap3A_113] : memref<8x8x32x8x128xf32, #tpu.memory_space<vmem>>, vector<1x8x32x8x128xf32>
    %swap3A_115 = vector.shape_cast %swap3A_114 : vector<1x8x32x8x128xf32> to vector<8x32x8x128xf32>
    %swap3A_116 = vector.shape_cast %add3A_108 : vector<8x32x8x128xf32> to vector<1x8x32x8x128xf32>
    tpu.vector_store %arg4[%swap3A_109, %swap3A_110, %swap3A_111, %swap3A_112, %swap3A_113], %swap3A_116 {strides = array<i32>} : memref<8x8x32x8x128xf32, #tpu.memory_space<vmem>>, vector<1x8x32x8x128xf32>,
    %get3A_117 = arith.constant 4 : index
    %get3A_118 = arith.constant 0 : index
    %get3A_119 = arith.constant 0 : index
    %get3A_120 = vector.load %arg2[%get3A_117, %get3A_118, %get3A_119] : memref<8x32x128xf32, #tpu.memory_space<vmem>>, vector<1x32x128xf32>
    %get3A_121 = vector.shape_cast %get3A_120 : vector<1x32x128xf32> to vector<32x128xf32>
    %mul3A_122 = arith.constant 8 : i32
    %mul3A_123 = arith.muli %arg0, %mul3A_122 : i32
    %add3A_124 = arith.constant 4 : i32
    %add3A_125 = arith.addi %mul3A_123, %add3A_124 : i32
    %get3A_126 = arith.index_cast %add3A_125 : i32 to index
    %get3A_127 = arith.constant 0 : index
    %get3A_128 = vector.load %arg3[%get3A_126, %get3A_127] : memref<200x64xf32, #tpu.memory_space<vmem>>, vector<1x64xf32>
    %get3A_129 = vector.shape_cast %get3A_128 : vector<1x64xf32> to vector<64xf32>
    %broadcast_in_dim3A_130 = vector.shape_cast %get3A_129 : vector<64xf32> to vector<1x64xf32>
    %broadcast_in_dim3A_131 = vector.shape_cast %broadcast_in_dim3A_130 : vector<1x64xf32> to vector<1x64xf32>
    %broadcast_in_dim3A_132 = vector.broadcast %broadcast_in_dim3A_131 : vector<1x64xf32> to vector<128x64xf32>
    %transpose3A_133 = tpu.transpose %broadcast_in_dim3A_132, [1, 0] : vector<128x64xf32> -> vector<64x128xf32>
    %broadcast_in_dim3A_134 = vector.shape_cast %get3A_121 : vector<32x128xf32> to vector<1x32x1x128xf32>
    %reshape3A_135 = vector.shape_cast %transpose3A_133 : vector<64x128xf32> to vector<8x8x128xf32>
    %broadcast_in_dim3A_136 = vector.shape_cast %reshape3A_135 : vector<8x8x128xf32> to vector<8x1x8x128xf32>
    %add3A_137 = vector.broadcast %broadcast_in_dim3A_134 : vector<1x32x1x128xf32> to vector<8x32x8x128xf32>
    %add3A_138 = vector.broadcast %broadcast_in_dim3A_136 : vector<8x1x8x128xf32> to vector<8x32x8x128xf32>
    %add3A_139 = arith.addf %add3A_137, %add3A_138 : vector<8x32x8x128xf32>
    %swap3A_140 = arith.constant 4 : index
    %swap3A_141 = arith.constant 0 : index
    %swap3A_142 = arith.constant 0 : index
    %swap3A_143 = arith.constant 0 : index
    %swap3A_144 = arith.constant 0 : index
    %swap3A_145 = vector.load %arg4[%swap3A_140, %swap3A_141, %swap3A_142, %swap3A_143, %swap3A_144] : memref<8x8x32x8x128xf32, #tpu.memory_space<vmem>>, vector<1x8x32x8x128xf32>
    %swap3A_146 = vector.shape_cast %swap3A_145 : vector<1x8x32x8x128xf32> to vector<8x32x8x128xf32>
    %swap3A_147 = vector.shape_cast %add3A_139 : vector<8x32x8x128xf32> to vector<1x8x32x8x128xf32>
    tpu.vector_store %arg4[%swap3A_140, %swap3A_141, %swap3A_142, %swap3A_143, %swap3A_144], %swap3A_147 {strides = array<i32>} : memref<8x8x32x8x128xf32, #tpu.memory_space<vmem>>, vector<1x8x32x8x128xf32>,
    %get3A_148 = arith.constant 5 : index
    %get3A_149 = arith.constant 0 : index
    %get3A_150 = arith.constant 0 : index
    %get3A_151 = vector.load %arg2[%get3A_148, %get3A_149, %get3A_150] : memref<8x32x128xf32, #tpu.memory_space<vmem>>, vector<1x32x128xf32>
    %get3A_152 = vector.shape_cast %get3A_151 : vector<1x32x128xf32> to vector<32x128xf32>
    %mul3A_153 = arith.constant 8 : i32
    %mul3A_154 = arith.muli %arg0, %mul3A_153 : i32
    %add3A_155 = arith.constant 5 : i32
    %add3A_156 = arith.addi %mul3A_154, %add3A_155 : i32
    %get3A_157 = arith.index_cast %add3A_156 : i32 to index
    %get3A_158 = arith.constant 0 : index
    %get3A_159 = vector.load %arg3[%get3A_157, %get3A_158] : memref<200x64xf32, #tpu.memory_space<vmem>>, vector<1x64xf32>
    %get3A_160 = vector.shape_cast %get3A_159 : vector<1x64xf32> to vector<64xf32>
    %broadcast_in_dim3A_161 = vector.shape_cast %get3A_160 : vector<64xf32> to vector<1x64xf32>
    %broadcast_in_dim3A_162 = vector.shape_cast %broadcast_in_dim3A_161 : vector<1x64xf32> to vector<1x64xf32>
    %broadcast_in_dim3A_163 = vector.broadcast %broadcast_in_dim3A_162 : vector<1x64xf32> to vector<128x64xf32>
    %transpose3A_164 = tpu.transpose %broadcast_in_dim3A_163, [1, 0] : vector<128x64xf32> -> vector<64x128xf32>
    %broadcast_in_dim3A_165 = vector.shape_cast %get3A_152 : vector<32x128xf32> to vector<1x32x1x128xf32>
    %reshape3A_166 = vector.shape_cast %transpose3A_164 : vector<64x128xf32> to vector<8x8x128xf32>
    %broadcast_in_dim3A_167 = vector.shape_cast %reshape3A_166 : vector<8x8x128xf32> to vector<8x1x8x128xf32>
    %add3A_168 = vector.broadcast %broadcast_in_dim3A_165 : vector<1x32x1x128xf32> to vector<8x32x8x128xf32>
    %add3A_169 = vector.broadcast %broadcast_in_dim3A_167 : vector<8x1x8x128xf32> to vector<8x32x8x128xf32>
    %add3A_170 = arith.addf %add3A_168, %add3A_169 : vector<8x32x8x128xf32>
    %swap3A_171 = arith.constant 5 : index
    %swap3A_172 = arith.constant 0 : index
    %swap3A_173 = arith.constant 0 : index
    %swap3A_174 = arith.constant 0 : index
    %swap3A_175 = arith.constant 0 : index
    %swap3A_176 = vector.load %arg4[%swap3A_171, %swap3A_172, %swap3A_173, %swap3A_174, %swap3A_175] : memref<8x8x32x8x128xf32, #tpu.memory_space<vmem>>, vector<1x8x32x8x128xf32>
    %swap3A_177 = vector.shape_cast %swap3A_176 : vector<1x8x32x8x128xf32> to vector<8x32x8x128xf32>
    %swap3A_178 = vector.shape_cast %add3A_170 : vector<8x32x8x128xf32> to vector<1x8x32x8x128xf32>
    tpu.vector_store %arg4[%swap3A_171, %swap3A_172, %swap3A_173, %swap3A_174, %swap3A_175], %swap3A_178 {strides = array<i32>} : memref<8x8x32x8x128xf32, #tpu.memory_space<vmem>>, vector<1x8x32x8x128xf32>,
    %get3A_179 = arith.constant 6 : index
    %get3A_180 = arith.constant 0 : index
    %get3A_181 = arith.constant 0 : index
    %get3A_182 = vector.load %arg2[%get3A_179, %get3A_180, %get3A_181] : memref<8x32x128xf32, #tpu.memory_space<vmem>>, vector<1x32x128xf32>
    %get3A_183 = vector.shape_cast %get3A_182 : vector<1x32x128xf32> to vector<32x128xf32>
    %mul3A_184 = arith.constant 8 : i32
    %mul3A_185 = arith.muli %arg0, %mul3A_184 : i32
    %add3A_186 = arith.constant 6 : i32
    %add3A_187 = arith.addi %mul3A_185, %add3A_186 : i32
    %get3A_188 = arith.index_cast %add3A_187 : i32 to index
    %get3A_189 = arith.constant 0 : index
    %get3A_190 = vector.load %arg3[%get3A_188, %get3A_189] : memref<200x64xf32, #tpu.memory_space<vmem>>, vector<1x64xf32>
    %get3A_191 = vector.shape_cast %get3A_190 : vector<1x64xf32> to vector<64xf32>
    %broadcast_in_dim3A_192 = vector.shape_cast %get3A_191 : vector<64xf32> to vector<1x64xf32>
    %broadcast_in_dim3A_193 = vector.shape_cast %broadcast_in_dim3A_192 : vector<1x64xf32> to vector<1x64xf32>
    %broadcast_in_dim3A_194 = vector.broadcast %broadcast_in_dim3A_193 : vector<1x64xf32> to vector<128x64xf32>
    %transpose3A_195 = tpu.transpose %broadcast_in_dim3A_194, [1, 0] : vector<128x64xf32> -> vector<64x128xf32>
    %broadcast_in_dim3A_196 = vector.shape_cast %get3A_183 : vector<32x128xf32> to vector<1x32x1x128xf32>
    %reshape3A_197 = vector.shape_cast %transpose3A_195 : vector<64x128xf32> to vector<8x8x128xf32>
    %broadcast_in_dim3A_198 = vector.shape_cast %reshape3A_197 : vector<8x8x128xf32> to vector<8x1x8x128xf32>
    %add3A_199 = vector.broadcast %broadcast_in_dim3A_196 : vector<1x32x1x128xf32> to vector<8x32x8x128xf32>
    %add3A_200 = vector.broadcast %broadcast_in_dim3A_198 : vector<8x1x8x128xf32> to vector<8x32x8x128xf32>
    %add3A_201 = arith.addf %add3A_199, %add3A_200 : vector<8x32x8x128xf32>
    %swap3A_202 = arith.constant 6 : index
    %swap3A_203 = arith.constant 0 : index
    %swap3A_204 = arith.constant 0 : index
    %swap3A_205 = arith.constant 0 : index
    %swap3A_206 = arith.constant 0 : index
    %swap3A_207 = vector.load %arg4[%swap3A_202, %swap3A_203, %swap3A_204, %swap3A_205, %swap3A_206] : memref<8x8x32x8x128xf32, #tpu.memory_space<vmem>>, vector<1x8x32x8x128xf32>
    %swap3A_208 = vector.shape_cast %swap3A_207 : vector<1x8x32x8x128xf32> to vector<8x32x8x128xf32>
    %swap3A_209 = vector.shape_cast %add3A_201 : vector<8x32x8x128xf32> to vector<1x8x32x8x128xf32>
    tpu.vector_store %arg4[%swap3A_202, %swap3A_203, %swap3A_204, %swap3A_205, %swap3A_206], %swap3A_209 {strides = array<i32>} : memref<8x8x32x8x128xf32, #tpu.memory_space<vmem>>, vector<1x8x32x8x128xf32>,
    %get3A_210 = arith.constant 7 : index
    %get3A_211 = arith.constant 0 : index
    %get3A_212 = arith.constant 0 : index
    %get3A_213 = vector.load %arg2[%get3A_210, %get3A_211, %get3A_212] : memref<8x32x128xf32, #tpu.memory_space<vmem>>, vector<1x32x128xf32>
    %get3A_214 = vector.shape_cast %get3A_213 : vector<1x32x128xf32> to vector<32x128xf32>
    %mul3A_215 = arith.constant 8 : i32
    %mul3A_216 = arith.muli %arg0, %mul3A_215 : i32
    %add3A_217 = arith.constant 7 : i32
    %add3A_218 = arith.addi %mul3A_216, %add3A_217 : i32
    %get3A_219 = arith.index_cast %add3A_218 : i32 to index
    %get3A_220 = arith.constant 0 : index
    %get3A_221 = vector.load %arg3[%get3A_219, %get3A_220] : memref<200x64xf32, #tpu.memory_space<vmem>>, vector<1x64xf32>
    %get3A_222 = vector.shape_cast %get3A_221 : vector<1x64xf32> to vector<64xf32>
    %broadcast_in_dim3A_223 = vector.shape_cast %get3A_222 : vector<64xf32> to vector<1x64xf32>
    %broadcast_in_dim3A_224 = vector.shape_cast %broadcast_in_dim3A_223 : vector<1x64xf32> to vector<1x64xf32>
    %broadcast_in_dim3A_225 = vector.broadcast %broadcast_in_dim3A_224 : vector<1x64xf32> to vector<128x64xf32>
    %transpose3A_226 = tpu.transpose %broadcast_in_dim3A_225, [1, 0] : vector<128x64xf32> -> vector<64x128xf32>
    %broadcast_in_dim3A_227 = vector.shape_cast %get3A_214 : vector<32x128xf32> to vector<1x32x1x128xf32>
    %reshape3A_228 = vector.shape_cast %transpose3A_226 : vector<64x128xf32> to vector<8x8x128xf32>
    %broadcast_in_dim3A_229 = vector.shape_cast %reshape3A_228 : vector<8x8x128xf32> to vector<8x1x8x128xf32>
    %add3A_230 = vector.broadcast %broadcast_in_dim3A_227 : vector<1x32x1x128xf32> to vector<8x32x8x128xf32>
    %add3A_231 = vector.broadcast %broadcast_in_dim3A_229 : vector<8x1x8x128xf32> to vector<8x32x8x128xf32>
    %add3A_232 = arith.addf %add3A_230, %add3A_231 : vector<8x32x8x128xf32>
    %swap3A_233 = arith.constant 7 : index
    %swap3A_234 = arith.constant 0 : index
    %swap3A_235 = arith.constant 0 : index
    %swap3A_236 = arith.constant 0 : index
    %swap3A_237 = arith.constant 0 : index
    %swap3A_238 = vector.load %arg4[%swap3A_233, %swap3A_234, %swap3A_235, %swap3A_236, %swap3A_237] : memref<8x8x32x8x128xf32, #tpu.memory_space<vmem>>, vector<1x8x32x8x128xf32>
    %swap3A_239 = vector.shape_cast %swap3A_238 : vector<1x8x32x8x128xf32> to vector<8x32x8x128xf32>
    %swap3A_240 = vector.shape_cast %add3A_232 : vector<8x32x8x128xf32> to vector<1x8x32x8x128xf32>
    tpu.vector_store %arg4[%swap3A_233, %swap3A_234, %swap3A_235, %swap3A_236, %swap3A_237], %swap3A_240 {strides = array<i32>} : memref<8x8x32x8x128xf32, #tpu.memory_space<vmem>>, vector<1x8x32x8x128xf32>,
    return
  }
  func.func @transform_1(%arg0: i32) -> (i32, i32, i32) {
    %c0_i32 = arith.constant 0 : i32
    %c0_i32_0 = arith.constant 0 : i32
    %c0_i32_1 = arith.constant 0 : i32
    return %arg0, %c0_i32, %c0_i32_0 : i32, i32, i32
  }
  func.func @transform_2(%arg0: i32) -> (i32, i32) {
    %c0_i32 = arith.constant 0 : i32
    %c0_i32_0 = arith.constant 0 : i32
    %c0_i32_1 = arith.constant 0 : i32
    return %c0_i32, %c0_i32_0 : i32, i32
  }
  func.func @transform_3(%arg0: i32) -> (i32, i32, i32, i32, i32) {
    %c0_i32 = arith.constant 0 : i32
    %c0_i32_0 = arith.constant 0 : i32
    %c0_i32_1 = arith.constant 0 : i32
    %c0_i32_2 = arith.constant 0 : i32
    %c0_i32_3 = arith.constant 0 : i32
    return %arg0, %c0_i32, %c0_i32_0, %c0_i32_1, %c0_i32_2 : i32, i32, i32, i32, i32
  }
}

</mosaic_0001>

<sc_bundles>
// kernel: kernel.4.cloned.1.call-start
scs
__scs_entry_jumppad:
0x0: {  	(pc) =	sbr.rel $0x88, $3  }
0x1: {  	(tag) =	ssettag $0x0;
	lr =	simm.s32 $0x1  }
0x2: {  	[smem:$0x3F9F] =	sst lr;
	_ =	strace $0xD0000000  }
0x3: {  	_ = 	snop  }
0x4: {  	_ = 	snop  }
0x5: {  	_ = 	snop  }
0x6: {  	_ = 	snop  }
0x7: {  	_ = 	snop  }
__scs_overlays_trampoline_lowered:
0x8: {  	[smem:$0x3FAE] =	sst s0  }
0x9: {  	[smem:$0x3FAF] =	sst s1  }
0xa: {  	[smem:$0x3FB0] =	sst s2  }
0xb: {  	[smem:$0x3FB1] =	sst s3  }
0xc: {  	[smem:$0x3FB2] =	sst s4  }
0xd: {  	[smem:$0x3FB3] =	sst s5  }
0xe: {  	[smem:$0x3FB4] =	sst s6  }
0xf: {  	[smem:$0x3FB5] =	sst s7  }
0x10: {  	[smem:$0x3FB6] =	sst s8  }
0x11: {  	[smem:$0x3FB7] =	sst s9;
	s0 =	simm.s32 @!p0 $0x0  }
0x12: {  	s1 =	sld [smem:$0x3F9D];
	s0 =	simm.s32 @p0 $0x1  }
0x13: {  	[smem:$0x3FB8] =	sst s0;
	s0 =	simm.s32 @!p1 $0x0  }
0x14: {  	s2 =	sld [smem:$0x3F9C];
	s0 =	simm.s32 @p1 $0x1  }
0x15: {  	[smem:$0x3FB9] =	sst s0;
	s0 =	simm.s32 @!p2 $0x0  }
0x16: {  	s3 =	sld [smem:$0x3FDB];
	s0 =	simm.s32 @p2 $0x1  }
0x17: {  	s4 =	simm.s32 $0x1BF5;
	[smem:$0x3FBB] =	sst s0  }
0x18: {  	s0 =	sld [smem:$0x3F9E];
	_ =	swait.ge [sflag:s4], $0x0  }
0x19: {  	s7 =	sld [smem:$0x3F9F]  }
0x1a: {  	s8 =	sadd.s32 $0xFFFFE003, lr  }
0x1b: {  	s9 =	sadd.s32 $0xFFFFFEF7, lr;
	s5 =	simm.s32 $0xFFFFFFFF;
	p2 =	slt.u32 s8, $0xFFFFF086  }
0x1c: {  	p1 =	slt.u32 s9, $0xF7A;
	s5 =	simm.s32 @!p2 $0x0  }
0x1d: {  	s5 =	simm.s32 @p1 $0x1;
	p0 =	seq.s32 s7, s2  }
0x1e: {  	s7 =	smul.u32 @!p0 $0xF7A, s2;
	p2 =	seq.s32 @!p0 s5, $0x0  }
0x1f: {  	s9 =	smul.u32 $0xF7A, s1;
	s8 =	simm.s32 @!p0 $0x1BF5;
	p2 =	por !p2, p0  }
0x20: {  	[sflag:s8] =	ssyncset.s32 @!p0 $0xFFFFF086;
	s6 =	sadd.s32 @!p0 s3, s7;
	s7 =	simm.s32 @!p0 $0x108  }
0x21: {  	s3 =	sadd.s32 s3, s9;
	s6 =	sadd.s32 @!p0 $0x88, s6;
	s7 =	simm.s32 @p2 $0x1082  }
0x22: {  	[simem:s7], [sflag:s8] =	dma.local @!p0 [hbm:s6], $0xF7A  }
0x23: {  	s9 =	sor.u32 $0xD0000000, s2;
	s6 =	simm.s32 $0x108;
	_ =	swait.ge @!p0 [sflag:s8], $0x0  }
0x24: {  	s3 =	sadd.s32 $0x88, s3;
	s6 =	simm.s32 @!p1 $0x1082;
	[sflag:s4] =	ssyncset.s32 $0xFFFFF086  }
0x25: {  	[simem:s6], [sflag:s4] =	dma.local [hbm:s3], $0xF7A  }
0x26: {  	[smem:$0x3F9F] =	sst s1;
	(tag) =	ssettag s2;
	_ =	strace s9  }
0x27: {  	s1 =	sld [smem:$0x3FAF]  }
0x28: {  	s2 =	sld [smem:$0x3FB0]  }
0x29: {  	s4 =	sld [smem:$0x3FB2]  }
0x2a: {  	p0 =	seq.s32 s5, $0x0;
	s5 =	sld [smem:$0x3FB3]  }
0x2b: {  	s6 =	sld [smem:$0x3FB4]  }
0x2c: {  	s7 =	sld [smem:$0x3FB5]  }
0x2d: {  	s3 =	simm.s32 $0x108;
	s8 =	sld [smem:$0x3FB6]  }
0x2e: {  	s3 =	simm.s32 @!p0 $0x1082;
	s9 =	sld [smem:$0x3FB7]  }
0x2f: {  	lr =	sadd.s32 s0, s3;
	s0 =	sld [smem:$0x3FAE]  }
0x30: {  	s3 =	sld [smem:$0x3FB1]  }
0x31: {  	[smem:$0x3FBA] =	sst s10  }
0x32: {  	s10 =	sld [smem:$0x3FB8];
	_ =	sdelay $0x3  }
0x33: {  	p0 =	seq.s32 s10, $0x1;
	s10 =	sld [smem:$0x3FBA];
	_ =	sdelay $0x3  }
0x34: {  	[smem:$0x3FBA] =	sst s10  }
0x35: {  	s10 =	sld [smem:$0x3FB9];
	_ =	sdelay $0x3  }
0x36: {  	p1 =	seq.s32 s10, $0x1;
	s10 =	sld [smem:$0x3FBA];
	_ =	sdelay $0x3  }
0x37: {  	[smem:$0x3FBA] =	sst s10  }
0x38: {  	s10 =	sld [smem:$0x3FBB]  }
0x39: {  	_ = 	snop;
	(pc) =	sbr.ind lr, $3  }
0x3a: {  	_ = 	snop  }
0x3b: {  	_ = 	snop  }
0x3c: {  	p2 =	seq.s32 s10, $0x1;
	s10 =	sld [smem:$0x3FBA]  }
0x3d: {  	_ =	shalt  }
0x3e: {  	_ =	shalt  }
0x3f: {  	_ =	shalt  }
0x40: {  	_ =	shalt  }
0x41: {  	_ =	shalt  }
0x42: {  	_ =	shalt  }
0x43: {  	_ =	shalt  }
0x44: {  	_ =	shalt  }
0x45: {  	_ =	shalt  }
0x46: {  	_ =	shalt  }
0x47: {  	_ =	shalt  }
0x48: {  	_ =	shalt  }
0x49: {  	_ =	shalt  }
0x4a: {  	_ =	shalt  }
0x4b: {  	_ =	shalt  }
0x4c: {  	_ =	shalt  }
0x4d: {  	_ =	shalt  }
0x4e: {  	_ =	shalt  }
0x4f: {  	_ =	shalt  }
0x50: {  	_ =	shalt  }
0x51: {  	_ =	shalt  }
0x52: {  	_ =	shalt  }
0x53: {  	_ =	shalt  }
0x54: {  	_ =	shalt  }
0x55: {  	_ =	shalt  }
0x56: {  	_ =	shalt  }
0x57: {  	_ =	shalt  }
0x58: {  	_ =	shalt  }
0x59: {  	_ =	shalt  }
0x5a: {  	_ =	shalt  }
0x5b: {  	_ =	shalt  }
0x5c: {  	_ =	shalt  }
0x5d: {  	_ =	shalt  }
0x5e: {  	_ =	shalt  }
0x5f: {  	_ =	shalt  }
0x60: {  	_ =	shalt  }
0x61: {  	_ =	shalt  }
0x62: {  	_ =	shalt  }
0x63: {  	_ =	shalt  }
0x64: {  	_ =	shalt  }
0x65: {  	_ =	shalt  }
0x66: {  	_ =	shalt  }
0x67: {  	_ =	shalt  }
0x68: {  	_ =	shalt  }
0x69: {  	_ =	shalt  }
0x6a: {  	_ =	shalt  }
0x6b: {  	_ =	shalt  }
0x6c: {  	_ =	shalt  }
0x6d: {  	_ =	shalt  }
0x6e: {  	_ =	shalt  }
0x6f: {  	_ =	shalt  }
0x70: {  	_ =	shalt  }
0x71: {  	_ =	shalt  }
0x72: {  	_ =	shalt  }
0x73: {  	_ =	shalt  }
0x74: {  	_ =	shalt  }
0x75: {  	_ =	shalt  }
0x76: {  	_ =	shalt  }
0x77: {  	_ =	shalt  }
0x78: {  	_ =	shalt  }
0x79: {  	_ =	shalt  }
0x7a: {  	_ =	shalt  }
0x7b: {  	_ =	shalt  }
0x7c: {  	_ =	shalt  }
0x7d: {  	_ =	shalt  }
0x7e: {  	_ =	shalt  }
0x7f: {  	_ =	shalt  }
0x80: {  	_ =	shalt  }
0x81: {  	_ =	shalt  }
0x82: {  	_ =	shalt  }
0x83: {  	_ =	shalt  }
0x84: {  	_ =	shalt  }
0x85: {  	_ =	shalt  }
0x86: {  	_ =	shalt  }
0x87: {  	_ =	shalt  }
.Lfunc_end0:
.L_simem_size_0:
called_computation_lowered:
.L_overlay_start_0:
0x88: {  	s2 =	sld [smem:$0x3FD9]  }
0x89: {  	s3 =	sld [smem:$0x3FFE];
	_ =	sdelay $0x1  }
0x8a: {  	s1 =	srdreg.scid  }
0x8b: {  	s0 =	sand.u32 $0x1, s1  }
0x8c: {  	s17 =	sshll.u32 s0, $0xA;
	s2 =	sadd.s32 s3, s2  }
0x8d: {  	s2 =	sadd.s32 s2, s17  }
0x8e: {  	[smem:$0x3FC6] =	sst s2  }
0x8f: {  	_ = 	snop  }
0x90: {  	s2 =	sld [smem:$0x3FD0];
	(tm) =	ssettm $0x1  }
0x91: {  	s18 =	sld [smem:$0x3FFB];
	_ =	sdelay $0x3  }
0x92: {  	_ =	strace s18  }
0x93: {  	s3 =	sld [smem:$0x3FFC];
	_ =	sdelay $0x3  }
0x94: {  	_ =	strace s3  }
0x95: {  	s3 =	sld [smem:$0x3FFD];
	_ =	sdelay $0x3  }
0x96: {  	_ =	strace s3  }
0x97: {  	_ =	strace $0x8FFFFFFF  }
0x98: {  	s19 =	sld [smem:$0x3FDB];
	_ =	sdelay $0x1  }
0x99: {  	s4 =	simm.s32 $_scs_section_size  }
0x9a: {  	s5 =	simm.s32 $_size__tile_overlayer_lowered;
	s6 =	simm.s32 $_tile_overlayer_lowered  }
0x9b: {  	s22 =	simm.s32 $0x1BFF;
	s21 =	sshll.u32 s6, $0x1;
	s3 =	sadd.s32 s4, s19  }
0x9c: {  	s7 =	simm.s32 $0x0;
	s20 =	sshll.u32 s5, $0x1;
	s5 =	sadd.s32 s21, s3  }
0x9d: {  	[timem:s7], [sflag:s22] =	dma.local [hbm:s5], s20  }
0x9e: {  	_ =	swait.ge [sflag:s22], s20  }
0x9f: {  	s4 =	ssub.s32 $0x0, s20;
	[sflag:s22] =	ssyncset.done $0x0  }
0xa0: {  	[sflag:s22] =	ssyncadd.s32 s4;
	_ =	sdelay $0x1  }
0xa1: {  	s23 =	simm.s32 $0x1B8B  }
0xa2: {  	_ =	swait.ge [sflag:s23], $0x1  }
0xa3: {  	[sflag:s23] =	ssyncset.done $0x0  }
0xa4: {  	s25 =	simm.s32 $0x1B8E;
	s24 =	sld [smem:$0x3FFE];
	[sflag:s23] =	ssyncadd.s32 $0xFFFFFFFF  }
0xa5: {  	s26 =	simm.s32 $execute0_lowered;
	[smem:$0x3FD2] =	sst s25  }
0xa6: {  	s5 =	sshll.u32 s26, $0x1;
	_ =	strace $0x80000046;
	[dreg:$0x1] =	wrdreg $0xFFFFFFFF  }
0xa7: {  	s28 =	simm.s32 $_size_execute0_lowered;
	s3 =	sadd.s32 s3, s5;
	[dreg:$0x0] =	wrdreg $0x0  }
0xa8: {  	s5 =	sshll.u32 s28, $0x1;
	[dreg:$0x2] =	wrdreg s3  }
0xa9: {  	[dreg:$0x3] =	wrdreg s5  }
0xaa: {  	[dreg:$0x4] =	wrdreg $0xC0  }
0xab: {  	_ =	task [dreg:s7], $0x5FFFF  }
0xac: {  	[dreg:$0x1] =	wrdreg $0xFFFFFFFF  }
0xad: {  	[dreg:$0x0] =	wrdreg $0x60  }
0xae: {  	[dreg:$0x2] =	wrdreg s24  }
0xaf: {  	[dreg:$0x3] =	wrdreg s2  }
0xb0: {  	[dreg:$0x4] =	wrdreg $0x9  }
0xb1: {  	_ =	task.clear_ibuf [dreg:s7], $0x5FFFF;
	_ =	strace $0x90000046  }
0xb2: {  	s29 =	simm.s32 $0x9;
	_ =	strace $0x80000048  }
0xb3: {  	_ =	swait.ge [sflag:s29], $0x1  }
0xb4: {  	[sflag:s29] =	ssyncadd.s32 $0xFFFFFFFF  }
0xb5: {  	_ =	strace $0x90000048  }
0xb6: {  	_ =	sfence  }
0xb7: {  	s30 =	sld [smem:$0x0];
	_ =	sdelay $0x2  }
0xb8: {  	s31 =	sshll.u32 s1, $0xD;
	s1 =	sshrl.u32 s1, $0x2  }
0xb9: {  	s3 =	sand.u32 $0x4000, s31;
	s1 =	sadd.s32 s1, s30  }
0xba: {  	s0 =	sor.u32 s3, s0;
	s1 =	sshll.u32 s1, $0x11  }
0xbb: {  	s0 =	sor.u32 s1, s0  }
0xbc: {  	s0 =	sadd.s32 $0x8F2B, s0  }
0xbd: {  	[sflag:s0] =	ssyncadd.remote.s32 $0x1  }
0xbe: {  	_ =	sfence.sel $0xFFFF  }
0xbf: {  	[dreg:$0x0] =	wrdreg $0xFFFFFFFF;
	(pc) =	sbr.abs _section_cstart, $3  }
0xc0: {  	[dreg:$0x1] =	wrdreg $0xFFFFFFFF  }
0xc1: {  	_ =	task.clear_ibuf [dreg:s7], $0x2FFFF;
	_ =	strace $0x9FFFFFFF  }
0xc2: {  	(tm) =	ssettm $0x7FFFFFFF  }
0xc3: {  	_ =	shalt  }
tec
execute0_lowered:
.L_overlay_start_1:
0x0: {  	(tag) =	ssettag $0x1  }
0x1: {  	s1 =	srdreg.scid  }
0x2: {  	s0 =	stileid.u32;
	s8 =	rddreg [dreg:$0x0]  }
0x3: {  	s3 =	rddreg [dreg:$0x1];
	s4 =	simm.s32 $0x0;
	s12 =	simm.s32 $0x3  }
0x4: {  	s13 =	simm.s32 $0x8000;
	s14 =	simm.s32 $0x8200;
	s15 =	simm.s32 $0x10200  }
0x5: {  	s7 =	sand.u32 $0x1, s1;
	s28 =	sshll.u32 s0, $0x1;
	s6 =	smul.u32 $0x14, s0  }
0x6: {  	s16 =	simm.s32 $0x1;
	s1 =	sor.u32 s7, s28;
	s9 =	smul.u32 $0xA, s7  }
0x7: {  	s17 =	simm.s32 $0x2;
	s7 =	ssub.s32 $0x2, s7;
	s1 =	smul.u32 $0xA, s1  }
0x8: {  	s18 =	simm.s32 $0x0;
	[smem:$0x7FF] =	sst s4;
	s31 =	sshrl.u32 s7, $0x1  }
0x9: {  	s6 =	sadd.s32 s9, s6;
	s9 =	sadd.s32 $0x1000, s3;
	s2 =	sadd.s32 $0x500, s1  }
0xa: {  	s1 =	rddreg [dreg:$0x2];
	s6 =	sadd.s32 $0x500, s6;
	s5 =	sshrl.u32 s2, $0x3  }
0xb: {  	_ =	strace $0x80000047;
	s11 =	sshrl.u32 s6, $0x3;
	s5 =	smin.u32 s5, $0xC0  }
0xc: {  	s11 =	smin.u32 s11, $0xC0;
	s10 =	sshll.u32 s5, $0x9;
	s30 =	sshll.u32 s5, $0x3  }
0xd: {  	s11 =	sshll.u32 s11, $0xE;
	s29 =	sadd.s32 s10, s8;
	s8 =	sadd.s32 s30, s8  }
0xe: {  	s10 =	ssub.s32 s7, s31;
	s11 =	ssub.s32 $0x3C0, s11;
	s7 =	sadd.s32 $0x2000, s29  }
0xf: {  	s8 =	sadd.s32 $0x1800, s8;
	s10 =	smax.u32 s10, $0x1;
	s11 =	sshra.s32 s11, $0x2  }
.LBB2_1:
0x10: {  	[tilespmem:s4], [sflag:$0x3] =	stream.linear.gather [hbm4b:s7+s4], $0x8000, $0x38;
	[tilespmem:$0x18200] =	vst v63  }
0x11: {  	_ =	swait.ge [sflag:s12], $0x8000  }
0x12: {  	[sflag:s12] =	ssyncset.done $0x0  }
0x13: {  	[sflag:s12] =	ssyncadd.s32 $0xFFFF8000  }
0x14: {  	[tilespmem:s13], [sflag:$0x3] =	stream.linear.gather [hbm4b:s8+s4], $0x200, $0x38;
	[tilespmem:$0x18200] =	vst v63  }
0x15: {  	_ =	swait.ge [sflag:s12], $0x200  }
0x16: {  	[sflag:s12] =	ssyncset.done $0x0  }
0x17: {  	s19 =	smov.u32 s6;
	s20 =	simm.s32 $0x0;
	[sflag:s12] =	ssyncadd.s32 $0xFFFFFE00  }
.LBB2_2:
0x18: {  	s21 =	sshll.u32 s20, $0x1  }
0x19: {  	s21 =	sadd.s32 s2, s21  }
0x1a: {  	p0 =	seq.s32 s20, $0x0;
	s22 =	sshrl.u32 s21, $0x3  }
0x1b: {  	s23 =	simm.s32 @!p0 $0x1;
	s22 =	ssub.s32 s22, s5  }
0x1c: {  	_ =	swait.ge @!p0 [sflag:s23], $0x8000;
	s24 =	sshll.u32 s21, $0x3;
	s22 =	sshll.u32 s22, $0x8  }
0x1d: {  	[sflag:s23] =	ssyncset.done @!p0 $0x0;
	s24 =	sand.u32 $0x30, s24;
	s22 =	sshra.s32 s22, $0x2  }
0x1e: {  	[sflag:s23] =	ssyncadd.s32 @!p0 $0xFFFF8000;
	s22 =	sor.u32 s24, s22  }
0x1f: {  	v0 =	vld [tilespmem:s22+$0x8000];
	_ =	sdelay $0x4  }
0x20: {  	s31 =	sshll.u32 s19, $0x9;
	v1 =	vbroadcast v0, $0x0;
	v2 =	vbroadcast v0, $0x1  }
0x21: {  	s23 =	sand.u32 $0x3FFFF000, s31;
	v3 =	vbroadcast v0, $0x2;
	v4 =	vbroadcast v0, $0x3  }
0x22: {  	s25 =	sadd.s32 s23, s11;
	v5 =	vbroadcast v0, $0x4;
	v6 =	vbroadcast v0, $0x5  }
0x23: {  	v7 =	vbroadcast v0, $0x6;
	v8 =	vbroadcast v0, $0x7;
	v0 =	vmov s25;
	_ =	sdelay $0x2  }
0x24: {  	s23 =	simm.s32 $0x0;
	s24 =	simm.s32 $0x8600  }
.LBB2_3:
0x25: {  	s25 =	sshra.s32 s23, $0x2  }
0x26: {  	v9 =	vld.idx.msk [tilespmem:v0+s25+$0xFFFFFF10 ss:$0x1], $0xffff;
	_ =	sdelay $0x4  }
0x27: {  	v10 =	vadd.f32 v9, v1  }
0x28: {  	v11 =	vadd.f32 v9, v2  }
0x29: {  	[tilespmem:s24+$0xFFFFFC00] =	vst v10;
	v10 =	vadd.f32 v9, v3  }
0x2a: {  	[tilespmem:s24+$0xFFFFFC80] =	vst v11;
	v11 =	vadd.f32 v9, v4  }
0x2b: {  	[tilespmem:s24+$0xFFFFFD00] =	vst v10;
	v10 =	vadd.f32 v9, v5  }
0x2c: {  	[tilespmem:s24+$0xFFFFFD80] =	vst v11;
	v11 =	vadd.f32 v9, v6  }
0x2d: {  	[tilespmem:s24+$0xFFFFFE00] =	vst v10;
	v10 =	vadd.f32 v9, v7  }
0x2e: {  	[tilespmem:s24+$0xFFFFFE80] =	vst v11;
	v9 =	vadd.f32 v9, v8  }
0x2f: {  	[tilespmem:s24+$0xFFFFFF00] =	vst v10  }
0x30: {  	[tilespmem:s24+$0xFFFFFF80] =	vst v9  }
0x31: {  	v9 =	vld.idx.msk [tilespmem:v0+s25+$0xFFFFFF20 ss:$0x1], $0xffff;
	_ =	sdelay $0x4  }
0x32: {  	v10 =	vadd.f32 v9, v1  }
0x33: {  	v11 =	vadd.f32 v9, v2  }
0x34: {  	[tilespmem:s24+$0xFFFFFC10] =	vst v10;
	v10 =	vadd.f32 v9, v3  }
0x35: {  	[tilespmem:s24+$0xFFFFFC90] =	vst v11;
	v11 =	vadd.f32 v9, v4  }
0x36: {  	[tilespmem:s24+$0xFFFFFD10] =	vst v10;
	v10 =	vadd.f32 v9, v5  }
0x37: {  	[tilespmem:s24+$0xFFFFFD90] =	vst v11;
	v11 =	vadd.f32 v9, v6  }
0x38: {  	[tilespmem:s24+$0xFFFFFE10] =	vst v10;
	v10 =	vadd.f32 v9, v7  }
0x39: {  	[tilespmem:s24+$0xFFFFFE90] =	vst v11;
	v9 =	vadd.f32 v9, v8  }
0x3a: {  	[tilespmem:s24+$0xFFFFFF10] =	vst v10  }
0x3b: {  	[tilespmem:s24+$0xFFFFFF90] =	vst v9  }
0x3c: {  	v9 =	vld.idx.msk [tilespmem:v0+s25+$0xFFFFFF30 ss:$0x1], $0xffff;
	_ =	sdelay $0x4  }
0x3d: {  	v10 =	vadd.f32 v9, v1  }
0x3e: {  	v11 =	vadd.f32 v9, v2  }
0x3f: {  	[tilespmem:s24+$0xFFFFFC20] =	vst v10;
	v10 =	vadd.f32 v9, v3  }
0x40: {  	[tilespmem:s24+$0xFFFFFCA0] =	vst v11;
	v11 =	vadd.f32 v9, v4  }
0x41: {  	[tilespmem:s24+$0xFFFFFD20] =	vst v10;
	v10 =	vadd.f32 v9, v5  }
0x42: {  	[tilespmem:s24+$0xFFFFFDA0] =	vst v11;
	v11 =	vadd.f32 v9, v6  }
0x43: {  	[tilespmem:s24+$0xFFFFFE20] =	vst v10;
	v10 =	vadd.f32 v9, v7  }
0x44: {  	[tilespmem:s24+$0xFFFFFEA0] =	vst v11;
	v9 =	vadd.f32 v9, v8  }
0x45: {  	[tilespmem:s24+$0xFFFFFF20] =	vst v10  }
0x46: {  	[tilespmem:s24+$0xFFFFFFA0] =	vst v9  }
0x47: {  	v9 =	vld.idx.msk [tilespmem:v0+s25+$0xFFFFFF40 ss:$0x1], $0xffff;
	_ =	sdelay $0x4  }
0x48: {  	v10 =	vadd.f32 v9, v1  }
0x49: {  	v11 =	vadd.f32 v9, v2  }
0x4a: {  	[tilespmem:s24+$0xFFFFFC30] =	vst v10;
	v10 =	vadd.f32 v9, v3  }
0x4b: {  	[tilespmem:s24+$0xFFFFFCB0] =	vst v11;
	v11 =	vadd.f32 v9, v4  }
0x4c: {  	[tilespmem:s24+$0xFFFFFD30] =	vst v10;
	v10 =	vadd.f32 v9, v5  }
0x4d: {  	[tilespmem:s24+$0xFFFFFDB0] =	vst v11;
	v11 =	vadd.f32 v9, v6  }
0x4e: {  	[tilespmem:s24+$0xFFFFFE30] =	vst v10;
	v10 =	vadd.f32 v9, v7  }
0x4f: {  	[tilespmem:s24+$0xFFFFFEB0] =	vst v11;
	v9 =	vadd.f32 v9, v8  }
0x50: {  	[tilespmem:s24+$0xFFFFFF30] =	vst v10  }
0x51: {  	[tilespmem:s24+$0xFFFFFFB0] =	vst v9  }
0x52: {  	v9 =	vld.idx.msk [tilespmem:v0+s25+$0xFFFFFF50 ss:$0x1], $0xffff;
	_ =	sdelay $0x4  }
0x53: {  	v10 =	vadd.f32 v9, v1  }
0x54: {  	v11 =	vadd.f32 v9, v2  }
0x55: {  	[tilespmem:s24+$0xFFFFFC40] =	vst v10;
	v10 =	vadd.f32 v9, v3  }
0x56: {  	[tilespmem:s24+$0xFFFFFCC0] =	vst v11;
	v11 =	vadd.f32 v9, v4  }
0x57: {  	[tilespmem:s24+$0xFFFFFD40] =	vst v10;
	v10 =	vadd.f32 v9, v5  }
0x58: {  	[tilespmem:s24+$0xFFFFFDC0] =	vst v11;
	v11 =	vadd.f32 v9, v6  }
0x59: {  	[tilespmem:s24+$0xFFFFFE40] =	vst v10;
	v10 =	vadd.f32 v9, v7  }
0x5a: {  	[tilespmem:s24+$0xFFFFFEC0] =	vst v11;
	v9 =	vadd.f32 v9, v8  }
0x5b: {  	[tilespmem:s24+$0xFFFFFF40] =	vst v10  }
0x5c: {  	[tilespmem:s24+$0xFFFFFFC0] =	vst v9  }
0x5d: {  	v9 =	vld.idx.msk [tilespmem:v0+s25+$0xFFFFFF60 ss:$0x1], $0xffff;
	_ =	sdelay $0x4  }
0x5e: {  	v10 =	vadd.f32 v9, v1  }
0x5f: {  	v11 =	vadd.f32 v9, v2  }
0x60: {  	[tilespmem:s24+$0xFFFFFC50] =	vst v10;
	v10 =	vadd.f32 v9, v3  }
0x61: {  	[tilespmem:s24+$0xFFFFFCD0] =	vst v11;
	v11 =	vadd.f32 v9, v4  }
0x62: {  	[tilespmem:s24+$0xFFFFFD50] =	vst v10;
	v10 =	vadd.f32 v9, v5  }
0x63: {  	[tilespmem:s24+$0xFFFFFDD0] =	vst v11;
	v11 =	vadd.f32 v9, v6  }
0x64: {  	[tilespmem:s24+$0xFFFFFE50] =	vst v10;
	v10 =	vadd.f32 v9, v7  }
0x65: {  	[tilespmem:s24+$0xFFFFFED0] =	vst v11;
	v9 =	vadd.f32 v9, v8  }
0x66: {  	[tilespmem:s24+$0xFFFFFF50] =	vst v10  }
0x67: {  	[tilespmem:s24+$0xFFFFFFD0] =	vst v9  }
0x68: {  	v9 =	vld.idx.msk [tilespmem:v0+s25+$0xFFFFFF70 ss:$0x1], $0xffff;
	_ =	sdelay $0x4  }
0x69: {  	v10 =	vadd.f32 v9, v1  }
0x6a: {  	v11 =	vadd.f32 v9, v2  }
0x6b: {  	[tilespmem:s24+$0xFFFFFC60] =	vst v10;
	v10 =	vadd.f32 v9, v3  }
0x6c: {  	[tilespmem:s24+$0xFFFFFCE0] =	vst v11;
	v11 =	vadd.f32 v9, v4  }
0x6d: {  	[tilespmem:s24+$0xFFFFFD60] =	vst v10;
	v10 =	vadd.f32 v9, v5  }
0x6e: {  	[tilespmem:s24+$0xFFFFFDE0] =	vst v11;
	v11 =	vadd.f32 v9, v6  }
0x6f: {  	[tilespmem:s24+$0xFFFFFE60] =	vst v10;
	v10 =	vadd.f32 v9, v7  }
0x70: {  	[tilespmem:s24+$0xFFFFFEE0] =	vst v11;
	v9 =	vadd.f32 v9, v8  }
0x71: {  	[tilespmem:s24+$0xFFFFFF60] =	vst v10  }
0x72: {  	[tilespmem:s24+$0xFFFFFFE0] =	vst v9  }
0x73: {  	v9 =	vld.idx.msk [tilespmem:v0+s25+$0xFFFFFF80 ss:$0x1], $0xffff;
	_ =	sdelay $0x4  }
0x74: {  	v10 =	vadd.f32 v9, v1  }
0x75: {  	v11 =	vadd.f32 v9, v2  }
0x76: {  	[tilespmem:s24+$0xFFFFFC70] =	vst v10;
	v10 =	vadd.f32 v9, v3  }
0x77: {  	[tilespmem:s24+$0xFFFFFCF0] =	vst v11;
	v11 =	vadd.f32 v9, v4  }
0x78: {  	[tilespmem:s24+$0xFFFFFD70] =	vst v10;
	v10 =	vadd.f32 v9, v5  }
0x79: {  	[tilespmem:s24+$0xFFFFFDF0] =	vst v11;
	v11 =	vadd.f32 v9, v6  }
0x7a: {  	[tilespmem:s24+$0xFFFFFE70] =	vst v10;
	v10 =	vadd.f32 v9, v7  }
0x7b: {  	[tilespmem:s24+$0xFFFFFEF0] =	vst v11;
	v9 =	vadd.f32 v9, v8  }
0x7c: {  	[tilespmem:s24+$0xFFFFFF70] =	vst v10  }
0x7d: {  	[tilespmem:s24+$0xFFFFFFF0] =	vst v9  }
0x7e: {  	v9 =	vld.idx.msk [tilespmem:v0+s25+$0xFFFFFF90 ss:$0x1], $0xffff;
	_ =	sdelay $0x4  }
0x7f: {  	v10 =	vadd.f32 v9, v1  }
0x80: {  	v11 =	vadd.f32 v9, v2  }
0x81: {  	[tilespmem:s24+$0x0] =	vst v10;
	v10 =	vadd.f32 v9, v3  }
0x82: {  	[tilespmem:s24+$0x80] =	vst v11;
	v11 =	vadd.f32 v9, v4  }
0x83: {  	[tilespmem:s24+$0x100] =	vst v10;
	v10 =	vadd.f32 v9, v5  }
0x84: {  	[tilespmem:s24+$0x180] =	vst v11;
	v11 =	vadd.f32 v9, v6  }
0x85: {  	[tilespmem:s24+$0x200] =	vst v10;
	v10 =	vadd.f32 v9, v7  }
0x86: {  	[tilespmem:s24+$0x280] =	vst v11;
	v9 =	vadd.f32 v9, v8  }
0x87: {  	[tilespmem:s24+$0x300] =	vst v10  }
0x88: {  	[tilespmem:s24+$0x380] =	vst v9  }
0x89: {  	v9 =	vld.idx.msk [tilespmem:v0+s25+$0xFFFFFFA0 ss:$0x1], $0xffff;
	_ =	sdelay $0x4  }
0x8a: {  	v10 =	vadd.f32 v9, v1  }
0x8b: {  	v11 =	vadd.f32 v9, v2  }
0x8c: {  	[tilespmem:s24+$0x10] =	vst v10;
	v10 =	vadd.f32 v9, v3  }
0x8d: {  	[tilespmem:s24+$0x90] =	vst v11;
	v11 =	vadd.f32 v9, v4  }
0x8e: {  	[tilespmem:s24+$0x110] =	vst v10;
	v10 =	vadd.f32 v9, v5  }
0x8f: {  	[tilespmem:s24+$0x190] =	vst v11;
	v11 =	vadd.f32 v9, v6  }
0x90: {  	[tilespmem:s24+$0x210] =	vst v10;
	v10 =	vadd.f32 v9, v7  }
0x91: {  	[tilespmem:s24+$0x290] =	vst v11;
	v9 =	vadd.f32 v9, v8  }
0x92: {  	[tilespmem:s24+$0x310] =	vst v10  }
0x93: {  	[tilespmem:s24+$0x390] =	vst v9  }
0x94: {  	v9 =	vld.idx.msk [tilespmem:v0+s25+$0xFFFFFFB0 ss:$0x1], $0xffff;
	_ =	sdelay $0x4  }
0x95: {  	v10 =	vadd.f32 v9, v1  }
0x96: {  	v11 =	vadd.f32 v9, v2  }
0x97: {  	[tilespmem:s24+$0x20] =	vst v10;
	v10 =	vadd.f32 v9, v3  }
0x98: {  	[tilespmem:s24+$0xA0] =	vst v11;
	v11 =	vadd.f32 v9, v4  }
0x99: {  	[tilespmem:s24+$0x120] =	vst v10;
	v10 =	vadd.f32 v9, v5  }
0x9a: {  	[tilespmem:s24+$0x1A0] =	vst v11;
	v11 =	vadd.f32 v9, v6  }
0x9b: {  	[tilespmem:s24+$0x220] =	vst v10;
	v10 =	vadd.f32 v9, v7  }
0x9c: {  	[tilespmem:s24+$0x2A0] =	vst v11;
	v9 =	vadd.f32 v9, v8  }
0x9d: {  	[tilespmem:s24+$0x320] =	vst v10  }
0x9e: {  	[tilespmem:s24+$0x3A0] =	vst v9  }
0x9f: {  	v9 =	vld.idx.msk [tilespmem:v0+s25+$0xFFFFFFC0 ss:$0x1], $0xffff;
	_ =	sdelay $0x4  }
0xa0: {  	v10 =	vadd.f32 v9, v1  }
0xa1: {  	v11 =	vadd.f32 v9, v2  }
0xa2: {  	[tilespmem:s24+$0x30] =	vst v10;
	v10 =	vadd.f32 v9, v3  }
0xa3: {  	[tilespmem:s24+$0xB0] =	vst v11;
	v11 =	vadd.f32 v9, v4  }
0xa4: {  	[tilespmem:s24+$0x130] =	vst v10;
	v10 =	vadd.f32 v9, v5  }
0xa5: {  	[tilespmem:s24+$0x1B0] =	vst v11;
	v11 =	vadd.f32 v9, v6  }
0xa6: {  	[tilespmem:s24+$0x230] =	vst v10;
	v10 =	vadd.f32 v9, v7  }
0xa7: {  	[tilespmem:s24+$0x2B0] =	vst v11;
	v9 =	vadd.f32 v9, v8  }
0xa8: {  	[tilespmem:s24+$0x330] =	vst v10  }
0xa9: {  	[tilespmem:s24+$0x3B0] =	vst v9  }
0xaa: {  	v9 =	vld.idx.msk [tilespmem:v0+s25+$0xFFFFFFD0 ss:$0x1], $0xffff;
	_ =	sdelay $0x4  }
0xab: {  	v10 =	vadd.f32 v9, v1  }
0xac: {  	v11 =	vadd.f32 v9, v2  }
0xad: {  	[tilespmem:s24+$0x40] =	vst v10;
	v10 =	vadd.f32 v9, v3  }
0xae: {  	[tilespmem:s24+$0xC0] =	vst v11;
	v11 =	vadd.f32 v9, v4  }
0xaf: {  	[tilespmem:s24+$0x140] =	vst v10;
	v10 =	vadd.f32 v9, v5  }
0xb0: {  	[tilespmem:s24+$0x1C0] =	vst v11;
	v11 =	vadd.f32 v9, v6  }
0xb1: {  	[tilespmem:s24+$0x240] =	vst v10;
	v10 =	vadd.f32 v9, v7  }
0xb2: {  	[tilespmem:s24+$0x2C0] =	vst v11;
	v9 =	vadd.f32 v9, v8  }
0xb3: {  	[tilespmem:s24+$0x340] =	vst v10  }
0xb4: {  	[tilespmem:s24+$0x3C0] =	vst v9  }
0xb5: {  	v9 =	vld.idx.msk [tilespmem:v0+s25+$0xFFFFFFE0 ss:$0x1], $0xffff;
	_ =	sdelay $0x4  }
0xb6: {  	v10 =	vadd.f32 v9, v1  }
0xb7: {  	v11 =	vadd.f32 v9, v2  }
0xb8: {  	[tilespmem:s24+$0x50] =	vst v10;
	v10 =	vadd.f32 v9, v3  }
0xb9: {  	[tilespmem:s24+$0xD0] =	vst v11;
	v11 =	vadd.f32 v9, v4  }
0xba: {  	[tilespmem:s24+$0x150] =	vst v10;
	v10 =	vadd.f32 v9, v5  }
0xbb: {  	[tilespmem:s24+$0x1D0] =	vst v11;
	v11 =	vadd.f32 v9, v6  }
0xbc: {  	[tilespmem:s24+$0x250] =	vst v10;
	v10 =	vadd.f32 v9, v7  }
0xbd: {  	[tilespmem:s24+$0x2D0] =	vst v11;
	v9 =	vadd.f32 v9, v8  }
0xbe: {  	[tilespmem:s24+$0x350] =	vst v10  }
0xbf: {  	[tilespmem:s24+$0x3D0] =	vst v9  }
0xc0: {  	v9 =	vld.idx.msk [tilespmem:v0+s25+$0xFFFFFFF0 ss:$0x1], $0xffff;
	_ =	sdelay $0x4  }
0xc1: {  	v10 =	vadd.f32 v9, v1  }
0xc2: {  	v11 =	vadd.f32 v9, v2  }
0xc3: {  	[tilespmem:s24+$0x60] =	vst v10;
	v10 =	vadd.f32 v9, v3  }
0xc4: {  	[tilespmem:s24+$0xE0] =	vst v11;
	v11 =	vadd.f32 v9, v4  }
0xc5: {  	[tilespmem:s24+$0x160] =	vst v10;
	v10 =	vadd.f32 v9, v5  }
0xc6: {  	[tilespmem:s24+$0x1E0] =	vst v11;
	v11 =	vadd.f32 v9, v6  }
0xc7: {  	[tilespmem:s24+$0x260] =	vst v10;
	v10 =	vadd.f32 v9, v7  }
0xc8: {  	[tilespmem:s24+$0x2E0] =	vst v11;
	v9 =	vadd.f32 v9, v8  }
0xc9: {  	[tilespmem:s24+$0x360] =	vst v10  }
0xca: {  	[tilespmem:s24+$0x3E0] =	vst v9  }
0xcb: {  	v9 =	vld.idx.msk [tilespmem:v0+s25+$0x0 ss:$0x1], $0xffff;
	_ =	sdelay $0x4  }
0xcc: {  	v10 =	vadd.f32 v9, v1  }
0xcd: {  	v11 =	vadd.f32 v9, v2  }
0xce: {  	[tilespmem:s24+$0x70] =	vst v10;
	v10 =	vadd.f32 v9, v3  }
0xcf: {  	[tilespmem:s24+$0xF0] =	vst v11;
	v11 =	vadd.f32 v9, v4  }
0xd0: {  	p1 =	sne.s32 s23, $0x3C00;
	[tilespmem:s24+$0x170] =	vst v10;
	v10 =	vadd.f32 v9, v5  }
.Ltmp0:
0xd1: {  	[tilespmem:s24+$0x1F0] =	vst v11;
	v11 =	vadd.f32 v9, v6;
	(pc) =	sbr.rel @p1 .LBB2_3-.Ltmp0, $4  }
0xd2: {  	[tilespmem:s24+$0x270] =	vst v10;
	v10 =	vadd.f32 v9, v7  }
0xd3: {  	[tilespmem:s24+$0x2F0] =	vst v11;
	v9 =	vadd.f32 v9, v8  }
0xd4: {  	[tilespmem:s24+$0x370] =	vst v10  }
0xd5: {  	s23 =	sadd.s32 $0x400, s23;
	[tilespmem:s24+$0x3F0] =	vst v9;
	s24 =	sadd.s32 $0x800, s24  }
0xd6: {  	s21 =	sshll.u32 s21, $0xC  }
0xd7: {  	s21 =	sand.u32 $0x1FFFE000, s21  }
0xd8: {  	s23 =	sadd.s32 s3, s21  }
0xd9: {  	[hbm4b:s23+s4] =	stream.linear.scatter [tilespmem:s14], [sflag:$0x1], $0x8000, $0x38;
	[tilespmem:$0x18200] =	vst v63  }
0xda: {  	s23 =	simm.s32 @!p0 $0x2  }
0xdb: {  	_ =	swait.ge @!p0 [sflag:s23], $0x8000  }
0xdc: {  	[sflag:s23] =	ssyncset.done @!p0 $0x0  }
0xdd: {  	[sflag:s23] =	ssyncadd.s32 @!p0 $0xFFFF8000  }
0xde: {  	v8 =	vld [tilespmem:s22+$0x8000];
	_ =	sdelay $0x4  }
0xdf: {  	v1 =	vbroadcast v8, $0x8;
	v2 =	vbroadcast v8, $0x9  }
0xe0: {  	v3 =	vbroadcast v8, $0xA;
	v4 =	vbroadcast v8, $0xB  }
0xe1: {  	v5 =	vbroadcast v8, $0xC;
	v6 =	vbroadcast v8, $0xD  }
0xe2: {  	s23 =	simm.s32 $0x10600;
	s22 =	simm.s32 $0x0;
	v7 =	vbroadcast v8, $0xE;
	v8 =	vbroadcast v8, $0xF  }
.LBB2_5:
0xe3: {  	s24 =	sshra.s32 s22, $0x2  }
0xe4: {  	v9 =	vld.idx.msk [tilespmem:v0+s24+$0xFFFFFF10 ss:$0x1], $0xffff;
	_ =	sdelay $0x4  }
0xe5: {  	v10 =	vadd.f32 v9, v1  }
0xe6: {  	v11 =	vadd.f32 v9, v2  }
0xe7: {  	[tilespmem:s23+$0xFFFFFC00] =	vst v10;
	v10 =	vadd.f32 v9, v3  }
0xe8: {  	[tilespmem:s23+$0xFFFFFC80] =	vst v11;
	v11 =	vadd.f32 v9, v4  }
0xe9: {  	[tilespmem:s23+$0xFFFFFD00] =	vst v10;
	v10 =	vadd.f32 v9, v5  }
0xea: {  	[tilespmem:s23+$0xFFFFFD80] =	vst v11;
	v11 =	vadd.f32 v9, v6  }
0xeb: {  	[tilespmem:s23+$0xFFFFFE00] =	vst v10;
	v10 =	vadd.f32 v9, v7  }
0xec: {  	[tilespmem:s23+$0xFFFFFE80] =	vst v11;
	v9 =	vadd.f32 v9, v8  }
0xed: {  	[tilespmem:s23+$0xFFFFFF00] =	vst v10  }
0xee: {  	[tilespmem:s23+$0xFFFFFF80] =	vst v9  }
0xef: {  	v9 =	vld.idx.msk [tilespmem:v0+s24+$0xFFFFFF20 ss:$0x1], $0xffff;
	_ =	sdelay $0x4  }
0xf0: {  	v10 =	vadd.f32 v9, v1  }
0xf1: {  	v11 =	vadd.f32 v9, v2  }
0xf2: {  	[tilespmem:s23+$0xFFFFFC10] =	vst v10;
	v10 =	vadd.f32 v9, v3  }
0xf3: {  	[tilespmem:s23+$0xFFFFFC90] =	vst v11;
	v11 =	vadd.f32 v9, v4  }
0xf4: {  	[tilespmem:s23+$0xFFFFFD10] =	vst v10;
	v10 =	vadd.f32 v9, v5  }
0xf5: {  	[tilespmem:s23+$0xFFFFFD90] =	vst v11;
	v11 =	vadd.f32 v9, v6  }
0xf6: {  	[tilespmem:s23+$0xFFFFFE10] =	vst v10;
	v10 =	vadd.f32 v9, v7  }
0xf7: {  	[tilespmem:s23+$0xFFFFFE90] =	vst v11;
	v9 =	vadd.f32 v9, v8  }
0xf8: {  	[tilespmem:s23+$0xFFFFFF10] =	vst v10  }
0xf9: {  	[tilespmem:s23+$0xFFFFFF90] =	vst v9  }
0xfa: {  	v9 =	vld.idx.msk [tilespmem:v0+s24+$0xFFFFFF30 ss:$0x1], $0xffff;
	_ =	sdelay $0x4  }
0xfb: {  	v10 =	vadd.f32 v9, v1  }
0xfc: {  	v11 =	vadd.f32 v9, v2  }
0xfd: {  	[tilespmem:s23+$0xFFFFFC20] =	vst v10;
	v10 =	vadd.f32 v9, v3  }
0xfe: {  	[tilespmem:s23+$0xFFFFFCA0] =	vst v11;
	v11 =	vadd.f32 v9, v4  }
0xff: {  	[tilespmem:s23+$0xFFFFFD20] =	vst v10;
	v10 =	vadd.f32 v9, v5  }
0x100: {  	[tilespmem:s23+$0xFFFFFDA0] =	vst v11;
	v11 =	vadd.f32 v9, v6  }
0x101: {  	[tilespmem:s23+$0xFFFFFE20] =	vst v10;
	v10 =	vadd.f32 v9, v7  }
0x102: {  	[tilespmem:s23+$0xFFFFFEA0] =	vst v11;
	v9 =	vadd.f32 v9, v8  }
0x103: {  	[tilespmem:s23+$0xFFFFFF20] =	vst v10  }
0x104: {  	[tilespmem:s23+$0xFFFFFFA0] =	vst v9  }
0x105: {  	v9 =	vld.idx.msk [tilespmem:v0+s24+$0xFFFFFF40 ss:$0x1], $0xffff;
	_ =	sdelay $0x4  }
0x106: {  	v10 =	vadd.f32 v9, v1  }
0x107: {  	v11 =	vadd.f32 v9, v2  }
0x108: {  	[tilespmem:s23+$0xFFFFFC30] =	vst v10;
	v10 =	vadd.f32 v9, v3  }
0x109: {  	[tilespmem:s23+$0xFFFFFCB0] =	vst v11;
	v11 =	vadd.f32 v9, v4  }
0x10a: {  	[tilespmem:s23+$0xFFFFFD30] =	vst v10;
	v10 =	vadd.f32 v9, v5  }
0x10b: {  	[tilespmem:s23+$0xFFFFFDB0] =	vst v11;
	v11 =	vadd.f32 v9, v6  }
0x10c: {  	[tilespmem:s23+$0xFFFFFE30] =	vst v10;
	v10 =	vadd.f32 v9, v7  }
0x10d: {  	[tilespmem:s23+$0xFFFFFEB0] =	vst v11;
	v9 =	vadd.f32 v9, v8  }
0x10e: {  	[tilespmem:s23+$0xFFFFFF30] =	vst v10  }
0x10f: {  	[tilespmem:s23+$0xFFFFFFB0] =	vst v9  }
0x110: {  	v9 =	vld.idx.msk [tilespmem:v0+s24+$0xFFFFFF50 ss:$0x1], $0xffff;
	_ =	sdelay $0x4  }
0x111: {  	v10 =	vadd.f32 v9, v1  }
0x112: {  	v11 =	vadd.f32 v9, v2  }
0x113: {  	[tilespmem:s23+$0xFFFFFC40] =	vst v10;
	v10 =	vadd.f32 v9, v3  }
0x114: {  	[tilespmem:s23+$0xFFFFFCC0] =	vst v11;
	v11 =	vadd.f32 v9, v4  }
0x115: {  	[tilespmem:s23+$0xFFFFFD40] =	vst v10;
	v10 =	vadd.f32 v9, v5  }
0x116: {  	[tilespmem:s23+$0xFFFFFDC0] =	vst v11;
	v11 =	vadd.f32 v9, v6  }
0x117: {  	[tilespmem:s23+$0xFFFFFE40] =	vst v10;
	v10 =	vadd.f32 v9, v7  }
0x118: {  	[tilespmem:s23+$0xFFFFFEC0] =	vst v11;
	v9 =	vadd.f32 v9, v8  }
0x119: {  	[tilespmem:s23+$0xFFFFFF40] =	vst v10  }
0x11a: {  	[tilespmem:s23+$0xFFFFFFC0] =	vst v9  }
0x11b: {  	v9 =	vld.idx.msk [tilespmem:v0+s24+$0xFFFFFF60 ss:$0x1], $0xffff;
	_ =	sdelay $0x4  }
0x11c: {  	v10 =	vadd.f32 v9, v1  }
0x11d: {  	v11 =	vadd.f32 v9, v2  }
0x11e: {  	[tilespmem:s23+$0xFFFFFC50] =	vst v10;
	v10 =	vadd.f32 v9, v3  }
0x11f: {  	[tilespmem:s23+$0xFFFFFCD0] =	vst v11;
	v11 =	vadd.f32 v9, v4  }
0x120: {  	[tilespmem:s23+$0xFFFFFD50] =	vst v10;
	v10 =	vadd.f32 v9, v5  }
0x121: {  	[tilespmem:s23+$0xFFFFFDD0] =	vst v11;
	v11 =	vadd.f32 v9, v6  }
0x122: {  	[tilespmem:s23+$0xFFFFFE50] =	vst v10;
	v10 =	vadd.f32 v9, v7  }
0x123: {  	[tilespmem:s23+$0xFFFFFED0] =	vst v11;
	v9 =	vadd.f32 v9, v8  }
0x124: {  	[tilespmem:s23+$0xFFFFFF50] =	vst v10  }
0x125: {  	[tilespmem:s23+$0xFFFFFFD0] =	vst v9  }
0x126: {  	v9 =	vld.idx.msk [tilespmem:v0+s24+$0xFFFFFF70 ss:$0x1], $0xffff;
	_ =	sdelay $0x4  }
0x127: {  	v10 =	vadd.f32 v9, v1  }
0x128: {  	v11 =	vadd.f32 v9, v2  }
0x129: {  	[tilespmem:s23+$0xFFFFFC60] =	vst v10;
	v10 =	vadd.f32 v9, v3  }
0x12a: {  	[tilespmem:s23+$0xFFFFFCE0] =	vst v11;
	v11 =	vadd.f32 v9, v4  }
0x12b: {  	[tilespmem:s23+$0xFFFFFD60] =	vst v10;
	v10 =	vadd.f32 v9, v5  }
0x12c: {  	[tilespmem:s23+$0xFFFFFDE0] =	vst v11;
	v11 =	vadd.f32 v9, v6  }
0x12d: {  	[tilespmem:s23+$0xFFFFFE60] =	vst v10;
	v10 =	vadd.f32 v9, v7  }
0x12e: {  	[tilespmem:s23+$0xFFFFFEE0] =	vst v11;
	v9 =	vadd.f32 v9, v8  }
0x12f: {  	[tilespmem:s23+$0xFFFFFF60] =	vst v10  }
0x130: {  	[tilespmem:s23+$0xFFFFFFE0] =	vst v9  }
0x131: {  	v9 =	vld.idx.msk [tilespmem:v0+s24+$0xFFFFFF80 ss:$0x1], $0xffff;
	_ =	sdelay $0x4  }
0x132: {  	v10 =	vadd.f32 v9, v1  }
0x133: {  	v11 =	vadd.f32 v9, v2  }
0x134: {  	[tilespmem:s23+$0xFFFFFC70] =	vst v10;
	v10 =	vadd.f32 v9, v3  }
0x135: {  	[tilespmem:s23+$0xFFFFFCF0] =	vst v11;
	v11 =	vadd.f32 v9, v4  }
0x136: {  	[tilespmem:s23+$0xFFFFFD70] =	vst v10;
	v10 =	vadd.f32 v9, v5  }
0x137: {  	[tilespmem:s23+$0xFFFFFDF0] =	vst v11;
	v11 =	vadd.f32 v9, v6  }
0x138: {  	[tilespmem:s23+$0xFFFFFE70] =	vst v10;
	v10 =	vadd.f32 v9, v7  }
0x139: {  	[tilespmem:s23+$0xFFFFFEF0] =	vst v11;
	v9 =	vadd.f32 v9, v8  }
0x13a: {  	[tilespmem:s23+$0xFFFFFF70] =	vst v10  }
0x13b: {  	[tilespmem:s23+$0xFFFFFFF0] =	vst v9  }
0x13c: {  	v9 =	vld.idx.msk [tilespmem:v0+s24+$0xFFFFFF90 ss:$0x1], $0xffff;
	_ =	sdelay $0x4  }
0x13d: {  	v10 =	vadd.f32 v9, v1  }
0x13e: {  	v11 =	vadd.f32 v9, v2  }
0x13f: {  	[tilespmem:s23+$0x0] =	vst v10;
	v10 =	vadd.f32 v9, v3  }
0x140: {  	[tilespmem:s23+$0x80] =	vst v11;
	v11 =	vadd.f32 v9, v4  }
0x141: {  	[tilespmem:s23+$0x100] =	vst v10;
	v10 =	vadd.f32 v9, v5  }
0x142: {  	[tilespmem:s23+$0x180] =	vst v11;
	v11 =	vadd.f32 v9, v6  }
0x143: {  	[tilespmem:s23+$0x200] =	vst v10;
	v10 =	vadd.f32 v9, v7  }
0x144: {  	[tilespmem:s23+$0x280] =	vst v11;
	v9 =	vadd.f32 v9, v8  }
0x145: {  	[tilespmem:s23+$0x300] =	vst v10  }
0x146: {  	[tilespmem:s23+$0x380] =	vst v9  }
0x147: {  	v9 =	vld.idx.msk [tilespmem:v0+s24+$0xFFFFFFA0 ss:$0x1], $0xffff;
	_ =	sdelay $0x4  }
0x148: {  	v10 =	vadd.f32 v9, v1  }
0x149: {  	v11 =	vadd.f32 v9, v2  }
0x14a: {  	[tilespmem:s23+$0x10] =	vst v10;
	v10 =	vadd.f32 v9, v3  }
0x14b: {  	[tilespmem:s23+$0x90] =	vst v11;
	v11 =	vadd.f32 v9, v4  }
0x14c: {  	[tilespmem:s23+$0x110] =	vst v10;
	v10 =	vadd.f32 v9, v5  }
0x14d: {  	[tilespmem:s23+$0x190] =	vst v11;
	v11 =	vadd.f32 v9, v6  }
0x14e: {  	[tilespmem:s23+$0x210] =	vst v10;
	v10 =	vadd.f32 v9, v7  }
0x14f: {  	[tilespmem:s23+$0x290] =	vst v11;
	v9 =	vadd.f32 v9, v8  }
0x150: {  	[tilespmem:s23+$0x310] =	vst v10  }
0x151: {  	[tilespmem:s23+$0x390] =	vst v9  }
0x152: {  	v9 =	vld.idx.msk [tilespmem:v0+s24+$0xFFFFFFB0 ss:$0x1], $0xffff;
	_ =	sdelay $0x4  }
0x153: {  	v10 =	vadd.f32 v9, v1  }
0x154: {  	v11 =	vadd.f32 v9, v2  }
0x155: {  	[tilespmem:s23+$0x20] =	vst v10;
	v10 =	vadd.f32 v9, v3  }
0x156: {  	[tilespmem:s23+$0xA0] =	vst v11;
	v11 =	vadd.f32 v9, v4  }
0x157: {  	[tilespmem:s23+$0x120] =	vst v10;
	v10 =	vadd.f32 v9, v5  }
0x158: {  	[tilespmem:s23+$0x1A0] =	vst v11;
	v11 =	vadd.f32 v9, v6  }
0x159: {  	[tilespmem:s23+$0x220] =	vst v10;
	v10 =	vadd.f32 v9, v7  }
0x15a: {  	[tilespmem:s23+$0x2A0] =	vst v11;
	v9 =	vadd.f32 v9, v8  }
0x15b: {  	[tilespmem:s23+$0x320] =	vst v10  }
0x15c: {  	[tilespmem:s23+$0x3A0] =	vst v9  }
0x15d: {  	v9 =	vld.idx.msk [tilespmem:v0+s24+$0xFFFFFFC0 ss:$0x1], $0xffff;
	_ =	sdelay $0x4  }
0x15e: {  	v10 =	vadd.f32 v9, v1  }
0x15f: {  	v11 =	vadd.f32 v9, v2  }
0x160: {  	[tilespmem:s23+$0x30] =	vst v10;
	v10 =	vadd.f32 v9, v3  }
0x161: {  	[tilespmem:s23+$0xB0] =	vst v11;
	v11 =	vadd.f32 v9, v4  }
0x162: {  	[tilespmem:s23+$0x130] =	vst v10;
	v10 =	vadd.f32 v9, v5  }
0x163: {  	[tilespmem:s23+$0x1B0] =	vst v11;
	v11 =	vadd.f32 v9, v6  }
0x164: {  	[tilespmem:s23+$0x230] =	vst v10;
	v10 =	vadd.f32 v9, v7  }
0x165: {  	[tilespmem:s23+$0x2B0] =	vst v11;
	v9 =	vadd.f32 v9, v8  }
0x166: {  	[tilespmem:s23+$0x330] =	vst v10  }
0x167: {  	[tilespmem:s23+$0x3B0] =	vst v9  }
0x168: {  	v9 =	vld.idx.msk [tilespmem:v0+s24+$0xFFFFFFD0 ss:$0x1], $0xffff;
	_ =	sdelay $0x4  }
0x169: {  	v10 =	vadd.f32 v9, v1  }
0x16a: {  	v11 =	vadd.f32 v9, v2  }
0x16b: {  	[tilespmem:s23+$0x40] =	vst v10;
	v10 =	vadd.f32 v9, v3  }
0x16c: {  	[tilespmem:s23+$0xC0] =	vst v11;
	v11 =	vadd.f32 v9, v4  }
0x16d: {  	[tilespmem:s23+$0x140] =	vst v10;
	v10 =	vadd.f32 v9, v5  }
0x16e: {  	[tilespmem:s23+$0x1C0] =	vst v11;
	v11 =	vadd.f32 v9, v6  }
0x16f: {  	[tilespmem:s23+$0x240] =	vst v10;
	v10 =	vadd.f32 v9, v7  }
0x170: {  	[tilespmem:s23+$0x2C0] =	vst v11;
	v9 =	vadd.f32 v9, v8  }
0x171: {  	[tilespmem:s23+$0x340] =	vst v10  }
0x172: {  	[tilespmem:s23+$0x3C0] =	vst v9  }
0x173: {  	v9 =	vld.idx.msk [tilespmem:v0+s24+$0xFFFFFFE0 ss:$0x1], $0xffff;
	_ =	sdelay $0x4  }
0x174: {  	v10 =	vadd.f32 v9, v1  }
0x175: {  	v11 =	vadd.f32 v9, v2  }
0x176: {  	[tilespmem:s23+$0x50] =	vst v10;
	v10 =	vadd.f32 v9, v3  }
0x177: {  	[tilespmem:s23+$0xD0] =	vst v11;
	v11 =	vadd.f32 v9, v4  }
0x178: {  	[tilespmem:s23+$0x150] =	vst v10;
	v10 =	vadd.f32 v9, v5  }
0x179: {  	[tilespmem:s23+$0x1D0] =	vst v11;
	v11 =	vadd.f32 v9, v6  }
0x17a: {  	[tilespmem:s23+$0x250] =	vst v10;
	v10 =	vadd.f32 v9, v7  }
0x17b: {  	[tilespmem:s23+$0x2D0] =	vst v11;
	v9 =	vadd.f32 v9, v8  }
0x17c: {  	[tilespmem:s23+$0x350] =	vst v10  }
0x17d: {  	[tilespmem:s23+$0x3D0] =	vst v9  }
0x17e: {  	v9 =	vld.idx.msk [tilespmem:v0+s24+$0xFFFFFFF0 ss:$0x1], $0xffff;
	_ =	sdelay $0x4  }
0x17f: {  	v10 =	vadd.f32 v9, v1  }
0x180: {  	v11 =	vadd.f32 v9, v2  }
0x181: {  	[tilespmem:s23+$0x60] =	vst v10;
	v10 =	vadd.f32 v9, v3  }
0x182: {  	[tilespmem:s23+$0xE0] =	vst v11;
	v11 =	vadd.f32 v9, v4  }
0x183: {  	[tilespmem:s23+$0x160] =	vst v10;
	v10 =	vadd.f32 v9, v5  }
0x184: {  	[tilespmem:s23+$0x1E0] =	vst v11;
	v11 =	vadd.f32 v9, v6  }
0x185: {  	[tilespmem:s23+$0x260] =	vst v10;
	v10 =	vadd.f32 v9, v7  }
0x186: {  	[tilespmem:s23+$0x2E0] =	vst v11;
	v9 =	vadd.f32 v9, v8  }
0x187: {  	[tilespmem:s23+$0x360] =	vst v10  }
0x188: {  	[tilespmem:s23+$0x3E0] =	vst v9  }
0x189: {  	v9 =	vld.idx.msk [tilespmem:v0+s24+$0x0 ss:$0x1], $0xffff;
	_ =	sdelay $0x4  }
0x18a: {  	v10 =	vadd.f32 v9, v1  }
0x18b: {  	v11 =	vadd.f32 v9, v2  }
0x18c: {  	[tilespmem:s23+$0x70] =	vst v10;
	v10 =	vadd.f32 v9, v3  }
0x18d: {  	[tilespmem:s23+$0xF0] =	vst v11;
	v11 =	vadd.f32 v9, v4  }
0x18e: {  	p0 =	sne.s32 s22, $0x3C00;
	[tilespmem:s23+$0x170] =	vst v10;
	v10 =	vadd.f32 v9, v5  }
.Ltmp1:
0x18f: {  	[tilespmem:s23+$0x1F0] =	vst v11;
	v11 =	vadd.f32 v9, v6;
	(pc) =	sbr.rel @p0 .LBB2_5-.Ltmp1, $4  }
0x190: {  	[tilespmem:s23+$0x270] =	vst v10;
	v10 =	vadd.f32 v9, v7  }
0x191: {  	[tilespmem:s23+$0x2F0] =	vst v11;
	v9 =	vadd.f32 v9, v8  }
0x192: {  	[tilespmem:s23+$0x370] =	vst v10  }
0x193: {  	s22 =	sadd.s32 $0x400, s22;
	[tilespmem:s23+$0x3F0] =	vst v9;
	s23 =	sadd.s32 $0x800, s23  }
0x194: {  	s20 =	sadd.s32 $0x1, s20  }
0x195: {  	p0 =	sne.s32 s20, $0x5  }
.Ltmp2:
0x196: {  	_ = 	snop;
	(pc) =	sbr.rel @p0 .LBB2_2-.Ltmp2, $3  }
0x197: {  	_ =	sdelay $0x1  }
0x198: {  	s21 =	sadd.s32 s21, s9;
	s19 =	sadd.s32 $0x2, s19  }
0x199: {  	[hbm4b:s21+s4] =	stream.linear.scatter [tilespmem:s15], [sflag:$0x2], $0x8000, $0x38;
	[tilespmem:$0x18200] =	vst v63  }
0x19a: {  	s18 =	sadd.s32 $0x1, s18  }
0x19b: {  	_ =	swait.ge [sflag:s16], $0x8000;
	p0 =	sne.s32 s18, s10  }
.Ltmp3:
0x19c: {  	[sflag:s16] =	ssyncset.done $0x0;
	(pc) =	sbr.rel @p0 .LBB2_1-.Ltmp3, $4  }
0x19d: {  	[sflag:s16] =	ssyncadd.s32 $0xFFFF8000  }
0x19e: {  	_ =	swait.ge [sflag:s17], $0x8000  }
0x19f: {  	[sflag:s17] =	ssyncset.done $0x0  }
0x1a0: {  	[sflag:s17] =	ssyncadd.s32 $0xFFFF8000  }
0x1a1: {  	_ =	sfence.sel $0x180000  }
0x1a2: {  	[bflag:$0x0] =	sbarrier.arrive $0xFFFF  }
0x1a3: {  	p0 =	sne.s32 s0, $0x0;
	_ =	strace $0x90000047  }
0x1a4: {  	s0 =	sadd.s32 @!p0 $0x100000, s1;
	[bflag:$0x2] =	sbarrier.arrive $0xFFFF  }
0x1a5: {  	[sflag:s0] =	ssyncadd.tile.s32 @!p0 $0x1;
	_ =	shalt  }
.Lfunc_end2:
_tile_overlayer_lowered:
.L_overlay_start_2:
0x1a6: {  	(tag) =	ssettag $0x2  }
0x1a7: {  	s0 =	rddreg [dreg:$0x0];
	s2 =	stileid.u32  }
0x1a8: {  	s1 =	rddreg [dreg:$0x1];
	p0 =	sne.s32 s2, $0x0  }
0x1a9: {  	s3 =	rddreg [dreg:$0x2];
	[bflag:$0x3] =	sbarrier.arrive $0xFFFF;
	s2 =	simm.s32 @!p0 $0x1C03  }
0x1aa: {  	[timem:s3], [sflag:s2] =	dma.local @!p0 [hbm:s0], s1  }
0x1ab: {  	s0 =	simm.s32 @!p0 $0x3  }
0x1ac: {  	_ =	swait.ge @!p0 [sflag:s0], s1  }
0x1ad: {  	s1 =	ssub.s32 @!p0 $0x0, s1;
	[sflag:s0] =	ssyncset.done @!p0 $0x0  }
0x1ae: {  	[sflag:s0] =	ssyncadd.s32 @!p0 s1  }
0x1af: {  	[bflag:$0x3] =	sbarrier.arrive $0xFFFF  }
0x1b0: {  	_ =	shalt  }

</sc_bundles>
